<compile_context>
chip_gen: v7x
topology: tpu7x:2x2x1
jax: 0.10.2.dev20260603
libtpu: 0.0.44.dev20260713+nightly
codegen_flags: <defaults>
</compile_context>

<pallas_src>
import functools

import jax
import jax.numpy as jnp
from jax import lax
from jax.experimental import pallas as pl
from jax.experimental.pallas import tpu as pltpu
from jax.experimental.pallas import tpu_sc as plsc

B, S, D = 4, 2048, 64
W = 128
NW = S // W
NCOL = 16
HALF = S // 2


def _perm(x, idx):
    dn = lax.GatherDimensionNumbers(
        offset_dims=(), collapsed_slice_dims=(0,), start_index_map=(0,))
    return lax.gather(x, idx[:, None], dn, (1,),
                      mode=lax.GatherScatterMode.PROMISE_IN_BOUNDS)


def _bitonic_local(xs):
    n = len(xs)
    if n == 1:
        return [lax.sort(xs[0], dimension=0)]
    h = n // 2
    lo = [jnp.minimum(xs[i], xs[i + h]) for i in range(h)]
    hi = [jnp.maximum(xs[i], xs[i + h]) for i in range(h)]
    return _bitonic_local(lo) + _bitonic_local(hi)


def _bmerge(a, b):
    n = len(a)
    br = [lax.rev(x, (0,)) for x in reversed(b)]
    lo = [jnp.minimum(a[i], br[i]) for i in range(n)]
    hi = [jnp.maximum(a[i], br[i]) for i in range(n)]
    return _bitonic_local(lo) + _bitonic_local(hi)


def _sort128(vs):
    runs = [[lax.sort(v, dimension=0)] for v in vs]
    while len(runs) > 1:
        runs = [_bmerge(runs[i], runs[i + 1])
                for i in range(0, len(runs), 2)]
    return runs[0]


def _col_geometry(d):
    dm1 = d - 1
    is0 = d == 0
    f = jnp.where(is0, 0, lax.rem(dm1, 11))
    o = jnp.bitwise_and(dm1, 15)
    st_full = jnp.where(is0, 0, 1 << f)
    off = jnp.where(is0, 0, o * 128)
    st_win = jnp.where(is0, 0, jnp.where(f <= 6, 1 << f, 0))
    whi = jnp.where(f >= 7, 1 << jnp.maximum(f - 7, 0), 0)
    whi = jnp.where(is0, 0, whi)
    return off, st_full, st_win, whi, o, is0


_mesh = plsc.VectorSubcoreMesh(core_axis_name="c", subcore_axis_name="s")


@functools.partial(
    pl.kernel,
    out_type=jax.ShapeDtypeStruct((B, D, S), jnp.float32),
    mesh=_mesh,
    compiler_params=pltpu.CompilerParams(needs_layout_passes=False),
    scratch_types=[
        pltpu.VMEM((NCOL, S), jnp.float32),
        pltpu.VMEM((HALF,), jnp.float32),
        pltpu.VMEM((HALF,), jnp.float32),
        pltpu.VMEM((HALF,), jnp.float32),
        pltpu.VMEM((HALF,), jnp.float32),
        pltpu.VMEM((NW // 2, NCOL, W), jnp.float32),
        pltpu.SemaphoreType.DMA((NW // 2,)),
        pltpu.VMEM_SHARED((B, 4, HALF), jnp.float32),
        pltpu.VMEM_SHARED((B, HALF), jnp.float32),
    ],
)
def _swd_sc(v_hbm, out_hbm, cols_v, m_buf, tmp_buf, a_buf, c0_buf,
            out_st, osem, m_sh, c0_sh):
    c = lax.axis_index("c")
    sid = lax.axis_index("s")
    b = sid // 4
    cg = sid % 4
    wh = c
    iota = lax.iota(jnp.int32, 16)

    pltpu.sync_copy(v_hbm.at[b, pl.ds(cg * NCOL, NCOL), :], cols_v)

    geo = [_col_geometry(cg * NCOL + j) for j in range(NCOL)]
    jcols = [jnp.full((16,), 0, jnp.int32) + j for j in range(NCOL)]

    @plsc.parallel_loop(0, HALF // 16, unroll=2)
    def _(ch):
        svec = wh * HALF + ch * 16 + iota
        acc = jnp.zeros((16,), jnp.float32)
        for j in range(NCOL):
            off, st_full, _, _, _, _ = geo[j]
            rows = jnp.bitwise_and(svec - off, S - 1) ^ st_full
            g = plsc.load_gather(cols_v, [jcols[j], rows])
            acc = jnp.maximum(acc, jnp.abs(g))
        m_buf[pl.ds(ch * 16, 16)] = acc
    pltpu.sync_copy(m_buf, m_sh.at[b, cg])

    @pl.when(cg == 0)
    def _():
        pltpu.sync_copy(cols_v.at[0, pl.ds(wh * HALF, HALF)], c0_sh.at[b])

    plsc.subcore_barrier()

    pltpu.sync_copy(m_sh.at[b, 0], m_buf)
    for cgi in range(1, 4):
        pltpu.sync_copy(m_sh.at[b, cgi], tmp_buf)

        def mx_chunk(ch, _):
            o = ch * 16
            m_buf[pl.ds(o, 16)] = jnp.maximum(m_buf[pl.ds(o, 16)],
                                              tmp_buf[pl.ds(o, 16)])
            return 0

        lax.fori_loop(0, HALF // 16, mx_chunk, 0)
    pltpu.sync_copy(c0_sh.at[b], c0_buf)

    def a_chunk(ch, _):
        o = ch * 16
        c0v = c0_buf[pl.ds(o, 16)]
        sgn = jnp.sign(c0v - _perm(c0v, iota ^ 1))
        a_buf[pl.ds(o, 16)] = sgn * m_buf[pl.ds(o, 16)]
        return 0

    lax.fori_loop(0, HALF // 16, a_chunk, 0)

    def out_slab(wg):
        return out_hbm.at[b, pl.ds(cg * NCOL, NCOL), pl.ds(wg * W, W)]

    @plsc.parallel_loop(0, NW // 2)
    def _(w):
        wg = wh * (NW // 2) + w

        avs = [a_buf[pl.ds(w * W + i * 16, 16)] for i in range(8)]
        sav = tuple(_sort128(avs))

        @plsc.parallel_loop(0, NCOL, carry=sav)
        def _(j, sa):
            d = cg * NCOL + j
            _, _, st_win, whi, o, is0 = _col_geometry(d)
            wsrc = jnp.where(is0, wg, jnp.bitwise_and(wg - o, NW - 1) ^ whi)
            st_lo = jnp.bitwise_and(st_win, 15)
            st_hi = st_win >> 4
            alt = []
            for i in range(8):
                src_blk = i ^ st_hi
                av = a_buf[pl.ds(w * W + src_blk * 16, 16)]
                ap = _perm(av, iota ^ st_lo)
                rv = cols_v[j, pl.ds(wsrc * W + i * 16, 16)]
                alt.append(rv + ap)
            srt = _sort128(alt)
            for i in range(8):
                out_st[w, j, pl.ds(i * 16, 16)] = srt[i] - sa[i]
            return sa

        pltpu.async_copy(out_st.at[w], out_slab(wg), osem.at[w])

    for t in range(NW // 2):
        wg = wh * (NW // 2) + t
        pltpu.make_async_copy(out_st.at[t], out_slab(wg),
                              osem.at[t]).wait()


def kernel(q, k, v):
    del q, k
    v_t = jnp.transpose(v, (0, 2, 1))
    out_t = _swd_sc(v_t)
    return jnp.transpose(out_t, (0, 2, 1))

# --- scband reference (transcript-rebuilt; emitter-appended) ---
"""Pipeline reference for scband-swd22-28449863369566 (READ-ONLY COPY).

The authoritative reference and input builder live on the scoring server;
editing this copy changes nothing except your own understanding.
"""

import jax, jax.numpy as jnp
import numpy as np
import math

LEN_SORT_WINDOW = 128


def _butterfly_factor_to_matrix(twiddle, factor_index):
    n_div_b, b, _ = twiddle.shape
    n = b * n_div_b
    stride = b ** factor_index
    # rearrange(eye(n), 'bs (diagblk j stride) -> bs diagblk j stride', stride=stride, j=b)
    x = jnp.eye(n, dtype=jnp.float32).reshape(n, n // (b * stride), b, stride)
    # rearrange(twiddle, '(diagblk stride) i j -> diagblk stride i j', stride=stride)
    t = twiddle.reshape(n // (b * stride), stride, b, b)
    out = jnp.einsum('dsij,bdjs->bdis', t, x)
    out = out.reshape(n, n)
    return out.T


def _get_butterfly_matrix(v_len, d_v, len_sort_window):
    b = 2
    twiddle = jnp.ones((v_len * b,), dtype=jnp.float32).reshape(v_len // b, b, b)
    col_indices = [jnp.arange(v_len, dtype=jnp.float32)]
    shift_offset = 0
    while len(col_indices) < d_v:
        for factor_index in range(int(round(math.log(v_len, b)))):
            bfm = _butterfly_factor_to_matrix(twiddle, factor_index)
            col_index = (bfm - jnp.eye(v_len, dtype=jnp.float32)) @ jnp.arange(v_len, dtype=jnp.float32)
            # python slice semantics: shift_offset == 0 -> [-0:] is full, [:-0] is empty
            col_index = jnp.concatenate([col_index[-shift_offset:], col_index[:-shift_offset]])
            shift_offset = (shift_offset + len_sort_window) % v_len
            col_indices.append(col_index)
            if len(col_indices) == d_v:
                break
    return jnp.stack(col_indices).T


def setup_inputs(seed: int = 0):
    key = jax.random.key(seed)
    k1, k2, k3 = jax.random.split(key, 3)
    B, S, D = 4, 2048, 64
    q = jax.random.normal(k1, (B, S, D), dtype=jnp.float32)
    k = jax.random.normal(k2, (B, S, D), dtype=jnp.float32)
    v = jax.random.normal(k3, (B, S, D), dtype=jnp.float32)
    return {"q": q, "k": k, "v": v}


def reference(q, k, v):
    batch_size, v_len, d_v = v.shape
    W = LEN_SORT_WINDOW
    bfm = _get_butterfly_matrix(v_len, d_v, W).astype(jnp.int64)[None, :, :]
    idx = jnp.broadcast_to(bfm, (batch_size, v_len, d_v))
    v = jnp.take_along_axis(v, idx, axis=1)
    v_abs_max = jnp.max(jnp.abs(v), axis=2)
    v0 = v[:, 0::2, 0]
    v1 = v[:, 1::2, 0]
    v_reverse = jnp.stack([v1, v0], axis=2).reshape(batch_size, v_len)
    v_sign = jnp.sign(v[:, :, 0] - v_reverse)
    v_alter_value = (v_sign * v_abs_max)[:, :, None]
    v_alter = v + v_alter_value
    v_shifted = v_alter.reshape(batch_size, -1, W, d_v)
    v_sorted = jnp.sort(v_shifted, axis=2).reshape(batch_size, v_len, d_v)
    v_alter_shifted = v_alter_value.reshape(batch_size, -1, W, 1)
    v_alter_sorted = jnp.sort(v_alter_shifted, axis=2).reshape(batch_size, v_len, 1)
    out = v_sorted - v_alter_sorted
    return out

if __name__ == "__main__":
    import jax
    _d = setup_inputs()
    print(jax.jit(kernel)(*tuple(_d.values())))

</pallas_src>

<mosaic_0001>
#map = affine_map<(d0, d1) -> (0, 0, 0)>
module attributes {stable_mosaic.version = 14 : i64} {
  func.func @_swd_sc(%arg0: i32, %arg1: i32, %arg2: memref<4x64x2048xf32, #tpu.memory_space<hbm>>, %arg3: memref<4x64x2048xf32, #tpu.memory_space<hbm>>, %arg4: memref<16x2048xf32, #tpu.memory_space<vmem>>, %arg5: memref<1024xf32, #tpu.memory_space<vmem>>, %arg6: memref<1024xf32, #tpu.memory_space<vmem>>, %arg7: memref<1024xf32, #tpu.memory_space<vmem>>, %arg8: memref<1024xf32, #tpu.memory_space<vmem>>, %arg9: memref<8x16x128xf32, #tpu.memory_space<vmem>>, %arg10: memref<8x!tpu.dma_semaphore, #tpu.memory_space<semaphore_mem>>, %arg11: memref<4x4x1024xf32, #tpu.memory_space<vmem_shared>>, %arg12: memref<4x1024xf32, #tpu.memory_space<vmem_shared>>) attributes {dimension_semantics = [#tpu.dimension_semantics<core_parallel>, #tpu.dimension_semantics<subcore_parallel>], iteration_bounds = array<i64: 2, 16>, scalar_prefetch = 0 : i64, scratch_operands = 9 : i64, tpu.core_type = #tpu.core_type<sc_vector_subcore>, window_params = [{transform_indices = #map}, {transform_indices = #map}]} {
    %jit3A = arith.constant 4 : i32
    %div3A = arith.divsi %arg1, %jit3A : i32
    %sign3A = arith.constant 0 : i32
    %sign3A_0 = arith.cmpi sgt, %arg1, %sign3A : i32
    %sign3A_1 = arith.extui %sign3A_0 : i1 to i32
    %sign3A_2 = arith.constant 0 : i32
    %sign3A_3 = arith.cmpi slt, %arg1, %sign3A_2 : i32
    %sign3A_4 = arith.extui %sign3A_3 : i1 to i32
    %sign3A_5 = arith.subi %sign3A_1, %sign3A_4 : i32
    %sign3A_6 = arith.constant 0 : i32
    %sign3A_7 = arith.cmpi sgt, %jit3A, %sign3A_6 : i32
    %sign3A_8 = arith.extui %sign3A_7 : i1 to i32
    %sign3A_9 = arith.constant 0 : i32
    %sign3A_10 = arith.cmpi slt, %jit3A, %sign3A_9 : i32
    %sign3A_11 = arith.extui %sign3A_10 : i1 to i32
    %sign3A_12 = arith.subi %sign3A_8, %sign3A_11 : i32
    %ne3A = arith.cmpi ne, %sign3A_5, %sign3A_12 : i32
    %rem3A = arith.remsi %arg1, %jit3A : i32
    %ne3A_13 = arith.constant 0 : i32
    %ne3A_14 = arith.cmpi ne, %rem3A, %ne3A_13 : i32
    %and3A = arith.andi %ne3A, %ne3A_14 : i1
    %sub3A = arith.constant 1 : i32
    %sub3A_15 = arith.subi %div3A, %sub3A : i32
    %select_n3A = arith.select %and3A, %sub3A_15, %div3A : i32
    %jit3A_16 = arith.constant 4 : i32
    %eq3A = arith.constant 0 : i32
    %eq3A_17 = arith.cmpi eq, %jit3A_16, %eq3A : i32
    %jit3A_18 = arith.constant 1 : i32
    %select_n3A_19 = arith.select %eq3A_17, %jit3A_18, %jit3A_16 : i32
    %rem3A_20 = arith.remsi %arg1, %select_n3A_19 : i32
    %ne3A_21 = arith.constant 0 : i32
    %ne3A_22 = arith.cmpi ne, %rem3A_20, %ne3A_21 : i32
    %lt3A = arith.constant 0 : i32
    %lt3A_23 = arith.cmpi slt, %rem3A_20, %lt3A : i32
    %lt3A_24 = arith.constant 0 : i32
    %lt3A_25 = arith.cmpi slt, %select_n3A_19, %lt3A_24 : i32
    %ne3A_26 = arith.xori %lt3A_23, %lt3A_25 : i1
    %and3A_27 = arith.andi %ne3A_26, %ne3A_22 : i1
    %add3A = arith.addi %rem3A_20, %select_n3A_19 : i32
    %select_n3A_28 = arith.select %and3A_27, %add3A, %rem3A_20 : i32
    %iota3A = tpu.iota {dimensions = array<i32: 0>} : vector<16xi32>
    %mul3A = arith.constant 16 : i32
    %mul3A_29 = arith.muli %select_n3A_28, %mul3A : i32
    "tpu.region"() ({
      %run_scoped3A_1006 = tpu.sem_alloc : memref<!tpu.dma_semaphore, #tpu.memory_space<semaphore_mem>>
      %dma_start3A = arith.constant 0 : i32
      %dma_start3A_1007 = tpu.memref_slice %arg2[%select_n3A, %mul3A_29, %dma_start3A] : memref<4x64x2048xf32, #tpu.memory_space<hbm>> -> memref<1x16x2048xf32, #tpu.memory_space<hbm>>
      %dma_start3A_1008 = tpu.memref_squeeze %dma_start3A_1007 : memref<1x16x2048xf32, #tpu.memory_space<hbm>> -> memref<16x2048xf32, #tpu.memory_space<hbm>>
      %dma_start3A_1009 = arith.constant 0 : i32
      %dma_start3A_1010 = tpu.memref_slice %arg2[%select_n3A, %mul3A_29, %dma_start3A_1009] : memref<4x64x2048xf32, #tpu.memory_space<hbm>> -> memref<1x16x2048xf32, #tpu.memory_space<hbm>>
      %dma_start3A_1011 = tpu.memref_squeeze %dma_start3A_1010 : memref<1x16x2048xf32, #tpu.memory_space<hbm>> -> memref<16x2048xf32, #tpu.memory_space<hbm>>
      tpu.enqueue_dma source(%dma_start3A_1011 : memref<16x2048xf32, #tpu.memory_space<hbm>>) target(%arg4 : memref<16x2048xf32, #tpu.memory_space<vmem>>) target_semaphore(%run_scoped3A_1006 : memref<!tpu.dma_semaphore, #tpu.memory_space<semaphore_mem>>)
      %dma_wait3A_1012 = arith.constant 0 : i32
      %dma_wait3A_1013 = tpu.memref_slice %arg2[%select_n3A, %mul3A_29, %dma_wait3A_1012] : memref<4x64x2048xf32, #tpu.memory_space<hbm>> -> memref<1x16x2048xf32, #tpu.memory_space<hbm>>
      %dma_wait3A_1014 = tpu.memref_squeeze %dma_wait3A_1013 : memref<1x16x2048xf32, #tpu.memory_space<hbm>> -> memref<16x2048xf32, #tpu.memory_space<hbm>>
      %dma_wait3A_1015 = arith.constant 0 : i32
      %dma_wait3A_1016 = tpu.memref_slice %arg2[%select_n3A, %mul3A_29, %dma_wait3A_1015] : memref<4x64x2048xf32, #tpu.memory_space<hbm>> -> memref<1x16x2048xf32, #tpu.memory_space<hbm>>
      %dma_wait3A_1017 = tpu.memref_squeeze %dma_wait3A_1016 : memref<1x16x2048xf32, #tpu.memory_space<hbm>> -> memref<16x2048xf32, #tpu.memory_space<hbm>>
      tpu.wait_dma2 semaphore(%run_scoped3A_1006 : memref<!tpu.dma_semaphore, #tpu.memory_space<semaphore_mem>>) src(%dma_wait3A_1017 : memref<16x2048xf32, #tpu.memory_space<hbm>>) dst(%arg4 : memref<16x2048xf32, #tpu.memory_space<vmem>>)
      tpu.yield
    }) : () -> ()
    %mul3A_30 = arith.constant 16 : i32
    %mul3A_31 = arith.muli %select_n3A_28, %mul3A_30 : i32
    %add3A_32 = arith.constant 0 : i32
    %add3A_33 = arith.addi %mul3A_31, %add3A_32 : i32
    %sub3A_34 = arith.constant 1 : i32
    %sub3A_35 = arith.subi %add3A_33, %sub3A_34 : i32
    %eq3A_36 = arith.constant 0 : i32
    %eq3A_37 = arith.cmpi eq, %add3A_33, %eq3A_36 : i32
    %rem3A_38 = arith.constant 11 : i32
    %rem3A_39 = arith.remsi %sub3A_35, %rem3A_38 : i32
    %jit3A_40 = arith.constant 0 : i32
    %select_n3A_41 = arith.select %eq3A_37, %jit3A_40, %rem3A_39 : i32
    %and3A_42 = arith.constant 15 : i32
    %and3A_43 = arith.andi %sub3A_35, %and3A_42 : i32
    %shift_left3A = arith.constant 1 : i32
    %shift_left3A_44 = arith.shli %shift_left3A, %select_n3A_41 : i32
    %jit3A_45 = arith.constant 0 : i32
    %select_n3A_46 = arith.select %eq3A_37, %jit3A_45, %shift_left3A_44 : i32
    %mul3A_47 = arith.constant 128 : i32
    %mul3A_48 = arith.muli %and3A_43, %mul3A_47 : i32
    %jit3A_49 = arith.constant 0 : i32
    %select_n3A_50 = arith.select %eq3A_37, %jit3A_49, %mul3A_48 : i32
    %le3A = arith.constant 6 : i32
    %le3A_51 = arith.cmpi sle, %select_n3A_41, %le3A : i32
    %shift_left3A_52 = arith.constant 1 : i32
    %shift_left3A_53 = arith.shli %shift_left3A_52, %select_n3A_41 : i32
    %jit3A_54 = arith.constant 0 : i32
    %select_n3A_55 = arith.select %le3A_51, %shift_left3A_53, %jit3A_54 : i32
    %jit3A_56 = arith.constant 0 : i32
    %select_n3A_57 = arith.select %eq3A_37, %jit3A_56, %select_n3A_55 : i32
    %ge3A = arith.constant 7 : i32
    %ge3A_58 = arith.cmpi sge, %select_n3A_41, %ge3A : i32
    %sub3A_59 = arith.constant 7 : i32
    %sub3A_60 = arith.subi %select_n3A_41, %sub3A_59 : i32
    %max3A = arith.constant 0 : i32
    %max3A_61 = arith.maxsi %sub3A_60, %max3A : i32
    %shift_left3A_62 = arith.constant 1 : i32
    %shift_left3A_63 = arith.shli %shift_left3A_62, %max3A_61 : i32
    %jit3A_64 = arith.constant 0 : i32
    %select_n3A_65 = arith.select %ge3A_58, %shift_left3A_63, %jit3A_64 : i32
    %jit3A_66 = arith.constant 0 : i32
    %select_n3A_67 = arith.select %eq3A_37, %jit3A_66, %select_n3A_65 : i32
    %mul3A_68 = arith.constant 16 : i32
    %mul3A_69 = arith.muli %select_n3A_28, %mul3A_68 : i32
    %add3A_70 = arith.constant 1 : i32
    %add3A_71 = arith.addi %mul3A_69, %add3A_70 : i32
    %sub3A_72 = arith.constant 1 : i32
    %sub3A_73 = arith.subi %add3A_71, %sub3A_72 : i32
    %eq3A_74 = arith.constant 0 : i32
    %eq3A_75 = arith.cmpi eq, %add3A_71, %eq3A_74 : i32
    %rem3A_76 = arith.constant 11 : i32
    %rem3A_77 = arith.remsi %sub3A_73, %rem3A_76 : i32
    %jit3A_78 = arith.constant 0 : i32
    %select_n3A_79 = arith.select %eq3A_75, %jit3A_78, %rem3A_77 : i32
    %and3A_80 = arith.constant 15 : i32
    %and3A_81 = arith.andi %sub3A_73, %and3A_80 : i32
    %shift_left3A_82 = arith.constant 1 : i32
    %shift_left3A_83 = arith.shli %shift_left3A_82, %select_n3A_79 : i32
    %jit3A_84 = arith.constant 0 : i32
    %select_n3A_85 = arith.select %eq3A_75, %jit3A_84, %shift_left3A_83 : i32
    %mul3A_86 = arith.constant 128 : i32
    %mul3A_87 = arith.muli %and3A_81, %mul3A_86 : i32
    %jit3A_88 = arith.constant 0 : i32
    %select_n3A_89 = arith.select %eq3A_75, %jit3A_88, %mul3A_87 : i32
    %le3A_90 = arith.constant 6 : i32
    %le3A_91 = arith.cmpi sle, %select_n3A_79, %le3A_90 : i32
    %shift_left3A_92 = arith.constant 1 : i32
    %shift_left3A_93 = arith.shli %shift_left3A_92, %select_n3A_79 : i32
    %jit3A_94 = arith.constant 0 : i32
    %select_n3A_95 = arith.select %le3A_91, %shift_left3A_93, %jit3A_94 : i32
    %jit3A_96 = arith.constant 0 : i32
    %select_n3A_97 = arith.select %eq3A_75, %jit3A_96, %select_n3A_95 : i32
    %ge3A_98 = arith.constant 7 : i32
    %ge3A_99 = arith.cmpi sge, %select_n3A_79, %ge3A_98 : i32
    %sub3A_100 = arith.constant 7 : i32
    %sub3A_101 = arith.subi %select_n3A_79, %sub3A_100 : i32
    %max3A_102 = arith.constant 0 : i32
    %max3A_103 = arith.maxsi %sub3A_101, %max3A_102 : i32
    %shift_left3A_104 = arith.constant 1 : i32
    %shift_left3A_105 = arith.shli %shift_left3A_104, %max3A_103 : i32
    %jit3A_106 = arith.constant 0 : i32
    %select_n3A_107 = arith.select %ge3A_99, %shift_left3A_105, %jit3A_106 : i32
    %jit3A_108 = arith.constant 0 : i32
    %select_n3A_109 = arith.select %eq3A_75, %jit3A_108, %select_n3A_107 : i32
    %mul3A_110 = arith.constant 16 : i32
    %mul3A_111 = arith.muli %select_n3A_28, %mul3A_110 : i32
    %add3A_112 = arith.constant 2 : i32
    %add3A_113 = arith.addi %mul3A_111, %add3A_112 : i32
    %sub3A_114 = arith.constant 1 : i32
    %sub3A_115 = arith.subi %add3A_113, %sub3A_114 : i32
    %eq3A_116 = arith.constant 0 : i32
    %eq3A_117 = arith.cmpi eq, %add3A_113, %eq3A_116 : i32
    %rem3A_118 = arith.constant 11 : i32
    %rem3A_119 = arith.remsi %sub3A_115, %rem3A_118 : i32
    %jit3A_120 = arith.constant 0 : i32
    %select_n3A_121 = arith.select %eq3A_117, %jit3A_120, %rem3A_119 : i32
    %and3A_122 = arith.constant 15 : i32
    %and3A_123 = arith.andi %sub3A_115, %and3A_122 : i32
    %shift_left3A_124 = arith.constant 1 : i32
    %shift_left3A_125 = arith.shli %shift_left3A_124, %select_n3A_121 : i32
    %jit3A_126 = arith.constant 0 : i32
    %select_n3A_127 = arith.select %eq3A_117, %jit3A_126, %shift_left3A_125 : i32
    %mul3A_128 = arith.constant 128 : i32
    %mul3A_129 = arith.muli %and3A_123, %mul3A_128 : i32
    %jit3A_130 = arith.constant 0 : i32
    %select_n3A_131 = arith.select %eq3A_117, %jit3A_130, %mul3A_129 : i32
    %le3A_132 = arith.constant 6 : i32
    %le3A_133 = arith.cmpi sle, %select_n3A_121, %le3A_132 : i32
    %shift_left3A_134 = arith.constant 1 : i32
    %shift_left3A_135 = arith.shli %shift_left3A_134, %select_n3A_121 : i32
    %jit3A_136 = arith.constant 0 : i32
    %select_n3A_137 = arith.select %le3A_133, %shift_left3A_135, %jit3A_136 : i32
    %jit3A_138 = arith.constant 0 : i32
    %select_n3A_139 = arith.select %eq3A_117, %jit3A_138, %select_n3A_137 : i32
    %ge3A_140 = arith.constant 7 : i32
    %ge3A_141 = arith.cmpi sge, %select_n3A_121, %ge3A_140 : i32
    %sub3A_142 = arith.constant 7 : i32
    %sub3A_143 = arith.subi %select_n3A_121, %sub3A_142 : i32
    %max3A_144 = arith.constant 0 : i32
    %max3A_145 = arith.maxsi %sub3A_143, %max3A_144 : i32
    %shift_left3A_146 = arith.constant 1 : i32
    %shift_left3A_147 = arith.shli %shift_left3A_146, %max3A_145 : i32
    %jit3A_148 = arith.constant 0 : i32
    %select_n3A_149 = arith.select %ge3A_141, %shift_left3A_147, %jit3A_148 : i32
    %jit3A_150 = arith.constant 0 : i32
    %select_n3A_151 = arith.select %eq3A_117, %jit3A_150, %select_n3A_149 : i32
    %mul3A_152 = arith.constant 16 : i32
    %mul3A_153 = arith.muli %select_n3A_28, %mul3A_152 : i32
    %add3A_154 = arith.constant 3 : i32
    %add3A_155 = arith.addi %mul3A_153, %add3A_154 : i32
    %sub3A_156 = arith.constant 1 : i32
    %sub3A_157 = arith.subi %add3A_155, %sub3A_156 : i32
    %eq3A_158 = arith.constant 0 : i32
    %eq3A_159 = arith.cmpi eq, %add3A_155, %eq3A_158 : i32
    %rem3A_160 = arith.constant 11 : i32
    %rem3A_161 = arith.remsi %sub3A_157, %rem3A_160 : i32
    %jit3A_162 = arith.constant 0 : i32
    %select_n3A_163 = arith.select %eq3A_159, %jit3A_162, %rem3A_161 : i32
    %and3A_164 = arith.constant 15 : i32
    %and3A_165 = arith.andi %sub3A_157, %and3A_164 : i32
    %shift_left3A_166 = arith.constant 1 : i32
    %shift_left3A_167 = arith.shli %shift_left3A_166, %select_n3A_163 : i32
    %jit3A_168 = arith.constant 0 : i32
    %select_n3A_169 = arith.select %eq3A_159, %jit3A_168, %shift_left3A_167 : i32
    %mul3A_170 = arith.constant 128 : i32
    %mul3A_171 = arith.muli %and3A_165, %mul3A_170 : i32
    %jit3A_172 = arith.constant 0 : i32
    %select_n3A_173 = arith.select %eq3A_159, %jit3A_172, %mul3A_171 : i32
    %le3A_174 = arith.constant 6 : i32
    %le3A_175 = arith.cmpi sle, %select_n3A_163, %le3A_174 : i32
    %shift_left3A_176 = arith.constant 1 : i32
    %shift_left3A_177 = arith.shli %shift_left3A_176, %select_n3A_163 : i32
    %jit3A_178 = arith.constant 0 : i32
    %select_n3A_179 = arith.select %le3A_175, %shift_left3A_177, %jit3A_178 : i32
    %jit3A_180 = arith.constant 0 : i32
    %select_n3A_181 = arith.select %eq3A_159, %jit3A_180, %select_n3A_179 : i32
    %ge3A_182 = arith.constant 7 : i32
    %ge3A_183 = arith.cmpi sge, %select_n3A_163, %ge3A_182 : i32
    %sub3A_184 = arith.constant 7 : i32
    %sub3A_185 = arith.subi %select_n3A_163, %sub3A_184 : i32
    %max3A_186 = arith.constant 0 : i32
    %max3A_187 = arith.maxsi %sub3A_185, %max3A_186 : i32
    %shift_left3A_188 = arith.constant 1 : i32
    %shift_left3A_189 = arith.shli %shift_left3A_188, %max3A_187 : i32
    %jit3A_190 = arith.constant 0 : i32
    %select_n3A_191 = arith.select %ge3A_183, %shift_left3A_189, %jit3A_190 : i32
    %jit3A_192 = arith.constant 0 : i32
    %select_n3A_193 = arith.select %eq3A_159, %jit3A_192, %select_n3A_191 : i32
    %mul3A_194 = arith.constant 16 : i32
    %mul3A_195 = arith.muli %select_n3A_28, %mul3A_194 : i32
    %add3A_196 = arith.constant 4 : i32
    %add3A_197 = arith.addi %mul3A_195, %add3A_196 : i32
    %sub3A_198 = arith.constant 1 : i32
    %sub3A_199 = arith.subi %add3A_197, %sub3A_198 : i32
    %eq3A_200 = arith.constant 0 : i32
    %eq3A_201 = arith.cmpi eq, %add3A_197, %eq3A_200 : i32
    %rem3A_202 = arith.constant 11 : i32
    %rem3A_203 = arith.remsi %sub3A_199, %rem3A_202 : i32
    %jit3A_204 = arith.constant 0 : i32
    %select_n3A_205 = arith.select %eq3A_201, %jit3A_204, %rem3A_203 : i32
    %and3A_206 = arith.constant 15 : i32
    %and3A_207 = arith.andi %sub3A_199, %and3A_206 : i32
    %shift_left3A_208 = arith.constant 1 : i32
    %shift_left3A_209 = arith.shli %shift_left3A_208, %select_n3A_205 : i32
    %jit3A_210 = arith.constant 0 : i32
    %select_n3A_211 = arith.select %eq3A_201, %jit3A_210, %shift_left3A_209 : i32
    %mul3A_212 = arith.constant 128 : i32
    %mul3A_213 = arith.muli %and3A_207, %mul3A_212 : i32
    %jit3A_214 = arith.constant 0 : i32
    %select_n3A_215 = arith.select %eq3A_201, %jit3A_214, %mul3A_213 : i32
    %le3A_216 = arith.constant 6 : i32
    %le3A_217 = arith.cmpi sle, %select_n3A_205, %le3A_216 : i32
    %shift_left3A_218 = arith.constant 1 : i32
    %shift_left3A_219 = arith.shli %shift_left3A_218, %select_n3A_205 : i32
    %jit3A_220 = arith.constant 0 : i32
    %select_n3A_221 = arith.select %le3A_217, %shift_left3A_219, %jit3A_220 : i32
    %jit3A_222 = arith.constant 0 : i32
    %select_n3A_223 = arith.select %eq3A_201, %jit3A_222, %select_n3A_221 : i32
    %ge3A_224 = arith.constant 7 : i32
    %ge3A_225 = arith.cmpi sge, %select_n3A_205, %ge3A_224 : i32
    %sub3A_226 = arith.constant 7 : i32
    %sub3A_227 = arith.subi %select_n3A_205, %sub3A_226 : i32
    %max3A_228 = arith.constant 0 : i32
    %max3A_229 = arith.maxsi %sub3A_227, %max3A_228 : i32
    %shift_left3A_230 = arith.constant 1 : i32
    %shift_left3A_231 = arith.shli %shift_left3A_230, %max3A_229 : i32
    %jit3A_232 = arith.constant 0 : i32
    %select_n3A_233 = arith.select %ge3A_225, %shift_left3A_231, %jit3A_232 : i32
    %jit3A_234 = arith.constant 0 : i32
    %select_n3A_235 = arith.select %eq3A_201, %jit3A_234, %select_n3A_233 : i32
    %mul3A_236 = arith.constant 16 : i32
    %mul3A_237 = arith.muli %select_n3A_28, %mul3A_236 : i32
    %add3A_238 = arith.constant 5 : i32
    %add3A_239 = arith.addi %mul3A_237, %add3A_238 : i32
    %sub3A_240 = arith.constant 1 : i32
    %sub3A_241 = arith.subi %add3A_239, %sub3A_240 : i32
    %eq3A_242 = arith.constant 0 : i32
    %eq3A_243 = arith.cmpi eq, %add3A_239, %eq3A_242 : i32
    %rem3A_244 = arith.constant 11 : i32
    %rem3A_245 = arith.remsi %sub3A_241, %rem3A_244 : i32
    %jit3A_246 = arith.constant 0 : i32
    %select_n3A_247 = arith.select %eq3A_243, %jit3A_246, %rem3A_245 : i32
    %and3A_248 = arith.constant 15 : i32
    %and3A_249 = arith.andi %sub3A_241, %and3A_248 : i32
    %shift_left3A_250 = arith.constant 1 : i32
    %shift_left3A_251 = arith.shli %shift_left3A_250, %select_n3A_247 : i32
    %jit3A_252 = arith.constant 0 : i32
    %select_n3A_253 = arith.select %eq3A_243, %jit3A_252, %shift_left3A_251 : i32
    %mul3A_254 = arith.constant 128 : i32
    %mul3A_255 = arith.muli %and3A_249, %mul3A_254 : i32
    %jit3A_256 = arith.constant 0 : i32
    %select_n3A_257 = arith.select %eq3A_243, %jit3A_256, %mul3A_255 : i32
    %le3A_258 = arith.constant 6 : i32
    %le3A_259 = arith.cmpi sle, %select_n3A_247, %le3A_258 : i32
    %shift_left3A_260 = arith.constant 1 : i32
    %shift_left3A_261 = arith.shli %shift_left3A_260, %select_n3A_247 : i32
    %jit3A_262 = arith.constant 0 : i32
    %select_n3A_263 = arith.select %le3A_259, %shift_left3A_261, %jit3A_262 : i32
    %jit3A_264 = arith.constant 0 : i32
    %select_n3A_265 = arith.select %eq3A_243, %jit3A_264, %select_n3A_263 : i32
    %ge3A_266 = arith.constant 7 : i32
    %ge3A_267 = arith.cmpi sge, %select_n3A_247, %ge3A_266 : i32
    %sub3A_268 = arith.constant 7 : i32
    %sub3A_269 = arith.subi %select_n3A_247, %sub3A_268 : i32
    %max3A_270 = arith.constant 0 : i32
    %max3A_271 = arith.maxsi %sub3A_269, %max3A_270 : i32
    %shift_left3A_272 = arith.constant 1 : i32
    %shift_left3A_273 = arith.shli %shift_left3A_272, %max3A_271 : i32
    %jit3A_274 = arith.constant 0 : i32
    %select_n3A_275 = arith.select %ge3A_267, %shift_left3A_273, %jit3A_274 : i32
    %jit3A_276 = arith.constant 0 : i32
    %select_n3A_277 = arith.select %eq3A_243, %jit3A_276, %select_n3A_275 : i32
    %mul3A_278 = arith.constant 16 : i32
    %mul3A_279 = arith.muli %select_n3A_28, %mul3A_278 : i32
    %add3A_280 = arith.constant 6 : i32
    %add3A_281 = arith.addi %mul3A_279, %add3A_280 : i32
    %sub3A_282 = arith.constant 1 : i32
    %sub3A_283 = arith.subi %add3A_281, %sub3A_282 : i32
    %eq3A_284 = arith.constant 0 : i32
    %eq3A_285 = arith.cmpi eq, %add3A_281, %eq3A_284 : i32
    %rem3A_286 = arith.constant 11 : i32
    %rem3A_287 = arith.remsi %sub3A_283, %rem3A_286 : i32
    %jit3A_288 = arith.constant 0 : i32
    %select_n3A_289 = arith.select %eq3A_285, %jit3A_288, %rem3A_287 : i32
    %and3A_290 = arith.constant 15 : i32
    %and3A_291 = arith.andi %sub3A_283, %and3A_290 : i32
    %shift_left3A_292 = arith.constant 1 : i32
    %shift_left3A_293 = arith.shli %shift_left3A_292, %select_n3A_289 : i32
    %jit3A_294 = arith.constant 0 : i32
    %select_n3A_295 = arith.select %eq3A_285, %jit3A_294, %shift_left3A_293 : i32
    %mul3A_296 = arith.constant 128 : i32
    %mul3A_297 = arith.muli %and3A_291, %mul3A_296 : i32
    %jit3A_298 = arith.constant 0 : i32
    %select_n3A_299 = arith.select %eq3A_285, %jit3A_298, %mul3A_297 : i32
    %le3A_300 = arith.constant 6 : i32
    %le3A_301 = arith.cmpi sle, %select_n3A_289, %le3A_300 : i32
    %shift_left3A_302 = arith.constant 1 : i32
    %shift_left3A_303 = arith.shli %shift_left3A_302, %select_n3A_289 : i32
    %jit3A_304 = arith.constant 0 : i32
    %select_n3A_305 = arith.select %le3A_301, %shift_left3A_303, %jit3A_304 : i32
    %jit3A_306 = arith.constant 0 : i32
    %select_n3A_307 = arith.select %eq3A_285, %jit3A_306, %select_n3A_305 : i32
    %ge3A_308 = arith.constant 7 : i32
    %ge3A_309 = arith.cmpi sge, %select_n3A_289, %ge3A_308 : i32
    %sub3A_310 = arith.constant 7 : i32
    %sub3A_311 = arith.subi %select_n3A_289, %sub3A_310 : i32
    %max3A_312 = arith.constant 0 : i32
    %max3A_313 = arith.maxsi %sub3A_311, %max3A_312 : i32
    %shift_left3A_314 = arith.constant 1 : i32
    %shift_left3A_315 = arith.shli %shift_left3A_314, %max3A_313 : i32
    %jit3A_316 = arith.constant 0 : i32
    %select_n3A_317 = arith.select %ge3A_309, %shift_left3A_315, %jit3A_316 : i32
    %jit3A_318 = arith.constant 0 : i32
    %select_n3A_319 = arith.select %eq3A_285, %jit3A_318, %select_n3A_317 : i32
    %mul3A_320 = arith.constant 16 : i32
    %mul3A_321 = arith.muli %select_n3A_28, %mul3A_320 : i32
    %add3A_322 = arith.constant 7 : i32
    %add3A_323 = arith.addi %mul3A_321, %add3A_322 : i32
    %sub3A_324 = arith.constant 1 : i32
    %sub3A_325 = arith.subi %add3A_323, %sub3A_324 : i32
    %eq3A_326 = arith.constant 0 : i32
    %eq3A_327 = arith.cmpi eq, %add3A_323, %eq3A_326 : i32
    %rem3A_328 = arith.constant 11 : i32
    %rem3A_329 = arith.remsi %sub3A_325, %rem3A_328 : i32
    %jit3A_330 = arith.constant 0 : i32
    %select_n3A_331 = arith.select %eq3A_327, %jit3A_330, %rem3A_329 : i32
    %and3A_332 = arith.constant 15 : i32
    %and3A_333 = arith.andi %sub3A_325, %and3A_332 : i32
    %shift_left3A_334 = arith.constant 1 : i32
    %shift_left3A_335 = arith.shli %shift_left3A_334, %select_n3A_331 : i32
    %jit3A_336 = arith.constant 0 : i32
    %select_n3A_337 = arith.select %eq3A_327, %jit3A_336, %shift_left3A_335 : i32
    %mul3A_338 = arith.constant 128 : i32
    %mul3A_339 = arith.muli %and3A_333, %mul3A_338 : i32
    %jit3A_340 = arith.constant 0 : i32
    %select_n3A_341 = arith.select %eq3A_327, %jit3A_340, %mul3A_339 : i32
    %le3A_342 = arith.constant 6 : i32
    %le3A_343 = arith.cmpi sle, %select_n3A_331, %le3A_342 : i32
    %shift_left3A_344 = arith.constant 1 : i32
    %shift_left3A_345 = arith.shli %shift_left3A_344, %select_n3A_331 : i32
    %jit3A_346 = arith.constant 0 : i32
    %select_n3A_347 = arith.select %le3A_343, %shift_left3A_345, %jit3A_346 : i32
    %jit3A_348 = arith.constant 0 : i32
    %select_n3A_349 = arith.select %eq3A_327, %jit3A_348, %select_n3A_347 : i32
    %ge3A_350 = arith.constant 7 : i32
    %ge3A_351 = arith.cmpi sge, %select_n3A_331, %ge3A_350 : i32
    %sub3A_352 = arith.constant 7 : i32
    %sub3A_353 = arith.subi %select_n3A_331, %sub3A_352 : i32
    %max3A_354 = arith.constant 0 : i32
    %max3A_355 = arith.maxsi %sub3A_353, %max3A_354 : i32
    %shift_left3A_356 = arith.constant 1 : i32
    %shift_left3A_357 = arith.shli %shift_left3A_356, %max3A_355 : i32
    %jit3A_358 = arith.constant 0 : i32
    %select_n3A_359 = arith.select %ge3A_351, %shift_left3A_357, %jit3A_358 : i32
    %jit3A_360 = arith.constant 0 : i32
    %select_n3A_361 = arith.select %eq3A_327, %jit3A_360, %select_n3A_359 : i32
    %mul3A_362 = arith.constant 16 : i32
    %mul3A_363 = arith.muli %select_n3A_28, %mul3A_362 : i32
    %add3A_364 = arith.constant 8 : i32
    %add3A_365 = arith.addi %mul3A_363, %add3A_364 : i32
    %sub3A_366 = arith.constant 1 : i32
    %sub3A_367 = arith.subi %add3A_365, %sub3A_366 : i32
    %eq3A_368 = arith.constant 0 : i32
    %eq3A_369 = arith.cmpi eq, %add3A_365, %eq3A_368 : i32
    %rem3A_370 = arith.constant 11 : i32
    %rem3A_371 = arith.remsi %sub3A_367, %rem3A_370 : i32
    %jit3A_372 = arith.constant 0 : i32
    %select_n3A_373 = arith.select %eq3A_369, %jit3A_372, %rem3A_371 : i32
    %and3A_374 = arith.constant 15 : i32
    %and3A_375 = arith.andi %sub3A_367, %and3A_374 : i32
    %shift_left3A_376 = arith.constant 1 : i32
    %shift_left3A_377 = arith.shli %shift_left3A_376, %select_n3A_373 : i32
    %jit3A_378 = arith.constant 0 : i32
    %select_n3A_379 = arith.select %eq3A_369, %jit3A_378, %shift_left3A_377 : i32
    %mul3A_380 = arith.constant 128 : i32
    %mul3A_381 = arith.muli %and3A_375, %mul3A_380 : i32
    %jit3A_382 = arith.constant 0 : i32
    %select_n3A_383 = arith.select %eq3A_369, %jit3A_382, %mul3A_381 : i32
    %le3A_384 = arith.constant 6 : i32
    %le3A_385 = arith.cmpi sle, %select_n3A_373, %le3A_384 : i32
    %shift_left3A_386 = arith.constant 1 : i32
    %shift_left3A_387 = arith.shli %shift_left3A_386, %select_n3A_373 : i32
    %jit3A_388 = arith.constant 0 : i32
    %select_n3A_389 = arith.select %le3A_385, %shift_left3A_387, %jit3A_388 : i32
    %jit3A_390 = arith.constant 0 : i32
    %select_n3A_391 = arith.select %eq3A_369, %jit3A_390, %select_n3A_389 : i32
    %ge3A_392 = arith.constant 7 : i32
    %ge3A_393 = arith.cmpi sge, %select_n3A_373, %ge3A_392 : i32
    %sub3A_394 = arith.constant 7 : i32
    %sub3A_395 = arith.subi %select_n3A_373, %sub3A_394 : i32
    %max3A_396 = arith.constant 0 : i32
    %max3A_397 = arith.maxsi %sub3A_395, %max3A_396 : i32
    %shift_left3A_398 = arith.constant 1 : i32
    %shift_left3A_399 = arith.shli %shift_left3A_398, %max3A_397 : i32
    %jit3A_400 = arith.constant 0 : i32
    %select_n3A_401 = arith.select %ge3A_393, %shift_left3A_399, %jit3A_400 : i32
    %jit3A_402 = arith.constant 0 : i32
    %select_n3A_403 = arith.select %eq3A_369, %jit3A_402, %select_n3A_401 : i32
    %mul3A_404 = arith.constant 16 : i32
    %mul3A_405 = arith.muli %select_n3A_28, %mul3A_404 : i32
    %add3A_406 = arith.constant 9 : i32
    %add3A_407 = arith.addi %mul3A_405, %add3A_406 : i32
    %sub3A_408 = arith.constant 1 : i32
    %sub3A_409 = arith.subi %add3A_407, %sub3A_408 : i32
    %eq3A_410 = arith.constant 0 : i32
    %eq3A_411 = arith.cmpi eq, %add3A_407, %eq3A_410 : i32
    %rem3A_412 = arith.constant 11 : i32
    %rem3A_413 = arith.remsi %sub3A_409, %rem3A_412 : i32
    %jit3A_414 = arith.constant 0 : i32
    %select_n3A_415 = arith.select %eq3A_411, %jit3A_414, %rem3A_413 : i32
    %and3A_416 = arith.constant 15 : i32
    %and3A_417 = arith.andi %sub3A_409, %and3A_416 : i32
    %shift_left3A_418 = arith.constant 1 : i32
    %shift_left3A_419 = arith.shli %shift_left3A_418, %select_n3A_415 : i32
    %jit3A_420 = arith.constant 0 : i32
    %select_n3A_421 = arith.select %eq3A_411, %jit3A_420, %shift_left3A_419 : i32
    %mul3A_422 = arith.constant 128 : i32
    %mul3A_423 = arith.muli %and3A_417, %mul3A_422 : i32
    %jit3A_424 = arith.constant 0 : i32
    %select_n3A_425 = arith.select %eq3A_411, %jit3A_424, %mul3A_423 : i32
    %le3A_426 = arith.constant 6 : i32
    %le3A_427 = arith.cmpi sle, %select_n3A_415, %le3A_426 : i32
    %shift_left3A_428 = arith.constant 1 : i32
    %shift_left3A_429 = arith.shli %shift_left3A_428, %select_n3A_415 : i32
    %jit3A_430 = arith.constant 0 : i32
    %select_n3A_431 = arith.select %le3A_427, %shift_left3A_429, %jit3A_430 : i32
    %jit3A_432 = arith.constant 0 : i32
    %select_n3A_433 = arith.select %eq3A_411, %jit3A_432, %select_n3A_431 : i32
    %ge3A_434 = arith.constant 7 : i32
    %ge3A_435 = arith.cmpi sge, %select_n3A_415, %ge3A_434 : i32
    %sub3A_436 = arith.constant 7 : i32
    %sub3A_437 = arith.subi %select_n3A_415, %sub3A_436 : i32
    %max3A_438 = arith.constant 0 : i32
    %max3A_439 = arith.maxsi %sub3A_437, %max3A_438 : i32
    %shift_left3A_440 = arith.constant 1 : i32
    %shift_left3A_441 = arith.shli %shift_left3A_440, %max3A_439 : i32
    %jit3A_442 = arith.constant 0 : i32
    %select_n3A_443 = arith.select %ge3A_435, %shift_left3A_441, %jit3A_442 : i32
    %jit3A_444 = arith.constant 0 : i32
    %select_n3A_445 = arith.select %eq3A_411, %jit3A_444, %select_n3A_443 : i32
    %mul3A_446 = arith.constant 16 : i32
    %mul3A_447 = arith.muli %select_n3A_28, %mul3A_446 : i32
    %add3A_448 = arith.constant 10 : i32
    %add3A_449 = arith.addi %mul3A_447, %add3A_448 : i32
    %sub3A_450 = arith.constant 1 : i32
    %sub3A_451 = arith.subi %add3A_449, %sub3A_450 : i32
    %eq3A_452 = arith.constant 0 : i32
    %eq3A_453 = arith.cmpi eq, %add3A_449, %eq3A_452 : i32
    %rem3A_454 = arith.constant 11 : i32
    %rem3A_455 = arith.remsi %sub3A_451, %rem3A_454 : i32
    %jit3A_456 = arith.constant 0 : i32
    %select_n3A_457 = arith.select %eq3A_453, %jit3A_456, %rem3A_455 : i32
    %and3A_458 = arith.constant 15 : i32
    %and3A_459 = arith.andi %sub3A_451, %and3A_458 : i32
    %shift_left3A_460 = arith.constant 1 : i32
    %shift_left3A_461 = arith.shli %shift_left3A_460, %select_n3A_457 : i32
    %jit3A_462 = arith.constant 0 : i32
    %select_n3A_463 = arith.select %eq3A_453, %jit3A_462, %shift_left3A_461 : i32
    %mul3A_464 = arith.constant 128 : i32
    %mul3A_465 = arith.muli %and3A_459, %mul3A_464 : i32
    %jit3A_466 = arith.constant 0 : i32
    %select_n3A_467 = arith.select %eq3A_453, %jit3A_466, %mul3A_465 : i32
    %le3A_468 = arith.constant 6 : i32
    %le3A_469 = arith.cmpi sle, %select_n3A_457, %le3A_468 : i32
    %shift_left3A_470 = arith.constant 1 : i32
    %shift_left3A_471 = arith.shli %shift_left3A_470, %select_n3A_457 : i32
    %jit3A_472 = arith.constant 0 : i32
    %select_n3A_473 = arith.select %le3A_469, %shift_left3A_471, %jit3A_472 : i32
    %jit3A_474 = arith.constant 0 : i32
    %select_n3A_475 = arith.select %eq3A_453, %jit3A_474, %select_n3A_473 : i32
    %ge3A_476 = arith.constant 7 : i32
    %ge3A_477 = arith.cmpi sge, %select_n3A_457, %ge3A_476 : i32
    %sub3A_478 = arith.constant 7 : i32
    %sub3A_479 = arith.subi %select_n3A_457, %sub3A_478 : i32
    %max3A_480 = arith.constant 0 : i32
    %max3A_481 = arith.maxsi %sub3A_479, %max3A_480 : i32
    %shift_left3A_482 = arith.constant 1 : i32
    %shift_left3A_483 = arith.shli %shift_left3A_482, %max3A_481 : i32
    %jit3A_484 = arith.constant 0 : i32
    %select_n3A_485 = arith.select %ge3A_477, %shift_left3A_483, %jit3A_484 : i32
    %jit3A_486 = arith.constant 0 : i32
    %select_n3A_487 = arith.select %eq3A_453, %jit3A_486, %select_n3A_485 : i32
    %mul3A_488 = arith.constant 16 : i32
    %mul3A_489 = arith.muli %select_n3A_28, %mul3A_488 : i32
    %add3A_490 = arith.constant 11 : i32
    %add3A_491 = arith.addi %mul3A_489, %add3A_490 : i32
    %sub3A_492 = arith.constant 1 : i32
    %sub3A_493 = arith.subi %add3A_491, %sub3A_492 : i32
    %eq3A_494 = arith.constant 0 : i32
    %eq3A_495 = arith.cmpi eq, %add3A_491, %eq3A_494 : i32
    %rem3A_496 = arith.constant 11 : i32
    %rem3A_497 = arith.remsi %sub3A_493, %rem3A_496 : i32
    %jit3A_498 = arith.constant 0 : i32
    %select_n3A_499 = arith.select %eq3A_495, %jit3A_498, %rem3A_497 : i32
    %and3A_500 = arith.constant 15 : i32
    %and3A_501 = arith.andi %sub3A_493, %and3A_500 : i32
    %shift_left3A_502 = arith.constant 1 : i32
    %shift_left3A_503 = arith.shli %shift_left3A_502, %select_n3A_499 : i32
    %jit3A_504 = arith.constant 0 : i32
    %select_n3A_505 = arith.select %eq3A_495, %jit3A_504, %shift_left3A_503 : i32
    %mul3A_506 = arith.constant 128 : i32
    %mul3A_507 = arith.muli %and3A_501, %mul3A_506 : i32
    %jit3A_508 = arith.constant 0 : i32
    %select_n3A_509 = arith.select %eq3A_495, %jit3A_508, %mul3A_507 : i32
    %le3A_510 = arith.constant 6 : i32
    %le3A_511 = arith.cmpi sle, %select_n3A_499, %le3A_510 : i32
    %shift_left3A_512 = arith.constant 1 : i32
    %shift_left3A_513 = arith.shli %shift_left3A_512, %select_n3A_499 : i32
    %jit3A_514 = arith.constant 0 : i32
    %select_n3A_515 = arith.select %le3A_511, %shift_left3A_513, %jit3A_514 : i32
    %jit3A_516 = arith.constant 0 : i32
    %select_n3A_517 = arith.select %eq3A_495, %jit3A_516, %select_n3A_515 : i32
    %ge3A_518 = arith.constant 7 : i32
    %ge3A_519 = arith.cmpi sge, %select_n3A_499, %ge3A_518 : i32
    %sub3A_520 = arith.constant 7 : i32
    %sub3A_521 = arith.subi %select_n3A_499, %sub3A_520 : i32
    %max3A_522 = arith.constant 0 : i32
    %max3A_523 = arith.maxsi %sub3A_521, %max3A_522 : i32
    %shift_left3A_524 = arith.constant 1 : i32
    %shift_left3A_525 = arith.shli %shift_left3A_524, %max3A_523 : i32
    %jit3A_526 = arith.constant 0 : i32
    %select_n3A_527 = arith.select %ge3A_519, %shift_left3A_525, %jit3A_526 : i32
    %jit3A_528 = arith.constant 0 : i32
    %select_n3A_529 = arith.select %eq3A_495, %jit3A_528, %select_n3A_527 : i32
    %mul3A_530 = arith.constant 16 : i32
    %mul3A_531 = arith.muli %select_n3A_28, %mul3A_530 : i32
    %add3A_532 = arith.constant 12 : i32
    %add3A_533 = arith.addi %mul3A_531, %add3A_532 : i32
    %sub3A_534 = arith.constant 1 : i32
    %sub3A_535 = arith.subi %add3A_533, %sub3A_534 : i32
    %eq3A_536 = arith.constant 0 : i32
    %eq3A_537 = arith.cmpi eq, %add3A_533, %eq3A_536 : i32
    %rem3A_538 = arith.constant 11 : i32
    %rem3A_539 = arith.remsi %sub3A_535, %rem3A_538 : i32
    %jit3A_540 = arith.constant 0 : i32
    %select_n3A_541 = arith.select %eq3A_537, %jit3A_540, %rem3A_539 : i32
    %and3A_542 = arith.constant 15 : i32
    %and3A_543 = arith.andi %sub3A_535, %and3A_542 : i32
    %shift_left3A_544 = arith.constant 1 : i32
    %shift_left3A_545 = arith.shli %shift_left3A_544, %select_n3A_541 : i32
    %jit3A_546 = arith.constant 0 : i32
    %select_n3A_547 = arith.select %eq3A_537, %jit3A_546, %shift_left3A_545 : i32
    %mul3A_548 = arith.constant 128 : i32
    %mul3A_549 = arith.muli %and3A_543, %mul3A_548 : i32
    %jit3A_550 = arith.constant 0 : i32
    %select_n3A_551 = arith.select %eq3A_537, %jit3A_550, %mul3A_549 : i32
    %le3A_552 = arith.constant 6 : i32
    %le3A_553 = arith.cmpi sle, %select_n3A_541, %le3A_552 : i32
    %shift_left3A_554 = arith.constant 1 : i32
    %shift_left3A_555 = arith.shli %shift_left3A_554, %select_n3A_541 : i32
    %jit3A_556 = arith.constant 0 : i32
    %select_n3A_557 = arith.select %le3A_553, %shift_left3A_555, %jit3A_556 : i32
    %jit3A_558 = arith.constant 0 : i32
    %select_n3A_559 = arith.select %eq3A_537, %jit3A_558, %select_n3A_557 : i32
    %ge3A_560 = arith.constant 7 : i32
    %ge3A_561 = arith.cmpi sge, %select_n3A_541, %ge3A_560 : i32
    %sub3A_562 = arith.constant 7 : i32
    %sub3A_563 = arith.subi %select_n3A_541, %sub3A_562 : i32
    %max3A_564 = arith.constant 0 : i32
    %max3A_565 = arith.maxsi %sub3A_563, %max3A_564 : i32
    %shift_left3A_566 = arith.constant 1 : i32
    %shift_left3A_567 = arith.shli %shift_left3A_566, %max3A_565 : i32
    %jit3A_568 = arith.constant 0 : i32
    %select_n3A_569 = arith.select %ge3A_561, %shift_left3A_567, %jit3A_568 : i32
    %jit3A_570 = arith.constant 0 : i32
    %select_n3A_571 = arith.select %eq3A_537, %jit3A_570, %select_n3A_569 : i32
    %mul3A_572 = arith.constant 16 : i32
    %mul3A_573 = arith.muli %select_n3A_28, %mul3A_572 : i32
    %add3A_574 = arith.constant 13 : i32
    %add3A_575 = arith.addi %mul3A_573, %add3A_574 : i32
    %sub3A_576 = arith.constant 1 : i32
    %sub3A_577 = arith.subi %add3A_575, %sub3A_576 : i32
    %eq3A_578 = arith.constant 0 : i32
    %eq3A_579 = arith.cmpi eq, %add3A_575, %eq3A_578 : i32
    %rem3A_580 = arith.constant 11 : i32
    %rem3A_581 = arith.remsi %sub3A_577, %rem3A_580 : i32
    %jit3A_582 = arith.constant 0 : i32
    %select_n3A_583 = arith.select %eq3A_579, %jit3A_582, %rem3A_581 : i32
    %and3A_584 = arith.constant 15 : i32
    %and3A_585 = arith.andi %sub3A_577, %and3A_584 : i32
    %shift_left3A_586 = arith.constant 1 : i32
    %shift_left3A_587 = arith.shli %shift_left3A_586, %select_n3A_583 : i32
    %jit3A_588 = arith.constant 0 : i32
    %select_n3A_589 = arith.select %eq3A_579, %jit3A_588, %shift_left3A_587 : i32
    %mul3A_590 = arith.constant 128 : i32
    %mul3A_591 = arith.muli %and3A_585, %mul3A_590 : i32
    %jit3A_592 = arith.constant 0 : i32
    %select_n3A_593 = arith.select %eq3A_579, %jit3A_592, %mul3A_591 : i32
    %le3A_594 = arith.constant 6 : i32
    %le3A_595 = arith.cmpi sle, %select_n3A_583, %le3A_594 : i32
    %shift_left3A_596 = arith.constant 1 : i32
    %shift_left3A_597 = arith.shli %shift_left3A_596, %select_n3A_583 : i32
    %jit3A_598 = arith.constant 0 : i32
    %select_n3A_599 = arith.select %le3A_595, %shift_left3A_597, %jit3A_598 : i32
    %jit3A_600 = arith.constant 0 : i32
    %select_n3A_601 = arith.select %eq3A_579, %jit3A_600, %select_n3A_599 : i32
    %ge3A_602 = arith.constant 7 : i32
    %ge3A_603 = arith.cmpi sge, %select_n3A_583, %ge3A_602 : i32
    %sub3A_604 = arith.constant 7 : i32
    %sub3A_605 = arith.subi %select_n3A_583, %sub3A_604 : i32
    %max3A_606 = arith.constant 0 : i32
    %max3A_607 = arith.maxsi %sub3A_605, %max3A_606 : i32
    %shift_left3A_608 = arith.constant 1 : i32
    %shift_left3A_609 = arith.shli %shift_left3A_608, %max3A_607 : i32
    %jit3A_610 = arith.constant 0 : i32
    %select_n3A_611 = arith.select %ge3A_603, %shift_left3A_609, %jit3A_610 : i32
    %jit3A_612 = arith.constant 0 : i32
    %select_n3A_613 = arith.select %eq3A_579, %jit3A_612, %select_n3A_611 : i32
    %mul3A_614 = arith.constant 16 : i32
    %mul3A_615 = arith.muli %select_n3A_28, %mul3A_614 : i32
    %add3A_616 = arith.constant 14 : i32
    %add3A_617 = arith.addi %mul3A_615, %add3A_616 : i32
    %sub3A_618 = arith.constant 1 : i32
    %sub3A_619 = arith.subi %add3A_617, %sub3A_618 : i32
    %eq3A_620 = arith.constant 0 : i32
    %eq3A_621 = arith.cmpi eq, %add3A_617, %eq3A_620 : i32
    %rem3A_622 = arith.constant 11 : i32
    %rem3A_623 = arith.remsi %sub3A_619, %rem3A_622 : i32
    %jit3A_624 = arith.constant 0 : i32
    %select_n3A_625 = arith.select %eq3A_621, %jit3A_624, %rem3A_623 : i32
    %and3A_626 = arith.constant 15 : i32
    %and3A_627 = arith.andi %sub3A_619, %and3A_626 : i32
    %shift_left3A_628 = arith.constant 1 : i32
    %shift_left3A_629 = arith.shli %shift_left3A_628, %select_n3A_625 : i32
    %jit3A_630 = arith.constant 0 : i32
    %select_n3A_631 = arith.select %eq3A_621, %jit3A_630, %shift_left3A_629 : i32
    %mul3A_632 = arith.constant 128 : i32
    %mul3A_633 = arith.muli %and3A_627, %mul3A_632 : i32
    %jit3A_634 = arith.constant 0 : i32
    %select_n3A_635 = arith.select %eq3A_621, %jit3A_634, %mul3A_633 : i32
    %le3A_636 = arith.constant 6 : i32
    %le3A_637 = arith.cmpi sle, %select_n3A_625, %le3A_636 : i32
    %shift_left3A_638 = arith.constant 1 : i32
    %shift_left3A_639 = arith.shli %shift_left3A_638, %select_n3A_625 : i32
    %jit3A_640 = arith.constant 0 : i32
    %select_n3A_641 = arith.select %le3A_637, %shift_left3A_639, %jit3A_640 : i32
    %jit3A_642 = arith.constant 0 : i32
    %select_n3A_643 = arith.select %eq3A_621, %jit3A_642, %select_n3A_641 : i32
    %ge3A_644 = arith.constant 7 : i32
    %ge3A_645 = arith.cmpi sge, %select_n3A_625, %ge3A_644 : i32
    %sub3A_646 = arith.constant 7 : i32
    %sub3A_647 = arith.subi %select_n3A_625, %sub3A_646 : i32
    %max3A_648 = arith.constant 0 : i32
    %max3A_649 = arith.maxsi %sub3A_647, %max3A_648 : i32
    %shift_left3A_650 = arith.constant 1 : i32
    %shift_left3A_651 = arith.shli %shift_left3A_650, %max3A_649 : i32
    %jit3A_652 = arith.constant 0 : i32
    %select_n3A_653 = arith.select %ge3A_645, %shift_left3A_651, %jit3A_652 : i32
    %jit3A_654 = arith.constant 0 : i32
    %select_n3A_655 = arith.select %eq3A_621, %jit3A_654, %select_n3A_653 : i32
    %mul3A_656 = arith.constant 16 : i32
    %mul3A_657 = arith.muli %select_n3A_28, %mul3A_656 : i32
    %add3A_658 = arith.constant 15 : i32
    %add3A_659 = arith.addi %mul3A_657, %add3A_658 : i32
    %sub3A_660 = arith.constant 1 : i32
    %sub3A_661 = arith.subi %add3A_659, %sub3A_660 : i32
    %eq3A_662 = arith.constant 0 : i32
    %eq3A_663 = arith.cmpi eq, %add3A_659, %eq3A_662 : i32
    %rem3A_664 = arith.constant 11 : i32
    %rem3A_665 = arith.remsi %sub3A_661, %rem3A_664 : i32
    %jit3A_666 = arith.constant 0 : i32
    %select_n3A_667 = arith.select %eq3A_663, %jit3A_666, %rem3A_665 : i32
    %and3A_668 = arith.constant 15 : i32
    %and3A_669 = arith.andi %sub3A_661, %and3A_668 : i32
    %shift_left3A_670 = arith.constant 1 : i32
    %shift_left3A_671 = arith.shli %shift_left3A_670, %select_n3A_667 : i32
    %jit3A_672 = arith.constant 0 : i32
    %select_n3A_673 = arith.select %eq3A_663, %jit3A_672, %shift_left3A_671 : i32
    %mul3A_674 = arith.constant 128 : i32
    %mul3A_675 = arith.muli %and3A_669, %mul3A_674 : i32
    %jit3A_676 = arith.constant 0 : i32
    %select_n3A_677 = arith.select %eq3A_663, %jit3A_676, %mul3A_675 : i32
    %le3A_678 = arith.constant 6 : i32
    %le3A_679 = arith.cmpi sle, %select_n3A_667, %le3A_678 : i32
    %shift_left3A_680 = arith.constant 1 : i32
    %shift_left3A_681 = arith.shli %shift_left3A_680, %select_n3A_667 : i32
    %jit3A_682 = arith.constant 0 : i32
    %select_n3A_683 = arith.select %le3A_679, %shift_left3A_681, %jit3A_682 : i32
    %jit3A_684 = arith.constant 0 : i32
    %select_n3A_685 = arith.select %eq3A_663, %jit3A_684, %select_n3A_683 : i32
    %ge3A_686 = arith.constant 7 : i32
    %ge3A_687 = arith.cmpi sge, %select_n3A_667, %ge3A_686 : i32
    %sub3A_688 = arith.constant 7 : i32
    %sub3A_689 = arith.subi %select_n3A_667, %sub3A_688 : i32
    %max3A_690 = arith.constant 0 : i32
    %max3A_691 = arith.maxsi %sub3A_689, %max3A_690 : i32
    %shift_left3A_692 = arith.constant 1 : i32
    %shift_left3A_693 = arith.shli %shift_left3A_692, %max3A_691 : i32
    %jit3A_694 = arith.constant 0 : i32
    %select_n3A_695 = arith.select %ge3A_687, %shift_left3A_693, %jit3A_694 : i32
    %jit3A_696 = arith.constant 0 : i32
    %select_n3A_697 = arith.select %eq3A_663, %jit3A_696, %select_n3A_695 : i32
    %broadcast_in_dim3A = arith.constant 0 : i32
    %broadcast_in_dim3A_698 = vector.broadcast %broadcast_in_dim3A : i32 to vector<16xi32>
    %add3A_699 = arith.constant 0 : i32
    %add3A_700 = vector.broadcast %add3A_699 : i32 to vector<16xi32>
    %add3A_701 = arith.addi %broadcast_in_dim3A_698, %add3A_700 : vector<16xi32>
    %broadcast_in_dim3A_702 = arith.constant 0 : i32
    %broadcast_in_dim3A_703 = vector.broadcast %broadcast_in_dim3A_702 : i32 to vector<16xi32>
    %add3A_704 = arith.constant 1 : i32
    %add3A_705 = vector.broadcast %add3A_704 : i32 to vector<16xi32>
    %add3A_706 = arith.addi %broadcast_in_dim3A_703, %add3A_705 : vector<16xi32>
    %broadcast_in_dim3A_707 = arith.constant 0 : i32
    %broadcast_in_dim3A_708 = vector.broadcast %broadcast_in_dim3A_707 : i32 to vector<16xi32>
    %add3A_709 = arith.constant 2 : i32
    %add3A_710 = vector.broadcast %add3A_709 : i32 to vector<16xi32>
    %add3A_711 = arith.addi %broadcast_in_dim3A_708, %add3A_710 : vector<16xi32>
    %broadcast_in_dim3A_712 = arith.constant 0 : i32
    %broadcast_in_dim3A_713 = vector.broadcast %broadcast_in_dim3A_712 : i32 to vector<16xi32>
    %add3A_714 = arith.constant 3 : i32
    %add3A_715 = vector.broadcast %add3A_714 : i32 to vector<16xi32>
    %add3A_716 = arith.addi %broadcast_in_dim3A_713, %add3A_715 : vector<16xi32>
    %broadcast_in_dim3A_717 = arith.constant 0 : i32
    %broadcast_in_dim3A_718 = vector.broadcast %broadcast_in_dim3A_717 : i32 to vector<16xi32>
    %add3A_719 = arith.constant 4 : i32
    %add3A_720 = vector.broadcast %add3A_719 : i32 to vector<16xi32>
    %add3A_721 = arith.addi %broadcast_in_dim3A_718, %add3A_720 : vector<16xi32>
    %broadcast_in_dim3A_722 = arith.constant 0 : i32
    %broadcast_in_dim3A_723 = vector.broadcast %broadcast_in_dim3A_722 : i32 to vector<16xi32>
    %add3A_724 = arith.constant 5 : i32
    %add3A_725 = vector.broadcast %add3A_724 : i32 to vector<16xi32>
    %add3A_726 = arith.addi %broadcast_in_dim3A_723, %add3A_725 : vector<16xi32>
    %broadcast_in_dim3A_727 = arith.constant 0 : i32
    %broadcast_in_dim3A_728 = vector.broadcast %broadcast_in_dim3A_727 : i32 to vector<16xi32>
    %add3A_729 = arith.constant 6 : i32
    %add3A_730 = vector.broadcast %add3A_729 : i32 to vector<16xi32>
    %add3A_731 = arith.addi %broadcast_in_dim3A_728, %add3A_730 : vector<16xi32>
    %broadcast_in_dim3A_732 = arith.constant 0 : i32
    %broadcast_in_dim3A_733 = vector.broadcast %broadcast_in_dim3A_732 : i32 to vector<16xi32>
    %add3A_734 = arith.constant 7 : i32
    %add3A_735 = vector.broadcast %add3A_734 : i32 to vector<16xi32>
    %add3A_736 = arith.addi %broadcast_in_dim3A_733, %add3A_735 : vector<16xi32>
    %broadcast_in_dim3A_737 = arith.constant 0 : i32
    %broadcast_in_dim3A_738 = vector.broadcast %broadcast_in_dim3A_737 : i32 to vector<16xi32>
    %add3A_739 = arith.constant 8 : i32
    %add3A_740 = vector.broadcast %add3A_739 : i32 to vector<16xi32>
    %add3A_741 = arith.addi %broadcast_in_dim3A_738, %add3A_740 : vector<16xi32>
    %broadcast_in_dim3A_742 = arith.constant 0 : i32
    %broadcast_in_dim3A_743 = vector.broadcast %broadcast_in_dim3A_742 : i32 to vector<16xi32>
    %add3A_744 = arith.constant 9 : i32
    %add3A_745 = vector.broadcast %add3A_744 : i32 to vector<16xi32>
    %add3A_746 = arith.addi %broadcast_in_dim3A_743, %add3A_745 : vector<16xi32>
    %broadcast_in_dim3A_747 = arith.constant 0 : i32
    %broadcast_in_dim3A_748 = vector.broadcast %broadcast_in_dim3A_747 : i32 to vector<16xi32>
    %add3A_749 = arith.constant 10 : i32
    %add3A_750 = vector.broadcast %add3A_749 : i32 to vector<16xi32>
    %add3A_751 = arith.addi %broadcast_in_dim3A_748, %add3A_750 : vector<16xi32>
    %broadcast_in_dim3A_752 = arith.constant 0 : i32
    %broadcast_in_dim3A_753 = vector.broadcast %broadcast_in_dim3A_752 : i32 to vector<16xi32>
    %add3A_754 = arith.constant 11 : i32
    %add3A_755 = vector.broadcast %add3A_754 : i32 to vector<16xi32>
    %add3A_756 = arith.addi %broadcast_in_dim3A_753, %add3A_755 : vector<16xi32>
    %broadcast_in_dim3A_757 = arith.constant 0 : i32
    %broadcast_in_dim3A_758 = vector.broadcast %broadcast_in_dim3A_757 : i32 to vector<16xi32>
    %add3A_759 = arith.constant 12 : i32
    %add3A_760 = vector.broadcast %add3A_759 : i32 to vector<16xi32>
    %add3A_761 = arith.addi %broadcast_in_dim3A_758, %add3A_760 : vector<16xi32>
    %broadcast_in_dim3A_762 = arith.constant 0 : i32
    %broadcast_in_dim3A_763 = vector.broadcast %broadcast_in_dim3A_762 : i32 to vector<16xi32>
    %add3A_764 = arith.constant 13 : i32
    %add3A_765 = vector.broadcast %add3A_764 : i32 to vector<16xi32>
    %add3A_766 = arith.addi %broadcast_in_dim3A_763, %add3A_765 : vector<16xi32>
    %broadcast_in_dim3A_767 = arith.constant 0 : i32
    %broadcast_in_dim3A_768 = vector.broadcast %broadcast_in_dim3A_767 : i32 to vector<16xi32>
    %add3A_769 = arith.constant 14 : i32
    %add3A_770 = vector.broadcast %add3A_769 : i32 to vector<16xi32>
    %add3A_771 = arith.addi %broadcast_in_dim3A_768, %add3A_770 : vector<16xi32>
    %broadcast_in_dim3A_772 = arith.constant 0 : i32
    %broadcast_in_dim3A_773 = vector.broadcast %broadcast_in_dim3A_772 : i32 to vector<16xi32>
    %add3A_774 = arith.constant 15 : i32
    %add3A_775 = vector.broadcast %add3A_774 : i32 to vector<16xi32>
    %add3A_776 = arith.addi %broadcast_in_dim3A_773, %add3A_775 : vector<16xi32>
    %parallel_loop3A = arith.constant 0 : i32
    %parallel_loop3A_777 = arith.constant 64 : i32
    %parallel_loop3A_778 = arith.constant 1 : i32
    scf.for %parallel_loop3A_1006 = %parallel_loop3A to %parallel_loop3A_777 step %parallel_loop3A_778  : i32 {
      %parallel_loop3A_1007 = arith.constant 1024 : i32
      %parallel_loop3A_1008 = arith.muli %arg0, %parallel_loop3A_1007 : i32
      %parallel_loop3A_1009 = arith.constant 16 : i32
      %parallel_loop3A_1010 = arith.muli %parallel_loop3A_1006, %parallel_loop3A_1009 : i32
      %parallel_loop3A_1011 = arith.addi %parallel_loop3A_1008, %parallel_loop3A_1010 : i32
      %parallel_loop3A_1012 = vector.broadcast %parallel_loop3A_1011 : i32 to vector<16xi32>
      %parallel_loop3A_1013 = arith.addi %parallel_loop3A_1012, %iota3A : vector<16xi32>
      %parallel_loop3A_1014 = arith.constant 0.000000e+00 : f32
      %parallel_loop3A_1015 = vector.broadcast %parallel_loop3A_1014 : f32 to vector<16xf32>
      %parallel_loop3A_1016 = vector.broadcast %select_n3A_50 : i32 to vector<16xi32>
      %parallel_loop3A_1017 = arith.subi %parallel_loop3A_1013, %parallel_loop3A_1016 : vector<16xi32>
      %parallel_loop3A_1018 = arith.constant 2047 : i32
      %parallel_loop3A_1019 = vector.broadcast %parallel_loop3A_1018 : i32 to vector<16xi32>
      %parallel_loop3A_1020 = arith.andi %parallel_loop3A_1017, %parallel_loop3A_1019 : vector<16xi32>
      %parallel_loop3A_1021 = vector.broadcast %select_n3A_46 : i32 to vector<16xi32>
      %parallel_loop3A_1022 = arith.xori %parallel_loop3A_1020, %parallel_loop3A_1021 : vector<16xi32>
      %parallel_loop3A_1023 = tpu.vector_load_idx %arg4[%add3A_701, %parallel_loop3A_1022] : memref<16x2048xf32, #tpu.memory_space<vmem>>[vector<16xi32>, vector<16xi32>], vector<16xf32>,
      %parallel_loop3A_1024 = math.absf %parallel_loop3A_1023 : vector<16xf32>
      %parallel_loop3A_1025 = arith.maximumf %parallel_loop3A_1015, %parallel_loop3A_1024 : vector<16xf32>
      %parallel_loop3A_1026 = vector.broadcast %select_n3A_89 : i32 to vector<16xi32>
      %parallel_loop3A_1027 = arith.subi %parallel_loop3A_1013, %parallel_loop3A_1026 : vector<16xi32>
      %parallel_loop3A_1028 = arith.constant 2047 : i32
      %parallel_loop3A_1029 = vector.broadcast %parallel_loop3A_1028 : i32 to vector<16xi32>
      %parallel_loop3A_1030 = arith.andi %parallel_loop3A_1027, %parallel_loop3A_1029 : vector<16xi32>
      %parallel_loop3A_1031 = vector.broadcast %select_n3A_85 : i32 to vector<16xi32>
      %parallel_loop3A_1032 = arith.xori %parallel_loop3A_1030, %parallel_loop3A_1031 : vector<16xi32>
      %parallel_loop3A_1033 = tpu.vector_load_idx %arg4[%add3A_706, %parallel_loop3A_1032] : memref<16x2048xf32, #tpu.memory_space<vmem>>[vector<16xi32>, vector<16xi32>], vector<16xf32>,
      %parallel_loop3A_1034 = math.absf %parallel_loop3A_1033 : vector<16xf32>
      %parallel_loop3A_1035 = arith.maximumf %parallel_loop3A_1025, %parallel_loop3A_1034 : vector<16xf32>
      %parallel_loop3A_1036 = vector.broadcast %select_n3A_131 : i32 to vector<16xi32>
      %parallel_loop3A_1037 = arith.subi %parallel_loop3A_1013, %parallel_loop3A_1036 : vector<16xi32>
      %parallel_loop3A_1038 = arith.constant 2047 : i32
      %parallel_loop3A_1039 = vector.broadcast %parallel_loop3A_1038 : i32 to vector<16xi32>
      %parallel_loop3A_1040 = arith.andi %parallel_loop3A_1037, %parallel_loop3A_1039 : vector<16xi32>
      %parallel_loop3A_1041 = vector.broadcast %select_n3A_127 : i32 to vector<16xi32>
      %parallel_loop3A_1042 = arith.xori %parallel_loop3A_1040, %parallel_loop3A_1041 : vector<16xi32>
      %parallel_loop3A_1043 = tpu.vector_load_idx %arg4[%add3A_711, %parallel_loop3A_1042] : memref<16x2048xf32, #tpu.memory_space<vmem>>[vector<16xi32>, vector<16xi32>], vector<16xf32>,
      %parallel_loop3A_1044 = math.absf %parallel_loop3A_1043 : vector<16xf32>
      %parallel_loop3A_1045 = arith.maximumf %parallel_loop3A_1035, %parallel_loop3A_1044 : vector<16xf32>
      %parallel_loop3A_1046 = vector.broadcast %select_n3A_173 : i32 to vector<16xi32>
      %parallel_loop3A_1047 = arith.subi %parallel_loop3A_1013, %parallel_loop3A_1046 : vector<16xi32>
      %parallel_loop3A_1048 = arith.constant 2047 : i32
      %parallel_loop3A_1049 = vector.broadcast %parallel_loop3A_1048 : i32 to vector<16xi32>
      %parallel_loop3A_1050 = arith.andi %parallel_loop3A_1047, %parallel_loop3A_1049 : vector<16xi32>
      %parallel_loop3A_1051 = vector.broadcast %select_n3A_169 : i32 to vector<16xi32>
      %parallel_loop3A_1052 = arith.xori %parallel_loop3A_1050, %parallel_loop3A_1051 : vector<16xi32>
      %parallel_loop3A_1053 = tpu.vector_load_idx %arg4[%add3A_716, %parallel_loop3A_1052] : memref<16x2048xf32, #tpu.memory_space<vmem>>[vector<16xi32>, vector<16xi32>], vector<16xf32>,
      %parallel_loop3A_1054 = math.absf %parallel_loop3A_1053 : vector<16xf32>
      %parallel_loop3A_1055 = arith.maximumf %parallel_loop3A_1045, %parallel_loop3A_1054 : vector<16xf32>
      %parallel_loop3A_1056 = vector.broadcast %select_n3A_215 : i32 to vector<16xi32>
      %parallel_loop3A_1057 = arith.subi %parallel_loop3A_1013, %parallel_loop3A_1056 : vector<16xi32>
      %parallel_loop3A_1058 = arith.constant 2047 : i32
      %parallel_loop3A_1059 = vector.broadcast %parallel_loop3A_1058 : i32 to vector<16xi32>
      %parallel_loop3A_1060 = arith.andi %parallel_loop3A_1057, %parallel_loop3A_1059 : vector<16xi32>
      %parallel_loop3A_1061 = vector.broadcast %select_n3A_211 : i32 to vector<16xi32>
      %parallel_loop3A_1062 = arith.xori %parallel_loop3A_1060, %parallel_loop3A_1061 : vector<16xi32>
      %parallel_loop3A_1063 = tpu.vector_load_idx %arg4[%add3A_721, %parallel_loop3A_1062] : memref<16x2048xf32, #tpu.memory_space<vmem>>[vector<16xi32>, vector<16xi32>], vector<16xf32>,
      %parallel_loop3A_1064 = math.absf %parallel_loop3A_1063 : vector<16xf32>
      %parallel_loop3A_1065 = arith.maximumf %parallel_loop3A_1055, %parallel_loop3A_1064 : vector<16xf32>
      %parallel_loop3A_1066 = vector.broadcast %select_n3A_257 : i32 to vector<16xi32>
      %parallel_loop3A_1067 = arith.subi %parallel_loop3A_1013, %parallel_loop3A_1066 : vector<16xi32>
      %parallel_loop3A_1068 = arith.constant 2047 : i32
      %parallel_loop3A_1069 = vector.broadcast %parallel_loop3A_1068 : i32 to vector<16xi32>
      %parallel_loop3A_1070 = arith.andi %parallel_loop3A_1067, %parallel_loop3A_1069 : vector<16xi32>
      %parallel_loop3A_1071 = vector.broadcast %select_n3A_253 : i32 to vector<16xi32>
      %parallel_loop3A_1072 = arith.xori %parallel_loop3A_1070, %parallel_loop3A_1071 : vector<16xi32>
      %parallel_loop3A_1073 = tpu.vector_load_idx %arg4[%add3A_726, %parallel_loop3A_1072] : memref<16x2048xf32, #tpu.memory_space<vmem>>[vector<16xi32>, vector<16xi32>], vector<16xf32>,
      %parallel_loop3A_1074 = math.absf %parallel_loop3A_1073 : vector<16xf32>
      %parallel_loop3A_1075 = arith.maximumf %parallel_loop3A_1065, %parallel_loop3A_1074 : vector<16xf32>
      %parallel_loop3A_1076 = vector.broadcast %select_n3A_299 : i32 to vector<16xi32>
      %parallel_loop3A_1077 = arith.subi %parallel_loop3A_1013, %parallel_loop3A_1076 : vector<16xi32>
      %parallel_loop3A_1078 = arith.constant 2047 : i32
      %parallel_loop3A_1079 = vector.broadcast %parallel_loop3A_1078 : i32 to vector<16xi32>
      %parallel_loop3A_1080 = arith.andi %parallel_loop3A_1077, %parallel_loop3A_1079 : vector<16xi32>
      %parallel_loop3A_1081 = vector.broadcast %select_n3A_295 : i32 to vector<16xi32>
      %parallel_loop3A_1082 = arith.xori %parallel_loop3A_1080, %parallel_loop3A_1081 : vector<16xi32>
      %parallel_loop3A_1083 = tpu.vector_load_idx %arg4[%add3A_731, %parallel_loop3A_1082] : memref<16x2048xf32, #tpu.memory_space<vmem>>[vector<16xi32>, vector<16xi32>], vector<16xf32>,
      %parallel_loop3A_1084 = math.absf %parallel_loop3A_1083 : vector<16xf32>
      %parallel_loop3A_1085 = arith.maximumf %parallel_loop3A_1075, %parallel_loop3A_1084 : vector<16xf32>
      %parallel_loop3A_1086 = vector.broadcast %select_n3A_341 : i32 to vector<16xi32>
      %parallel_loop3A_1087 = arith.subi %parallel_loop3A_1013, %parallel_loop3A_1086 : vector<16xi32>
      %parallel_loop3A_1088 = arith.constant 2047 : i32
      %parallel_loop3A_1089 = vector.broadcast %parallel_loop3A_1088 : i32 to vector<16xi32>
      %parallel_loop3A_1090 = arith.andi %parallel_loop3A_1087, %parallel_loop3A_1089 : vector<16xi32>
      %parallel_loop3A_1091 = vector.broadcast %select_n3A_337 : i32 to vector<16xi32>
      %parallel_loop3A_1092 = arith.xori %parallel_loop3A_1090, %parallel_loop3A_1091 : vector<16xi32>
      %parallel_loop3A_1093 = tpu.vector_load_idx %arg4[%add3A_736, %parallel_loop3A_1092] : memref<16x2048xf32, #tpu.memory_space<vmem>>[vector<16xi32>, vector<16xi32>], vector<16xf32>,
      %parallel_loop3A_1094 = math.absf %parallel_loop3A_1093 : vector<16xf32>
      %parallel_loop3A_1095 = arith.maximumf %parallel_loop3A_1085, %parallel_loop3A_1094 : vector<16xf32>
      %parallel_loop3A_1096 = vector.broadcast %select_n3A_383 : i32 to vector<16xi32>
      %parallel_loop3A_1097 = arith.subi %parallel_loop3A_1013, %parallel_loop3A_1096 : vector<16xi32>
      %parallel_loop3A_1098 = arith.constant 2047 : i32
      %parallel_loop3A_1099 = vector.broadcast %parallel_loop3A_1098 : i32 to vector<16xi32>
      %parallel_loop3A_1100 = arith.andi %parallel_loop3A_1097, %parallel_loop3A_1099 : vector<16xi32>
      %parallel_loop3A_1101 = vector.broadcast %select_n3A_379 : i32 to vector<16xi32>
      %parallel_loop3A_1102 = arith.xori %parallel_loop3A_1100, %parallel_loop3A_1101 : vector<16xi32>
      %parallel_loop3A_1103 = tpu.vector_load_idx %arg4[%add3A_741, %parallel_loop3A_1102] : memref<16x2048xf32, #tpu.memory_space<vmem>>[vector<16xi32>, vector<16xi32>], vector<16xf32>,
      %parallel_loop3A_1104 = math.absf %parallel_loop3A_1103 : vector<16xf32>
      %parallel_loop3A_1105 = arith.maximumf %parallel_loop3A_1095, %parallel_loop3A_1104 : vector<16xf32>
      %parallel_loop3A_1106 = vector.broadcast %select_n3A_425 : i32 to vector<16xi32>
      %parallel_loop3A_1107 = arith.subi %parallel_loop3A_1013, %parallel_loop3A_1106 : vector<16xi32>
      %parallel_loop3A_1108 = arith.constant 2047 : i32
      %parallel_loop3A_1109 = vector.broadcast %parallel_loop3A_1108 : i32 to vector<16xi32>
      %parallel_loop3A_1110 = arith.andi %parallel_loop3A_1107, %parallel_loop3A_1109 : vector<16xi32>
      %parallel_loop3A_1111 = vector.broadcast %select_n3A_421 : i32 to vector<16xi32>
      %parallel_loop3A_1112 = arith.xori %parallel_loop3A_1110, %parallel_loop3A_1111 : vector<16xi32>
      %parallel_loop3A_1113 = tpu.vector_load_idx %arg4[%add3A_746, %parallel_loop3A_1112] : memref<16x2048xf32, #tpu.memory_space<vmem>>[vector<16xi32>, vector<16xi32>], vector<16xf32>,
      %parallel_loop3A_1114 = math.absf %parallel_loop3A_1113 : vector<16xf32>
      %parallel_loop3A_1115 = arith.maximumf %parallel_loop3A_1105, %parallel_loop3A_1114 : vector<16xf32>
      %parallel_loop3A_1116 = vector.broadcast %select_n3A_467 : i32 to vector<16xi32>
      %parallel_loop3A_1117 = arith.subi %parallel_loop3A_1013, %parallel_loop3A_1116 : vector<16xi32>
      %parallel_loop3A_1118 = arith.constant 2047 : i32
      %parallel_loop3A_1119 = vector.broadcast %parallel_loop3A_1118 : i32 to vector<16xi32>
      %parallel_loop3A_1120 = arith.andi %parallel_loop3A_1117, %parallel_loop3A_1119 : vector<16xi32>
      %parallel_loop3A_1121 = vector.broadcast %select_n3A_463 : i32 to vector<16xi32>
      %parallel_loop3A_1122 = arith.xori %parallel_loop3A_1120, %parallel_loop3A_1121 : vector<16xi32>
      %parallel_loop3A_1123 = tpu.vector_load_idx %arg4[%add3A_751, %parallel_loop3A_1122] : memref<16x2048xf32, #tpu.memory_space<vmem>>[vector<16xi32>, vector<16xi32>], vector<16xf32>,
      %parallel_loop3A_1124 = math.absf %parallel_loop3A_1123 : vector<16xf32>
      %parallel_loop3A_1125 = arith.maximumf %parallel_loop3A_1115, %parallel_loop3A_1124 : vector<16xf32>
      %parallel_loop3A_1126 = vector.broadcast %select_n3A_509 : i32 to vector<16xi32>
      %parallel_loop3A_1127 = arith.subi %parallel_loop3A_1013, %parallel_loop3A_1126 : vector<16xi32>
      %parallel_loop3A_1128 = arith.constant 2047 : i32
      %parallel_loop3A_1129 = vector.broadcast %parallel_loop3A_1128 : i32 to vector<16xi32>
      %parallel_loop3A_1130 = arith.andi %parallel_loop3A_1127, %parallel_loop3A_1129 : vector<16xi32>
      %parallel_loop3A_1131 = vector.broadcast %select_n3A_505 : i32 to vector<16xi32>
      %parallel_loop3A_1132 = arith.xori %parallel_loop3A_1130, %parallel_loop3A_1131 : vector<16xi32>
      %parallel_loop3A_1133 = tpu.vector_load_idx %arg4[%add3A_756, %parallel_loop3A_1132] : memref<16x2048xf32, #tpu.memory_space<vmem>>[vector<16xi32>, vector<16xi32>], vector<16xf32>,
      %parallel_loop3A_1134 = math.absf %parallel_loop3A_1133 : vector<16xf32>
      %parallel_loop3A_1135 = arith.maximumf %parallel_loop3A_1125, %parallel_loop3A_1134 : vector<16xf32>
      %parallel_loop3A_1136 = vector.broadcast %select_n3A_551 : i32 to vector<16xi32>
      %parallel_loop3A_1137 = arith.subi %parallel_loop3A_1013, %parallel_loop3A_1136 : vector<16xi32>
      %parallel_loop3A_1138 = arith.constant 2047 : i32
      %parallel_loop3A_1139 = vector.broadcast %parallel_loop3A_1138 : i32 to vector<16xi32>
      %parallel_loop3A_1140 = arith.andi %parallel_loop3A_1137, %parallel_loop3A_1139 : vector<16xi32>
      %parallel_loop3A_1141 = vector.broadcast %select_n3A_547 : i32 to vector<16xi32>
      %parallel_loop3A_1142 = arith.xori %parallel_loop3A_1140, %parallel_loop3A_1141 : vector<16xi32>
      %parallel_loop3A_1143 = tpu.vector_load_idx %arg4[%add3A_761, %parallel_loop3A_1142] : memref<16x2048xf32, #tpu.memory_space<vmem>>[vector<16xi32>, vector<16xi32>], vector<16xf32>,
      %parallel_loop3A_1144 = math.absf %parallel_loop3A_1143 : vector<16xf32>
      %parallel_loop3A_1145 = arith.maximumf %parallel_loop3A_1135, %parallel_loop3A_1144 : vector<16xf32>
      %parallel_loop3A_1146 = vector.broadcast %select_n3A_593 : i32 to vector<16xi32>
      %parallel_loop3A_1147 = arith.subi %parallel_loop3A_1013, %parallel_loop3A_1146 : vector<16xi32>
      %parallel_loop3A_1148 = arith.constant 2047 : i32
      %parallel_loop3A_1149 = vector.broadcast %parallel_loop3A_1148 : i32 to vector<16xi32>
      %parallel_loop3A_1150 = arith.andi %parallel_loop3A_1147, %parallel_loop3A_1149 : vector<16xi32>
      %parallel_loop3A_1151 = vector.broadcast %select_n3A_589 : i32 to vector<16xi32>
      %parallel_loop3A_1152 = arith.xori %parallel_loop3A_1150, %parallel_loop3A_1151 : vector<16xi32>
      %parallel_loop3A_1153 = tpu.vector_load_idx %arg4[%add3A_766, %parallel_loop3A_1152] : memref<16x2048xf32, #tpu.memory_space<vmem>>[vector<16xi32>, vector<16xi32>], vector<16xf32>,
      %parallel_loop3A_1154 = math.absf %parallel_loop3A_1153 : vector<16xf32>
      %parallel_loop3A_1155 = arith.maximumf %parallel_loop3A_1145, %parallel_loop3A_1154 : vector<16xf32>
      %parallel_loop3A_1156 = vector.broadcast %select_n3A_635 : i32 to vector<16xi32>
      %parallel_loop3A_1157 = arith.subi %parallel_loop3A_1013, %parallel_loop3A_1156 : vector<16xi32>
      %parallel_loop3A_1158 = arith.constant 2047 : i32
      %parallel_loop3A_1159 = vector.broadcast %parallel_loop3A_1158 : i32 to vector<16xi32>
      %parallel_loop3A_1160 = arith.andi %parallel_loop3A_1157, %parallel_loop3A_1159 : vector<16xi32>
      %parallel_loop3A_1161 = vector.broadcast %select_n3A_631 : i32 to vector<16xi32>
      %parallel_loop3A_1162 = arith.xori %parallel_loop3A_1160, %parallel_loop3A_1161 : vector<16xi32>
      %parallel_loop3A_1163 = tpu.vector_load_idx %arg4[%add3A_771, %parallel_loop3A_1162] : memref<16x2048xf32, #tpu.memory_space<vmem>>[vector<16xi32>, vector<16xi32>], vector<16xf32>,
      %parallel_loop3A_1164 = math.absf %parallel_loop3A_1163 : vector<16xf32>
      %parallel_loop3A_1165 = arith.maximumf %parallel_loop3A_1155, %parallel_loop3A_1164 : vector<16xf32>
      %parallel_loop3A_1166 = vector.broadcast %select_n3A_677 : i32 to vector<16xi32>
      %parallel_loop3A_1167 = arith.subi %parallel_loop3A_1013, %parallel_loop3A_1166 : vector<16xi32>
      %parallel_loop3A_1168 = arith.constant 2047 : i32
      %parallel_loop3A_1169 = vector.broadcast %parallel_loop3A_1168 : i32 to vector<16xi32>
      %parallel_loop3A_1170 = arith.andi %parallel_loop3A_1167, %parallel_loop3A_1169 : vector<16xi32>
      %parallel_loop3A_1171 = vector.broadcast %select_n3A_673 : i32 to vector<16xi32>
      %parallel_loop3A_1172 = arith.xori %parallel_loop3A_1170, %parallel_loop3A_1171 : vector<16xi32>
      %parallel_loop3A_1173 = tpu.vector_load_idx %arg4[%add3A_776, %parallel_loop3A_1172] : memref<16x2048xf32, #tpu.memory_space<vmem>>[vector<16xi32>, vector<16xi32>], vector<16xf32>,
      %parallel_loop3A_1174 = math.absf %parallel_loop3A_1173 : vector<16xf32>
      %parallel_loop3A_1175 = arith.maximumf %parallel_loop3A_1165, %parallel_loop3A_1174 : vector<16xf32>
      %parallel_loop3A_1176 = arith.constant 16 : i32
      %parallel_loop3A_1177 = arith.muli %parallel_loop3A_1006, %parallel_loop3A_1176 : i32
      %parallel_loop3A_1178 = arith.index_cast %parallel_loop3A_1177 : i32 to index
      %parallel_loop3A_1179 = tpu.vector_load %arg5[%parallel_loop3A_1178] {strides = array<i32>} : memref<1024xf32, #tpu.memory_space<vmem>>, vector<16xf32>,
      tpu.vector_store %arg5[%parallel_loop3A_1178], %parallel_loop3A_1175 {strides = array<i32>} : memref<1024xf32, #tpu.memory_space<vmem>>, vector<16xf32>,
    } {sc.loop_unroll_factor = 2 : i64, sc.parallel_access}
    "tpu.region"() ({
      %run_scoped3A_1006 = tpu.sem_alloc : memref<!tpu.dma_semaphore, #tpu.memory_space<semaphore_mem>>
      %dma_start3A = arith.constant 0 : i32
      %dma_start3A_1007 = tpu.memref_slice %arg11[%select_n3A, %select_n3A_28, %dma_start3A] : memref<4x4x1024xf32, #tpu.memory_space<vmem_shared>> -> memref<1x1x1024xf32, #tpu.memory_space<vmem_shared>>
      %dma_start3A_1008 = tpu.memref_squeeze %dma_start3A_1007 : memref<1x1x1024xf32, #tpu.memory_space<vmem_shared>> -> memref<1024xf32, #tpu.memory_space<vmem_shared>>
      %dma_start3A_1009 = arith.constant 0 : i32
      %dma_start3A_1010 = tpu.memref_slice %arg11[%select_n3A, %select_n3A_28, %dma_start3A_1009] : memref<4x4x1024xf32, #tpu.memory_space<vmem_shared>> -> memref<1x1x1024xf32, #tpu.memory_space<vmem_shared>>
      %dma_start3A_1011 = tpu.memref_squeeze %dma_start3A_1010 : memref<1x1x1024xf32, #tpu.memory_space<vmem_shared>> -> memref<1024xf32, #tpu.memory_space<vmem_shared>>
      tpu.enqueue_dma source(%arg5 : memref<1024xf32, #tpu.memory_space<vmem>>) target(%dma_start3A_1011 : memref<1024xf32, #tpu.memory_space<vmem_shared>>) target_semaphore(%run_scoped3A_1006 : memref<!tpu.dma_semaphore, #tpu.memory_space<semaphore_mem>>)
      %dma_wait3A_1012 = arith.constant 0 : i32
      %dma_wait3A_1013 = tpu.memref_slice %arg11[%select_n3A, %select_n3A_28, %dma_wait3A_1012] : memref<4x4x1024xf32, #tpu.memory_space<vmem_shared>> -> memref<1x1x1024xf32, #tpu.memory_space<vmem_shared>>
      %dma_wait3A_1014 = tpu.memref_squeeze %dma_wait3A_1013 : memref<1x1x1024xf32, #tpu.memory_space<vmem_shared>> -> memref<1024xf32, #tpu.memory_space<vmem_shared>>
      %dma_wait3A_1015 = arith.constant 0 : i32
      %dma_wait3A_1016 = tpu.memref_slice %arg11[%select_n3A, %select_n3A_28, %dma_wait3A_1015] : memref<4x4x1024xf32, #tpu.memory_space<vmem_shared>> -> memref<1x1x1024xf32, #tpu.memory_space<vmem_shared>>
      %dma_wait3A_1017 = tpu.memref_squeeze %dma_wait3A_1016 : memref<1x1x1024xf32, #tpu.memory_space<vmem_shared>> -> memref<1024xf32, #tpu.memory_space<vmem_shared>>
      tpu.wait_dma2 semaphore(%run_scoped3A_1006 : memref<!tpu.dma_semaphore, #tpu.memory_space<semaphore_mem>>) src(%arg5 : memref<1024xf32, #tpu.memory_space<vmem>>) dst(%dma_wait3A_1017 : memref<1024xf32, #tpu.memory_space<vmem_shared>>)
      tpu.yield
    }) : () -> ()
    %eq3A_779 = arith.constant 0 : i32
    %eq3A_780 = arith.cmpi eq, %select_n3A_28, %eq3A_779 : i32
    %convert_element_type3A = arith.extui %eq3A_780 : i1 to i32
    %cond3A = arith.constant 0 : i32
    %cond3A_781 = arith.cmpi ne, %convert_element_type3A, %cond3A : i32
    scf.if %cond3A_781 {
      %mul3A_1006 = arith.constant 1024 : i32
      %mul3A_1007 = arith.muli %arg0, %mul3A_1006 : i32
      %run_scoped3A_1008 = arith.constant 0 : i32
      "tpu.region"() ({
        %run_scoped3A_1009 = tpu.sem_alloc : memref<!tpu.dma_semaphore, #tpu.memory_space<semaphore_mem>>
        %dma_start3A = tpu.memref_slice %arg4[%run_scoped3A_1008, %mul3A_1007] : memref<16x2048xf32, #tpu.memory_space<vmem>> -> memref<1x1024xf32, #tpu.memory_space<vmem>>
        %dma_start3A_1010 = tpu.memref_squeeze %dma_start3A : memref<1x1024xf32, #tpu.memory_space<vmem>> -> memref<1024xf32, #tpu.memory_space<vmem>>
        %dma_start3A_1011 = arith.constant 0 : i32
        %dma_start3A_1012 = tpu.memref_slice %arg12[%select_n3A, %dma_start3A_1011] : memref<4x1024xf32, #tpu.memory_space<vmem_shared>> -> memref<1x1024xf32, #tpu.memory_space<vmem_shared>>
        %dma_start3A_1013 = tpu.memref_squeeze %dma_start3A_1012 : memref<1x1024xf32, #tpu.memory_space<vmem_shared>> -> memref<1024xf32, #tpu.memory_space<vmem_shared>>
        %dma_start3A_1014 = arith.constant 0 : i32
        %dma_start3A_1015 = tpu.memref_slice %arg12[%select_n3A, %dma_start3A_1014] : memref<4x1024xf32, #tpu.memory_space<vmem_shared>> -> memref<1x1024xf32, #tpu.memory_space<vmem_shared>>
        %dma_start3A_1016 = tpu.memref_squeeze %dma_start3A_1015 : memref<1x1024xf32, #tpu.memory_space<vmem_shared>> -> memref<1024xf32, #tpu.memory_space<vmem_shared>>
        %dma_start3A_1017 = tpu.memref_slice %arg4[%run_scoped3A_1008, %mul3A_1007] : memref<16x2048xf32, #tpu.memory_space<vmem>> -> memref<1x1024xf32, #tpu.memory_space<vmem>>
        %dma_start3A_1018 = tpu.memref_squeeze %dma_start3A_1017 : memref<1x1024xf32, #tpu.memory_space<vmem>> -> memref<1024xf32, #tpu.memory_space<vmem>>
        tpu.enqueue_dma source(%dma_start3A_1018 : memref<1024xf32, #tpu.memory_space<vmem>>) target(%dma_start3A_1016 : memref<1024xf32, #tpu.memory_space<vmem_shared>>) target_semaphore(%run_scoped3A_1009 : memref<!tpu.dma_semaphore, #tpu.memory_space<semaphore_mem>>)
        %dma_wait3A_1019 = tpu.memref_slice %arg4[%run_scoped3A_1008, %mul3A_1007] : memref<16x2048xf32, #tpu.memory_space<vmem>> -> memref<1x1024xf32, #tpu.memory_space<vmem>>
        %dma_wait3A_1020 = tpu.memref_squeeze %dma_wait3A_1019 : memref<1x1024xf32, #tpu.memory_space<vmem>> -> memref<1024xf32, #tpu.memory_space<vmem>>
        %dma_wait3A_1021 = arith.constant 0 : i32
        %dma_wait3A_1022 = tpu.memref_slice %arg12[%select_n3A, %dma_wait3A_1021] : memref<4x1024xf32, #tpu.memory_space<vmem_shared>> -> memref<1x1024xf32, #tpu.memory_space<vmem_shared>>
        %dma_wait3A_1023 = tpu.memref_squeeze %dma_wait3A_1022 : memref<1x1024xf32, #tpu.memory_space<vmem_shared>> -> memref<1024xf32, #tpu.memory_space<vmem_shared>>
        %dma_wait3A_1024 = arith.constant 0 : i32
        %dma_wait3A_1025 = tpu.memref_slice %arg12[%select_n3A, %dma_wait3A_1024] : memref<4x1024xf32, #tpu.memory_space<vmem_shared>> -> memref<1x1024xf32, #tpu.memory_space<vmem_shared>>
        %dma_wait3A_1026 = tpu.memref_squeeze %dma_wait3A_1025 : memref<1x1024xf32, #tpu.memory_space<vmem_shared>> -> memref<1024xf32, #tpu.memory_space<vmem_shared>>
        %dma_wait3A_1027 = tpu.memref_slice %arg4[%run_scoped3A_1008, %mul3A_1007] : memref<16x2048xf32, #tpu.memory_space<vmem>> -> memref<1x1024xf32, #tpu.memory_space<vmem>>
        %dma_wait3A_1028 = tpu.memref_squeeze %dma_wait3A_1027 : memref<1x1024xf32, #tpu.memory_space<vmem>> -> memref<1024xf32, #tpu.memory_space<vmem>>
        tpu.wait_dma2 semaphore(%run_scoped3A_1009 : memref<!tpu.dma_semaphore, #tpu.memory_space<semaphore_mem>>) src(%dma_wait3A_1028 : memref<1024xf32, #tpu.memory_space<vmem>>) dst(%dma_wait3A_1026 : memref<1024xf32, #tpu.memory_space<vmem_shared>>)
        tpu.yield
      }) : () -> ()
    } else {
    }
    %barrier3A = arith.constant 0 : index
    tpu.barrier barrier_id(%barrier3A)
    %run_scoped3A = arith.constant 0 : i32
    "tpu.region"() ({
      %run_scoped3A_1006 = tpu.sem_alloc : memref<!tpu.dma_semaphore, #tpu.memory_space<semaphore_mem>>
      %dma_start3A = arith.constant 0 : i32
      %dma_start3A_1007 = tpu.memref_slice %arg11[%select_n3A, %run_scoped3A, %dma_start3A] : memref<4x4x1024xf32, #tpu.memory_space<vmem_shared>> -> memref<1x1x1024xf32, #tpu.memory_space<vmem_shared>>
      %dma_start3A_1008 = tpu.memref_squeeze %dma_start3A_1007 : memref<1x1x1024xf32, #tpu.memory_space<vmem_shared>> -> memref<1024xf32, #tpu.memory_space<vmem_shared>>
      %dma_start3A_1009 = arith.constant 0 : i32
      %dma_start3A_1010 = tpu.memref_slice %arg11[%select_n3A, %run_scoped3A, %dma_start3A_1009] : memref<4x4x1024xf32, #tpu.memory_space<vmem_shared>> -> memref<1x1x1024xf32, #tpu.memory_space<vmem_shared>>
      %dma_start3A_1011 = tpu.memref_squeeze %dma_start3A_1010 : memref<1x1x1024xf32, #tpu.memory_space<vmem_shared>> -> memref<1024xf32, #tpu.memory_space<vmem_shared>>
      tpu.enqueue_dma source(%dma_start3A_1011 : memref<1024xf32, #tpu.memory_space<vmem_shared>>) target(%arg5 : memref<1024xf32, #tpu.memory_space<vmem>>) target_semaphore(%run_scoped3A_1006 : memref<!tpu.dma_semaphore, #tpu.memory_space<semaphore_mem>>)
      %dma_wait3A_1012 = arith.constant 0 : i32
      %dma_wait3A_1013 = tpu.memref_slice %arg11[%select_n3A, %run_scoped3A, %dma_wait3A_1012] : memref<4x4x1024xf32, #tpu.memory_space<vmem_shared>> -> memref<1x1x1024xf32, #tpu.memory_space<vmem_shared>>
      %dma_wait3A_1014 = tpu.memref_squeeze %dma_wait3A_1013 : memref<1x1x1024xf32, #tpu.memory_space<vmem_shared>> -> memref<1024xf32, #tpu.memory_space<vmem_shared>>
      %dma_wait3A_1015 = arith.constant 0 : i32
      %dma_wait3A_1016 = tpu.memref_slice %arg11[%select_n3A, %run_scoped3A, %dma_wait3A_1015] : memref<4x4x1024xf32, #tpu.memory_space<vmem_shared>> -> memref<1x1x1024xf32, #tpu.memory_space<vmem_shared>>
      %dma_wait3A_1017 = tpu.memref_squeeze %dma_wait3A_1016 : memref<1x1x1024xf32, #tpu.memory_space<vmem_shared>> -> memref<1024xf32, #tpu.memory_space<vmem_shared>>
      tpu.wait_dma2 semaphore(%run_scoped3A_1006 : memref<!tpu.dma_semaphore, #tpu.memory_space<semaphore_mem>>) src(%dma_wait3A_1017 : memref<1024xf32, #tpu.memory_space<vmem_shared>>) dst(%arg5 : memref<1024xf32, #tpu.memory_space<vmem>>)
      tpu.yield
    }) : () -> ()
    %run_scoped3A_782 = arith.constant 1 : i32
    "tpu.region"() ({
      %run_scoped3A_1006 = tpu.sem_alloc : memref<!tpu.dma_semaphore, #tpu.memory_space<semaphore_mem>>
      %dma_start3A = arith.constant 0 : i32
      %dma_start3A_1007 = tpu.memref_slice %arg11[%select_n3A, %run_scoped3A_782, %dma_start3A] : memref<4x4x1024xf32, #tpu.memory_space<vmem_shared>> -> memref<1x1x1024xf32, #tpu.memory_space<vmem_shared>>
      %dma_start3A_1008 = tpu.memref_squeeze %dma_start3A_1007 : memref<1x1x1024xf32, #tpu.memory_space<vmem_shared>> -> memref<1024xf32, #tpu.memory_space<vmem_shared>>
      %dma_start3A_1009 = arith.constant 0 : i32
      %dma_start3A_1010 = tpu.memref_slice %arg11[%select_n3A, %run_scoped3A_782, %dma_start3A_1009] : memref<4x4x1024xf32, #tpu.memory_space<vmem_shared>> -> memref<1x1x1024xf32, #tpu.memory_space<vmem_shared>>
      %dma_start3A_1011 = tpu.memref_squeeze %dma_start3A_1010 : memref<1x1x1024xf32, #tpu.memory_space<vmem_shared>> -> memref<1024xf32, #tpu.memory_space<vmem_shared>>
      tpu.enqueue_dma source(%dma_start3A_1011 : memref<1024xf32, #tpu.memory_space<vmem_shared>>) target(%arg6 : memref<1024xf32, #tpu.memory_space<vmem>>) target_semaphore(%run_scoped3A_1006 : memref<!tpu.dma_semaphore, #tpu.memory_space<semaphore_mem>>)
      %dma_wait3A_1012 = arith.constant 0 : i32
      %dma_wait3A_1013 = tpu.memref_slice %arg11[%select_n3A, %run_scoped3A_782, %dma_wait3A_1012] : memref<4x4x1024xf32, #tpu.memory_space<vmem_shared>> -> memref<1x1x1024xf32, #tpu.memory_space<vmem_shared>>
      %dma_wait3A_1014 = tpu.memref_squeeze %dma_wait3A_1013 : memref<1x1x1024xf32, #tpu.memory_space<vmem_shared>> -> memref<1024xf32, #tpu.memory_space<vmem_shared>>
      %dma_wait3A_1015 = arith.constant 0 : i32
      %dma_wait3A_1016 = tpu.memref_slice %arg11[%select_n3A, %run_scoped3A_782, %dma_wait3A_1015] : memref<4x4x1024xf32, #tpu.memory_space<vmem_shared>> -> memref<1x1x1024xf32, #tpu.memory_space<vmem_shared>>
      %dma_wait3A_1017 = tpu.memref_squeeze %dma_wait3A_1016 : memref<1x1x1024xf32, #tpu.memory_space<vmem_shared>> -> memref<1024xf32, #tpu.memory_space<vmem_shared>>
      tpu.wait_dma2 semaphore(%run_scoped3A_1006 : memref<!tpu.dma_semaphore, #tpu.memory_space<semaphore_mem>>) src(%dma_wait3A_1017 : memref<1024xf32, #tpu.memory_space<vmem_shared>>) dst(%arg6 : memref<1024xf32, #tpu.memory_space<vmem>>)
      tpu.yield
    }) : () -> ()
    %scan3A = arith.constant 0 : i32
    %scan3A_783 = arith.constant 0 : i32
    %scan3A_784 = arith.constant 64 : i32
    %scan3A_785 = arith.addi %scan3A_783, %scan3A_784 : i32
    %scan3A_786 = arith.constant 1 : i32
    %scan3A_787 = scf.for %scan3A_1006 = %scan3A_783 to %scan3A_785 step %scan3A_786 iter_args(%scan3A_1007 = %scan3A) -> (i32)  : i32 {
      %mul3A_1008 = arith.constant 16 : i32
      %mul3A_1009 = arith.muli %scan3A_1006, %mul3A_1008 : i32
      %get3A = arith.index_cast %mul3A_1009 : i32 to index
      %get3A_1010 = tpu.vector_load %arg5[%get3A] {strides = array<i32>} : memref<1024xf32, #tpu.memory_space<vmem>>, vector<16xf32>,
      %get3A_1011 = arith.index_cast %mul3A_1009 : i32 to index
      %get3A_1012 = tpu.vector_load %arg6[%get3A_1011] {strides = array<i32>} : memref<1024xf32, #tpu.memory_space<vmem>>, vector<16xf32>,
      %max3A_1013 = arith.maximumf %get3A_1010, %get3A_1012 : vector<16xf32>
      %swap3A = arith.index_cast %mul3A_1009 : i32 to index
      %swap3A_1014 = tpu.vector_load %arg5[%swap3A] {strides = array<i32>} : memref<1024xf32, #tpu.memory_space<vmem>>, vector<16xf32>,
      tpu.vector_store %arg5[%swap3A], %max3A_1013 {strides = array<i32>} : memref<1024xf32, #tpu.memory_space<vmem>>, vector<16xf32>,
      %scan3A_1015 = arith.constant 0 : i32
      scf.yield %scan3A_1015 : i32
    }
    %scan3A_788 = arith.constant 64 : i32
    %run_scoped3A_789 = arith.constant 2 : i32
    "tpu.region"() ({
      %run_scoped3A_1006 = tpu.sem_alloc : memref<!tpu.dma_semaphore, #tpu.memory_space<semaphore_mem>>
      %dma_start3A = arith.constant 0 : i32
      %dma_start3A_1007 = tpu.memref_slice %arg11[%select_n3A, %run_scoped3A_789, %dma_start3A] : memref<4x4x1024xf32, #tpu.memory_space<vmem_shared>> -> memref<1x1x1024xf32, #tpu.memory_space<vmem_shared>>
      %dma_start3A_1008 = tpu.memref_squeeze %dma_start3A_1007 : memref<1x1x1024xf32, #tpu.memory_space<vmem_shared>> -> memref<1024xf32, #tpu.memory_space<vmem_shared>>
      %dma_start3A_1009 = arith.constant 0 : i32
      %dma_start3A_1010 = tpu.memref_slice %arg11[%select_n3A, %run_scoped3A_789, %dma_start3A_1009] : memref<4x4x1024xf32, #tpu.memory_space<vmem_shared>> -> memref<1x1x1024xf32, #tpu.memory_space<vmem_shared>>
      %dma_start3A_1011 = tpu.memref_squeeze %dma_start3A_1010 : memref<1x1x1024xf32, #tpu.memory_space<vmem_shared>> -> memref<1024xf32, #tpu.memory_space<vmem_shared>>
      tpu.enqueue_dma source(%dma_start3A_1011 : memref<1024xf32, #tpu.memory_space<vmem_shared>>) target(%arg6 : memref<1024xf32, #tpu.memory_space<vmem>>) target_semaphore(%run_scoped3A_1006 : memref<!tpu.dma_semaphore, #tpu.memory_space<semaphore_mem>>)
      %dma_wait3A_1012 = arith.constant 0 : i32
      %dma_wait3A_1013 = tpu.memref_slice %arg11[%select_n3A, %run_scoped3A_789, %dma_wait3A_1012] : memref<4x4x1024xf32, #tpu.memory_space<vmem_shared>> -> memref<1x1x1024xf32, #tpu.memory_space<vmem_shared>>
      %dma_wait3A_1014 = tpu.memref_squeeze %dma_wait3A_1013 : memref<1x1x1024xf32, #tpu.memory_space<vmem_shared>> -> memref<1024xf32, #tpu.memory_space<vmem_shared>>
      %dma_wait3A_1015 = arith.constant 0 : i32
      %dma_wait3A_1016 = tpu.memref_slice %arg11[%select_n3A, %run_scoped3A_789, %dma_wait3A_1015] : memref<4x4x1024xf32, #tpu.memory_space<vmem_shared>> -> memref<1x1x1024xf32, #tpu.memory_space<vmem_shared>>
      %dma_wait3A_1017 = tpu.memref_squeeze %dma_wait3A_1016 : memref<1x1x1024xf32, #tpu.memory_space<vmem_shared>> -> memref<1024xf32, #tpu.memory_space<vmem_shared>>
      tpu.wait_dma2 semaphore(%run_scoped3A_1006 : memref<!tpu.dma_semaphore, #tpu.memory_space<semaphore_mem>>) src(%dma_wait3A_1017 : memref<1024xf32, #tpu.memory_space<vmem_shared>>) dst(%arg6 : memref<1024xf32, #tpu.memory_space<vmem>>)
      tpu.yield
    }) : () -> ()
    %scan3A_790 = arith.constant 0 : i32
    %scan3A_791 = arith.constant 0 : i32
    %scan3A_792 = arith.constant 64 : i32
    %scan3A_793 = arith.addi %scan3A_791, %scan3A_792 : i32
    %scan3A_794 = arith.constant 1 : i32
    %scan3A_795 = scf.for %scan3A_1006 = %scan3A_791 to %scan3A_793 step %scan3A_794 iter_args(%scan3A_1007 = %scan3A_790) -> (i32)  : i32 {
      %mul3A_1008 = arith.constant 16 : i32
      %mul3A_1009 = arith.muli %scan3A_1006, %mul3A_1008 : i32
      %get3A = arith.index_cast %mul3A_1009 : i32 to index
      %get3A_1010 = tpu.vector_load %arg5[%get3A] {strides = array<i32>} : memref<1024xf32, #tpu.memory_space<vmem>>, vector<16xf32>,
      %get3A_1011 = arith.index_cast %mul3A_1009 : i32 to index
      %get3A_1012 = tpu.vector_load %arg6[%get3A_1011] {strides = array<i32>} : memref<1024xf32, #tpu.memory_space<vmem>>, vector<16xf32>,
      %max3A_1013 = arith.maximumf %get3A_1010, %get3A_1012 : vector<16xf32>
      %swap3A = arith.index_cast %mul3A_1009 : i32 to index
      %swap3A_1014 = tpu.vector_load %arg5[%swap3A] {strides = array<i32>} : memref<1024xf32, #tpu.memory_space<vmem>>, vector<16xf32>,
      tpu.vector_store %arg5[%swap3A], %max3A_1013 {strides = array<i32>} : memref<1024xf32, #tpu.memory_space<vmem>>, vector<16xf32>,
      %scan3A_1015 = arith.constant 0 : i32
      scf.yield %scan3A_1015 : i32
    }
    %scan3A_796 = arith.constant 64 : i32
    %run_scoped3A_797 = arith.constant 3 : i32
    "tpu.region"() ({
      %run_scoped3A_1006 = tpu.sem_alloc : memref<!tpu.dma_semaphore, #tpu.memory_space<semaphore_mem>>
      %dma_start3A = arith.constant 0 : i32
      %dma_start3A_1007 = tpu.memref_slice %arg11[%select_n3A, %run_scoped3A_797, %dma_start3A] : memref<4x4x1024xf32, #tpu.memory_space<vmem_shared>> -> memref<1x1x1024xf32, #tpu.memory_space<vmem_shared>>
      %dma_start3A_1008 = tpu.memref_squeeze %dma_start3A_1007 : memref<1x1x1024xf32, #tpu.memory_space<vmem_shared>> -> memref<1024xf32, #tpu.memory_space<vmem_shared>>
      %dma_start3A_1009 = arith.constant 0 : i32
      %dma_start3A_1010 = tpu.memref_slice %arg11[%select_n3A, %run_scoped3A_797, %dma_start3A_1009] : memref<4x4x1024xf32, #tpu.memory_space<vmem_shared>> -> memref<1x1x1024xf32, #tpu.memory_space<vmem_shared>>
      %dma_start3A_1011 = tpu.memref_squeeze %dma_start3A_1010 : memref<1x1x1024xf32, #tpu.memory_space<vmem_shared>> -> memref<1024xf32, #tpu.memory_space<vmem_shared>>
      tpu.enqueue_dma source(%dma_start3A_1011 : memref<1024xf32, #tpu.memory_space<vmem_shared>>) target(%arg6 : memref<1024xf32, #tpu.memory_space<vmem>>) target_semaphore(%run_scoped3A_1006 : memref<!tpu.dma_semaphore, #tpu.memory_space<semaphore_mem>>)
      %dma_wait3A_1012 = arith.constant 0 : i32
      %dma_wait3A_1013 = tpu.memref_slice %arg11[%select_n3A, %run_scoped3A_797, %dma_wait3A_1012] : memref<4x4x1024xf32, #tpu.memory_space<vmem_shared>> -> memref<1x1x1024xf32, #tpu.memory_space<vmem_shared>>
      %dma_wait3A_1014 = tpu.memref_squeeze %dma_wait3A_1013 : memref<1x1x1024xf32, #tpu.memory_space<vmem_shared>> -> memref<1024xf32, #tpu.memory_space<vmem_shared>>
      %dma_wait3A_1015 = arith.constant 0 : i32
      %dma_wait3A_1016 = tpu.memref_slice %arg11[%select_n3A, %run_scoped3A_797, %dma_wait3A_1015] : memref<4x4x1024xf32, #tpu.memory_space<vmem_shared>> -> memref<1x1x1024xf32, #tpu.memory_space<vmem_shared>>
      %dma_wait3A_1017 = tpu.memref_squeeze %dma_wait3A_1016 : memref<1x1x1024xf32, #tpu.memory_space<vmem_shared>> -> memref<1024xf32, #tpu.memory_space<vmem_shared>>
      tpu.wait_dma2 semaphore(%run_scoped3A_1006 : memref<!tpu.dma_semaphore, #tpu.memory_space<semaphore_mem>>) src(%dma_wait3A_1017 : memref<1024xf32, #tpu.memory_space<vmem_shared>>) dst(%arg6 : memref<1024xf32, #tpu.memory_space<vmem>>)
      tpu.yield
    }) : () -> ()
    %scan3A_798 = arith.constant 0 : i32
    %scan3A_799 = arith.constant 0 : i32
    %scan3A_800 = arith.constant 64 : i32
    %scan3A_801 = arith.addi %scan3A_799, %scan3A_800 : i32
    %scan3A_802 = arith.constant 1 : i32
    %scan3A_803 = scf.for %scan3A_1006 = %scan3A_799 to %scan3A_801 step %scan3A_802 iter_args(%scan3A_1007 = %scan3A_798) -> (i32)  : i32 {
      %mul3A_1008 = arith.constant 16 : i32
      %mul3A_1009 = arith.muli %scan3A_1006, %mul3A_1008 : i32
      %get3A = arith.index_cast %mul3A_1009 : i32 to index
      %get3A_1010 = tpu.vector_load %arg5[%get3A] {strides = array<i32>} : memref<1024xf32, #tpu.memory_space<vmem>>, vector<16xf32>,
      %get3A_1011 = arith.index_cast %mul3A_1009 : i32 to index
      %get3A_1012 = tpu.vector_load %arg6[%get3A_1011] {strides = array<i32>} : memref<1024xf32, #tpu.memory_space<vmem>>, vector<16xf32>,
      %max3A_1013 = arith.maximumf %get3A_1010, %get3A_1012 : vector<16xf32>
      %swap3A = arith.index_cast %mul3A_1009 : i32 to index
      %swap3A_1014 = tpu.vector_load %arg5[%swap3A] {strides = array<i32>} : memref<1024xf32, #tpu.memory_space<vmem>>, vector<16xf32>,
      tpu.vector_store %arg5[%swap3A], %max3A_1013 {strides = array<i32>} : memref<1024xf32, #tpu.memory_space<vmem>>, vector<16xf32>,
      %scan3A_1015 = arith.constant 0 : i32
      scf.yield %scan3A_1015 : i32
    }
    %scan3A_804 = arith.constant 64 : i32
    "tpu.region"() ({
      %run_scoped3A_1006 = tpu.sem_alloc : memref<!tpu.dma_semaphore, #tpu.memory_space<semaphore_mem>>
      %dma_start3A = arith.constant 0 : i32
      %dma_start3A_1007 = tpu.memref_slice %arg12[%select_n3A, %dma_start3A] : memref<4x1024xf32, #tpu.memory_space<vmem_shared>> -> memref<1x1024xf32, #tpu.memory_space<vmem_shared>>
      %dma_start3A_1008 = tpu.memref_squeeze %dma_start3A_1007 : memref<1x1024xf32, #tpu.memory_space<vmem_shared>> -> memref<1024xf32, #tpu.memory_space<vmem_shared>>
      %dma_start3A_1009 = arith.constant 0 : i32
      %dma_start3A_1010 = tpu.memref_slice %arg12[%select_n3A, %dma_start3A_1009] : memref<4x1024xf32, #tpu.memory_space<vmem_shared>> -> memref<1x1024xf32, #tpu.memory_space<vmem_shared>>
      %dma_start3A_1011 = tpu.memref_squeeze %dma_start3A_1010 : memref<1x1024xf32, #tpu.memory_space<vmem_shared>> -> memref<1024xf32, #tpu.memory_space<vmem_shared>>
      tpu.enqueue_dma source(%dma_start3A_1011 : memref<1024xf32, #tpu.memory_space<vmem_shared>>) target(%arg8 : memref<1024xf32, #tpu.memory_space<vmem>>) target_semaphore(%run_scoped3A_1006 : memref<!tpu.dma_semaphore, #tpu.memory_space<semaphore_mem>>)
      %dma_wait3A_1012 = arith.constant 0 : i32
      %dma_wait3A_1013 = tpu.memref_slice %arg12[%select_n3A, %dma_wait3A_1012] : memref<4x1024xf32, #tpu.memory_space<vmem_shared>> -> memref<1x1024xf32, #tpu.memory_space<vmem_shared>>
      %dma_wait3A_1014 = tpu.memref_squeeze %dma_wait3A_1013 : memref<1x1024xf32, #tpu.memory_space<vmem_shared>> -> memref<1024xf32, #tpu.memory_space<vmem_shared>>
      %dma_wait3A_1015 = arith.constant 0 : i32
      %dma_wait3A_1016 = tpu.memref_slice %arg12[%select_n3A, %dma_wait3A_1015] : memref<4x1024xf32, #tpu.memory_space<vmem_shared>> -> memref<1x1024xf32, #tpu.memory_space<vmem_shared>>
      %dma_wait3A_1017 = tpu.memref_squeeze %dma_wait3A_1016 : memref<1x1024xf32, #tpu.memory_space<vmem_shared>> -> memref<1024xf32, #tpu.memory_space<vmem_shared>>
      tpu.wait_dma2 semaphore(%run_scoped3A_1006 : memref<!tpu.dma_semaphore, #tpu.memory_space<semaphore_mem>>) src(%dma_wait3A_1017 : memref<1024xf32, #tpu.memory_space<vmem_shared>>) dst(%arg8 : memref<1024xf32, #tpu.memory_space<vmem>>)
      tpu.yield
    }) : () -> ()
    %scan3A_805 = arith.constant 0 : i32
    %scan3A_806 = arith.constant 0 : i32
    %scan3A_807 = arith.constant 64 : i32
    %scan3A_808 = arith.addi %scan3A_806, %scan3A_807 : i32
    %scan3A_809 = arith.constant 1 : i32
    %scan3A_810 = scf.for %scan3A_1006 = %scan3A_806 to %scan3A_808 step %scan3A_809 iter_args(%scan3A_1007 = %scan3A_805) -> (i32)  : i32 {
      %mul3A_1008 = arith.constant 16 : i32
      %mul3A_1009 = arith.muli %scan3A_1006, %mul3A_1008 : i32
      %get3A = arith.index_cast %mul3A_1009 : i32 to index
      %get3A_1010 = tpu.vector_load %arg8[%get3A] {strides = array<i32>} : memref<1024xf32, #tpu.memory_space<vmem>>, vector<16xf32>,
      %xor3A = arith.constant 1 : i32
      %xor3A_1011 = vector.broadcast %xor3A : i32 to vector<16xi32>
      %xor3A_1012 = arith.xori %iota3A, %xor3A_1011 : vector<16xi32>
      %broadcast_in_dim3A_1013 = vector.shape_cast %xor3A_1012 : vector<16xi32> to vector<16x1xi32>
      %gather3A = vector.shape_cast %broadcast_in_dim3A_1013 : vector<16x1xi32> to vector<16xi32>
      %gather3A_1014 = tpu.dynamic_gather %get3A_1010[%gather3A] in [0] : vector<16xf32>, vector<16xi32> -> vector<16xf32>
      %sub3A_1015 = arith.subf %get3A_1010, %gather3A_1014 : vector<16xf32>
      %sign3A_1016 = tpu.bitcast %sub3A_1015 : vector<16xf32> -> vector<16xi32>
      %sign3A_1017 = arith.constant -2147483648 : i32
      %sign3A_1018 = vector.broadcast %sign3A_1017 : i32 to vector<16xi32>
      %sign3A_1019 = arith.andi %sign3A_1016, %sign3A_1018 : vector<16xi32>
      %sign3A_1020 = arith.constant 1065353216 : i32
      %sign3A_1021 = vector.broadcast %sign3A_1020 : i32 to vector<16xi32>
      %sign3A_1022 = arith.ori %sign3A_1021, %sign3A_1019 : vector<16xi32>
      %sign3A_1023 = tpu.bitcast %sign3A_1022 : vector<16xi32> -> vector<16xf32>
      %sign3A_1024 = math.absf %sub3A_1015 : vector<16xf32>
      %sign3A_1025 = arith.constant 0.000000e+00 : f32
      %sign3A_1026 = vector.broadcast %sign3A_1025 : f32 to vector<16xf32>
      %sign3A_1027 = arith.cmpf ogt, %sign3A_1024, %sign3A_1026 : vector<16xf32>
      %sign3A_1028 = arith.select %sign3A_1027, %sign3A_1023, %sub3A_1015 : vector<16xi1>, vector<16xf32>
      %get3A_1029 = arith.index_cast %mul3A_1009 : i32 to index
      %get3A_1030 = tpu.vector_load %arg5[%get3A_1029] {strides = array<i32>} : memref<1024xf32, #tpu.memory_space<vmem>>, vector<16xf32>,
      %mul3A_1031 = arith.mulf %sign3A_1028, %get3A_1030 : vector<16xf32>
      %swap3A = arith.index_cast %mul3A_1009 : i32 to index
      %swap3A_1032 = tpu.vector_load %arg7[%swap3A] {strides = array<i32>} : memref<1024xf32, #tpu.memory_space<vmem>>, vector<16xf32>,
      tpu.vector_store %arg7[%swap3A], %mul3A_1031 {strides = array<i32>} : memref<1024xf32, #tpu.memory_space<vmem>>, vector<16xf32>,
      %scan3A_1033 = arith.constant 0 : i32
      scf.yield %scan3A_1033 : i32
    }
    %scan3A_811 = arith.constant 64 : i32
    %parallel_loop3A_812 = arith.constant 0 : i32
    %parallel_loop3A_813 = arith.constant 8 : i32
    %parallel_loop3A_814 = arith.constant 1 : i32
    scf.for %parallel_loop3A_1006 = %parallel_loop3A_812 to %parallel_loop3A_813 step %parallel_loop3A_814  : i32 {
      %parallel_loop3A_1007 = arith.constant 8 : i32
      %parallel_loop3A_1008 = arith.muli %arg0, %parallel_loop3A_1007 : i32
      %parallel_loop3A_1009 = arith.addi %parallel_loop3A_1008, %parallel_loop3A_1006 : i32
      %parallel_loop3A_1010 = arith.constant 128 : i32
      %parallel_loop3A_1011 = arith.muli %parallel_loop3A_1006, %parallel_loop3A_1010 : i32
      %parallel_loop3A_1012 = arith.constant 0 : i32
      %parallel_loop3A_1013 = arith.addi %parallel_loop3A_1011, %parallel_loop3A_1012 : i32
      %parallel_loop3A_1014 = arith.index_cast %parallel_loop3A_1013 : i32 to index
      %parallel_loop3A_1015 = tpu.vector_load %arg7[%parallel_loop3A_1014] {strides = array<i32>} : memref<1024xf32, #tpu.memory_space<vmem>>, vector<16xf32>,
      %parallel_loop3A_1016 = arith.constant 128 : i32
      %parallel_loop3A_1017 = arith.muli %parallel_loop3A_1006, %parallel_loop3A_1016 : i32
      %parallel_loop3A_1018 = arith.constant 16 : i32
      %parallel_loop3A_1019 = arith.addi %parallel_loop3A_1017, %parallel_loop3A_1018 : i32
      %parallel_loop3A_1020 = arith.index_cast %parallel_loop3A_1019 : i32 to index
      %parallel_loop3A_1021 = tpu.vector_load %arg7[%parallel_loop3A_1020] {strides = array<i32>} : memref<1024xf32, #tpu.memory_space<vmem>>, vector<16xf32>,
      %parallel_loop3A_1022 = arith.constant 128 : i32
      %parallel_loop3A_1023 = arith.muli %parallel_loop3A_1006, %parallel_loop3A_1022 : i32
      %parallel_loop3A_1024 = arith.constant 32 : i32
      %parallel_loop3A_1025 = arith.addi %parallel_loop3A_1023, %parallel_loop3A_1024 : i32
      %parallel_loop3A_1026 = arith.index_cast %parallel_loop3A_1025 : i32 to index
      %parallel_loop3A_1027 = tpu.vector_load %arg7[%parallel_loop3A_1026] {strides = array<i32>} : memref<1024xf32, #tpu.memory_space<vmem>>, vector<16xf32>,
      %parallel_loop3A_1028 = arith.constant 128 : i32
      %parallel_loop3A_1029 = arith.muli %parallel_loop3A_1006, %parallel_loop3A_1028 : i32
      %parallel_loop3A_1030 = arith.constant 48 : i32
      %parallel_loop3A_1031 = arith.addi %parallel_loop3A_1029, %parallel_loop3A_1030 : i32
      %parallel_loop3A_1032 = arith.index_cast %parallel_loop3A_1031 : i32 to index
      %parallel_loop3A_1033 = tpu.vector_load %arg7[%parallel_loop3A_1032] {strides = array<i32>} : memref<1024xf32, #tpu.memory_space<vmem>>, vector<16xf32>,
      %parallel_loop3A_1034 = arith.constant 128 : i32
      %parallel_loop3A_1035 = arith.muli %parallel_loop3A_1006, %parallel_loop3A_1034 : i32
      %parallel_loop3A_1036 = arith.constant 64 : i32
      %parallel_loop3A_1037 = arith.addi %parallel_loop3A_1035, %parallel_loop3A_1036 : i32
      %parallel_loop3A_1038 = arith.index_cast %parallel_loop3A_1037 : i32 to index
      %parallel_loop3A_1039 = tpu.vector_load %arg7[%parallel_loop3A_1038] {strides = array<i32>} : memref<1024xf32, #tpu.memory_space<vmem>>, vector<16xf32>,
      %parallel_loop3A_1040 = arith.constant 128 : i32
      %parallel_loop3A_1041 = arith.muli %parallel_loop3A_1006, %parallel_loop3A_1040 : i32
      %parallel_loop3A_1042 = arith.constant 80 : i32
      %parallel_loop3A_1043 = arith.addi %parallel_loop3A_1041, %parallel_loop3A_1042 : i32
      %parallel_loop3A_1044 = arith.index_cast %parallel_loop3A_1043 : i32 to index
      %parallel_loop3A_1045 = tpu.vector_load %arg7[%parallel_loop3A_1044] {strides = array<i32>} : memref<1024xf32, #tpu.memory_space<vmem>>, vector<16xf32>,
      %parallel_loop3A_1046 = arith.constant 128 : i32
      %parallel_loop3A_1047 = arith.muli %parallel_loop3A_1006, %parallel_loop3A_1046 : i32
      %parallel_loop3A_1048 = arith.constant 96 : i32
      %parallel_loop3A_1049 = arith.addi %parallel_loop3A_1047, %parallel_loop3A_1048 : i32
      %parallel_loop3A_1050 = arith.index_cast %parallel_loop3A_1049 : i32 to index
      %parallel_loop3A_1051 = tpu.vector_load %arg7[%parallel_loop3A_1050] {strides = array<i32>} : memref<1024xf32, #tpu.memory_space<vmem>>, vector<16xf32>,
      %parallel_loop3A_1052 = arith.constant 128 : i32
      %parallel_loop3A_1053 = arith.muli %parallel_loop3A_1006, %parallel_loop3A_1052 : i32
      %parallel_loop3A_1054 = arith.constant 112 : i32
      %parallel_loop3A_1055 = arith.addi %parallel_loop3A_1053, %parallel_loop3A_1054 : i32
      %parallel_loop3A_1056 = arith.index_cast %parallel_loop3A_1055 : i32 to index
      %parallel_loop3A_1057 = tpu.vector_load %arg7[%parallel_loop3A_1056] {strides = array<i32>} : memref<1024xf32, #tpu.memory_space<vmem>>, vector<16xf32>,
      %parallel_loop3A_1058 = arith.constant dense<true> : vector<16xi1>
      %parallel_loop3A_1059, %parallel_loop3A_1060, %parallel_loop3A_1061 = tpu.sort %parallel_loop3A_1015, %parallel_loop3A_1015 masked %parallel_loop3A_1058 : (vector<16xf32>, vector<16xf32>, vector<16xi1>) -> (vector<16xi1>, vector<16xf32>, vector<16xf32>)
      %parallel_loop3A_1062 = arith.constant dense<true> : vector<16xi1>
      %parallel_loop3A_1063, %parallel_loop3A_1064, %parallel_loop3A_1065 = tpu.sort %parallel_loop3A_1021, %parallel_loop3A_1021 masked %parallel_loop3A_1062 : (vector<16xf32>, vector<16xf32>, vector<16xi1>) -> (vector<16xi1>, vector<16xf32>, vector<16xf32>)
      %parallel_loop3A_1066 = arith.constant dense<true> : vector<16xi1>
      %parallel_loop3A_1067, %parallel_loop3A_1068, %parallel_loop3A_1069 = tpu.sort %parallel_loop3A_1027, %parallel_loop3A_1027 masked %parallel_loop3A_1066 : (vector<16xf32>, vector<16xf32>, vector<16xi1>) -> (vector<16xi1>, vector<16xf32>, vector<16xf32>)
      %parallel_loop3A_1070 = arith.constant dense<true> : vector<16xi1>
      %parallel_loop3A_1071, %parallel_loop3A_1072, %parallel_loop3A_1073 = tpu.sort %parallel_loop3A_1033, %parallel_loop3A_1033 masked %parallel_loop3A_1070 : (vector<16xf32>, vector<16xf32>, vector<16xi1>) -> (vector<16xi1>, vector<16xf32>, vector<16xf32>)
      %parallel_loop3A_1074 = arith.constant dense<true> : vector<16xi1>
      %parallel_loop3A_1075, %parallel_loop3A_1076, %parallel_loop3A_1077 = tpu.sort %parallel_loop3A_1039, %parallel_loop3A_1039 masked %parallel_loop3A_1074 : (vector<16xf32>, vector<16xf32>, vector<16xi1>) -> (vector<16xi1>, vector<16xf32>, vector<16xf32>)
      %parallel_loop3A_1078 = arith.constant dense<true> : vector<16xi1>
      %parallel_loop3A_1079, %parallel_loop3A_1080, %parallel_loop3A_1081 = tpu.sort %parallel_loop3A_1045, %parallel_loop3A_1045 masked %parallel_loop3A_1078 : (vector<16xf32>, vector<16xf32>, vector<16xi1>) -> (vector<16xi1>, vector<16xf32>, vector<16xf32>)
      %parallel_loop3A_1082 = arith.constant dense<true> : vector<16xi1>
      %parallel_loop3A_1083, %parallel_loop3A_1084, %parallel_loop3A_1085 = tpu.sort %parallel_loop3A_1051, %parallel_loop3A_1051 masked %parallel_loop3A_1082 : (vector<16xf32>, vector<16xf32>, vector<16xi1>) -> (vector<16xi1>, vector<16xf32>, vector<16xf32>)
      %parallel_loop3A_1086 = arith.constant dense<true> : vector<16xi1>
      %parallel_loop3A_1087, %parallel_loop3A_1088, %parallel_loop3A_1089 = tpu.sort %parallel_loop3A_1057, %parallel_loop3A_1057 masked %parallel_loop3A_1086 : (vector<16xf32>, vector<16xf32>, vector<16xi1>) -> (vector<16xi1>, vector<16xf32>, vector<16xf32>)
      %parallel_loop3A_1090 = arith.constant 15 : i32
      %parallel_loop3A_1091 = vector.broadcast %parallel_loop3A_1090 : i32 to vector<16xi32>
      %parallel_loop3A_1092 = tpu.iota {dimensions = array<i32: 0>} : vector<16xi32>
      %parallel_loop3A_1093 = arith.subi %parallel_loop3A_1091, %parallel_loop3A_1092 : vector<16xi32>
      %parallel_loop3A_1094 = tpu.dynamic_gather %parallel_loop3A_1064[%parallel_loop3A_1093] in [0] : vector<16xf32>, vector<16xi32> -> vector<16xf32>
      %parallel_loop3A_1095 = arith.minimumf %parallel_loop3A_1060, %parallel_loop3A_1094 : vector<16xf32>
      %parallel_loop3A_1096 = arith.maximumf %parallel_loop3A_1060, %parallel_loop3A_1094 : vector<16xf32>
      %parallel_loop3A_1097 = arith.constant dense<true> : vector<16xi1>
      %parallel_loop3A_1098, %parallel_loop3A_1099, %parallel_loop3A_1100 = tpu.sort %parallel_loop3A_1095, %parallel_loop3A_1095 masked %parallel_loop3A_1097 : (vector<16xf32>, vector<16xf32>, vector<16xi1>) -> (vector<16xi1>, vector<16xf32>, vector<16xf32>)
      %parallel_loop3A_1101 = arith.constant dense<true> : vector<16xi1>
      %parallel_loop3A_1102, %parallel_loop3A_1103, %parallel_loop3A_1104 = tpu.sort %parallel_loop3A_1096, %parallel_loop3A_1096 masked %parallel_loop3A_1101 : (vector<16xf32>, vector<16xf32>, vector<16xi1>) -> (vector<16xi1>, vector<16xf32>, vector<16xf32>)
      %parallel_loop3A_1105 = arith.constant 15 : i32
      %parallel_loop3A_1106 = vector.broadcast %parallel_loop3A_1105 : i32 to vector<16xi32>
      %parallel_loop3A_1107 = tpu.iota {dimensions = array<i32: 0>} : vector<16xi32>
      %parallel_loop3A_1108 = arith.subi %parallel_loop3A_1106, %parallel_loop3A_1107 : vector<16xi32>
      %parallel_loop3A_1109 = tpu.dynamic_gather %parallel_loop3A_1072[%parallel_loop3A_1108] in [0] : vector<16xf32>, vector<16xi32> -> vector<16xf32>
      %parallel_loop3A_1110 = arith.minimumf %parallel_loop3A_1068, %parallel_loop3A_1109 : vector<16xf32>
      %parallel_loop3A_1111 = arith.maximumf %parallel_loop3A_1068, %parallel_loop3A_1109 : vector<16xf32>
      %parallel_loop3A_1112 = arith.constant dense<true> : vector<16xi1>
      %parallel_loop3A_1113, %parallel_loop3A_1114, %parallel_loop3A_1115 = tpu.sort %parallel_loop3A_1110, %parallel_loop3A_1110 masked %parallel_loop3A_1112 : (vector<16xf32>, vector<16xf32>, vector<16xi1>) -> (vector<16xi1>, vector<16xf32>, vector<16xf32>)
      %parallel_loop3A_1116 = arith.constant dense<true> : vector<16xi1>
      %parallel_loop3A_1117, %parallel_loop3A_1118, %parallel_loop3A_1119 = tpu.sort %parallel_loop3A_1111, %parallel_loop3A_1111 masked %parallel_loop3A_1116 : (vector<16xf32>, vector<16xf32>, vector<16xi1>) -> (vector<16xi1>, vector<16xf32>, vector<16xf32>)
      %parallel_loop3A_1120 = arith.constant 15 : i32
      %parallel_loop3A_1121 = vector.broadcast %parallel_loop3A_1120 : i32 to vector<16xi32>
      %parallel_loop3A_1122 = tpu.iota {dimensions = array<i32: 0>} : vector<16xi32>
      %parallel_loop3A_1123 = arith.subi %parallel_loop3A_1121, %parallel_loop3A_1122 : vector<16xi32>
      %parallel_loop3A_1124 = tpu.dynamic_gather %parallel_loop3A_1080[%parallel_loop3A_1123] in [0] : vector<16xf32>, vector<16xi32> -> vector<16xf32>
      %parallel_loop3A_1125 = arith.minimumf %parallel_loop3A_1076, %parallel_loop3A_1124 : vector<16xf32>
      %parallel_loop3A_1126 = arith.maximumf %parallel_loop3A_1076, %parallel_loop3A_1124 : vector<16xf32>
      %parallel_loop3A_1127 = arith.constant dense<true> : vector<16xi1>
      %parallel_loop3A_1128, %parallel_loop3A_1129, %parallel_loop3A_1130 = tpu.sort %parallel_loop3A_1125, %parallel_loop3A_1125 masked %parallel_loop3A_1127 : (vector<16xf32>, vector<16xf32>, vector<16xi1>) -> (vector<16xi1>, vector<16xf32>, vector<16xf32>)
      %parallel_loop3A_1131 = arith.constant dense<true> : vector<16xi1>
      %parallel_loop3A_1132, %parallel_loop3A_1133, %parallel_loop3A_1134 = tpu.sort %parallel_loop3A_1126, %parallel_loop3A_1126 masked %parallel_loop3A_1131 : (vector<16xf32>, vector<16xf32>, vector<16xi1>) -> (vector<16xi1>, vector<16xf32>, vector<16xf32>)
      %parallel_loop3A_1135 = arith.constant 15 : i32
      %parallel_loop3A_1136 = vector.broadcast %parallel_loop3A_1135 : i32 to vector<16xi32>
      %parallel_loop3A_1137 = tpu.iota {dimensions = array<i32: 0>} : vector<16xi32>
      %parallel_loop3A_1138 = arith.subi %parallel_loop3A_1136, %parallel_loop3A_1137 : vector<16xi32>
      %parallel_loop3A_1139 = tpu.dynamic_gather %parallel_loop3A_1088[%parallel_loop3A_1138] in [0] : vector<16xf32>, vector<16xi32> -> vector<16xf32>
      %parallel_loop3A_1140 = arith.minimumf %parallel_loop3A_1084, %parallel_loop3A_1139 : vector<16xf32>
      %parallel_loop3A_1141 = arith.maximumf %parallel_loop3A_1084, %parallel_loop3A_1139 : vector<16xf32>
      %parallel_loop3A_1142 = arith.constant dense<true> : vector<16xi1>
      %parallel_loop3A_1143, %parallel_loop3A_1144, %parallel_loop3A_1145 = tpu.sort %parallel_loop3A_1140, %parallel_loop3A_1140 masked %parallel_loop3A_1142 : (vector<16xf32>, vector<16xf32>, vector<16xi1>) -> (vector<16xi1>, vector<16xf32>, vector<16xf32>)
      %parallel_loop3A_1146 = arith.constant dense<true> : vector<16xi1>
      %parallel_loop3A_1147, %parallel_loop3A_1148, %parallel_loop3A_1149 = tpu.sort %parallel_loop3A_1141, %parallel_loop3A_1141 masked %parallel_loop3A_1146 : (vector<16xf32>, vector<16xf32>, vector<16xi1>) -> (vector<16xi1>, vector<16xf32>, vector<16xf32>)
      %parallel_loop3A_1150 = arith.constant 15 : i32
      %parallel_loop3A_1151 = vector.broadcast %parallel_loop3A_1150 : i32 to vector<16xi32>
      %parallel_loop3A_1152 = tpu.iota {dimensions = array<i32: 0>} : vector<16xi32>
      %parallel_loop3A_1153 = arith.subi %parallel_loop3A_1151, %parallel_loop3A_1152 : vector<16xi32>
      %parallel_loop3A_1154 = tpu.dynamic_gather %parallel_loop3A_1118[%parallel_loop3A_1153] in [0] : vector<16xf32>, vector<16xi32> -> vector<16xf32>
      %parallel_loop3A_1155 = arith.constant 15 : i32
      %parallel_loop3A_1156 = vector.broadcast %parallel_loop3A_1155 : i32 to vector<16xi32>
      %parallel_loop3A_1157 = tpu.iota {dimensions = array<i32: 0>} : vector<16xi32>
      %parallel_loop3A_1158 = arith.subi %parallel_loop3A_1156, %parallel_loop3A_1157 : vector<16xi32>
      %parallel_loop3A_1159 = tpu.dynamic_gather %parallel_loop3A_1114[%parallel_loop3A_1158] in [0] : vector<16xf32>, vector<16xi32> -> vector<16xf32>
      %parallel_loop3A_1160 = arith.minimumf %parallel_loop3A_1099, %parallel_loop3A_1154 : vector<16xf32>
      %parallel_loop3A_1161 = arith.minimumf %parallel_loop3A_1103, %parallel_loop3A_1159 : vector<16xf32>
      %parallel_loop3A_1162 = arith.maximumf %parallel_loop3A_1099, %parallel_loop3A_1154 : vector<16xf32>
      %parallel_loop3A_1163 = arith.maximumf %parallel_loop3A_1103, %parallel_loop3A_1159 : vector<16xf32>
      %parallel_loop3A_1164 = arith.minimumf %parallel_loop3A_1160, %parallel_loop3A_1161 : vector<16xf32>
      %parallel_loop3A_1165 = arith.maximumf %parallel_loop3A_1160, %parallel_loop3A_1161 : vector<16xf32>
      %parallel_loop3A_1166 = arith.constant dense<true> : vector<16xi1>
      %parallel_loop3A_1167, %parallel_loop3A_1168, %parallel_loop3A_1169 = tpu.sort %parallel_loop3A_1164, %parallel_loop3A_1164 masked %parallel_loop3A_1166 : (vector<16xf32>, vector<16xf32>, vector<16xi1>) -> (vector<16xi1>, vector<16xf32>, vector<16xf32>)
      %parallel_loop3A_1170 = arith.constant dense<true> : vector<16xi1>
      %parallel_loop3A_1171, %parallel_loop3A_1172, %parallel_loop3A_1173 = tpu.sort %parallel_loop3A_1165, %parallel_loop3A_1165 masked %parallel_loop3A_1170 : (vector<16xf32>, vector<16xf32>, vector<16xi1>) -> (vector<16xi1>, vector<16xf32>, vector<16xf32>)
      %parallel_loop3A_1174 = arith.minimumf %parallel_loop3A_1162, %parallel_loop3A_1163 : vector<16xf32>
      %parallel_loop3A_1175 = arith.maximumf %parallel_loop3A_1162, %parallel_loop3A_1163 : vector<16xf32>
      %parallel_loop3A_1176 = arith.constant dense<true> : vector<16xi1>
      %parallel_loop3A_1177, %parallel_loop3A_1178, %parallel_loop3A_1179 = tpu.sort %parallel_loop3A_1174, %parallel_loop3A_1174 masked %parallel_loop3A_1176 : (vector<16xf32>, vector<16xf32>, vector<16xi1>) -> (vector<16xi1>, vector<16xf32>, vector<16xf32>)
      %parallel_loop3A_1180 = arith.constant dense<true> : vector<16xi1>
      %parallel_loop3A_1181, %parallel_loop3A_1182, %parallel_loop3A_1183 = tpu.sort %parallel_loop3A_1175, %parallel_loop3A_1175 masked %parallel_loop3A_1180 : (vector<16xf32>, vector<16xf32>, vector<16xi1>) -> (vector<16xi1>, vector<16xf32>, vector<16xf32>)
      %parallel_loop3A_1184 = arith.constant 15 : i32
      %parallel_loop3A_1185 = vector.broadcast %parallel_loop3A_1184 : i32 to vector<16xi32>
      %parallel_loop3A_1186 = tpu.iota {dimensions = array<i32: 0>} : vector<16xi32>
      %parallel_loop3A_1187 = arith.subi %parallel_loop3A_1185, %parallel_loop3A_1186 : vector<16xi32>
      %parallel_loop3A_1188 = tpu.dynamic_gather %parallel_loop3A_1148[%parallel_loop3A_1187] in [0] : vector<16xf32>, vector<16xi32> -> vector<16xf32>
      %parallel_loop3A_1189 = arith.constant 15 : i32
      %parallel_loop3A_1190 = vector.broadcast %parallel_loop3A_1189 : i32 to vector<16xi32>
      %parallel_loop3A_1191 = tpu.iota {dimensions = array<i32: 0>} : vector<16xi32>
      %parallel_loop3A_1192 = arith.subi %parallel_loop3A_1190, %parallel_loop3A_1191 : vector<16xi32>
      %parallel_loop3A_1193 = tpu.dynamic_gather %parallel_loop3A_1144[%parallel_loop3A_1192] in [0] : vector<16xf32>, vector<16xi32> -> vector<16xf32>
      %parallel_loop3A_1194 = arith.minimumf %parallel_loop3A_1129, %parallel_loop3A_1188 : vector<16xf32>
      %parallel_loop3A_1195 = arith.minimumf %parallel_loop3A_1133, %parallel_loop3A_1193 : vector<16xf32>
      %parallel_loop3A_1196 = arith.maximumf %parallel_loop3A_1129, %parallel_loop3A_1188 : vector<16xf32>
      %parallel_loop3A_1197 = arith.maximumf %parallel_loop3A_1133, %parallel_loop3A_1193 : vector<16xf32>
      %parallel_loop3A_1198 = arith.minimumf %parallel_loop3A_1194, %parallel_loop3A_1195 : vector<16xf32>
      %parallel_loop3A_1199 = arith.maximumf %parallel_loop3A_1194, %parallel_loop3A_1195 : vector<16xf32>
      %parallel_loop3A_1200 = arith.constant dense<true> : vector<16xi1>
      %parallel_loop3A_1201, %parallel_loop3A_1202, %parallel_loop3A_1203 = tpu.sort %parallel_loop3A_1198, %parallel_loop3A_1198 masked %parallel_loop3A_1200 : (vector<16xf32>, vector<16xf32>, vector<16xi1>) -> (vector<16xi1>, vector<16xf32>, vector<16xf32>)
      %parallel_loop3A_1204 = arith.constant dense<true> : vector<16xi1>
      %parallel_loop3A_1205, %parallel_loop3A_1206, %parallel_loop3A_1207 = tpu.sort %parallel_loop3A_1199, %parallel_loop3A_1199 masked %parallel_loop3A_1204 : (vector<16xf32>, vector<16xf32>, vector<16xi1>) -> (vector<16xi1>, vector<16xf32>, vector<16xf32>)
      %parallel_loop3A_1208 = arith.minimumf %parallel_loop3A_1196, %parallel_loop3A_1197 : vector<16xf32>
      %parallel_loop3A_1209 = arith.maximumf %parallel_loop3A_1196, %parallel_loop3A_1197 : vector<16xf32>
      %parallel_loop3A_1210 = arith.constant dense<true> : vector<16xi1>
      %parallel_loop3A_1211, %parallel_loop3A_1212, %parallel_loop3A_1213 = tpu.sort %parallel_loop3A_1208, %parallel_loop3A_1208 masked %parallel_loop3A_1210 : (vector<16xf32>, vector<16xf32>, vector<16xi1>) -> (vector<16xi1>, vector<16xf32>, vector<16xf32>)
      %parallel_loop3A_1214 = arith.constant dense<true> : vector<16xi1>
      %parallel_loop3A_1215, %parallel_loop3A_1216, %parallel_loop3A_1217 = tpu.sort %parallel_loop3A_1209, %parallel_loop3A_1209 masked %parallel_loop3A_1214 : (vector<16xf32>, vector<16xf32>, vector<16xi1>) -> (vector<16xi1>, vector<16xf32>, vector<16xf32>)
      %parallel_loop3A_1218 = arith.constant 15 : i32
      %parallel_loop3A_1219 = vector.broadcast %parallel_loop3A_1218 : i32 to vector<16xi32>
      %parallel_loop3A_1220 = tpu.iota {dimensions = array<i32: 0>} : vector<16xi32>
      %parallel_loop3A_1221 = arith.subi %parallel_loop3A_1219, %parallel_loop3A_1220 : vector<16xi32>
      %parallel_loop3A_1222 = tpu.dynamic_gather %parallel_loop3A_1216[%parallel_loop3A_1221] in [0] : vector<16xf32>, vector<16xi32> -> vector<16xf32>
      %parallel_loop3A_1223 = arith.constant 15 : i32
      %parallel_loop3A_1224 = vector.broadcast %parallel_loop3A_1223 : i32 to vector<16xi32>
      %parallel_loop3A_1225 = tpu.iota {dimensions = array<i32: 0>} : vector<16xi32>
      %parallel_loop3A_1226 = arith.subi %parallel_loop3A_1224, %parallel_loop3A_1225 : vector<16xi32>
      %parallel_loop3A_1227 = tpu.dynamic_gather %parallel_loop3A_1212[%parallel_loop3A_1226] in [0] : vector<16xf32>, vector<16xi32> -> vector<16xf32>
      %parallel_loop3A_1228 = arith.constant 15 : i32
      %parallel_loop3A_1229 = vector.broadcast %parallel_loop3A_1228 : i32 to vector<16xi32>
      %parallel_loop3A_1230 = tpu.iota {dimensions = array<i32: 0>} : vector<16xi32>
      %parallel_loop3A_1231 = arith.subi %parallel_loop3A_1229, %parallel_loop3A_1230 : vector<16xi32>
      %parallel_loop3A_1232 = tpu.dynamic_gather %parallel_loop3A_1206[%parallel_loop3A_1231] in [0] : vector<16xf32>, vector<16xi32> -> vector<16xf32>
      %parallel_loop3A_1233 = arith.constant 15 : i32
      %parallel_loop3A_1234 = vector.broadcast %parallel_loop3A_1233 : i32 to vector<16xi32>
      %parallel_loop3A_1235 = tpu.iota {dimensions = array<i32: 0>} : vector<16xi32>
      %parallel_loop3A_1236 = arith.subi %parallel_loop3A_1234, %parallel_loop3A_1235 : vector<16xi32>
      %parallel_loop3A_1237 = tpu.dynamic_gather %parallel_loop3A_1202[%parallel_loop3A_1236] in [0] : vector<16xf32>, vector<16xi32> -> vector<16xf32>
      %parallel_loop3A_1238 = arith.minimumf %parallel_loop3A_1168, %parallel_loop3A_1222 : vector<16xf32>
      %parallel_loop3A_1239 = arith.minimumf %parallel_loop3A_1172, %parallel_loop3A_1227 : vector<16xf32>
      %parallel_loop3A_1240 = arith.minimumf %parallel_loop3A_1178, %parallel_loop3A_1232 : vector<16xf32>
      %parallel_loop3A_1241 = arith.minimumf %parallel_loop3A_1182, %parallel_loop3A_1237 : vector<16xf32>
      %parallel_loop3A_1242 = arith.maximumf %parallel_loop3A_1168, %parallel_loop3A_1222 : vector<16xf32>
      %parallel_loop3A_1243 = arith.maximumf %parallel_loop3A_1172, %parallel_loop3A_1227 : vector<16xf32>
      %parallel_loop3A_1244 = arith.maximumf %parallel_loop3A_1178, %parallel_loop3A_1232 : vector<16xf32>
      %parallel_loop3A_1245 = arith.maximumf %parallel_loop3A_1182, %parallel_loop3A_1237 : vector<16xf32>
      %parallel_loop3A_1246 = arith.minimumf %parallel_loop3A_1238, %parallel_loop3A_1240 : vector<16xf32>
      %parallel_loop3A_1247 = arith.minimumf %parallel_loop3A_1239, %parallel_loop3A_1241 : vector<16xf32>
      %parallel_loop3A_1248 = arith.maximumf %parallel_loop3A_1238, %parallel_loop3A_1240 : vector<16xf32>
      %parallel_loop3A_1249 = arith.maximumf %parallel_loop3A_1239, %parallel_loop3A_1241 : vector<16xf32>
      %parallel_loop3A_1250 = arith.minimumf %parallel_loop3A_1246, %parallel_loop3A_1247 : vector<16xf32>
      %parallel_loop3A_1251 = arith.maximumf %parallel_loop3A_1246, %parallel_loop3A_1247 : vector<16xf32>
      %parallel_loop3A_1252 = arith.constant dense<true> : vector<16xi1>
      %parallel_loop3A_1253, %parallel_loop3A_1254, %parallel_loop3A_1255 = tpu.sort %parallel_loop3A_1250, %parallel_loop3A_1250 masked %parallel_loop3A_1252 : (vector<16xf32>, vector<16xf32>, vector<16xi1>) -> (vector<16xi1>, vector<16xf32>, vector<16xf32>)
      %parallel_loop3A_1256 = arith.constant dense<true> : vector<16xi1>
      %parallel_loop3A_1257, %parallel_loop3A_1258, %parallel_loop3A_1259 = tpu.sort %parallel_loop3A_1251, %parallel_loop3A_1251 masked %parallel_loop3A_1256 : (vector<16xf32>, vector<16xf32>, vector<16xi1>) -> (vector<16xi1>, vector<16xf32>, vector<16xf32>)
      %parallel_loop3A_1260 = arith.minimumf %parallel_loop3A_1248, %parallel_loop3A_1249 : vector<16xf32>
      %parallel_loop3A_1261 = arith.maximumf %parallel_loop3A_1248, %parallel_loop3A_1249 : vector<16xf32>
      %parallel_loop3A_1262 = arith.constant dense<true> : vector<16xi1>
      %parallel_loop3A_1263, %parallel_loop3A_1264, %parallel_loop3A_1265 = tpu.sort %parallel_loop3A_1260, %parallel_loop3A_1260 masked %parallel_loop3A_1262 : (vector<16xf32>, vector<16xf32>, vector<16xi1>) -> (vector<16xi1>, vector<16xf32>, vector<16xf32>)
      %parallel_loop3A_1266 = arith.constant dense<true> : vector<16xi1>
      %parallel_loop3A_1267, %parallel_loop3A_1268, %parallel_loop3A_1269 = tpu.sort %parallel_loop3A_1261, %parallel_loop3A_1261 masked %parallel_loop3A_1266 : (vector<16xf32>, vector<16xf32>, vector<16xi1>) -> (vector<16xi1>, vector<16xf32>, vector<16xf32>)
      %parallel_loop3A_1270 = arith.minimumf %parallel_loop3A_1242, %parallel_loop3A_1244 : vector<16xf32>
      %parallel_loop3A_1271 = arith.minimumf %parallel_loop3A_1243, %parallel_loop3A_1245 : vector<16xf32>
      %parallel_loop3A_1272 = arith.maximumf %parallel_loop3A_1242, %parallel_loop3A_1244 : vector<16xf32>
      %parallel_loop3A_1273 = arith.maximumf %parallel_loop3A_1243, %parallel_loop3A_1245 : vector<16xf32>
      %parallel_loop3A_1274 = arith.minimumf %parallel_loop3A_1270, %parallel_loop3A_1271 : vector<16xf32>
      %parallel_loop3A_1275 = arith.maximumf %parallel_loop3A_1270, %parallel_loop3A_1271 : vector<16xf32>
      %parallel_loop3A_1276 = arith.constant dense<true> : vector<16xi1>
      %parallel_loop3A_1277, %parallel_loop3A_1278, %parallel_loop3A_1279 = tpu.sort %parallel_loop3A_1274, %parallel_loop3A_1274 masked %parallel_loop3A_1276 : (vector<16xf32>, vector<16xf32>, vector<16xi1>) -> (vector<16xi1>, vector<16xf32>, vector<16xf32>)
      %parallel_loop3A_1280 = arith.constant dense<true> : vector<16xi1>
      %parallel_loop3A_1281, %parallel_loop3A_1282, %parallel_loop3A_1283 = tpu.sort %parallel_loop3A_1275, %parallel_loop3A_1275 masked %parallel_loop3A_1280 : (vector<16xf32>, vector<16xf32>, vector<16xi1>) -> (vector<16xi1>, vector<16xf32>, vector<16xf32>)
      %parallel_loop3A_1284 = arith.minimumf %parallel_loop3A_1272, %parallel_loop3A_1273 : vector<16xf32>
      %parallel_loop3A_1285 = arith.maximumf %parallel_loop3A_1272, %parallel_loop3A_1273 : vector<16xf32>
      %parallel_loop3A_1286 = arith.constant dense<true> : vector<16xi1>
      %parallel_loop3A_1287, %parallel_loop3A_1288, %parallel_loop3A_1289 = tpu.sort %parallel_loop3A_1284, %parallel_loop3A_1284 masked %parallel_loop3A_1286 : (vector<16xf32>, vector<16xf32>, vector<16xi1>) -> (vector<16xi1>, vector<16xf32>, vector<16xf32>)
      %parallel_loop3A_1290 = arith.constant dense<true> : vector<16xi1>
      %parallel_loop3A_1291, %parallel_loop3A_1292, %parallel_loop3A_1293 = tpu.sort %parallel_loop3A_1285, %parallel_loop3A_1285 masked %parallel_loop3A_1290 : (vector<16xf32>, vector<16xf32>, vector<16xi1>) -> (vector<16xi1>, vector<16xf32>, vector<16xf32>)
      %parallel_loop3A_1294 = arith.constant 0 : i32
      %parallel_loop3A_1295 = arith.constant 16 : i32
      %parallel_loop3A_1296 = arith.constant 1 : i32
      %parallel_loop3A_1297:8 = scf.for %parallel_loop3A_1316 = %parallel_loop3A_1294 to %parallel_loop3A_1295 step %parallel_loop3A_1296 iter_args(%parallel_loop3A_1317 = %parallel_loop3A_1254, %parallel_loop3A_1318 = %parallel_loop3A_1258, %parallel_loop3A_1319 = %parallel_loop3A_1264, %parallel_loop3A_1320 = %parallel_loop3A_1268, %parallel_loop3A_1321 = %parallel_loop3A_1278, %parallel_loop3A_1322 = %parallel_loop3A_1282, %parallel_loop3A_1323 = %parallel_loop3A_1288, %parallel_loop3A_1324 = %parallel_loop3A_1292) -> (vector<16xf32>, vector<16xf32>, vector<16xf32>, vector<16xf32>, vector<16xf32>, vector<16xf32>, vector<16xf32>, vector<16xf32>)  : i32 {
        %parallel_loop3A_1325 = arith.constant 16 : i32
        %parallel_loop3A_1326 = arith.muli %select_n3A_28, %parallel_loop3A_1325 : i32
        %parallel_loop3A_1327 = arith.addi %parallel_loop3A_1326, %parallel_loop3A_1316 : i32
        %parallel_loop3A_1328 = arith.constant 1 : i32
        %parallel_loop3A_1329 = arith.subi %parallel_loop3A_1327, %parallel_loop3A_1328 : i32
        %parallel_loop3A_1330 = arith.constant 0 : i32
        %parallel_loop3A_1331 = arith.cmpi eq, %parallel_loop3A_1327, %parallel_loop3A_1330 : i32
        %parallel_loop3A_1332 = arith.constant 11 : i32
        %parallel_loop3A_1333 = arith.remsi %parallel_loop3A_1329, %parallel_loop3A_1332 : i32
        %parallel_loop3A_1334 = arith.constant 0 : i32
        %parallel_loop3A_1335 = arith.select %parallel_loop3A_1331, %parallel_loop3A_1334, %parallel_loop3A_1333 : i32
        %parallel_loop3A_1336 = arith.constant 15 : i32
        %parallel_loop3A_1337 = arith.andi %parallel_loop3A_1329, %parallel_loop3A_1336 : i32
        %parallel_loop3A_1338 = arith.constant 1 : i32
        %parallel_loop3A_1339 = arith.shli %parallel_loop3A_1338, %parallel_loop3A_1335 : i32
        %parallel_loop3A_1340 = arith.constant 0 : i32
        %parallel_loop3A_1341 = arith.select %parallel_loop3A_1331, %parallel_loop3A_1340, %parallel_loop3A_1339 : i32
        %parallel_loop3A_1342 = arith.constant 128 : i32
        %parallel_loop3A_1343 = arith.muli %parallel_loop3A_1337, %parallel_loop3A_1342 : i32
        %parallel_loop3A_1344 = arith.constant 0 : i32
        %parallel_loop3A_1345 = arith.select %parallel_loop3A_1331, %parallel_loop3A_1344, %parallel_loop3A_1343 : i32
        %parallel_loop3A_1346 = arith.constant 6 : i32
        %parallel_loop3A_1347 = arith.cmpi sle, %parallel_loop3A_1335, %parallel_loop3A_1346 : i32
        %parallel_loop3A_1348 = arith.constant 1 : i32
        %parallel_loop3A_1349 = arith.shli %parallel_loop3A_1348, %parallel_loop3A_1335 : i32
        %parallel_loop3A_1350 = arith.constant 0 : i32
        %parallel_loop3A_1351 = arith.select %parallel_loop3A_1347, %parallel_loop3A_1349, %parallel_loop3A_1350 : i32
        %parallel_loop3A_1352 = arith.constant 0 : i32
        %parallel_loop3A_1353 = arith.select %parallel_loop3A_1331, %parallel_loop3A_1352, %parallel_loop3A_1351 : i32
        %parallel_loop3A_1354 = arith.constant 7 : i32
        %parallel_loop3A_1355 = arith.cmpi sge, %parallel_loop3A_1335, %parallel_loop3A_1354 : i32
        %parallel_loop3A_1356 = arith.constant 7 : i32
        %parallel_loop3A_1357 = arith.subi %parallel_loop3A_1335, %parallel_loop3A_1356 : i32
        %parallel_loop3A_1358 = arith.constant 0 : i32
        %parallel_loop3A_1359 = arith.maxsi %parallel_loop3A_1357, %parallel_loop3A_1358 : i32
        %parallel_loop3A_1360 = arith.constant 1 : i32
        %parallel_loop3A_1361 = arith.shli %parallel_loop3A_1360, %parallel_loop3A_1359 : i32
        %parallel_loop3A_1362 = arith.constant 0 : i32
        %parallel_loop3A_1363 = arith.select %parallel_loop3A_1355, %parallel_loop3A_1361, %parallel_loop3A_1362 : i32
        %parallel_loop3A_1364 = arith.constant 0 : i32
        %parallel_loop3A_1365 = arith.select %parallel_loop3A_1331, %parallel_loop3A_1364, %parallel_loop3A_1363 : i32
        %parallel_loop3A_1366 = arith.subi %parallel_loop3A_1009, %parallel_loop3A_1337 : i32
        %parallel_loop3A_1367 = arith.constant 15 : i32
        %parallel_loop3A_1368 = arith.andi %parallel_loop3A_1366, %parallel_loop3A_1367 : i32
        %parallel_loop3A_1369 = arith.xori %parallel_loop3A_1368, %parallel_loop3A_1365 : i32
        %parallel_loop3A_1370 = arith.select %parallel_loop3A_1331, %parallel_loop3A_1009, %parallel_loop3A_1369 : i32
        %parallel_loop3A_1371 = arith.constant 15 : i32
        %parallel_loop3A_1372 = arith.andi %parallel_loop3A_1353, %parallel_loop3A_1371 : i32
        %parallel_loop3A_1373 = arith.constant 4 : i32
        %parallel_loop3A_1374 = arith.shrsi %parallel_loop3A_1353, %parallel_loop3A_1373 : i32
        %parallel_loop3A_1375 = arith.constant 0 : i32
        %parallel_loop3A_1376 = arith.xori %parallel_loop3A_1375, %parallel_loop3A_1374 : i32
        %parallel_loop3A_1377 = arith.constant 128 : i32
        %parallel_loop3A_1378 = arith.muli %parallel_loop3A_1006, %parallel_loop3A_1377 : i32
        %parallel_loop3A_1379 = arith.constant 16 : i32
        %parallel_loop3A_1380 = arith.muli %parallel_loop3A_1376, %parallel_loop3A_1379 : i32
        %parallel_loop3A_1381 = arith.addi %parallel_loop3A_1378, %parallel_loop3A_1380 : i32
        %parallel_loop3A_1382 = arith.index_cast %parallel_loop3A_1381 : i32 to index
        %parallel_loop3A_1383 = tpu.vector_load %arg7[%parallel_loop3A_1382] {strides = array<i32>} : memref<1024xf32, #tpu.memory_space<vmem>>, vector<16xf32>,
        %parallel_loop3A_1384 = vector.broadcast %parallel_loop3A_1372 : i32 to vector<16xi32>
        %parallel_loop3A_1385 = arith.xori %iota3A, %parallel_loop3A_1384 : vector<16xi32>
        %parallel_loop3A_1386 = vector.shape_cast %parallel_loop3A_1385 : vector<16xi32> to vector<16x1xi32>
        %parallel_loop3A_1387 = vector.shape_cast %parallel_loop3A_1386 : vector<16x1xi32> to vector<16xi32>
        %parallel_loop3A_1388 = tpu.dynamic_gather %parallel_loop3A_1383[%parallel_loop3A_1387] in [0] : vector<16xf32>, vector<16xi32> -> vector<16xf32>
        %parallel_loop3A_1389 = arith.constant 128 : i32
        %parallel_loop3A_1390 = arith.muli %parallel_loop3A_1370, %parallel_loop3A_1389 : i32
        %parallel_loop3A_1391 = arith.constant 0 : i32
        %parallel_loop3A_1392 = arith.addi %parallel_loop3A_1390, %parallel_loop3A_1391 : i32
        %parallel_loop3A_1393 = arith.index_cast %parallel_loop3A_1316 : i32 to index
        %parallel_loop3A_1394 = arith.index_cast %parallel_loop3A_1392 : i32 to index
        %parallel_loop3A_1395 = tpu.vector_load %arg4[%parallel_loop3A_1393, %parallel_loop3A_1394] {strides = array<i32>} : memref<16x2048xf32, #tpu.memory_space<vmem>>, vector<16xf32>,
        %parallel_loop3A_1396 = arith.addf %parallel_loop3A_1395, %parallel_loop3A_1388 : vector<16xf32>
        %parallel_loop3A_1397 = arith.constant 1 : i32
        %parallel_loop3A_1398 = arith.xori %parallel_loop3A_1397, %parallel_loop3A_1374 : i32
        %parallel_loop3A_1399 = arith.constant 128 : i32
        %parallel_loop3A_1400 = arith.muli %parallel_loop3A_1006, %parallel_loop3A_1399 : i32
        %parallel_loop3A_1401 = arith.constant 16 : i32
        %parallel_loop3A_1402 = arith.muli %parallel_loop3A_1398, %parallel_loop3A_1401 : i32
        %parallel_loop3A_1403 = arith.addi %parallel_loop3A_1400, %parallel_loop3A_1402 : i32
        %parallel_loop3A_1404 = arith.index_cast %parallel_loop3A_1403 : i32 to index
        %parallel_loop3A_1405 = tpu.vector_load %arg7[%parallel_loop3A_1404] {strides = array<i32>} : memref<1024xf32, #tpu.memory_space<vmem>>, vector<16xf32>,
        %parallel_loop3A_1406 = vector.broadcast %parallel_loop3A_1372 : i32 to vector<16xi32>
        %parallel_loop3A_1407 = arith.xori %iota3A, %parallel_loop3A_1406 : vector<16xi32>
        %parallel_loop3A_1408 = vector.shape_cast %parallel_loop3A_1407 : vector<16xi32> to vector<16x1xi32>
        %parallel_loop3A_1409 = vector.shape_cast %parallel_loop3A_1408 : vector<16x1xi32> to vector<16xi32>
        %parallel_loop3A_1410 = tpu.dynamic_gather %parallel_loop3A_1405[%parallel_loop3A_1409] in [0] : vector<16xf32>, vector<16xi32> -> vector<16xf32>
        %parallel_loop3A_1411 = arith.constant 128 : i32
        %parallel_loop3A_1412 = arith.muli %parallel_loop3A_1370, %parallel_loop3A_1411 : i32
        %parallel_loop3A_1413 = arith.constant 16 : i32
        %parallel_loop3A_1414 = arith.addi %parallel_loop3A_1412, %parallel_loop3A_1413 : i32
        %parallel_loop3A_1415 = arith.index_cast %parallel_loop3A_1316 : i32 to index
        %parallel_loop3A_1416 = arith.index_cast %parallel_loop3A_1414 : i32 to index
        %parallel_loop3A_1417 = tpu.vector_load %arg4[%parallel_loop3A_1415, %parallel_loop3A_1416] {strides = array<i32>} : memref<16x2048xf32, #tpu.memory_space<vmem>>, vector<16xf32>,
        %parallel_loop3A_1418 = arith.addf %parallel_loop3A_1417, %parallel_loop3A_1410 : vector<16xf32>
        %parallel_loop3A_1419 = arith.constant 2 : i32
        %parallel_loop3A_1420 = arith.xori %parallel_loop3A_1419, %parallel_loop3A_1374 : i32
        %parallel_loop3A_1421 = arith.constant 128 : i32
        %parallel_loop3A_1422 = arith.muli %parallel_loop3A_1006, %parallel_loop3A_1421 : i32
        %parallel_loop3A_1423 = arith.constant 16 : i32
        %parallel_loop3A_1424 = arith.muli %parallel_loop3A_1420, %parallel_loop3A_1423 : i32
        %parallel_loop3A_1425 = arith.addi %parallel_loop3A_1422, %parallel_loop3A_1424 : i32
        %parallel_loop3A_1426 = arith.index_cast %parallel_loop3A_1425 : i32 to index
        %parallel_loop3A_1427 = tpu.vector_load %arg7[%parallel_loop3A_1426] {strides = array<i32>} : memref<1024xf32, #tpu.memory_space<vmem>>, vector<16xf32>,
        %parallel_loop3A_1428 = vector.broadcast %parallel_loop3A_1372 : i32 to vector<16xi32>
        %parallel_loop3A_1429 = arith.xori %iota3A, %parallel_loop3A_1428 : vector<16xi32>
        %parallel_loop3A_1430 = vector.shape_cast %parallel_loop3A_1429 : vector<16xi32> to vector<16x1xi32>
        %parallel_loop3A_1431 = vector.shape_cast %parallel_loop3A_1430 : vector<16x1xi32> to vector<16xi32>
        %parallel_loop3A_1432 = tpu.dynamic_gather %parallel_loop3A_1427[%parallel_loop3A_1431] in [0] : vector<16xf32>, vector<16xi32> -> vector<16xf32>
        %parallel_loop3A_1433 = arith.constant 128 : i32
        %parallel_loop3A_1434 = arith.muli %parallel_loop3A_1370, %parallel_loop3A_1433 : i32
        %parallel_loop3A_1435 = arith.constant 32 : i32
        %parallel_loop3A_1436 = arith.addi %parallel_loop3A_1434, %parallel_loop3A_1435 : i32
        %parallel_loop3A_1437 = arith.index_cast %parallel_loop3A_1316 : i32 to index
        %parallel_loop3A_1438 = arith.index_cast %parallel_loop3A_1436 : i32 to index
        %parallel_loop3A_1439 = tpu.vector_load %arg4[%parallel_loop3A_1437, %parallel_loop3A_1438] {strides = array<i32>} : memref<16x2048xf32, #tpu.memory_space<vmem>>, vector<16xf32>,
        %parallel_loop3A_1440 = arith.addf %parallel_loop3A_1439, %parallel_loop3A_1432 : vector<16xf32>
        %parallel_loop3A_1441 = arith.constant 3 : i32
        %parallel_loop3A_1442 = arith.xori %parallel_loop3A_1441, %parallel_loop3A_1374 : i32
        %parallel_loop3A_1443 = arith.constant 128 : i32
        %parallel_loop3A_1444 = arith.muli %parallel_loop3A_1006, %parallel_loop3A_1443 : i32
        %parallel_loop3A_1445 = arith.constant 16 : i32
        %parallel_loop3A_1446 = arith.muli %parallel_loop3A_1442, %parallel_loop3A_1445 : i32
        %parallel_loop3A_1447 = arith.addi %parallel_loop3A_1444, %parallel_loop3A_1446 : i32
        %parallel_loop3A_1448 = arith.index_cast %parallel_loop3A_1447 : i32 to index
        %parallel_loop3A_1449 = tpu.vector_load %arg7[%parallel_loop3A_1448] {strides = array<i32>} : memref<1024xf32, #tpu.memory_space<vmem>>, vector<16xf32>,
        %parallel_loop3A_1450 = vector.broadcast %parallel_loop3A_1372 : i32 to vector<16xi32>
        %parallel_loop3A_1451 = arith.xori %iota3A, %parallel_loop3A_1450 : vector<16xi32>
        %parallel_loop3A_1452 = vector.shape_cast %parallel_loop3A_1451 : vector<16xi32> to vector<16x1xi32>
        %parallel_loop3A_1453 = vector.shape_cast %parallel_loop3A_1452 : vector<16x1xi32> to vector<16xi32>
        %parallel_loop3A_1454 = tpu.dynamic_gather %parallel_loop3A_1449[%parallel_loop3A_1453] in [0] : vector<16xf32>, vector<16xi32> -> vector<16xf32>
        %parallel_loop3A_1455 = arith.constant 128 : i32
        %parallel_loop3A_1456 = arith.muli %parallel_loop3A_1370, %parallel_loop3A_1455 : i32
        %parallel_loop3A_1457 = arith.constant 48 : i32
        %parallel_loop3A_1458 = arith.addi %parallel_loop3A_1456, %parallel_loop3A_1457 : i32
        %parallel_loop3A_1459 = arith.index_cast %parallel_loop3A_1316 : i32 to index
        %parallel_loop3A_1460 = arith.index_cast %parallel_loop3A_1458 : i32 to index
        %parallel_loop3A_1461 = tpu.vector_load %arg4[%parallel_loop3A_1459, %parallel_loop3A_1460] {strides = array<i32>} : memref<16x2048xf32, #tpu.memory_space<vmem>>, vector<16xf32>,
        %parallel_loop3A_1462 = arith.addf %parallel_loop3A_1461, %parallel_loop3A_1454 : vector<16xf32>
        %parallel_loop3A_1463 = arith.constant 4 : i32
        %parallel_loop3A_1464 = arith.xori %parallel_loop3A_1463, %parallel_loop3A_1374 : i32
        %parallel_loop3A_1465 = arith.constant 128 : i32
        %parallel_loop3A_1466 = arith.muli %parallel_loop3A_1006, %parallel_loop3A_1465 : i32
        %parallel_loop3A_1467 = arith.constant 16 : i32
        %parallel_loop3A_1468 = arith.muli %parallel_loop3A_1464, %parallel_loop3A_1467 : i32
        %parallel_loop3A_1469 = arith.addi %parallel_loop3A_1466, %parallel_loop3A_1468 : i32
        %parallel_loop3A_1470 = arith.index_cast %parallel_loop3A_1469 : i32 to index
        %parallel_loop3A_1471 = tpu.vector_load %arg7[%parallel_loop3A_1470] {strides = array<i32>} : memref<1024xf32, #tpu.memory_space<vmem>>, vector<16xf32>,
        %parallel_loop3A_1472 = vector.broadcast %parallel_loop3A_1372 : i32 to vector<16xi32>
        %parallel_loop3A_1473 = arith.xori %iota3A, %parallel_loop3A_1472 : vector<16xi32>
        %parallel_loop3A_1474 = vector.shape_cast %parallel_loop3A_1473 : vector<16xi32> to vector<16x1xi32>
        %parallel_loop3A_1475 = vector.shape_cast %parallel_loop3A_1474 : vector<16x1xi32> to vector<16xi32>
        %parallel_loop3A_1476 = tpu.dynamic_gather %parallel_loop3A_1471[%parallel_loop3A_1475] in [0] : vector<16xf32>, vector<16xi32> -> vector<16xf32>
        %parallel_loop3A_1477 = arith.constant 128 : i32
        %parallel_loop3A_1478 = arith.muli %parallel_loop3A_1370, %parallel_loop3A_1477 : i32
        %parallel_loop3A_1479 = arith.constant 64 : i32
        %parallel_loop3A_1480 = arith.addi %parallel_loop3A_1478, %parallel_loop3A_1479 : i32
        %parallel_loop3A_1481 = arith.index_cast %parallel_loop3A_1316 : i32 to index
        %parallel_loop3A_1482 = arith.index_cast %parallel_loop3A_1480 : i32 to index
        %parallel_loop3A_1483 = tpu.vector_load %arg4[%parallel_loop3A_1481, %parallel_loop3A_1482] {strides = array<i32>} : memref<16x2048xf32, #tpu.memory_space<vmem>>, vector<16xf32>,
        %parallel_loop3A_1484 = arith.addf %parallel_loop3A_1483, %parallel_loop3A_1476 : vector<16xf32>
        %parallel_loop3A_1485 = arith.constant 5 : i32
        %parallel_loop3A_1486 = arith.xori %parallel_loop3A_1485, %parallel_loop3A_1374 : i32
        %parallel_loop3A_1487 = arith.constant 128 : i32
        %parallel_loop3A_1488 = arith.muli %parallel_loop3A_1006, %parallel_loop3A_1487 : i32
        %parallel_loop3A_1489 = arith.constant 16 : i32
        %parallel_loop3A_1490 = arith.muli %parallel_loop3A_1486, %parallel_loop3A_1489 : i32
        %parallel_loop3A_1491 = arith.addi %parallel_loop3A_1488, %parallel_loop3A_1490 : i32
        %parallel_loop3A_1492 = arith.index_cast %parallel_loop3A_1491 : i32 to index
        %parallel_loop3A_1493 = tpu.vector_load %arg7[%parallel_loop3A_1492] {strides = array<i32>} : memref<1024xf32, #tpu.memory_space<vmem>>, vector<16xf32>,
        %parallel_loop3A_1494 = vector.broadcast %parallel_loop3A_1372 : i32 to vector<16xi32>
        %parallel_loop3A_1495 = arith.xori %iota3A, %parallel_loop3A_1494 : vector<16xi32>
        %parallel_loop3A_1496 = vector.shape_cast %parallel_loop3A_1495 : vector<16xi32> to vector<16x1xi32>
        %parallel_loop3A_1497 = vector.shape_cast %parallel_loop3A_1496 : vector<16x1xi32> to vector<16xi32>
        %parallel_loop3A_1498 = tpu.dynamic_gather %parallel_loop3A_1493[%parallel_loop3A_1497] in [0] : vector<16xf32>, vector<16xi32> -> vector<16xf32>
        %parallel_loop3A_1499 = arith.constant 128 : i32
        %parallel_loop3A_1500 = arith.muli %parallel_loop3A_1370, %parallel_loop3A_1499 : i32
        %parallel_loop3A_1501 = arith.constant 80 : i32
        %parallel_loop3A_1502 = arith.addi %parallel_loop3A_1500, %parallel_loop3A_1501 : i32
        %parallel_loop3A_1503 = arith.index_cast %parallel_loop3A_1316 : i32 to index
        %parallel_loop3A_1504 = arith.index_cast %parallel_loop3A_1502 : i32 to index
        %parallel_loop3A_1505 = tpu.vector_load %arg4[%parallel_loop3A_1503, %parallel_loop3A_1504] {strides = array<i32>} : memref<16x2048xf32, #tpu.memory_space<vmem>>, vector<16xf32>,
        %parallel_loop3A_1506 = arith.addf %parallel_loop3A_1505, %parallel_loop3A_1498 : vector<16xf32>
        %parallel_loop3A_1507 = arith.constant 6 : i32
        %parallel_loop3A_1508 = arith.xori %parallel_loop3A_1507, %parallel_loop3A_1374 : i32
        %parallel_loop3A_1509 = arith.constant 128 : i32
        %parallel_loop3A_1510 = arith.muli %parallel_loop3A_1006, %parallel_loop3A_1509 : i32
        %parallel_loop3A_1511 = arith.constant 16 : i32
        %parallel_loop3A_1512 = arith.muli %parallel_loop3A_1508, %parallel_loop3A_1511 : i32
        %parallel_loop3A_1513 = arith.addi %parallel_loop3A_1510, %parallel_loop3A_1512 : i32
        %parallel_loop3A_1514 = arith.index_cast %parallel_loop3A_1513 : i32 to index
        %parallel_loop3A_1515 = tpu.vector_load %arg7[%parallel_loop3A_1514] {strides = array<i32>} : memref<1024xf32, #tpu.memory_space<vmem>>, vector<16xf32>,
        %parallel_loop3A_1516 = vector.broadcast %parallel_loop3A_1372 : i32 to vector<16xi32>
        %parallel_loop3A_1517 = arith.xori %iota3A, %parallel_loop3A_1516 : vector<16xi32>
        %parallel_loop3A_1518 = vector.shape_cast %parallel_loop3A_1517 : vector<16xi32> to vector<16x1xi32>
        %parallel_loop3A_1519 = vector.shape_cast %parallel_loop3A_1518 : vector<16x1xi32> to vector<16xi32>
        %parallel_loop3A_1520 = tpu.dynamic_gather %parallel_loop3A_1515[%parallel_loop3A_1519] in [0] : vector<16xf32>, vector<16xi32> -> vector<16xf32>
        %parallel_loop3A_1521 = arith.constant 128 : i32
        %parallel_loop3A_1522 = arith.muli %parallel_loop3A_1370, %parallel_loop3A_1521 : i32
        %parallel_loop3A_1523 = arith.constant 96 : i32
        %parallel_loop3A_1524 = arith.addi %parallel_loop3A_1522, %parallel_loop3A_1523 : i32
        %parallel_loop3A_1525 = arith.index_cast %parallel_loop3A_1316 : i32 to index
        %parallel_loop3A_1526 = arith.index_cast %parallel_loop3A_1524 : i32 to index
        %parallel_loop3A_1527 = tpu.vector_load %arg4[%parallel_loop3A_1525, %parallel_loop3A_1526] {strides = array<i32>} : memref<16x2048xf32, #tpu.memory_space<vmem>>, vector<16xf32>,
        %parallel_loop3A_1528 = arith.addf %parallel_loop3A_1527, %parallel_loop3A_1520 : vector<16xf32>
        %parallel_loop3A_1529 = arith.constant 7 : i32
        %parallel_loop3A_1530 = arith.xori %parallel_loop3A_1529, %parallel_loop3A_1374 : i32
        %parallel_loop3A_1531 = arith.constant 128 : i32
        %parallel_loop3A_1532 = arith.muli %parallel_loop3A_1006, %parallel_loop3A_1531 : i32
        %parallel_loop3A_1533 = arith.constant 16 : i32
        %parallel_loop3A_1534 = arith.muli %parallel_loop3A_1530, %parallel_loop3A_1533 : i32
        %parallel_loop3A_1535 = arith.addi %parallel_loop3A_1532, %parallel_loop3A_1534 : i32
        %parallel_loop3A_1536 = arith.index_cast %parallel_loop3A_1535 : i32 to index
        %parallel_loop3A_1537 = tpu.vector_load %arg7[%parallel_loop3A_1536] {strides = array<i32>} : memref<1024xf32, #tpu.memory_space<vmem>>, vector<16xf32>,
        %parallel_loop3A_1538 = vector.broadcast %parallel_loop3A_1372 : i32 to vector<16xi32>
        %parallel_loop3A_1539 = arith.xori %iota3A, %parallel_loop3A_1538 : vector<16xi32>
        %parallel_loop3A_1540 = vector.shape_cast %parallel_loop3A_1539 : vector<16xi32> to vector<16x1xi32>
        %parallel_loop3A_1541 = vector.shape_cast %parallel_loop3A_1540 : vector<16x1xi32> to vector<16xi32>
        %parallel_loop3A_1542 = tpu.dynamic_gather %parallel_loop3A_1537[%parallel_loop3A_1541] in [0] : vector<16xf32>, vector<16xi32> -> vector<16xf32>
        %parallel_loop3A_1543 = arith.constant 128 : i32
        %parallel_loop3A_1544 = arith.muli %parallel_loop3A_1370, %parallel_loop3A_1543 : i32
        %parallel_loop3A_1545 = arith.constant 112 : i32
        %parallel_loop3A_1546 = arith.addi %parallel_loop3A_1544, %parallel_loop3A_1545 : i32
        %parallel_loop3A_1547 = arith.index_cast %parallel_loop3A_1316 : i32 to index
        %parallel_loop3A_1548 = arith.index_cast %parallel_loop3A_1546 : i32 to index
        %parallel_loop3A_1549 = tpu.vector_load %arg4[%parallel_loop3A_1547, %parallel_loop3A_1548] {strides = array<i32>} : memref<16x2048xf32, #tpu.memory_space<vmem>>, vector<16xf32>,
        %parallel_loop3A_1550 = arith.addf %parallel_loop3A_1549, %parallel_loop3A_1542 : vector<16xf32>
        %parallel_loop3A_1551 = arith.constant dense<true> : vector<16xi1>
        %parallel_loop3A_1552, %parallel_loop3A_1553, %parallel_loop3A_1554 = tpu.sort %parallel_loop3A_1396, %parallel_loop3A_1396 masked %parallel_loop3A_1551 : (vector<16xf32>, vector<16xf32>, vector<16xi1>) -> (vector<16xi1>, vector<16xf32>, vector<16xf32>)
        %parallel_loop3A_1555 = arith.constant dense<true> : vector<16xi1>
        %parallel_loop3A_1556, %parallel_loop3A_1557, %parallel_loop3A_1558 = tpu.sort %parallel_loop3A_1418, %parallel_loop3A_1418 masked %parallel_loop3A_1555 : (vector<16xf32>, vector<16xf32>, vector<16xi1>) -> (vector<16xi1>, vector<16xf32>, vector<16xf32>)
        %parallel_loop3A_1559 = arith.constant dense<true> : vector<16xi1>
        %parallel_loop3A_1560, %parallel_loop3A_1561, %parallel_loop3A_1562 = tpu.sort %parallel_loop3A_1440, %parallel_loop3A_1440 masked %parallel_loop3A_1559 : (vector<16xf32>, vector<16xf32>, vector<16xi1>) -> (vector<16xi1>, vector<16xf32>, vector<16xf32>)
        %parallel_loop3A_1563 = arith.constant dense<true> : vector<16xi1>
        %parallel_loop3A_1564, %parallel_loop3A_1565, %parallel_loop3A_1566 = tpu.sort %parallel_loop3A_1462, %parallel_loop3A_1462 masked %parallel_loop3A_1563 : (vector<16xf32>, vector<16xf32>, vector<16xi1>) -> (vector<16xi1>, vector<16xf32>, vector<16xf32>)
        %parallel_loop3A_1567 = arith.constant dense<true> : vector<16xi1>
        %parallel_loop3A_1568, %parallel_loop3A_1569, %parallel_loop3A_1570 = tpu.sort %parallel_loop3A_1484, %parallel_loop3A_1484 masked %parallel_loop3A_1567 : (vector<16xf32>, vector<16xf32>, vector<16xi1>) -> (vector<16xi1>, vector<16xf32>, vector<16xf32>)
        %parallel_loop3A_1571 = arith.constant dense<true> : vector<16xi1>
        %parallel_loop3A_1572, %parallel_loop3A_1573, %parallel_loop3A_1574 = tpu.sort %parallel_loop3A_1506, %parallel_loop3A_1506 masked %parallel_loop3A_1571 : (vector<16xf32>, vector<16xf32>, vector<16xi1>) -> (vector<16xi1>, vector<16xf32>, vector<16xf32>)
        %parallel_loop3A_1575 = arith.constant dense<true> : vector<16xi1>
        %parallel_loop3A_1576, %parallel_loop3A_1577, %parallel_loop3A_1578 = tpu.sort %parallel_loop3A_1528, %parallel_loop3A_1528 masked %parallel_loop3A_1575 : (vector<16xf32>, vector<16xf32>, vector<16xi1>) -> (vector<16xi1>, vector<16xf32>, vector<16xf32>)
        %parallel_loop3A_1579 = arith.constant dense<true> : vector<16xi1>
        %parallel_loop3A_1580, %parallel_loop3A_1581, %parallel_loop3A_1582 = tpu.sort %parallel_loop3A_1550, %parallel_loop3A_1550 masked %parallel_loop3A_1579 : (vector<16xf32>, vector<16xf32>, vector<16xi1>) -> (vector<16xi1>, vector<16xf32>, vector<16xf32>)
        %parallel_loop3A_1583 = arith.constant 15 : i32
        %parallel_loop3A_1584 = vector.broadcast %parallel_loop3A_1583 : i32 to vector<16xi32>
        %parallel_loop3A_1585 = tpu.iota {dimensions = array<i32: 0>} : vector<16xi32>
        %parallel_loop3A_1586 = arith.subi %parallel_loop3A_1584, %parallel_loop3A_1585 : vector<16xi32>
        %parallel_loop3A_1587 = tpu.dynamic_gather %parallel_loop3A_1557[%parallel_loop3A_1586] in [0] : vector<16xf32>, vector<16xi32> -> vector<16xf32>
        %parallel_loop3A_1588 = arith.minimumf %parallel_loop3A_1553, %parallel_loop3A_1587 : vector<16xf32>
        %parallel_loop3A_1589 = arith.maximumf %parallel_loop3A_1553, %parallel_loop3A_1587 : vector<16xf32>
        %parallel_loop3A_1590 = arith.constant dense<true> : vector<16xi1>
        %parallel_loop3A_1591, %parallel_loop3A_1592, %parallel_loop3A_1593 = tpu.sort %parallel_loop3A_1588, %parallel_loop3A_1588 masked %parallel_loop3A_1590 : (vector<16xf32>, vector<16xf32>, vector<16xi1>) -> (vector<16xi1>, vector<16xf32>, vector<16xf32>)
        %parallel_loop3A_1594 = arith.constant dense<true> : vector<16xi1>
        %parallel_loop3A_1595, %parallel_loop3A_1596, %parallel_loop3A_1597 = tpu.sort %parallel_loop3A_1589, %parallel_loop3A_1589 masked %parallel_loop3A_1594 : (vector<16xf32>, vector<16xf32>, vector<16xi1>) -> (vector<16xi1>, vector<16xf32>, vector<16xf32>)
        %parallel_loop3A_1598 = arith.constant 15 : i32
        %parallel_loop3A_1599 = vector.broadcast %parallel_loop3A_1598 : i32 to vector<16xi32>
        %parallel_loop3A_1600 = tpu.iota {dimensions = array<i32: 0>} : vector<16xi32>
        %parallel_loop3A_1601 = arith.subi %parallel_loop3A_1599, %parallel_loop3A_1600 : vector<16xi32>
        %parallel_loop3A_1602 = tpu.dynamic_gather %parallel_loop3A_1565[%parallel_loop3A_1601] in [0] : vector<16xf32>, vector<16xi32> -> vector<16xf32>
        %parallel_loop3A_1603 = arith.minimumf %parallel_loop3A_1561, %parallel_loop3A_1602 : vector<16xf32>
        %parallel_loop3A_1604 = arith.maximumf %parallel_loop3A_1561, %parallel_loop3A_1602 : vector<16xf32>
        %parallel_loop3A_1605 = arith.constant dense<true> : vector<16xi1>
        %parallel_loop3A_1606, %parallel_loop3A_1607, %parallel_loop3A_1608 = tpu.sort %parallel_loop3A_1603, %parallel_loop3A_1603 masked %parallel_loop3A_1605 : (vector<16xf32>, vector<16xf32>, vector<16xi1>) -> (vector<16xi1>, vector<16xf32>, vector<16xf32>)
        %parallel_loop3A_1609 = arith.constant dense<true> : vector<16xi1>
        %parallel_loop3A_1610, %parallel_loop3A_1611, %parallel_loop3A_1612 = tpu.sort %parallel_loop3A_1604, %parallel_loop3A_1604 masked %parallel_loop3A_1609 : (vector<16xf32>, vector<16xf32>, vector<16xi1>) -> (vector<16xi1>, vector<16xf32>, vector<16xf32>)
        %parallel_loop3A_1613 = arith.constant 15 : i32
        %parallel_loop3A_1614 = vector.broadcast %parallel_loop3A_1613 : i32 to vector<16xi32>
        %parallel_loop3A_1615 = tpu.iota {dimensions = array<i32: 0>} : vector<16xi32>
        %parallel_loop3A_1616 = arith.subi %parallel_loop3A_1614, %parallel_loop3A_1615 : vector<16xi32>
        %parallel_loop3A_1617 = tpu.dynamic_gather %parallel_loop3A_1573[%parallel_loop3A_1616] in [0] : vector<16xf32>, vector<16xi32> -> vector<16xf32>
        %parallel_loop3A_1618 = arith.minimumf %parallel_loop3A_1569, %parallel_loop3A_1617 : vector<16xf32>
        %parallel_loop3A_1619 = arith.maximumf %parallel_loop3A_1569, %parallel_loop3A_1617 : vector<16xf32>
        %parallel_loop3A_1620 = arith.constant dense<true> : vector<16xi1>
        %parallel_loop3A_1621, %parallel_loop3A_1622, %parallel_loop3A_1623 = tpu.sort %parallel_loop3A_1618, %parallel_loop3A_1618 masked %parallel_loop3A_1620 : (vector<16xf32>, vector<16xf32>, vector<16xi1>) -> (vector<16xi1>, vector<16xf32>, vector<16xf32>)
        %parallel_loop3A_1624 = arith.constant dense<true> : vector<16xi1>
        %parallel_loop3A_1625, %parallel_loop3A_1626, %parallel_loop3A_1627 = tpu.sort %parallel_loop3A_1619, %parallel_loop3A_1619 masked %parallel_loop3A_1624 : (vector<16xf32>, vector<16xf32>, vector<16xi1>) -> (vector<16xi1>, vector<16xf32>, vector<16xf32>)
        %parallel_loop3A_1628 = arith.constant 15 : i32
        %parallel_loop3A_1629 = vector.broadcast %parallel_loop3A_1628 : i32 to vector<16xi32>
        %parallel_loop3A_1630 = tpu.iota {dimensions = array<i32: 0>} : vector<16xi32>
        %parallel_loop3A_1631 = arith.subi %parallel_loop3A_1629, %parallel_loop3A_1630 : vector<16xi32>
        %parallel_loop3A_1632 = tpu.dynamic_gather %parallel_loop3A_1581[%parallel_loop3A_1631] in [0] : vector<16xf32>, vector<16xi32> -> vector<16xf32>
        %parallel_loop3A_1633 = arith.minimumf %parallel_loop3A_1577, %parallel_loop3A_1632 : vector<16xf32>
        %parallel_loop3A_1634 = arith.maximumf %parallel_loop3A_1577, %parallel_loop3A_1632 : vector<16xf32>
        %parallel_loop3A_1635 = arith.constant dense<true> : vector<16xi1>
        %parallel_loop3A_1636, %parallel_loop3A_1637, %parallel_loop3A_1638 = tpu.sort %parallel_loop3A_1633, %parallel_loop3A_1633 masked %parallel_loop3A_1635 : (vector<16xf32>, vector<16xf32>, vector<16xi1>) -> (vector<16xi1>, vector<16xf32>, vector<16xf32>)
        %parallel_loop3A_1639 = arith.constant dense<true> : vector<16xi1>
        %parallel_loop3A_1640, %parallel_loop3A_1641, %parallel_loop3A_1642 = tpu.sort %parallel_loop3A_1634, %parallel_loop3A_1634 masked %parallel_loop3A_1639 : (vector<16xf32>, vector<16xf32>, vector<16xi1>) -> (vector<16xi1>, vector<16xf32>, vector<16xf32>)
        %parallel_loop3A_1643 = arith.constant 15 : i32
        %parallel_loop3A_1644 = vector.broadcast %parallel_loop3A_1643 : i32 to vector<16xi32>
        %parallel_loop3A_1645 = tpu.iota {dimensions = array<i32: 0>} : vector<16xi32>
        %parallel_loop3A_1646 = arith.subi %parallel_loop3A_1644, %parallel_loop3A_1645 : vector<16xi32>
        %parallel_loop3A_1647 = tpu.dynamic_gather %parallel_loop3A_1611[%parallel_loop3A_1646] in [0] : vector<16xf32>, vector<16xi32> -> vector<16xf32>
        %parallel_loop3A_1648 = arith.constant 15 : i32
        %parallel_loop3A_1649 = vector.broadcast %parallel_loop3A_1648 : i32 to vector<16xi32>
        %parallel_loop3A_1650 = tpu.iota {dimensions = array<i32: 0>} : vector<16xi32>
        %parallel_loop3A_1651 = arith.subi %parallel_loop3A_1649, %parallel_loop3A_1650 : vector<16xi32>
        %parallel_loop3A_1652 = tpu.dynamic_gather %parallel_loop3A_1607[%parallel_loop3A_1651] in [0] : vector<16xf32>, vector<16xi32> -> vector<16xf32>
        %parallel_loop3A_1653 = arith.minimumf %parallel_loop3A_1592, %parallel_loop3A_1647 : vector<16xf32>
        %parallel_loop3A_1654 = arith.minimumf %parallel_loop3A_1596, %parallel_loop3A_1652 : vector<16xf32>
        %parallel_loop3A_1655 = arith.maximumf %parallel_loop3A_1592, %parallel_loop3A_1647 : vector<16xf32>
        %parallel_loop3A_1656 = arith.maximumf %parallel_loop3A_1596, %parallel_loop3A_1652 : vector<16xf32>
        %parallel_loop3A_1657 = arith.minimumf %parallel_loop3A_1653, %parallel_loop3A_1654 : vector<16xf32>
        %parallel_loop3A_1658 = arith.maximumf %parallel_loop3A_1653, %parallel_loop3A_1654 : vector<16xf32>
        %parallel_loop3A_1659 = arith.constant dense<true> : vector<16xi1>
        %parallel_loop3A_1660, %parallel_loop3A_1661, %parallel_loop3A_1662 = tpu.sort %parallel_loop3A_1657, %parallel_loop3A_1657 masked %parallel_loop3A_1659 : (vector<16xf32>, vector<16xf32>, vector<16xi1>) -> (vector<16xi1>, vector<16xf32>, vector<16xf32>)
        %parallel_loop3A_1663 = arith.constant dense<true> : vector<16xi1>
        %parallel_loop3A_1664, %parallel_loop3A_1665, %parallel_loop3A_1666 = tpu.sort %parallel_loop3A_1658, %parallel_loop3A_1658 masked %parallel_loop3A_1663 : (vector<16xf32>, vector<16xf32>, vector<16xi1>) -> (vector<16xi1>, vector<16xf32>, vector<16xf32>)
        %parallel_loop3A_1667 = arith.minimumf %parallel_loop3A_1655, %parallel_loop3A_1656 : vector<16xf32>
        %parallel_loop3A_1668 = arith.maximumf %parallel_loop3A_1655, %parallel_loop3A_1656 : vector<16xf32>
        %parallel_loop3A_1669 = arith.constant dense<true> : vector<16xi1>
        %parallel_loop3A_1670, %parallel_loop3A_1671, %parallel_loop3A_1672 = tpu.sort %parallel_loop3A_1667, %parallel_loop3A_1667 masked %parallel_loop3A_1669 : (vector<16xf32>, vector<16xf32>, vector<16xi1>) -> (vector<16xi1>, vector<16xf32>, vector<16xf32>)
        %parallel_loop3A_1673 = arith.constant dense<true> : vector<16xi1>
        %parallel_loop3A_1674, %parallel_loop3A_1675, %parallel_loop3A_1676 = tpu.sort %parallel_loop3A_1668, %parallel_loop3A_1668 masked %parallel_loop3A_1673 : (vector<16xf32>, vector<16xf32>, vector<16xi1>) -> (vector<16xi1>, vector<16xf32>, vector<16xf32>)
        %parallel_loop3A_1677 = arith.constant 15 : i32
        %parallel_loop3A_1678 = vector.broadcast %parallel_loop3A_1677 : i32 to vector<16xi32>
        %parallel_loop3A_1679 = tpu.iota {dimensions = array<i32: 0>} : vector<16xi32>
        %parallel_loop3A_1680 = arith.subi %parallel_loop3A_1678, %parallel_loop3A_1679 : vector<16xi32>
        %parallel_loop3A_1681 = tpu.dynamic_gather %parallel_loop3A_1641[%parallel_loop3A_1680] in [0] : vector<16xf32>, vector<16xi32> -> vector<16xf32>
        %parallel_loop3A_1682 = arith.constant 15 : i32
        %parallel_loop3A_1683 = vector.broadcast %parallel_loop3A_1682 : i32 to vector<16xi32>
        %parallel_loop3A_1684 = tpu.iota {dimensions = array<i32: 0>} : vector<16xi32>
        %parallel_loop3A_1685 = arith.subi %parallel_loop3A_1683, %parallel_loop3A_1684 : vector<16xi32>
        %parallel_loop3A_1686 = tpu.dynamic_gather %parallel_loop3A_1637[%parallel_loop3A_1685] in [0] : vector<16xf32>, vector<16xi32> -> vector<16xf32>
        %parallel_loop3A_1687 = arith.minimumf %parallel_loop3A_1622, %parallel_loop3A_1681 : vector<16xf32>
        %parallel_loop3A_1688 = arith.minimumf %parallel_loop3A_1626, %parallel_loop3A_1686 : vector<16xf32>
        %parallel_loop3A_1689 = arith.maximumf %parallel_loop3A_1622, %parallel_loop3A_1681 : vector<16xf32>
        %parallel_loop3A_1690 = arith.maximumf %parallel_loop3A_1626, %parallel_loop3A_1686 : vector<16xf32>
        %parallel_loop3A_1691 = arith.minimumf %parallel_loop3A_1687, %parallel_loop3A_1688 : vector<16xf32>
        %parallel_loop3A_1692 = arith.maximumf %parallel_loop3A_1687, %parallel_loop3A_1688 : vector<16xf32>
        %parallel_loop3A_1693 = arith.constant dense<true> : vector<16xi1>
        %parallel_loop3A_1694, %parallel_loop3A_1695, %parallel_loop3A_1696 = tpu.sort %parallel_loop3A_1691, %parallel_loop3A_1691 masked %parallel_loop3A_1693 : (vector<16xf32>, vector<16xf32>, vector<16xi1>) -> (vector<16xi1>, vector<16xf32>, vector<16xf32>)
        %parallel_loop3A_1697 = arith.constant dense<true> : vector<16xi1>
        %parallel_loop3A_1698, %parallel_loop3A_1699, %parallel_loop3A_1700 = tpu.sort %parallel_loop3A_1692, %parallel_loop3A_1692 masked %parallel_loop3A_1697 : (vector<16xf32>, vector<16xf32>, vector<16xi1>) -> (vector<16xi1>, vector<16xf32>, vector<16xf32>)
        %parallel_loop3A_1701 = arith.minimumf %parallel_loop3A_1689, %parallel_loop3A_1690 : vector<16xf32>
        %parallel_loop3A_1702 = arith.maximumf %parallel_loop3A_1689, %parallel_loop3A_1690 : vector<16xf32>
        %parallel_loop3A_1703 = arith.constant dense<true> : vector<16xi1>
        %parallel_loop3A_1704, %parallel_loop3A_1705, %parallel_loop3A_1706 = tpu.sort %parallel_loop3A_1701, %parallel_loop3A_1701 masked %parallel_loop3A_1703 : (vector<16xf32>, vector<16xf32>, vector<16xi1>) -> (vector<16xi1>, vector<16xf32>, vector<16xf32>)
        %parallel_loop3A_1707 = arith.constant dense<true> : vector<16xi1>
        %parallel_loop3A_1708, %parallel_loop3A_1709, %parallel_loop3A_1710 = tpu.sort %parallel_loop3A_1702, %parallel_loop3A_1702 masked %parallel_loop3A_1707 : (vector<16xf32>, vector<16xf32>, vector<16xi1>) -> (vector<16xi1>, vector<16xf32>, vector<16xf32>)
        %parallel_loop3A_1711 = arith.constant 15 : i32
        %parallel_loop3A_1712 = vector.broadcast %parallel_loop3A_1711 : i32 to vector<16xi32>
        %parallel_loop3A_1713 = tpu.iota {dimensions = array<i32: 0>} : vector<16xi32>
        %parallel_loop3A_1714 = arith.subi %parallel_loop3A_1712, %parallel_loop3A_1713 : vector<16xi32>
        %parallel_loop3A_1715 = tpu.dynamic_gather %parallel_loop3A_1709[%parallel_loop3A_1714] in [0] : vector<16xf32>, vector<16xi32> -> vector<16xf32>
        %parallel_loop3A_1716 = arith.constant 15 : i32
        %parallel_loop3A_1717 = vector.broadcast %parallel_loop3A_1716 : i32 to vector<16xi32>
        %parallel_loop3A_1718 = tpu.iota {dimensions = array<i32: 0>} : vector<16xi32>
        %parallel_loop3A_1719 = arith.subi %parallel_loop3A_1717, %parallel_loop3A_1718 : vector<16xi32>
        %parallel_loop3A_1720 = tpu.dynamic_gather %parallel_loop3A_1705[%parallel_loop3A_1719] in [0] : vector<16xf32>, vector<16xi32> -> vector<16xf32>
        %parallel_loop3A_1721 = arith.constant 15 : i32
        %parallel_loop3A_1722 = vector.broadcast %parallel_loop3A_1721 : i32 to vector<16xi32>
        %parallel_loop3A_1723 = tpu.iota {dimensions = array<i32: 0>} : vector<16xi32>
        %parallel_loop3A_1724 = arith.subi %parallel_loop3A_1722, %parallel_loop3A_1723 : vector<16xi32>
        %parallel_loop3A_1725 = tpu.dynamic_gather %parallel_loop3A_1699[%parallel_loop3A_1724] in [0] : vector<16xf32>, vector<16xi32> -> vector<16xf32>
        %parallel_loop3A_1726 = arith.constant 15 : i32
        %parallel_loop3A_1727 = vector.broadcast %parallel_loop3A_1726 : i32 to vector<16xi32>
        %parallel_loop3A_1728 = tpu.iota {dimensions = array<i32: 0>} : vector<16xi32>
        %parallel_loop3A_1729 = arith.subi %parallel_loop3A_1727, %parallel_loop3A_1728 : vector<16xi32>
        %parallel_loop3A_1730 = tpu.dynamic_gather %parallel_loop3A_1695[%parallel_loop3A_1729] in [0] : vector<16xf32>, vector<16xi32> -> vector<16xf32>
        %parallel_loop3A_1731 = arith.minimumf %parallel_loop3A_1661, %parallel_loop3A_1715 : vector<16xf32>
        %parallel_loop3A_1732 = arith.minimumf %parallel_loop3A_1665, %parallel_loop3A_1720 : vector<16xf32>
        %parallel_loop3A_1733 = arith.minimumf %parallel_loop3A_1671, %parallel_loop3A_1725 : vector<16xf32>
        %parallel_loop3A_1734 = arith.minimumf %parallel_loop3A_1675, %parallel_loop3A_1730 : vector<16xf32>
        %parallel_loop3A_1735 = arith.maximumf %parallel_loop3A_1661, %parallel_loop3A_1715 : vector<16xf32>
        %parallel_loop3A_1736 = arith.maximumf %parallel_loop3A_1665, %parallel_loop3A_1720 : vector<16xf32>
        %parallel_loop3A_1737 = arith.maximumf %parallel_loop3A_1671, %parallel_loop3A_1725 : vector<16xf32>
        %parallel_loop3A_1738 = arith.maximumf %parallel_loop3A_1675, %parallel_loop3A_1730 : vector<16xf32>
        %parallel_loop3A_1739 = arith.minimumf %parallel_loop3A_1731, %parallel_loop3A_1733 : vector<16xf32>
        %parallel_loop3A_1740 = arith.minimumf %parallel_loop3A_1732, %parallel_loop3A_1734 : vector<16xf32>
        %parallel_loop3A_1741 = arith.maximumf %parallel_loop3A_1731, %parallel_loop3A_1733 : vector<16xf32>
        %parallel_loop3A_1742 = arith.maximumf %parallel_loop3A_1732, %parallel_loop3A_1734 : vector<16xf32>
        %parallel_loop3A_1743 = arith.minimumf %parallel_loop3A_1739, %parallel_loop3A_1740 : vector<16xf32>
        %parallel_loop3A_1744 = arith.maximumf %parallel_loop3A_1739, %parallel_loop3A_1740 : vector<16xf32>
        %parallel_loop3A_1745 = arith.constant dense<true> : vector<16xi1>
        %parallel_loop3A_1746, %parallel_loop3A_1747, %parallel_loop3A_1748 = tpu.sort %parallel_loop3A_1743, %parallel_loop3A_1743 masked %parallel_loop3A_1745 : (vector<16xf32>, vector<16xf32>, vector<16xi1>) -> (vector<16xi1>, vector<16xf32>, vector<16xf32>)
        %parallel_loop3A_1749 = arith.constant dense<true> : vector<16xi1>
        %parallel_loop3A_1750, %parallel_loop3A_1751, %parallel_loop3A_1752 = tpu.sort %parallel_loop3A_1744, %parallel_loop3A_1744 masked %parallel_loop3A_1749 : (vector<16xf32>, vector<16xf32>, vector<16xi1>) -> (vector<16xi1>, vector<16xf32>, vector<16xf32>)
        %parallel_loop3A_1753 = arith.minimumf %parallel_loop3A_1741, %parallel_loop3A_1742 : vector<16xf32>
        %parallel_loop3A_1754 = arith.maximumf %parallel_loop3A_1741, %parallel_loop3A_1742 : vector<16xf32>
        %parallel_loop3A_1755 = arith.constant dense<true> : vector<16xi1>
        %parallel_loop3A_1756, %parallel_loop3A_1757, %parallel_loop3A_1758 = tpu.sort %parallel_loop3A_1753, %parallel_loop3A_1753 masked %parallel_loop3A_1755 : (vector<16xf32>, vector<16xf32>, vector<16xi1>) -> (vector<16xi1>, vector<16xf32>, vector<16xf32>)
        %parallel_loop3A_1759 = arith.constant dense<true> : vector<16xi1>
        %parallel_loop3A_1760, %parallel_loop3A_1761, %parallel_loop3A_1762 = tpu.sort %parallel_loop3A_1754, %parallel_loop3A_1754 masked %parallel_loop3A_1759 : (vector<16xf32>, vector<16xf32>, vector<16xi1>) -> (vector<16xi1>, vector<16xf32>, vector<16xf32>)
        %parallel_loop3A_1763 = arith.minimumf %parallel_loop3A_1735, %parallel_loop3A_1737 : vector<16xf32>
        %parallel_loop3A_1764 = arith.minimumf %parallel_loop3A_1736, %parallel_loop3A_1738 : vector<16xf32>
        %parallel_loop3A_1765 = arith.maximumf %parallel_loop3A_1735, %parallel_loop3A_1737 : vector<16xf32>
        %parallel_loop3A_1766 = arith.maximumf %parallel_loop3A_1736, %parallel_loop3A_1738 : vector<16xf32>
        %parallel_loop3A_1767 = arith.minimumf %parallel_loop3A_1763, %parallel_loop3A_1764 : vector<16xf32>
        %parallel_loop3A_1768 = arith.maximumf %parallel_loop3A_1763, %parallel_loop3A_1764 : vector<16xf32>
        %parallel_loop3A_1769 = arith.constant dense<true> : vector<16xi1>
        %parallel_loop3A_1770, %parallel_loop3A_1771, %parallel_loop3A_1772 = tpu.sort %parallel_loop3A_1767, %parallel_loop3A_1767 masked %parallel_loop3A_1769 : (vector<16xf32>, vector<16xf32>, vector<16xi1>) -> (vector<16xi1>, vector<16xf32>, vector<16xf32>)
        %parallel_loop3A_1773 = arith.constant dense<true> : vector<16xi1>
        %parallel_loop3A_1774, %parallel_loop3A_1775, %parallel_loop3A_1776 = tpu.sort %parallel_loop3A_1768, %parallel_loop3A_1768 masked %parallel_loop3A_1773 : (vector<16xf32>, vector<16xf32>, vector<16xi1>) -> (vector<16xi1>, vector<16xf32>, vector<16xf32>)
        %parallel_loop3A_1777 = arith.minimumf %parallel_loop3A_1765, %parallel_loop3A_1766 : vector<16xf32>
        %parallel_loop3A_1778 = arith.maximumf %parallel_loop3A_1765, %parallel_loop3A_1766 : vector<16xf32>
        %parallel_loop3A_1779 = arith.constant dense<true> : vector<16xi1>
        %parallel_loop3A_1780, %parallel_loop3A_1781, %parallel_loop3A_1782 = tpu.sort %parallel_loop3A_1777, %parallel_loop3A_1777 masked %parallel_loop3A_1779 : (vector<16xf32>, vector<16xf32>, vector<16xi1>) -> (vector<16xi1>, vector<16xf32>, vector<16xf32>)
        %parallel_loop3A_1783 = arith.constant dense<true> : vector<16xi1>
        %parallel_loop3A_1784, %parallel_loop3A_1785, %parallel_loop3A_1786 = tpu.sort %parallel_loop3A_1778, %parallel_loop3A_1778 masked %parallel_loop3A_1783 : (vector<16xf32>, vector<16xf32>, vector<16xi1>) -> (vector<16xi1>, vector<16xf32>, vector<16xf32>)
        %parallel_loop3A_1787 = arith.subf %parallel_loop3A_1747, %parallel_loop3A_1317 : vector<16xf32>
        %parallel_loop3A_1788 = arith.index_cast %parallel_loop3A_1006 : i32 to index
        %parallel_loop3A_1789 = arith.index_cast %parallel_loop3A_1316 : i32 to index
        %parallel_loop3A_1790 = arith.constant 0 : index
        %parallel_loop3A_1791 = tpu.vector_load %arg9[%parallel_loop3A_1788, %parallel_loop3A_1789, %parallel_loop3A_1790] {strides = array<i32>} : memref<8x16x128xf32, #tpu.memory_space<vmem>>, vector<16xf32>,
        tpu.vector_store %arg9[%parallel_loop3A_1788, %parallel_loop3A_1789, %parallel_loop3A_1790], %parallel_loop3A_1787 {strides = array<i32>} : memref<8x16x128xf32, #tpu.memory_space<vmem>>, vector<16xf32>,
        %parallel_loop3A_1792 = arith.subf %parallel_loop3A_1751, %parallel_loop3A_1318 : vector<16xf32>
        %parallel_loop3A_1793 = arith.index_cast %parallel_loop3A_1006 : i32 to index
        %parallel_loop3A_1794 = arith.index_cast %parallel_loop3A_1316 : i32 to index
        %parallel_loop3A_1795 = arith.constant 16 : index
        %parallel_loop3A_1796 = tpu.vector_load %arg9[%parallel_loop3A_1793, %parallel_loop3A_1794, %parallel_loop3A_1795] {strides = array<i32>} : memref<8x16x128xf32, #tpu.memory_space<vmem>>, vector<16xf32>,
        tpu.vector_store %arg9[%parallel_loop3A_1793, %parallel_loop3A_1794, %parallel_loop3A_1795], %parallel_loop3A_1792 {strides = array<i32>} : memref<8x16x128xf32, #tpu.memory_space<vmem>>, vector<16xf32>,
        %parallel_loop3A_1797 = arith.subf %parallel_loop3A_1757, %parallel_loop3A_1319 : vector<16xf32>
        %parallel_loop3A_1798 = arith.index_cast %parallel_loop3A_1006 : i32 to index
        %parallel_loop3A_1799 = arith.index_cast %parallel_loop3A_1316 : i32 to index
        %parallel_loop3A_1800 = arith.constant 32 : index
        %parallel_loop3A_1801 = tpu.vector_load %arg9[%parallel_loop3A_1798, %parallel_loop3A_1799, %parallel_loop3A_1800] {strides = array<i32>} : memref<8x16x128xf32, #tpu.memory_space<vmem>>, vector<16xf32>,
        tpu.vector_store %arg9[%parallel_loop3A_1798, %parallel_loop3A_1799, %parallel_loop3A_1800], %parallel_loop3A_1797 {strides = array<i32>} : memref<8x16x128xf32, #tpu.memory_space<vmem>>, vector<16xf32>,
        %parallel_loop3A_1802 = arith.subf %parallel_loop3A_1761, %parallel_loop3A_1320 : vector<16xf32>
        %parallel_loop3A_1803 = arith.index_cast %parallel_loop3A_1006 : i32 to index
        %parallel_loop3A_1804 = arith.index_cast %parallel_loop3A_1316 : i32 to index
        %parallel_loop3A_1805 = arith.constant 48 : index
        %parallel_loop3A_1806 = tpu.vector_load %arg9[%parallel_loop3A_1803, %parallel_loop3A_1804, %parallel_loop3A_1805] {strides = array<i32>} : memref<8x16x128xf32, #tpu.memory_space<vmem>>, vector<16xf32>,
        tpu.vector_store %arg9[%parallel_loop3A_1803, %parallel_loop3A_1804, %parallel_loop3A_1805], %parallel_loop3A_1802 {strides = array<i32>} : memref<8x16x128xf32, #tpu.memory_space<vmem>>, vector<16xf32>,
        %parallel_loop3A_1807 = arith.subf %parallel_loop3A_1771, %parallel_loop3A_1321 : vector<16xf32>
        %parallel_loop3A_1808 = arith.index_cast %parallel_loop3A_1006 : i32 to index
        %parallel_loop3A_1809 = arith.index_cast %parallel_loop3A_1316 : i32 to index
        %parallel_loop3A_1810 = arith.constant 64 : index
        %parallel_loop3A_1811 = tpu.vector_load %arg9[%parallel_loop3A_1808, %parallel_loop3A_1809, %parallel_loop3A_1810] {strides = array<i32>} : memref<8x16x128xf32, #tpu.memory_space<vmem>>, vector<16xf32>,
        tpu.vector_store %arg9[%parallel_loop3A_1808, %parallel_loop3A_1809, %parallel_loop3A_1810], %parallel_loop3A_1807 {strides = array<i32>} : memref<8x16x128xf32, #tpu.memory_space<vmem>>, vector<16xf32>,
        %parallel_loop3A_1812 = arith.subf %parallel_loop3A_1775, %parallel_loop3A_1322 : vector<16xf32>
        %parallel_loop3A_1813 = arith.index_cast %parallel_loop3A_1006 : i32 to index
        %parallel_loop3A_1814 = arith.index_cast %parallel_loop3A_1316 : i32 to index
        %parallel_loop3A_1815 = arith.constant 80 : index
        %parallel_loop3A_1816 = tpu.vector_load %arg9[%parallel_loop3A_1813, %parallel_loop3A_1814, %parallel_loop3A_1815] {strides = array<i32>} : memref<8x16x128xf32, #tpu.memory_space<vmem>>, vector<16xf32>,
        tpu.vector_store %arg9[%parallel_loop3A_1813, %parallel_loop3A_1814, %parallel_loop3A_1815], %parallel_loop3A_1812 {strides = array<i32>} : memref<8x16x128xf32, #tpu.memory_space<vmem>>, vector<16xf32>,
        %parallel_loop3A_1817 = arith.subf %parallel_loop3A_1781, %parallel_loop3A_1323 : vector<16xf32>
        %parallel_loop3A_1818 = arith.index_cast %parallel_loop3A_1006 : i32 to index
        %parallel_loop3A_1819 = arith.index_cast %parallel_loop3A_1316 : i32 to index
        %parallel_loop3A_1820 = arith.constant 96 : index
        %parallel_loop3A_1821 = tpu.vector_load %arg9[%parallel_loop3A_1818, %parallel_loop3A_1819, %parallel_loop3A_1820] {strides = array<i32>} : memref<8x16x128xf32, #tpu.memory_space<vmem>>, vector<16xf32>,
        tpu.vector_store %arg9[%parallel_loop3A_1818, %parallel_loop3A_1819, %parallel_loop3A_1820], %parallel_loop3A_1817 {strides = array<i32>} : memref<8x16x128xf32, #tpu.memory_space<vmem>>, vector<16xf32>,
        %parallel_loop3A_1822 = arith.subf %parallel_loop3A_1785, %parallel_loop3A_1324 : vector<16xf32>
        %parallel_loop3A_1823 = arith.index_cast %parallel_loop3A_1006 : i32 to index
        %parallel_loop3A_1824 = arith.index_cast %parallel_loop3A_1316 : i32 to index
        %parallel_loop3A_1825 = arith.constant 112 : index
        %parallel_loop3A_1826 = tpu.vector_load %arg9[%parallel_loop3A_1823, %parallel_loop3A_1824, %parallel_loop3A_1825] {strides = array<i32>} : memref<8x16x128xf32, #tpu.memory_space<vmem>>, vector<16xf32>,
        tpu.vector_store %arg9[%parallel_loop3A_1823, %parallel_loop3A_1824, %parallel_loop3A_1825], %parallel_loop3A_1822 {strides = array<i32>} : memref<8x16x128xf32, #tpu.memory_space<vmem>>, vector<16xf32>,
        scf.yield %parallel_loop3A_1317, %parallel_loop3A_1318, %parallel_loop3A_1319, %parallel_loop3A_1320, %parallel_loop3A_1321, %parallel_loop3A_1322, %parallel_loop3A_1323, %parallel_loop3A_1324 : vector<16xf32>, vector<16xf32>, vector<16xf32>, vector<16xf32>, vector<16xf32>, vector<16xf32>, vector<16xf32>, vector<16xf32>
      } {sc.loop_unroll_factor = 1 : i64, sc.parallel_access}
      %parallel_loop3A_1298 = arith.constant 16 : i32
      %parallel_loop3A_1299 = arith.muli %select_n3A_28, %parallel_loop3A_1298 : i32
      %parallel_loop3A_1300 = arith.constant 128 : i32
      %parallel_loop3A_1301 = arith.muli %parallel_loop3A_1009, %parallel_loop3A_1300 : i32
      %parallel_loop3A_1302 = arith.constant 0 : i32
      %parallel_loop3A_1303 = arith.constant 0 : i32
      %parallel_loop3A_1304 = tpu.memref_slice %arg9[%parallel_loop3A_1006, %parallel_loop3A_1302, %parallel_loop3A_1303] : memref<8x16x128xf32, #tpu.memory_space<vmem>> -> memref<1x16x128xf32, #tpu.memory_space<vmem>>
      %parallel_loop3A_1305 = tpu.memref_squeeze %parallel_loop3A_1304 : memref<1x16x128xf32, #tpu.memory_space<vmem>> -> memref<16x128xf32, #tpu.memory_space<vmem>>
      %parallel_loop3A_1306 = tpu.memref_slice %arg3[%select_n3A, %parallel_loop3A_1299, %parallel_loop3A_1301] : memref<4x64x2048xf32, #tpu.memory_space<hbm>> -> memref<1x16x128xf32, #tpu.memory_space<hbm>>
      %parallel_loop3A_1307 = tpu.memref_squeeze %parallel_loop3A_1306 : memref<1x16x128xf32, #tpu.memory_space<hbm>> -> memref<16x128xf32, #tpu.memory_space<hbm>>
      %parallel_loop3A_1308 = tpu.memref_slice %arg10[%parallel_loop3A_1006] : memref<8x!tpu.dma_semaphore, #tpu.memory_space<semaphore_mem>> -> memref<1x!tpu.dma_semaphore, #tpu.memory_space<semaphore_mem>>
      %parallel_loop3A_1309 = tpu.memref_squeeze %parallel_loop3A_1308 : memref<1x!tpu.dma_semaphore, #tpu.memory_space<semaphore_mem>> -> memref<!tpu.dma_semaphore, #tpu.memory_space<semaphore_mem>>
      %parallel_loop3A_1310 = tpu.memref_slice %arg3[%select_n3A, %parallel_loop3A_1299, %parallel_loop3A_1301] : memref<4x64x2048xf32, #tpu.memory_space<hbm>> -> memref<1x16x128xf32, #tpu.memory_space<hbm>>
      %parallel_loop3A_1311 = tpu.memref_squeeze %parallel_loop3A_1310 : memref<1x16x128xf32, #tpu.memory_space<hbm>> -> memref<16x128xf32, #tpu.memory_space<hbm>>
      %parallel_loop3A_1312 = arith.constant 0 : i32
      %parallel_loop3A_1313 = arith.constant 0 : i32
      %parallel_loop3A_1314 = tpu.memref_slice %arg9[%parallel_loop3A_1006, %parallel_loop3A_1312, %parallel_loop3A_1313] : memref<8x16x128xf32, #tpu.memory_space<vmem>> -> memref<1x16x128xf32, #tpu.memory_space<vmem>>
      %parallel_loop3A_1315 = tpu.memref_squeeze %parallel_loop3A_1314 : memref<1x16x128xf32, #tpu.memory_space<vmem>> -> memref<16x128xf32, #tpu.memory_space<vmem>>
      tpu.enqueue_dma source(%parallel_loop3A_1315 : memref<16x128xf32, #tpu.memory_space<vmem>>) target(%parallel_loop3A_1311 : memref<16x128xf32, #tpu.memory_space<hbm>>) target_semaphore(%parallel_loop3A_1309 : memref<!tpu.dma_semaphore, #tpu.memory_space<semaphore_mem>>)
    } {sc.loop_unroll_factor = 1 : i64, sc.parallel_access}
    %mul3A_815 = arith.constant 8 : i32
    %mul3A_816 = arith.muli %arg0, %mul3A_815 : i32
    %add3A_817 = arith.constant 0 : i32
    %add3A_818 = arith.addi %mul3A_816, %add3A_817 : i32
    %mul3A_819 = arith.constant 16 : i32
    %mul3A_820 = arith.muli %select_n3A_28, %mul3A_819 : i32
    %mul3A_821 = arith.constant 128 : i32
    %mul3A_822 = arith.muli %add3A_818, %mul3A_821 : i32
    %dma_wait3A = arith.constant 0 : i32
    %dma_wait3A_823 = arith.constant 0 : i32
    %dma_wait3A_824 = arith.constant 0 : i32
    %dma_wait3A_825 = arith.constant 0 : i32
    %dma_wait3A_826 = tpu.memref_slice %arg9[%dma_wait3A, %dma_wait3A_824, %dma_wait3A_825] : memref<8x16x128xf32, #tpu.memory_space<vmem>> -> memref<1x16x128xf32, #tpu.memory_space<vmem>>
    %dma_wait3A_827 = tpu.memref_squeeze %dma_wait3A_826 : memref<1x16x128xf32, #tpu.memory_space<vmem>> -> memref<16x128xf32, #tpu.memory_space<vmem>>
    %dma_wait3A_828 = tpu.memref_slice %arg3[%select_n3A, %mul3A_820, %mul3A_822] : memref<4x64x2048xf32, #tpu.memory_space<hbm>> -> memref<1x16x128xf32, #tpu.memory_space<hbm>>
    %dma_wait3A_829 = tpu.memref_squeeze %dma_wait3A_828 : memref<1x16x128xf32, #tpu.memory_space<hbm>> -> memref<16x128xf32, #tpu.memory_space<hbm>>
    %dma_wait3A_830 = tpu.memref_slice %arg10[%dma_wait3A_823] : memref<8x!tpu.dma_semaphore, #tpu.memory_space<semaphore_mem>> -> memref<1x!tpu.dma_semaphore, #tpu.memory_space<semaphore_mem>>
    %dma_wait3A_831 = tpu.memref_squeeze %dma_wait3A_830 : memref<1x!tpu.dma_semaphore, #tpu.memory_space<semaphore_mem>> -> memref<!tpu.dma_semaphore, #tpu.memory_space<semaphore_mem>>
    %dma_wait3A_832 = tpu.memref_slice %arg3[%select_n3A, %mul3A_820, %mul3A_822] : memref<4x64x2048xf32, #tpu.memory_space<hbm>> -> memref<1x16x128xf32, #tpu.memory_space<hbm>>
    %dma_wait3A_833 = tpu.memref_squeeze %dma_wait3A_832 : memref<1x16x128xf32, #tpu.memory_space<hbm>> -> memref<16x128xf32, #tpu.memory_space<hbm>>
    %dma_wait3A_834 = arith.constant 0 : i32
    %dma_wait3A_835 = arith.constant 0 : i32
    %dma_wait3A_836 = tpu.memref_slice %arg9[%dma_wait3A, %dma_wait3A_834, %dma_wait3A_835] : memref<8x16x128xf32, #tpu.memory_space<vmem>> -> memref<1x16x128xf32, #tpu.memory_space<vmem>>
    %dma_wait3A_837 = tpu.memref_squeeze %dma_wait3A_836 : memref<1x16x128xf32, #tpu.memory_space<vmem>> -> memref<16x128xf32, #tpu.memory_space<vmem>>
    tpu.wait_dma2 semaphore(%dma_wait3A_831 : memref<!tpu.dma_semaphore, #tpu.memory_space<semaphore_mem>>) src(%dma_wait3A_837 : memref<16x128xf32, #tpu.memory_space<vmem>>) dst(%dma_wait3A_833 : memref<16x128xf32, #tpu.memory_space<hbm>>)
    %mul3A_838 = arith.constant 8 : i32
    %mul3A_839 = arith.muli %arg0, %mul3A_838 : i32
    %add3A_840 = arith.constant 1 : i32
    %add3A_841 = arith.addi %mul3A_839, %add3A_840 : i32
    %mul3A_842 = arith.constant 16 : i32
    %mul3A_843 = arith.muli %select_n3A_28, %mul3A_842 : i32
    %mul3A_844 = arith.constant 128 : i32
    %mul3A_845 = arith.muli %add3A_841, %mul3A_844 : i32
    %dma_wait3A_846 = arith.constant 1 : i32
    %dma_wait3A_847 = arith.constant 1 : i32
    %dma_wait3A_848 = arith.constant 0 : i32
    %dma_wait3A_849 = arith.constant 0 : i32
    %dma_wait3A_850 = tpu.memref_slice %arg9[%dma_wait3A_846, %dma_wait3A_848, %dma_wait3A_849] : memref<8x16x128xf32, #tpu.memory_space<vmem>> -> memref<1x16x128xf32, #tpu.memory_space<vmem>>
    %dma_wait3A_851 = tpu.memref_squeeze %dma_wait3A_850 : memref<1x16x128xf32, #tpu.memory_space<vmem>> -> memref<16x128xf32, #tpu.memory_space<vmem>>
    %dma_wait3A_852 = tpu.memref_slice %arg3[%select_n3A, %mul3A_843, %mul3A_845] : memref<4x64x2048xf32, #tpu.memory_space<hbm>> -> memref<1x16x128xf32, #tpu.memory_space<hbm>>
    %dma_wait3A_853 = tpu.memref_squeeze %dma_wait3A_852 : memref<1x16x128xf32, #tpu.memory_space<hbm>> -> memref<16x128xf32, #tpu.memory_space<hbm>>
    %dma_wait3A_854 = tpu.memref_slice %arg10[%dma_wait3A_847] : memref<8x!tpu.dma_semaphore, #tpu.memory_space<semaphore_mem>> -> memref<1x!tpu.dma_semaphore, #tpu.memory_space<semaphore_mem>>
    %dma_wait3A_855 = tpu.memref_squeeze %dma_wait3A_854 : memref<1x!tpu.dma_semaphore, #tpu.memory_space<semaphore_mem>> -> memref<!tpu.dma_semaphore, #tpu.memory_space<semaphore_mem>>
    %dma_wait3A_856 = tpu.memref_slice %arg3[%select_n3A, %mul3A_843, %mul3A_845] : memref<4x64x2048xf32, #tpu.memory_space<hbm>> -> memref<1x16x128xf32, #tpu.memory_space<hbm>>
    %dma_wait3A_857 = tpu.memref_squeeze %dma_wait3A_856 : memref<1x16x128xf32, #tpu.memory_space<hbm>> -> memref<16x128xf32, #tpu.memory_space<hbm>>
    %dma_wait3A_858 = arith.constant 0 : i32
    %dma_wait3A_859 = arith.constant 0 : i32
    %dma_wait3A_860 = tpu.memref_slice %arg9[%dma_wait3A_846, %dma_wait3A_858, %dma_wait3A_859] : memref<8x16x128xf32, #tpu.memory_space<vmem>> -> memref<1x16x128xf32, #tpu.memory_space<vmem>>
    %dma_wait3A_861 = tpu.memref_squeeze %dma_wait3A_860 : memref<1x16x128xf32, #tpu.memory_space<vmem>> -> memref<16x128xf32, #tpu.memory_space<vmem>>
    tpu.wait_dma2 semaphore(%dma_wait3A_855 : memref<!tpu.dma_semaphore, #tpu.memory_space<semaphore_mem>>) src(%dma_wait3A_861 : memref<16x128xf32, #tpu.memory_space<vmem>>) dst(%dma_wait3A_857 : memref<16x128xf32, #tpu.memory_space<hbm>>)
    %mul3A_862 = arith.constant 8 : i32
    %mul3A_863 = arith.muli %arg0, %mul3A_862 : i32
    %add3A_864 = arith.constant 2 : i32
    %add3A_865 = arith.addi %mul3A_863, %add3A_864 : i32
    %mul3A_866 = arith.constant 16 : i32
    %mul3A_867 = arith.muli %select_n3A_28, %mul3A_866 : i32
    %mul3A_868 = arith.constant 128 : i32
    %mul3A_869 = arith.muli %add3A_865, %mul3A_868 : i32
    %dma_wait3A_870 = arith.constant 2 : i32
    %dma_wait3A_871 = arith.constant 2 : i32
    %dma_wait3A_872 = arith.constant 0 : i32
    %dma_wait3A_873 = arith.constant 0 : i32
    %dma_wait3A_874 = tpu.memref_slice %arg9[%dma_wait3A_870, %dma_wait3A_872, %dma_wait3A_873] : memref<8x16x128xf32, #tpu.memory_space<vmem>> -> memref<1x16x128xf32, #tpu.memory_space<vmem>>
    %dma_wait3A_875 = tpu.memref_squeeze %dma_wait3A_874 : memref<1x16x128xf32, #tpu.memory_space<vmem>> -> memref<16x128xf32, #tpu.memory_space<vmem>>
    %dma_wait3A_876 = tpu.memref_slice %arg3[%select_n3A, %mul3A_867, %mul3A_869] : memref<4x64x2048xf32, #tpu.memory_space<hbm>> -> memref<1x16x128xf32, #tpu.memory_space<hbm>>
    %dma_wait3A_877 = tpu.memref_squeeze %dma_wait3A_876 : memref<1x16x128xf32, #tpu.memory_space<hbm>> -> memref<16x128xf32, #tpu.memory_space<hbm>>
    %dma_wait3A_878 = tpu.memref_slice %arg10[%dma_wait3A_871] : memref<8x!tpu.dma_semaphore, #tpu.memory_space<semaphore_mem>> -> memref<1x!tpu.dma_semaphore, #tpu.memory_space<semaphore_mem>>
    %dma_wait3A_879 = tpu.memref_squeeze %dma_wait3A_878 : memref<1x!tpu.dma_semaphore, #tpu.memory_space<semaphore_mem>> -> memref<!tpu.dma_semaphore, #tpu.memory_space<semaphore_mem>>
    %dma_wait3A_880 = tpu.memref_slice %arg3[%select_n3A, %mul3A_867, %mul3A_869] : memref<4x64x2048xf32, #tpu.memory_space<hbm>> -> memref<1x16x128xf32, #tpu.memory_space<hbm>>
    %dma_wait3A_881 = tpu.memref_squeeze %dma_wait3A_880 : memref<1x16x128xf32, #tpu.memory_space<hbm>> -> memref<16x128xf32, #tpu.memory_space<hbm>>
    %dma_wait3A_882 = arith.constant 0 : i32
    %dma_wait3A_883 = arith.constant 0 : i32
    %dma_wait3A_884 = tpu.memref_slice %arg9[%dma_wait3A_870, %dma_wait3A_882, %dma_wait3A_883] : memref<8x16x128xf32, #tpu.memory_space<vmem>> -> memref<1x16x128xf32, #tpu.memory_space<vmem>>
    %dma_wait3A_885 = tpu.memref_squeeze %dma_wait3A_884 : memref<1x16x128xf32, #tpu.memory_space<vmem>> -> memref<16x128xf32, #tpu.memory_space<vmem>>
    tpu.wait_dma2 semaphore(%dma_wait3A_879 : memref<!tpu.dma_semaphore, #tpu.memory_space<semaphore_mem>>) src(%dma_wait3A_885 : memref<16x128xf32, #tpu.memory_space<vmem>>) dst(%dma_wait3A_881 : memref<16x128xf32, #tpu.memory_space<hbm>>)
    %mul3A_886 = arith.constant 8 : i32
    %mul3A_887 = arith.muli %arg0, %mul3A_886 : i32
    %add3A_888 = arith.constant 3 : i32
    %add3A_889 = arith.addi %mul3A_887, %add3A_888 : i32
    %mul3A_890 = arith.constant 16 : i32
    %mul3A_891 = arith.muli %select_n3A_28, %mul3A_890 : i32
    %mul3A_892 = arith.constant 128 : i32
    %mul3A_893 = arith.muli %add3A_889, %mul3A_892 : i32
    %dma_wait3A_894 = arith.constant 3 : i32
    %dma_wait3A_895 = arith.constant 3 : i32
    %dma_wait3A_896 = arith.constant 0 : i32
    %dma_wait3A_897 = arith.constant 0 : i32
    %dma_wait3A_898 = tpu.memref_slice %arg9[%dma_wait3A_894, %dma_wait3A_896, %dma_wait3A_897] : memref<8x16x128xf32, #tpu.memory_space<vmem>> -> memref<1x16x128xf32, #tpu.memory_space<vmem>>
    %dma_wait3A_899 = tpu.memref_squeeze %dma_wait3A_898 : memref<1x16x128xf32, #tpu.memory_space<vmem>> -> memref<16x128xf32, #tpu.memory_space<vmem>>
    %dma_wait3A_900 = tpu.memref_slice %arg3[%select_n3A, %mul3A_891, %mul3A_893] : memref<4x64x2048xf32, #tpu.memory_space<hbm>> -> memref<1x16x128xf32, #tpu.memory_space<hbm>>
    %dma_wait3A_901 = tpu.memref_squeeze %dma_wait3A_900 : memref<1x16x128xf32, #tpu.memory_space<hbm>> -> memref<16x128xf32, #tpu.memory_space<hbm>>
    %dma_wait3A_902 = tpu.memref_slice %arg10[%dma_wait3A_895] : memref<8x!tpu.dma_semaphore, #tpu.memory_space<semaphore_mem>> -> memref<1x!tpu.dma_semaphore, #tpu.memory_space<semaphore_mem>>
    %dma_wait3A_903 = tpu.memref_squeeze %dma_wait3A_902 : memref<1x!tpu.dma_semaphore, #tpu.memory_space<semaphore_mem>> -> memref<!tpu.dma_semaphore, #tpu.memory_space<semaphore_mem>>
    %dma_wait3A_904 = tpu.memref_slice %arg3[%select_n3A, %mul3A_891, %mul3A_893] : memref<4x64x2048xf32, #tpu.memory_space<hbm>> -> memref<1x16x128xf32, #tpu.memory_space<hbm>>
    %dma_wait3A_905 = tpu.memref_squeeze %dma_wait3A_904 : memref<1x16x128xf32, #tpu.memory_space<hbm>> -> memref<16x128xf32, #tpu.memory_space<hbm>>
    %dma_wait3A_906 = arith.constant 0 : i32
    %dma_wait3A_907 = arith.constant 0 : i32
    %dma_wait3A_908 = tpu.memref_slice %arg9[%dma_wait3A_894, %dma_wait3A_906, %dma_wait3A_907] : memref<8x16x128xf32, #tpu.memory_space<vmem>> -> memref<1x16x128xf32, #tpu.memory_space<vmem>>
    %dma_wait3A_909 = tpu.memref_squeeze %dma_wait3A_908 : memref<1x16x128xf32, #tpu.memory_space<vmem>> -> memref<16x128xf32, #tpu.memory_space<vmem>>
    tpu.wait_dma2 semaphore(%dma_wait3A_903 : memref<!tpu.dma_semaphore, #tpu.memory_space<semaphore_mem>>) src(%dma_wait3A_909 : memref<16x128xf32, #tpu.memory_space<vmem>>) dst(%dma_wait3A_905 : memref<16x128xf32, #tpu.memory_space<hbm>>)
    %mul3A_910 = arith.constant 8 : i32
    %mul3A_911 = arith.muli %arg0, %mul3A_910 : i32
    %add3A_912 = arith.constant 4 : i32
    %add3A_913 = arith.addi %mul3A_911, %add3A_912 : i32
    %mul3A_914 = arith.constant 16 : i32
    %mul3A_915 = arith.muli %select_n3A_28, %mul3A_914 : i32
    %mul3A_916 = arith.constant 128 : i32
    %mul3A_917 = arith.muli %add3A_913, %mul3A_916 : i32
    %dma_wait3A_918 = arith.constant 4 : i32
    %dma_wait3A_919 = arith.constant 4 : i32
    %dma_wait3A_920 = arith.constant 0 : i32
    %dma_wait3A_921 = arith.constant 0 : i32
    %dma_wait3A_922 = tpu.memref_slice %arg9[%dma_wait3A_918, %dma_wait3A_920, %dma_wait3A_921] : memref<8x16x128xf32, #tpu.memory_space<vmem>> -> memref<1x16x128xf32, #tpu.memory_space<vmem>>
    %dma_wait3A_923 = tpu.memref_squeeze %dma_wait3A_922 : memref<1x16x128xf32, #tpu.memory_space<vmem>> -> memref<16x128xf32, #tpu.memory_space<vmem>>
    %dma_wait3A_924 = tpu.memref_slice %arg3[%select_n3A, %mul3A_915, %mul3A_917] : memref<4x64x2048xf32, #tpu.memory_space<hbm>> -> memref<1x16x128xf32, #tpu.memory_space<hbm>>
    %dma_wait3A_925 = tpu.memref_squeeze %dma_wait3A_924 : memref<1x16x128xf32, #tpu.memory_space<hbm>> -> memref<16x128xf32, #tpu.memory_space<hbm>>
    %dma_wait3A_926 = tpu.memref_slice %arg10[%dma_wait3A_919] : memref<8x!tpu.dma_semaphore, #tpu.memory_space<semaphore_mem>> -> memref<1x!tpu.dma_semaphore, #tpu.memory_space<semaphore_mem>>
    %dma_wait3A_927 = tpu.memref_squeeze %dma_wait3A_926 : memref<1x!tpu.dma_semaphore, #tpu.memory_space<semaphore_mem>> -> memref<!tpu.dma_semaphore, #tpu.memory_space<semaphore_mem>>
    %dma_wait3A_928 = tpu.memref_slice %arg3[%select_n3A, %mul3A_915, %mul3A_917] : memref<4x64x2048xf32, #tpu.memory_space<hbm>> -> memref<1x16x128xf32, #tpu.memory_space<hbm>>
    %dma_wait3A_929 = tpu.memref_squeeze %dma_wait3A_928 : memref<1x16x128xf32, #tpu.memory_space<hbm>> -> memref<16x128xf32, #tpu.memory_space<hbm>>
    %dma_wait3A_930 = arith.constant 0 : i32
    %dma_wait3A_931 = arith.constant 0 : i32
    %dma_wait3A_932 = tpu.memref_slice %arg9[%dma_wait3A_918, %dma_wait3A_930, %dma_wait3A_931] : memref<8x16x128xf32, #tpu.memory_space<vmem>> -> memref<1x16x128xf32, #tpu.memory_space<vmem>>
    %dma_wait3A_933 = tpu.memref_squeeze %dma_wait3A_932 : memref<1x16x128xf32, #tpu.memory_space<vmem>> -> memref<16x128xf32, #tpu.memory_space<vmem>>
    tpu.wait_dma2 semaphore(%dma_wait3A_927 : memref<!tpu.dma_semaphore, #tpu.memory_space<semaphore_mem>>) src(%dma_wait3A_933 : memref<16x128xf32, #tpu.memory_space<vmem>>) dst(%dma_wait3A_929 : memref<16x128xf32, #tpu.memory_space<hbm>>)
    %mul3A_934 = arith.constant 8 : i32
    %mul3A_935 = arith.muli %arg0, %mul3A_934 : i32
    %add3A_936 = arith.constant 5 : i32
    %add3A_937 = arith.addi %mul3A_935, %add3A_936 : i32
    %mul3A_938 = arith.constant 16 : i32
    %mul3A_939 = arith.muli %select_n3A_28, %mul3A_938 : i32
    %mul3A_940 = arith.constant 128 : i32
    %mul3A_941 = arith.muli %add3A_937, %mul3A_940 : i32
    %dma_wait3A_942 = arith.constant 5 : i32
    %dma_wait3A_943 = arith.constant 5 : i32
    %dma_wait3A_944 = arith.constant 0 : i32
    %dma_wait3A_945 = arith.constant 0 : i32
    %dma_wait3A_946 = tpu.memref_slice %arg9[%dma_wait3A_942, %dma_wait3A_944, %dma_wait3A_945] : memref<8x16x128xf32, #tpu.memory_space<vmem>> -> memref<1x16x128xf32, #tpu.memory_space<vmem>>
    %dma_wait3A_947 = tpu.memref_squeeze %dma_wait3A_946 : memref<1x16x128xf32, #tpu.memory_space<vmem>> -> memref<16x128xf32, #tpu.memory_space<vmem>>
    %dma_wait3A_948 = tpu.memref_slice %arg3[%select_n3A, %mul3A_939, %mul3A_941] : memref<4x64x2048xf32, #tpu.memory_space<hbm>> -> memref<1x16x128xf32, #tpu.memory_space<hbm>>
    %dma_wait3A_949 = tpu.memref_squeeze %dma_wait3A_948 : memref<1x16x128xf32, #tpu.memory_space<hbm>> -> memref<16x128xf32, #tpu.memory_space<hbm>>
    %dma_wait3A_950 = tpu.memref_slice %arg10[%dma_wait3A_943] : memref<8x!tpu.dma_semaphore, #tpu.memory_space<semaphore_mem>> -> memref<1x!tpu.dma_semaphore, #tpu.memory_space<semaphore_mem>>
    %dma_wait3A_951 = tpu.memref_squeeze %dma_wait3A_950 : memref<1x!tpu.dma_semaphore, #tpu.memory_space<semaphore_mem>> -> memref<!tpu.dma_semaphore, #tpu.memory_space<semaphore_mem>>
    %dma_wait3A_952 = tpu.memref_slice %arg3[%select_n3A, %mul3A_939, %mul3A_941] : memref<4x64x2048xf32, #tpu.memory_space<hbm>> -> memref<1x16x128xf32, #tpu.memory_space<hbm>>
    %dma_wait3A_953 = tpu.memref_squeeze %dma_wait3A_952 : memref<1x16x128xf32, #tpu.memory_space<hbm>> -> memref<16x128xf32, #tpu.memory_space<hbm>>
    %dma_wait3A_954 = arith.constant 0 : i32
    %dma_wait3A_955 = arith.constant 0 : i32
    %dma_wait3A_956 = tpu.memref_slice %arg9[%dma_wait3A_942, %dma_wait3A_954, %dma_wait3A_955] : memref<8x16x128xf32, #tpu.memory_space<vmem>> -> memref<1x16x128xf32, #tpu.memory_space<vmem>>
    %dma_wait3A_957 = tpu.memref_squeeze %dma_wait3A_956 : memref<1x16x128xf32, #tpu.memory_space<vmem>> -> memref<16x128xf32, #tpu.memory_space<vmem>>
    tpu.wait_dma2 semaphore(%dma_wait3A_951 : memref<!tpu.dma_semaphore, #tpu.memory_space<semaphore_mem>>) src(%dma_wait3A_957 : memref<16x128xf32, #tpu.memory_space<vmem>>) dst(%dma_wait3A_953 : memref<16x128xf32, #tpu.memory_space<hbm>>)
    %mul3A_958 = arith.constant 8 : i32
    %mul3A_959 = arith.muli %arg0, %mul3A_958 : i32
    %add3A_960 = arith.constant 6 : i32
    %add3A_961 = arith.addi %mul3A_959, %add3A_960 : i32
    %mul3A_962 = arith.constant 16 : i32
    %mul3A_963 = arith.muli %select_n3A_28, %mul3A_962 : i32
    %mul3A_964 = arith.constant 128 : i32
    %mul3A_965 = arith.muli %add3A_961, %mul3A_964 : i32
    %dma_wait3A_966 = arith.constant 6 : i32
    %dma_wait3A_967 = arith.constant 6 : i32
    %dma_wait3A_968 = arith.constant 0 : i32
    %dma_wait3A_969 = arith.constant 0 : i32
    %dma_wait3A_970 = tpu.memref_slice %arg9[%dma_wait3A_966, %dma_wait3A_968, %dma_wait3A_969] : memref<8x16x128xf32, #tpu.memory_space<vmem>> -> memref<1x16x128xf32, #tpu.memory_space<vmem>>
    %dma_wait3A_971 = tpu.memref_squeeze %dma_wait3A_970 : memref<1x16x128xf32, #tpu.memory_space<vmem>> -> memref<16x128xf32, #tpu.memory_space<vmem>>
    %dma_wait3A_972 = tpu.memref_slice %arg3[%select_n3A, %mul3A_963, %mul3A_965] : memref<4x64x2048xf32, #tpu.memory_space<hbm>> -> memref<1x16x128xf32, #tpu.memory_space<hbm>>
    %dma_wait3A_973 = tpu.memref_squeeze %dma_wait3A_972 : memref<1x16x128xf32, #tpu.memory_space<hbm>> -> memref<16x128xf32, #tpu.memory_space<hbm>>
    %dma_wait3A_974 = tpu.memref_slice %arg10[%dma_wait3A_967] : memref<8x!tpu.dma_semaphore, #tpu.memory_space<semaphore_mem>> -> memref<1x!tpu.dma_semaphore, #tpu.memory_space<semaphore_mem>>
    %dma_wait3A_975 = tpu.memref_squeeze %dma_wait3A_974 : memref<1x!tpu.dma_semaphore, #tpu.memory_space<semaphore_mem>> -> memref<!tpu.dma_semaphore, #tpu.memory_space<semaphore_mem>>
    %dma_wait3A_976 = tpu.memref_slice %arg3[%select_n3A, %mul3A_963, %mul3A_965] : memref<4x64x2048xf32, #tpu.memory_space<hbm>> -> memref<1x16x128xf32, #tpu.memory_space<hbm>>
    %dma_wait3A_977 = tpu.memref_squeeze %dma_wait3A_976 : memref<1x16x128xf32, #tpu.memory_space<hbm>> -> memref<16x128xf32, #tpu.memory_space<hbm>>
    %dma_wait3A_978 = arith.constant 0 : i32
    %dma_wait3A_979 = arith.constant 0 : i32
    %dma_wait3A_980 = tpu.memref_slice %arg9[%dma_wait3A_966, %dma_wait3A_978, %dma_wait3A_979] : memref<8x16x128xf32, #tpu.memory_space<vmem>> -> memref<1x16x128xf32, #tpu.memory_space<vmem>>
    %dma_wait3A_981 = tpu.memref_squeeze %dma_wait3A_980 : memref<1x16x128xf32, #tpu.memory_space<vmem>> -> memref<16x128xf32, #tpu.memory_space<vmem>>
    tpu.wait_dma2 semaphore(%dma_wait3A_975 : memref<!tpu.dma_semaphore, #tpu.memory_space<semaphore_mem>>) src(%dma_wait3A_981 : memref<16x128xf32, #tpu.memory_space<vmem>>) dst(%dma_wait3A_977 : memref<16x128xf32, #tpu.memory_space<hbm>>)
    %mul3A_982 = arith.constant 8 : i32
    %mul3A_983 = arith.muli %arg0, %mul3A_982 : i32
    %add3A_984 = arith.constant 7 : i32
    %add3A_985 = arith.addi %mul3A_983, %add3A_984 : i32
    %mul3A_986 = arith.constant 16 : i32
    %mul3A_987 = arith.muli %select_n3A_28, %mul3A_986 : i32
    %mul3A_988 = arith.constant 128 : i32
    %mul3A_989 = arith.muli %add3A_985, %mul3A_988 : i32
    %dma_wait3A_990 = arith.constant 7 : i32
    %dma_wait3A_991 = arith.constant 7 : i32
    %dma_wait3A_992 = arith.constant 0 : i32
    %dma_wait3A_993 = arith.constant 0 : i32
    %dma_wait3A_994 = tpu.memref_slice %arg9[%dma_wait3A_990, %dma_wait3A_992, %dma_wait3A_993] : memref<8x16x128xf32, #tpu.memory_space<vmem>> -> memref<1x16x128xf32, #tpu.memory_space<vmem>>
    %dma_wait3A_995 = tpu.memref_squeeze %dma_wait3A_994 : memref<1x16x128xf32, #tpu.memory_space<vmem>> -> memref<16x128xf32, #tpu.memory_space<vmem>>
    %dma_wait3A_996 = tpu.memref_slice %arg3[%select_n3A, %mul3A_987, %mul3A_989] : memref<4x64x2048xf32, #tpu.memory_space<hbm>> -> memref<1x16x128xf32, #tpu.memory_space<hbm>>
    %dma_wait3A_997 = tpu.memref_squeeze %dma_wait3A_996 : memref<1x16x128xf32, #tpu.memory_space<hbm>> -> memref<16x128xf32, #tpu.memory_space<hbm>>
    %dma_wait3A_998 = tpu.memref_slice %arg10[%dma_wait3A_991] : memref<8x!tpu.dma_semaphore, #tpu.memory_space<semaphore_mem>> -> memref<1x!tpu.dma_semaphore, #tpu.memory_space<semaphore_mem>>
    %dma_wait3A_999 = tpu.memref_squeeze %dma_wait3A_998 : memref<1x!tpu.dma_semaphore, #tpu.memory_space<semaphore_mem>> -> memref<!tpu.dma_semaphore, #tpu.memory_space<semaphore_mem>>
    %dma_wait3A_1000 = tpu.memref_slice %arg3[%select_n3A, %mul3A_987, %mul3A_989] : memref<4x64x2048xf32, #tpu.memory_space<hbm>> -> memref<1x16x128xf32, #tpu.memory_space<hbm>>
    %dma_wait3A_1001 = tpu.memref_squeeze %dma_wait3A_1000 : memref<1x16x128xf32, #tpu.memory_space<hbm>> -> memref<16x128xf32, #tpu.memory_space<hbm>>
    %dma_wait3A_1002 = arith.constant 0 : i32
    %dma_wait3A_1003 = arith.constant 0 : i32
    %dma_wait3A_1004 = tpu.memref_slice %arg9[%dma_wait3A_990, %dma_wait3A_1002, %dma_wait3A_1003] : memref<8x16x128xf32, #tpu.memory_space<vmem>> -> memref<1x16x128xf32, #tpu.memory_space<vmem>>
    %dma_wait3A_1005 = tpu.memref_squeeze %dma_wait3A_1004 : memref<1x16x128xf32, #tpu.memory_space<vmem>> -> memref<16x128xf32, #tpu.memory_space<vmem>>
    tpu.wait_dma2 semaphore(%dma_wait3A_999 : memref<!tpu.dma_semaphore, #tpu.memory_space<semaphore_mem>>) src(%dma_wait3A_1005 : memref<16x128xf32, #tpu.memory_space<vmem>>) dst(%dma_wait3A_1001 : memref<16x128xf32, #tpu.memory_space<hbm>>)
    return
  }
}

</mosaic_0001>

<sc_bundles>
// kernel: kernel.3.cloned.1.call-start
scs
__scs_entry_jumppad:
0x0: {  	(pc) =	sbr.rel $0x88, $3  }
0x1: {  	(tag) =	ssettag $0x0;
	lr =	simm.s32 $0x1  }
0x2: {  	[smem:$0x3FA0] =	sst lr;
	_ =	strace $0xD0000000  }
0x3: {  	_ = 	snop  }
0x4: {  	_ = 	snop  }
0x5: {  	_ = 	snop  }
0x6: {  	_ = 	snop  }
0x7: {  	_ = 	snop  }
__scs_overlays_trampoline_lowered:
0x8: {  	[smem:$0x3FAF] =	sst s0  }
0x9: {  	[smem:$0x3FB0] =	sst s1  }
0xa: {  	[smem:$0x3FB1] =	sst s2  }
0xb: {  	[smem:$0x3FB2] =	sst s3  }
0xc: {  	[smem:$0x3FB3] =	sst s4  }
0xd: {  	[smem:$0x3FB4] =	sst s5  }
0xe: {  	[smem:$0x3FB5] =	sst s6  }
0xf: {  	[smem:$0x3FB6] =	sst s7  }
0x10: {  	[smem:$0x3FB7] =	sst s8  }
0x11: {  	[smem:$0x3FB8] =	sst s9;
	s0 =	simm.s32 @!p0 $0x0  }
0x12: {  	s1 =	sld [smem:$0x3F9E];
	s0 =	simm.s32 @p0 $0x1  }
0x13: {  	[smem:$0x3FB9] =	sst s0;
	s0 =	simm.s32 @!p1 $0x0  }
0x14: {  	s2 =	sld [smem:$0x3F9D];
	s0 =	simm.s32 @p1 $0x1  }
0x15: {  	[smem:$0x3FBA] =	sst s0;
	s0 =	simm.s32 @!p2 $0x0  }
0x16: {  	s3 =	sld [smem:$0x3FDB];
	s0 =	simm.s32 @p2 $0x1  }
0x17: {  	s4 =	simm.s32 $0x1BF5;
	[smem:$0x3FBC] =	sst s0  }
0x18: {  	s0 =	sld [smem:$0x3F9F];
	_ =	swait.ge [sflag:s4], $0x0  }
0x19: {  	s7 =	sld [smem:$0x3FA0]  }
0x1a: {  	s8 =	sadd.s32 $0xFFFFE003, lr  }
0x1b: {  	s9 =	sadd.s32 $0xFFFFFEF7, lr;
	s5 =	simm.s32 $0xFFFFFFFF;
	p2 =	slt.u32 s8, $0xFFFFF086  }
0x1c: {  	p1 =	slt.u32 s9, $0xF7A;
	s5 =	simm.s32 @!p2 $0x0  }
0x1d: {  	s5 =	simm.s32 @p1 $0x1;
	p0 =	seq.s32 s7, s2  }
0x1e: {  	s7 =	smul.u32 @!p0 $0xF7A, s2;
	p2 =	seq.s32 @!p0 s5, $0x0  }
0x1f: {  	s9 =	smul.u32 $0xF7A, s1;
	s8 =	simm.s32 @!p0 $0x1BF5;
	p2 =	por !p2, p0  }
0x20: {  	[sflag:s8] =	ssyncset.s32 @!p0 $0xFFFFF086;
	s6 =	sadd.s32 @!p0 s3, s7;
	s7 =	simm.s32 @!p0 $0x108  }
0x21: {  	s3 =	sadd.s32 s3, s9;
	s6 =	sadd.s32 @!p0 $0x88, s6;
	s7 =	simm.s32 @p2 $0x1082  }
0x22: {  	[simem:s7], [sflag:s8] =	dma.local @!p0 [hbm:s6], $0xF7A  }
0x23: {  	s9 =	sor.u32 $0xD0000000, s2;
	s6 =	simm.s32 $0x108;
	_ =	swait.ge @!p0 [sflag:s8], $0x0  }
0x24: {  	s3 =	sadd.s32 $0x88, s3;
	s6 =	simm.s32 @!p1 $0x1082;
	[sflag:s4] =	ssyncset.s32 $0xFFFFF086  }
0x25: {  	[simem:s6], [sflag:s4] =	dma.local [hbm:s3], $0xF7A  }
0x26: {  	[smem:$0x3FA0] =	sst s1;
	(tag) =	ssettag s2;
	_ =	strace s9  }
0x27: {  	s1 =	sld [smem:$0x3FB0]  }
0x28: {  	s2 =	sld [smem:$0x3FB1]  }
0x29: {  	s4 =	sld [smem:$0x3FB3]  }
0x2a: {  	p0 =	seq.s32 s5, $0x0;
	s5 =	sld [smem:$0x3FB4]  }
0x2b: {  	s6 =	sld [smem:$0x3FB5]  }
0x2c: {  	s7 =	sld [smem:$0x3FB6]  }
0x2d: {  	s3 =	simm.s32 $0x108;
	s8 =	sld [smem:$0x3FB7]  }
0x2e: {  	s3 =	simm.s32 @!p0 $0x1082;
	s9 =	sld [smem:$0x3FB8]  }
0x2f: {  	lr =	sadd.s32 s0, s3;
	s0 =	sld [smem:$0x3FAF]  }
0x30: {  	s3 =	sld [smem:$0x3FB2]  }
0x31: {  	[smem:$0x3FBB] =	sst s10  }
0x32: {  	s10 =	sld [smem:$0x3FB9];
	_ =	sdelay $0x3  }
0x33: {  	p0 =	seq.s32 s10, $0x1;
	s10 =	sld [smem:$0x3FBB];
	_ =	sdelay $0x3  }
0x34: {  	[smem:$0x3FBB] =	sst s10  }
0x35: {  	s10 =	sld [smem:$0x3FBA];
	_ =	sdelay $0x3  }
0x36: {  	p1 =	seq.s32 s10, $0x1;
	s10 =	sld [smem:$0x3FBB];
	_ =	sdelay $0x3  }
0x37: {  	[smem:$0x3FBB] =	sst s10  }
0x38: {  	s10 =	sld [smem:$0x3FBC]  }
0x39: {  	_ = 	snop;
	(pc) =	sbr.ind lr, $3  }
0x3a: {  	_ = 	snop  }
0x3b: {  	_ = 	snop  }
0x3c: {  	p2 =	seq.s32 s10, $0x1;
	s10 =	sld [smem:$0x3FBB]  }
0x3d: {  	_ =	shalt  }
0x3e: {  	_ =	shalt  }
0x3f: {  	_ =	shalt  }
0x40: {  	_ =	shalt  }
0x41: {  	_ =	shalt  }
0x42: {  	_ =	shalt  }
0x43: {  	_ =	shalt  }
0x44: {  	_ =	shalt  }
0x45: {  	_ =	shalt  }
0x46: {  	_ =	shalt  }
0x47: {  	_ =	shalt  }
0x48: {  	_ =	shalt  }
0x49: {  	_ =	shalt  }
0x4a: {  	_ =	shalt  }
0x4b: {  	_ =	shalt  }
0x4c: {  	_ =	shalt  }
0x4d: {  	_ =	shalt  }
0x4e: {  	_ =	shalt  }
0x4f: {  	_ =	shalt  }
0x50: {  	_ =	shalt  }
0x51: {  	_ =	shalt  }
0x52: {  	_ =	shalt  }
0x53: {  	_ =	shalt  }
0x54: {  	_ =	shalt  }
0x55: {  	_ =	shalt  }
0x56: {  	_ =	shalt  }
0x57: {  	_ =	shalt  }
0x58: {  	_ =	shalt  }
0x59: {  	_ =	shalt  }
0x5a: {  	_ =	shalt  }
0x5b: {  	_ =	shalt  }
0x5c: {  	_ =	shalt  }
0x5d: {  	_ =	shalt  }
0x5e: {  	_ =	shalt  }
0x5f: {  	_ =	shalt  }
0x60: {  	_ =	shalt  }
0x61: {  	_ =	shalt  }
0x62: {  	_ =	shalt  }
0x63: {  	_ =	shalt  }
0x64: {  	_ =	shalt  }
0x65: {  	_ =	shalt  }
0x66: {  	_ =	shalt  }
0x67: {  	_ =	shalt  }
0x68: {  	_ =	shalt  }
0x69: {  	_ =	shalt  }
0x6a: {  	_ =	shalt  }
0x6b: {  	_ =	shalt  }
0x6c: {  	_ =	shalt  }
0x6d: {  	_ =	shalt  }
0x6e: {  	_ =	shalt  }
0x6f: {  	_ =	shalt  }
0x70: {  	_ =	shalt  }
0x71: {  	_ =	shalt  }
0x72: {  	_ =	shalt  }
0x73: {  	_ =	shalt  }
0x74: {  	_ =	shalt  }
0x75: {  	_ =	shalt  }
0x76: {  	_ =	shalt  }
0x77: {  	_ =	shalt  }
0x78: {  	_ =	shalt  }
0x79: {  	_ =	shalt  }
0x7a: {  	_ =	shalt  }
0x7b: {  	_ =	shalt  }
0x7c: {  	_ =	shalt  }
0x7d: {  	_ =	shalt  }
0x7e: {  	_ =	shalt  }
0x7f: {  	_ =	shalt  }
0x80: {  	_ =	shalt  }
0x81: {  	_ =	shalt  }
0x82: {  	_ =	shalt  }
0x83: {  	_ =	shalt  }
0x84: {  	_ =	shalt  }
0x85: {  	_ =	shalt  }
0x86: {  	_ =	shalt  }
0x87: {  	_ =	shalt  }
.Lfunc_end0:
.L_simem_size_0:
called_computation_lowered:
.L_overlay_start_0:
0x88: {  	s2 =	sld [smem:$0x3FD9]  }
0x89: {  	s3 =	sld [smem:$0x3FFE];
	_ =	sdelay $0x1  }
0x8a: {  	s1 =	srdreg.scid  }
0x8b: {  	s0 =	sand.u32 $0x1, s1  }
0x8c: {  	s18 =	sshll.u32 s0, $0xA;
	s2 =	sadd.s32 s3, s2  }
0x8d: {  	s2 =	sadd.s32 s2, s18  }
0x8e: {  	[smem:$0x3FC7] =	sst s2  }
0x8f: {  	_ = 	snop  }
0x90: {  	s2 =	sld [smem:$0x3FC9]  }
0x91: {  	s19 =	sld [smem:$0x3FD0];
	(tm) =	ssettm $0x1  }
0x92: {  	s4 =	sld [smem:$0x3FFB];
	_ =	sdelay $0x3  }
0x93: {  	_ =	strace s4  }
0x94: {  	s4 =	sld [smem:$0x3FFC];
	_ =	sdelay $0x3  }
0x95: {  	_ =	strace s4  }
0x96: {  	s4 =	sld [smem:$0x3FFD];
	_ =	sdelay $0x3  }
0x97: {  	_ =	strace s4  }
0x98: {  	_ =	strace $0x8FFFFFFF  }
0x99: {  	s20 =	sld [smem:$0x3FDB];
	_ =	sdelay $0x1  }
0x9a: {  	s5 =	simm.s32 $_scs_section_size  }
0x9b: {  	s6 =	simm.s32 $_size__tile_overlayer_lowered;
	s7 =	simm.s32 $_tile_overlayer_lowered  }
0x9c: {  	s23 =	simm.s32 $0x1BFF;
	s22 =	sshll.u32 s7, $0x1;
	s4 =	sadd.s32 s5, s20  }
0x9d: {  	s8 =	simm.s32 $0x0;
	s21 =	sshll.u32 s6, $0x1;
	s6 =	sadd.s32 s22, s4  }
0x9e: {  	[timem:s8], [sflag:s23] =	dma.local [hbm:s6], s21  }
0x9f: {  	_ =	swait.ge [sflag:s23], s21  }
0xa0: {  	s5 =	ssub.s32 $0x0, s21;
	[sflag:s23] =	ssyncset.done $0x0  }
0xa1: {  	[sflag:s23] =	ssyncadd.s32 s5;
	_ =	sdelay $0x1  }
0xa2: {  	s24 =	simm.s32 $0x1B8B  }
0xa3: {  	_ =	swait.ge [sflag:s24], $0x1  }
0xa4: {  	[sflag:s24] =	ssyncset.done $0x0  }
0xa5: {  	s25 =	simm.s32 $0x1B8E;
	[sflag:s24] =	ssyncadd.s32 $0xFFFFFFFF  }
0xa6: {  	s26 =	simm.s32 $execute0_lowered;
	[smem:$0x3FD2] =	sst s25  }
0xa7: {  	s5 =	sshll.u32 s26, $0x1;
	_ =	strace $0x80000046;
	[dreg:$0x1] =	wrdreg $0xFFFFFFFF  }
0xa8: {  	s28 =	simm.s32 $_size_execute0_lowered;
	s4 =	sadd.s32 s4, s5;
	[dreg:$0x0] =	wrdreg $0x0  }
0xa9: {  	s5 =	sshll.u32 s28, $0x1;
	[dreg:$0x2] =	wrdreg s4  }
0xaa: {  	[dreg:$0x3] =	wrdreg s5  }
0xab: {  	[dreg:$0x4] =	wrdreg $0xC0  }
0xac: {  	_ =	task [dreg:s8], $0x5FFFF  }
0xad: {  	[dreg:$0x1] =	wrdreg $0xFFFFFFFF  }
0xae: {  	[dreg:$0x0] =	wrdreg $0x60  }
0xaf: {  	[dreg:$0x2] =	wrdreg s2  }
0xb0: {  	[dreg:$0x3] =	wrdreg s19  }
0xb1: {  	[dreg:$0x4] =	wrdreg $0xD0000  }
0xb2: {  	[dreg:$0x5] =	wrdreg $0xD4000  }
0xb3: {  	[dreg:$0x6] =	wrdreg $0x9  }
0xb4: {  	_ =	task.clear_ibuf [dreg:s8], $0x7FFFF;
	_ =	strace $0x90000046  }
0xb5: {  	s29 =	simm.s32 $0x9;
	_ =	strace $0x80000048  }
0xb6: {  	_ =	swait.ge [sflag:s29], $0x1  }
0xb7: {  	[sflag:s29] =	ssyncadd.s32 $0xFFFFFFFF  }
0xb8: {  	_ =	strace $0x90000048  }
0xb9: {  	_ =	sfence  }
0xba: {  	s30 =	sld [smem:$0x0];
	_ =	sdelay $0x2  }
0xbb: {  	s31 =	sshll.u32 s1, $0xD;
	s1 =	sshrl.u32 s1, $0x2  }
0xbc: {  	s3 =	sand.u32 $0x4000, s31;
	s1 =	sadd.s32 s1, s30  }
0xbd: {  	s0 =	sor.u32 s3, s0;
	s1 =	sshll.u32 s1, $0x11  }
0xbe: {  	s0 =	sor.u32 s1, s0  }
0xbf: {  	s0 =	sadd.s32 $0x8F2B, s0  }
0xc0: {  	[sflag:s0] =	ssyncadd.remote.s32 $0x1  }
0xc1: {  	_ =	sfence.sel $0xFFFF  }
0xc2: {  	[dreg:$0x0] =	wrdreg $0xFFFFFFFF;
	(pc) =	sbr.abs _section_cstart, $3  }
0xc3: {  	[dreg:$0x1] =	wrdreg $0xFFFFFFFF  }
0xc4: {  	_ =	task.clear_ibuf [dreg:s8], $0x2FFFF;
	_ =	strace $0x9FFFFFFF  }
0xc5: {  	(tm) =	ssettm $0x7FFFFFFF  }
tec
execute0_lowered:
.L_overlay_start_1:
0x0: {  	(tag) =	ssettag $0x1  }
0x1: {  	s15 =	stileid.u32  }
0x2: {  	s6 =	sand.u32 $0x3, s15  }
0x3: {  	s0 =	sshll.u32 s6, $0x4  }
0x4: {  	s5 =	rddreg [dreg:$0x0];
	s3 =	srdreg.scid;
	s4 =	sor.u32 $0x1, s0  }
0x5: {  	s3 =	sand.u32 $0x1, s3;
	s9 =	sor.u32 $0x2, s0;
	s2 =	smul.u32 $0x2F, s4  }
0x6: {  	s8 =	ssub.s32 $0x2, s3;
	s1 =	sadd.s32 $0xFFFFFFFF, s0;
	s7 =	smul.u32 $0x2F, s9  }
0x7: {  	s19 =	sshll.u32 s6, $0xF;
	s13 =	sor.u32 $0x3, s0;
	s10 =	smul.u32 $0xFFFFFFBB, s1  }
0x8: {  	p0 =	seq.s32 s6, $0x0;
	s14 =	sor.u32 $0x4, s0;
	s24 =	smul.u32 $0x2F, s13  }
0x9: {  	s23 =	sshrl.u32 s8, $0x1;
	s16 =	sor.u32 $0x5, s0;
	s25 =	smul.u32 $0x2F, s14  }
0xa: {  	s18 =	smul.u32 $0x2F, s16;
	s2 =	sshrl.u32 s2, $0x9;
	s22 =	sshrl.u32 s7, $0x9  }
0xb: {  	s7 =	ssub.s32 s8, s23;
	s8 =	sshrl.u32 s15, $0x2;
	s11 =	smul.u32 $0xB, s2  }
0xc: {  	s15 =	sshrl.u32 s25, $0x9;
	s26 =	sshrl.u32 s18, $0x9;
	s12 =	smul.u32 $0xB, s22  }
0xd: {  	s18 =	sor.u32 $0x7, s0;
	s10 =	sshrl.u32 s10, $0x8;
	s15 =	smul.u32 $0xB, s15  }
0xe: {  	s25 =	sor.u32 $0x9, s0;
	s2 =	sshrl.u32 s24, $0x9;
	s21 =	smul.u32 $0x2F, s18  }
0xf: {  	s17 =	sshll.u32 s8, $0x11;
	s22 =	sor.u32 $0x8, s0;
	s20 =	smul.u32 $0xB, s2  }
0x10: {  	s10 =	sadd.s32 s1, s10;
	s2 =	sor.u32 s19, s17;
	s17 =	smul.u32 $0xB, s26  }
0x11: {  	s19 =	sor.u32 $0x6, s0;
	s23 =	smul.u32 $0x2F, s22;
	s24 =	sand.u32 $0x80, s10  }
0x12: {  	s10 =	sshll.u32 s10, $0x18;
	s26 =	smul.u32 $0x2F, s25;
	s28 =	sshrl.u32 s2, $0x3  }
0x13: {  	s29 =	smul.u32 $0x2F, s19;
	s21 =	sshrl.u32 s21, $0x9;
	s24 =	sshrl.u32 s24, $0x7  }
0x14: {  	s10 =	sshra.s32 s10, $0x1B;
	s11 =	ssub.s32 s4, s11;
	s12 =	ssub.s32 s9, s12  }
0x15: {  	s14 =	ssub.s32 s14, s15;
	s5 =	sadd.s32 s5, s28;
	s21 =	smul.u32 $0xB, s21  }
0x16: {  	s23 =	sshrl.u32 s23, $0x9;
	s28 =	sor.u32 $0xA, s0;
	s10 =	sadd.s32 s24, s10  }
0x17: {  	s30 =	sshrl.u32 s26, $0x9;
	s13 =	ssub.s32 s13, s20;
	s20 =	sor.u32 $0xC, s0  }
0x18: {  	s16 =	ssub.s32 s16, s17;
	s26 =	sor.u32 $0xE, s0;
	s23 =	smul.u32 $0xB, s23  }
0x19: {  	s11 =	sand.u32 $0xFF, s11;
	s12 =	sand.u32 $0xFF, s12;
	s24 =	smul.u32 $0x2F, s28  }
0x1a: {  	[dreg:$0x6] =	wrdreg s5;
	s5 =	sshrl.u32 s29, $0x9;
	s4 =	smul.u32 $0xB, s30  }
0x1b: {  	s14 =	sand.u32 $0xFF, s14;
	s29 =	sor.u32 $0xB, s0;
	s5 =	smul.u32 $0xB, s5  }
0x1c: {  	s13 =	sand.u32 $0xFF, s13;
	s31 =	smul.u32 $0x2F, s29;
	s24 =	sshrl.u32 s24, $0x9  }
0x1d: {  	s16 =	sand.u32 $0xFF, s16;
	s18 =	ssub.s32 s18, s21;
	s9 =	smul.u32 $0xB, s24  }
0x1e: {  	s22 =	ssub.s32 s22, s23;
	s30 =	sshrl.u32 s31, $0x9;
	s31 =	smul.u32 $0x2F, s20  }
0x1f: {  	s23 =	ssub.s32 s25, s4;
	s24 =	sor.u32 $0xD, s0;
	s15 =	smul.u32 $0xB, s30  }
0x20: {  	s4 =	rddreg [dreg:$0x1];
	s18 =	sand.u32 $0xFF, s18;
	s30 =	smul.u32 $0x2F, s24  }
0x21: {  	s19 =	ssub.s32 s19, s5;
	s17 =	sshrl.u32 s31, $0x9;
	s31 =	smul.u32 $0x2F, s26  }
0x22: {  	s22 =	sand.u32 $0xFF, s22;
	s21 =	ssub.s32 s28, s9;
	s9 =	smul.u32 $0xB, s10  }
0x23: {  	s23 =	sand.u32 $0xFF, s23;
	s17 =	smul.u32 $0xB, s17;
	s5 =	sshrl.u32 s30, $0x9  }
0x24: {  	s25 =	smul.u32 $0xB, s5;
	s30 =	sshrl.u32 s31, $0x9;
	s5 =	simm.s32 $0x0  }
0x25: {  	v19 =	vlaneseq.u32;
	s19 =	sand.u32 $0xFF, s19;
	s31 =	smul.u32 $0xB, s30;
	[smem:$0x7FF] =	sst s5  }
0x26: {  	v1 =	vor.u32 $0xFFFFFF80, v19;
	s17 =	ssub.s32 s20, s17;
	s30 =	rddreg [dreg:$0x3];
	s20 =	ssub.s32 s24, s25  }
0x27: {  	v26 =	vimm.s32 $0x67452301;
	v2 =	vor.u32 $0xFFFFFF00, v19;
	s24 =	ssub.s32 s26, s31;
	s26 =	rddreg [dreg:$0x2];
	_ =	strace $0x80000047;
	[tilespmem:$0x1FE60] =	vst v1  }
0x28: {  	v6 =	vor.u32 $0xFFFFFD00, v19;
	s15 =	ssub.s32 s29, s15;
	s29 =	sshll.u32 s8, $0xC;
	s8 =	sshll.u32 s8, $0x7;
	[tilespmem:$0x1FE70] =	vst v2  }
0x29: {  	v4 =	vor.u32 $0xFFFFFD80, v19;
	v7 =	vor.u32 $0xFFFFFC80, v19;
	s21 =	sand.u32 $0xFF, s21;
	s15 =	sand.u32 $0xFF, s15;
	s25 =	ssub.s32 s1, s9;
	[tilespmem:$0x1FE80] =	vst v6  }
0x2a: {  	v25 =	vimm.s32 $0xEFCDAB89;
	v10 =	vunpack.c.l.s4.s8 v26;
	v26 =	vmovc v4;
	v4 =	vor.u32 $0xFFFFFB80, v19;
	s9 =	simm.s32 $0x1;
	s17 =	sand.u32 $0xFF, s17;
	s31 =	smul.u32 $0x2F0, s6;
	[tilespmem:$0x1FE90] =	vst v7  }
0x2b: {  	v29 =	vunpack.c.l.s4.s8 v25;
	v8 =	vor.u32 $0xFFFFFB00, v19;
	s11 =	sshll.u32 s9, s11;
	s12 =	sshll.u32 s9, s12;
	s13 =	sshll.u32 s9, s13;
	[tilespmem:$0x1FEB0] =	vst v4  }
0x2c: {  	v9 =	vor.u32 $0xFFFFFA80, v19;
	s14 =	sshll.u32 s9, s14;
	s16 =	sshll.u32 s9, s16;
	s19 =	sshll.u32 s9, s19;
	[tilespmem:$0x1FEC0] =	vst v8  }
0x2d: {  	v5 =	vor.u32 $0xFFFFFA00, v19;
	v31 =	vunpack.c.0.s8.s32 v29;
	v32 =	vunpack.c.0.s8.s32 v10;
	s18 =	sshll.u32 s9, s18;
	s22 =	sshll.u32 s9, s22;
	s23 =	sshll.u32 s9, s23;
	[tilespmem:$0x1FED0] =	vst v9  }
0x2e: {  	v10 =	vor.u32 $0xFFFFF980, v19;
	s21 =	sshll.u32 s9, s21;
	s20 =	sand.u32 $0xFF, s20;
	s15 =	sshll.u32 s9, s15;
	[tilespmem:$0x1FEF0] =	vst v5  }
0x2f: {  	v11 =	vor.u32 $0xFFFFF900, v19;
	v17 =	vcombine.low v32, v31;
	s17 =	sshll.u32 s9, s17;
	[tilespmem:$0x1FF10] =	vst v10;
	s29 =	sadd.s32 s29, s26;
	s26 =	sadd.s32 s8, s30  }
0x30: {  	v33 =	vimm.f32 $1.000000000e+00;
	[tilespmem:$0x1FF30] =	vst v11;
	s8 =	sand.u32 $0xFF, s25;
	s25 =	simm.s32 $0x0;
	[dreg:$0x7] =	wrdreg s29  }
0x31: {  	v18 =	vand.u32 $0x7FFFFFFF, v33;
	[tilespmem:$0x1FF50] =	vst v17;
	s28 =	sshrl.u32 s31, $0x9;
	s31 =	ssub.s32 $0x0, s0;
	[dreg:$0x8] =	wrdreg s26  }
0x32: {  	[tilespmem:$0x1FF60] =	vst v18;
	v20 =	vmov s13;
	s8 =	sshll.u32 s9, s8;
	s13 =	sadd.s32 $0x200, s26;
	[dreg:$0x5] =	wrdreg s31  }
0x33: {  	v27 =	vor.u32 $0xFFFFFE80, v19;
	[tilespmem:$0x1FFC0] =	vst v26;
	v61 =	vmov s16;
	s25 =	simm.s32 @!p0 $0x780;
	s16 =	sadd.s32 $0x400, s26;
	[dreg:$0x10] =	wrdreg s13  }
0x34: {  	v30 =	vor.u32 $0xFFFFFE00, v19;
	[tilespmem:$0x1FFE0] =	vst v27;
	v62 =	vmov s19;
	v21 =	vmov s23;
	s19 =	sadd.s32 $0x600, s26;
	s23 =	sadd.s32 $0x800, s26;
	[dreg:$0x12] =	wrdreg s16  }
0x35: {  	[tilespmem:$0x1FFF0] =	vst v30;
	v16 =	vmov s11;
	s30 =	smul.u32 $0xB, s28;
	s8 =	simm.s32 @p0 $0x0;
	[dreg:$0x15] =	wrdreg s19  }
0x36: {  	v13 =	vmov s12;
	[tilespmem:$0x1FE20] =	vst v16;
	p0 =	sne.s32 s6, $0x0;
	s28 =	sadd.s32 $0x80, s29;
	[dreg:$0x17] =	wrdreg s23  }
0x37: {  	[tilespmem:$0x1FE30] =	vst v13;
	s6 =	sshll.u32 s6, $0x7;
	s31 =	sadd.s32 $0x100, s29;
	[dreg:$0xb] =	wrdreg s28  }
0x38: {  	v0 =	vmov s22;
	[tilespmem:$0x1FE40] =	vst v20;
	v12 =	vmov s25;
	s25 =	sshll.u32 s3, $0xA;
	s6 =	sadd.s32 s6, s29;
	[dreg:$0xd] =	wrdreg s31  }
0x39: {  	v60 =	vmov s14;
	[tilespmem:$0x1FE50] =	vst v0;
	s22 =	sor.u32 $0x10, s25;
	s25 =	sadd.s32 $0xA00, s26;
	[dreg:$0x9] =	wrdreg s6  }
0x3a: {  	s12 =	sshll.u32 s3, $0x3;
	[tilespmem:$0x1FEE0] =	vst v60;
	s31 =	sadd.s32 $0xE00, s26;
	[dreg:$0x19] =	wrdreg s25  }
0x3b: {  	[tilespmem:$0x1FF00] =	vst v61;
	s10 =	ssub.s32 s0, s30;
	s30 =	smax.u32 s7, $0x1;
	[dreg:$0x1d] =	wrdreg s31  }
0x3c: {  	v63 =	vmov s18;
	[tilespmem:$0x1FF20] =	vst v62;
	s7 =	sadd.s32 $0x180, s29;
	s0 =	ssub.s32 s12, s0;
	[dreg:$0xc] =	wrdreg s30  }
0x3d: {  	v23 =	vmov s15;
	[tilespmem:$0x1FF40] =	vst v63;
	s29 =	sadd.s32 $0xC00, s26;
	s10 =	sand.u32 $0xFF, s10;
	[dreg:$0xe] =	wrdreg s7  }
0x3e: {  	v24 =	vmov s17;
	[tilespmem:$0x1FF70] =	vst v23;
	s0 =	sor.u32 $0x1, s0;
	[dreg:$0x1b] =	wrdreg s29;
	s10 =	sshll.u32 s9, s10  }
0x3f: {  	s20 =	sshll.u32 s9, s20;
	[tilespmem:$0x1FF80] =	vst v24;
	[dreg:$0x14] =	wrdreg s0;
	v15 =	vmov s10;
	s10 =	sshll.u32 s3, $0xD  }
0x40: {  	s24 =	sand.u32 $0xFF, s24;
	v22 =	vmov s21;
	[tilespmem:$0x1FF90] =	vst v21;
	s11 =	sor.u32 $0x400, s10;
	[dreg:$0xa] =	wrdreg s10  }
0x41: {  	s15 =	simm.s32 $0x400;
	v3 =	vmov s20;
	[tilespmem:$0x1FFA0] =	vst v22;
	s14 =	sor.u32 $0x800, s10;
	[dreg:$0xf] =	wrdreg s11  }
0x42: {  	v25 =	vmov v3;
	v3 =	vor.u32 $0xFFFFFC00, v19;
	s13 =	simm.s32 $0x8400;
	[tilespmem:$0x1FDF0] =	vst v12;
	s18 =	sor.u32 $0xC00, s10;
	[dreg:$0x11] =	wrdreg s14  }
0x43: {  	s16 =	simm.s32 $0x4000;
	[tilespmem:$0x1FEA0] =	vst v3;
	s21 =	sor.u32 $0x1000, s10;
	[dreg:$0x13] =	wrdreg s18  }
0x44: {  	v14 =	vmov s8;
	s8 =	sshll.u32 s9, s24;
	[tilespmem:$0x1FFB0] =	vst v25;
	s24 =	sor.u32 $0x1400, s10;
	[dreg:$0x16] =	wrdreg s21  }
0x45: {  	v28 =	vmov s8;
	s8 =	simm.s32 $0x9;
	[tilespmem:$0x1FE00] =	vst v14;
	s28 =	sor.u32 $0x1800, s10;
	[dreg:$0x18] =	wrdreg s24  }
0x46: {  	s6 =	simm.s32 $0x0;
	[tilespmem:$0x1FFD0] =	vst v28;
	s30 =	sor.u32 $0x1C00, s10;
	[dreg:$0x1a] =	wrdreg s28  }
0x47: {  	s10 =	simm.s32 $0x80;
	[tilespmem:$0x1FE10] =	vst v15;
	[dreg:$0x1c] =	wrdreg s30;
	s11 =	simm.s32 $0x200  }
.LBB2_1:
0x48: {  	s0 =	sadd.s32 $0xFFFFFFF0, s22;
	v36 =	vor.u32 s22, v19;
	v35 =	vadd.s32 s22, v1;
	v34 =	vadd.s32 s22, v2  }
0x49: {  	v37 =	vadd.s32 s0, v5;
	v38 =	vadd.s32 s0, v10;
	v39 =	vadd.s32 s0, v11  }
0x4a: {  	v40 =	vadd.s32 s0, v4;
	v41 =	vadd.s32 s0, v8;
	v42 =	vadd.s32 s0, v9  }
0x4b: {  	v43 =	vadd.s32 s0, v6;
	v44 =	vadd.s32 s0, v7;
	v45 =	vadd.s32 s0, v3  }
0x4c: {  	v46 =	vadd.s32 s0, v27;
	v47 =	vadd.s32 s0, v30;
	v48 =	vadd.s32 s0, v26  }
0x4d: {  	v49 =	vor.u32 s0, v19;
	v50 =	vadd.s32 s0, v1;
	v51 =	vadd.s32 s0, v2  }
0x4e: {  	v35 =	vand.u32 $0x7FF, v35;
	v37 =	vand.u32 $0x7EF, v37;
	v38 =	vand.u32 $0x7EF, v38  }
0x4f: {  	v39 =	vand.u32 $0x7EF, v39;
	v40 =	vand.u32 $0x7EF, v40;
	v41 =	vand.u32 $0x7EF, v41  }
0x50: {  	v42 =	vand.u32 $0x7EF, v42;
	v43 =	vand.u32 $0x7EF, v43;
	v44 =	vand.u32 $0x7EF, v44  }
0x51: {  	v45 =	vand.u32 $0x7EF, v45;
	v46 =	vand.u32 $0x7EF, v46;
	v47 =	vand.u32 $0x7EF, v47  }
0x52: {  	v48 =	vand.u32 $0x7EF, v48;
	v52 =	vxor.u32 v15, v49;
	v50 =	vand.u32 $0x7EF, v50  }
0x53: {  	v51 =	vand.u32 $0x7EF, v51;
	v49 =	vsub.s32 v49, v12;
	v35 =	vxor.u32 v16, v35  }
0x54: {  	v38 =	vxor.u32 v25, v38;
	v39 =	vxor.u32 v28, v39;
	v41 =	vxor.u32 v22, v41  }
0x55: {  	v42 =	vxor.u32 v23, v42;
	v37 =	vxor.u32 v24, v37;
	v44 =	vxor.u32 v63, v44  }
0x56: {  	v45 =	vxor.u32 v0, v45;
	v40 =	vxor.u32 v21, v40;
	v47 =	vxor.u32 v60, v47  }
0x57: {  	v48 =	vxor.u32 v61, v48;
	v43 =	vxor.u32 v62, v43;
	v53 =	vand.u32 $0x7F, v52  }
0x58: {  	v51 =	vxor.u32 v13, v51;
	v46 =	vxor.u32 v20, v46;
	v49 =	vand.u32 $0x7FF, v49  }
0x59: {  	v52 =	vshll.u32 v52, $0x3;
	v50 =	vxor.u32 v16, v50;
	v54 =	vand.u32 $0x7F, v38  }
0x5a: {  	v55 =	vand.u32 $0x7F, v39;
	v39 =	vshll.u32 v39, $0x3;
	v56 =	vand.u32 $0x7F, v42  }
0x5b: {  	v57 =	vand.u32 $0x7F, v37;
	v49 =	vxor.u32 v14, v49;
	v38 =	vshll.u32 v38, $0x3  }
0x5c: {  	v58 =	vand.u32 $0x7F, v41;
	v42 =	vshll.u32 v42, $0x3;
	v37 =	vshll.u32 v37, $0x3  }
0x5d: {  	v33 =	vshll.u32 v50, $0x3;
	v50 =	vand.u32 $0x7F, v50;
	v52 =	vand.u32 $0x7FC00, v52  }
0x5e: {  	v29 =	vshll.u32 v51, $0x3;
	v31 =	vand.u32 $0x7F, v47;
	v51 =	vand.u32 $0x7F, v51  }
0x5f: {  	v47 =	vshll.u32 v47, $0x3;
	v32 =	vshll.u32 v46, $0x3;
	v46 =	vand.u32 $0x7F, v46  }
0x60: {  	v41 =	vshll.u32 v41, $0x3;
	v59 =	vshll.u32 v49, $0x3;
	v49 =	vand.u32 $0x7F, v49  }
0x61: {  	v52 =	vor.u32 v52, v53;
	v53 =	vand.u32 $0x7FC00, v29;
	v47 =	vand.u32 $0x7FC00, v47  }
0x62: {  	v29 =	vand.u32 $0x7F, v44;
	v44 =	vshll.u32 v44, $0x3;
	v37 =	vand.u32 $0x7FC00, v37  }
0x63: {  	v38 =	vand.u32 $0x7FC00, v38;
	v39 =	vand.u32 $0x7FC00, v39;
	v41 =	vand.u32 $0x7FC00, v41  }
0x64: {  	v42 =	vand.u32 $0x7FC00, v42;
	v59 =	vand.u32 $0xFFFFFC00, v59;
	v51 =	vor.u32 v53, v51  }
0x65: {  	[dreg:$0x1e] =	wrdreg s6;
	v53 =	vand.u32 $0x7FC00, v32;
	v47 =	vor.u32 v47, v31;
	v31 =	vshll.u32 v43, $0x3  }
0x66: {  	s25 =	rddreg [dreg:$0x6];
	v43 =	vand.u32 $0x7F, v43;
	v44 =	vand.u32 $0x7FC00, v44;
	v52 =	vor.u32 $0x80, v52  }
0x67: {  	[tilespmem:s5], [sflag:$0x9] =	stream.linear.gather [hbm4b:s25+s5], $0x8000, $0x38;
	v32 =	vand.u32 $0x7F, v45;
	v45 =	vshll.u32 v45, $0x3;
	v49 =	vor.u32 v49, v59;
	[tilespmem:$0xD500] =	vst v63  }
0x68: {  	_ =	swait.ge [sflag:s8], $0x8000;
	v39 =	vor.u32 v55, v39;
	v38 =	vor.u32 v54, v38;
	v51 =	vor.u32 $0x180, v51  }
0x69: {  	[sflag:s8] =	ssyncset.done $0x0;
	v41 =	vor.u32 v58, v41;
	v37 =	vor.u32 v57, v37;
	v47 =	vor.u32 $0x280, v47  }
0x6a: {  	[sflag:s8] =	ssyncadd.s32 $0xFFFF8000;
	v42 =	vor.u32 v56, v42;
	v59 =	vand.u32 $0x7FC00, v33;
	v41 =	vadd.s32 $0x4180, v41  }
0x6b: {  	v46 =	vor.u32 v53, v46;
	v33 =	vshll.u32 v48, $0x3;
	v42 =	vadd.s32 $0x4200, v42;
	v52 =	vld.idx.msk [tilespmem:v52+s5+$0x0], $0xffff  }
0x6c: {  	v48 =	vand.u32 $0x7F, v48;
	v44 =	vor.u32 v29, v44;
	v37 =	vadd.s32 $0x4280, v37;
	v49 =	vld.idx.msk [tilespmem:v49+s5+$0x0], $0xffff  }
0x6d: {  	v45 =	vand.u32 $0x7FC00, v45;
	v38 =	vadd.s32 $0x4300, v38;
	v39 =	vadd.s32 $0x4380, v39;
	v51 =	vld.idx.msk [tilespmem:v51+s5+$0x0], $0xffff  }
0x6e: {  	v50 =	vor.u32 v59, v50;
	v53 =	vand.u32 $0x7FC00, v33;
	v46 =	vor.u32 $0x200, v46;
	v47 =	vld.idx.msk [tilespmem:v47+s5+$0x0], $0xffff  }
0x6f: {  	v33 =	vand.u32 $0x7F, v40;
	v40 =	vshll.u32 v40, $0x3;
	v44 =	vadd.s32 $0x4000, v44;
	v41 =	vld.idx.msk [tilespmem:v41+s5+$0x0], $0xffff  }
0x70: {  	v45 =	vor.u32 v32, v45;
	v48 =	vor.u32 v53, v48;
	v50 =	vor.u32 $0x100, v50;
	v42 =	vld.idx.msk [tilespmem:v42+s5+$0x0], $0xffff  }
0x71: {  	v53 =	vand.u32 $0x7FC00, v31;
	v40 =	vand.u32 $0x7FC00, v40;
	v45 =	vadd.s32 $0x4080, v45;
	v37 =	vld.idx.msk [tilespmem:v37+s5+$0x0], $0xffff  }
0x72: {  	v31 =	vand.u32 $0x7FF, v34;
	v43 =	vor.u32 v53, v43;
	v48 =	vor.u32 $0x300, v48;
	v38 =	vld.idx.msk [tilespmem:v38+s5+$0x0], $0xffff  }
0x73: {  	v40 =	vor.u32 v33, v40;
	v53 =	vsub.s32 v36, v12;
	v43 =	vor.u32 $0x380, v43;
	v46 =	vld.idx.msk [tilespmem:v46+s5+$0x0], $0xffff  }
0x74: {  	v36 =	vand.u32 $0x7FF, v36;
	v33 =	vadd.s32 s22, v7;
	v40 =	vadd.s32 $0x4100, v40;
	v44 =	vld.idx.msk [tilespmem:v44+s5+$0x0], $0xffff  }
0x75: {  	v55 =	vand.u32 $0x7FF, v53;
	v36 =	vxor.u32 v15, v36;
	v53 =	vadd.s32 s22, v30;
	v50 =	vld.idx.msk [tilespmem:v50+s5+$0x0], $0xffff  }
0x76: {  	v56 =	vxor.u32 v14, v55;
	v29 =	vshll.u32 v36, $0x3;
	v36 =	vand.u32 $0x7F, v36;
	v45 =	vld.idx.msk [tilespmem:v45+s5+$0x0], $0xffff  }
0x77: {  	v58 =	vshll.u32 v56, $0x3;
	v48 =	vld.idx.msk [tilespmem:v48+s5+$0x0], $0xffff;
	v52 =	vand.u32 $0x7FFFFFFF, v52;
	v49 =	vand.u32 $0x7FFFFFFF, v49  }
0x78: {  	v43 =	vld.idx.msk [tilespmem:v43+s5+$0x0], $0xffff;
	v47 =	vand.u32 $0x7FFFFFFF, v47;
	v41 =	vand.u32 $0x7FFFFFFF, v41;
	v59 =	vand.u32 $0x7FFFFFFF, v42  }
0x79: {  	v40 =	vld.idx.msk [tilespmem:v40+s5+$0x0], $0xffff;
	v37 =	vand.u32 $0x7FFFFFFF, v37;
	v38 =	vand.u32 $0x7FFFFFFF, v38;
	v49 =	vmax.f32 v49, $0.0e+00  }
0x7a: {  	v46 =	vand.u32 $0x7FFFFFFF, v46;
	v44 =	vand.u32 $0x7FFFFFFF, v44;
	v49 =	vmax.f32 v49, v52  }
0x7b: {  	v50 =	vand.u32 $0x7FFFFFFF, v50;
	v52 =	vand.u32 $0x7FFFFFFF, v51;
	v57 =	vand.u32 $0x7FFFFFFF, v45  }
0x7c: {  	v39 =	vld.idx.msk [tilespmem:v39+s5+$0x0], $0xffff;
	v51 =	vand.u32 $0x7FC00, v29;
	v49 =	vmax.f32 v49, v50;
	v54 =	vand.u32 $0x7FFFFFFF, v48  }
0x7d: {  	v48 =	vadd.s32 s22, v27;
	v50 =	vand.u32 $0xFFFFFC00, v58;
	v36 =	vor.u32 v51, v36  }
0x7e: {  	v49 =	vmax.f32 v49, v52;
	v43 =	vand.u32 $0x7FFFFFFF, v43;
	v40 =	vand.u32 $0x7FFFFFFF, v40  }
0x7f: {  	v52 =	vshll.u32 v35, $0x3;
	v36 =	vor.u32 $0x80, v36;
	v46 =	vmax.f32 v49, v46  }
0x80: {  	v35 =	vand.u32 $0x7F, v35;
	v49 =	vand.u32 $0x7F, v56;
	v46 =	vmax.f32 v46, v47  }
0x81: {  	v56 =	vand.u32 $0x7FF, v53;
	v47 =	vand.u32 $0x7FFFFFFF, v39;
	v46 =	vmax.f32 v46, v54  }
0x82: {  	v42 =	vxor.u32 v60, v56;
	v56 =	vadd.s32 s22, v8;
	v43 =	vmax.f32 v46, v43  }
0x83: {  	v54 =	vand.u32 $0x7FC00, v52;
	v32 =	vshll.u32 v42, $0x3;
	v43 =	vmax.f32 v43, v44  }
0x84: {  	v42 =	vand.u32 $0x7F, v42;
	v36 =	vld.idx.msk [tilespmem:v36+s5+$0x0], $0xffff;
	v43 =	vmax.f32 v43, v57;
	v57 =	vadd.s32 s22, v26  }
0x85: {  	v35 =	vor.u32 v54, v35;
	v40 =	vmax.f32 v43, v40;
	v43 =	vand.u32 $0x7FF, v57  }
0x86: {  	v54 =	vadd.s32 s22, v4;
	v40 =	vmax.f32 v40, v41;
	v43 =	vxor.u32 v61, v43  }
0x87: {  	v35 =	vor.u32 $0x100, v35;
	v40 =	vmax.f32 v40, v59;
	v51 =	vand.u32 $0x7F, v43  }
0x88: {  	v37 =	vmax.f32 v40, v37;
	v40 =	vxor.u32 v13, v31;
	v31 =	vadd.s32 s22, v6  }
0x89: {  	v36 =	vand.u32 $0x7FFFFFFF, v36;
	v45 =	vmax.f32 v37, v38;
	v38 =	vand.u32 $0x7FF, v48  }
0x8a: {  	v37 =	vor.u32 v49, v50;
	v55 =	vshll.u32 v40, $0x3;
	v58 =	vand.u32 $0x7F, v40  }
0x8b: {  	s30 =	sadd.s32 $0x20, s22;
	v40 =	vand.u32 $0x7FF, v31;
	v48 =	vand.u32 $0x7FC00, v32;
	v49 =	vshll.u32 v43, $0x3  }
0x8c: {  	s31 =	sadd.s32 $0xFFFFFFF0, s30;
	v50 =	vadd.s32 s22, v3;
	v43 =	vand.u32 $0x7FF, v54;
	v54 =	vadd.s32 s22, v5  }
0x8d: {  	v32 =	vadd.s32 s31, v26;
	v34 =	vmax.f32 v45, v47;
	v38 =	vxor.u32 v20, v38  }
0x8e: {  	v59 =	vand.u32 $0x7FC00, v55;
	v40 =	vxor.u32 v62, v40;
	v45 =	vand.u32 $0x7FF, v33  }
0x8f: {  	v52 =	vand.u32 $0x7FC00, v49;
	v46 =	vand.u32 $0x7FF, v50;
	v43 =	vxor.u32 v21, v43  }
0x90: {  	v33 =	vor.u32 s31, v19;
	v29 =	vshll.u32 v38, $0x3;
	v39 =	vor.u32 v59, v58  }
0x91: {  	v38 =	vand.u32 $0x7F, v38;
	v53 =	vshll.u32 v40, $0x3;
	v45 =	vxor.u32 v63, v45  }
0x92: {  	v40 =	vand.u32 $0x7F, v40;
	v46 =	vxor.u32 v0, v46;
	v41 =	vand.u32 $0x7FC00, v29  }
0x93: {  	v39 =	vor.u32 $0x180, v39;
	v44 =	vand.u32 $0x7FC00, v53;
	v55 =	vshll.u32 v45, $0x3  }
0x94: {  	v35 =	vld.idx.msk [tilespmem:v35+s5+$0x0], $0xffff;
	v57 =	vand.u32 $0x7F, v45;
	v59 =	vshll.u32 v46, $0x3;
	v29 =	vadd.s32 s22, v9  }
0x95: {  	v31 =	vand.u32 $0x7F, v46;
	v53 =	vshll.u32 v43, $0x3;
	v43 =	vand.u32 $0x7F, v43  }
0x96: {  	v46 =	vadd.s32 s31, v8;
	v38 =	vor.u32 v41, v38;
	v41 =	vor.u32 v48, v42  }
0x97: {  	v42 =	vor.u32 v52, v51;
	v40 =	vor.u32 v44, v40;
	v58 =	vand.u32 $0x7FC00, v55  }
0x98: {  	v48 =	vand.u32 $0x7FF, v56;
	v52 =	vand.u32 $0x7FC00, v59;
	v49 =	vand.u32 $0x7FF, v29  }
0x99: {  	v35 =	vand.u32 $0x7FFFFFFF, v35;
	v55 =	vand.u32 $0x7FC00, v53;
	v46 =	vand.u32 $0x7EF, v46  }
0x9a: {  	v38 =	vor.u32 $0x200, v38;
	v41 =	vor.u32 $0x280, v41;
	v42 =	vor.u32 $0x300, v42  }
0x9b: {  	v40 =	vor.u32 $0x380, v40;
	v44 =	vor.u32 v57, v58;
	v48 =	vxor.u32 v22, v48  }
0x9c: {  	v45 =	vor.u32 v31, v52;
	v49 =	vxor.u32 v23, v49;
	v57 =	vand.u32 $0x7FF, v54  }
0x9d: {  	v58 =	vadd.s32 s22, v10;
	v43 =	vor.u32 v43, v55;
	v31 =	vadd.s32 s22, v11  }
0x9e: {  	v37 =	vld.idx.msk [tilespmem:v37+s5+$0x0], $0xffff;
	v46 =	vxor.u32 v22, v46;
	v44 =	vadd.s32 $0x4000, v44;
	v56 =	vshll.u32 v48, $0x3  }
0x9f: {  	v45 =	vadd.s32 $0x4080, v45;
	v59 =	vand.u32 $0x7F, v48;
	v29 =	vshll.u32 v49, $0x3  }
0xa0: {  	v52 =	vadd.s32 $0x4100, v43;
	v54 =	vand.u32 $0x7F, v49;
	v49 =	vadd.s32 s31, v7  }
0xa1: {  	v47 =	vand.u32 $0x7FC00, v56;
	v55 =	vand.u32 $0x7FC00, v29;
	v49 =	vand.u32 $0x7EF, v49  }
0xa2: {  	v39 =	vld.idx.msk [tilespmem:v39+s5+$0x0], $0xffff;
	v53 =	vor.u32 v59, v47;
	v47 =	vadd.s32 s31, v9;
	v49 =	vxor.u32 v63, v49  }
0xa3: {  	v43 =	vadd.s32 $0x4180, v53;
	v47 =	vand.u32 $0x7EF, v47;
	v37 =	vand.u32 $0x7FFFFFFF, v37  }
0xa4: {  	v47 =	vxor.u32 v23, v47;
	v37 =	vmax.f32 v37, $0.0e+00;
	v29 =	vld.idx.msk [tilespmem:v44+s5+$0x0], $0xffff;
	v44 =	vadd.s32 s31, v11  }
0xa5: {  	v38 =	vld.idx.msk [tilespmem:v38+s5+$0x0], $0xffff;
	v36 =	vmax.f32 v37, v36;
	v37 =	vand.u32 $0x7FF, v58;
	v58 =	vand.u32 $0x7FF, v31  }
0xa6: {  	v41 =	vld.idx.msk [tilespmem:v41+s5+$0x0], $0xffff;
	v31 =	vor.u32 v54, v55;
	v44 =	vand.u32 $0x7EF, v44;
	v35 =	vmax.f32 v36, v35  }
0xa7: {  	v42 =	vld.idx.msk [tilespmem:v42+s5+$0x0], $0xffff;
	v39 =	vand.u32 $0x7FFFFFFF, v39;
	v36 =	vxor.u32 v24, v57;
	v37 =	vxor.u32 v25, v37  }
0xa8: {  	v57 =	vld.idx.msk [tilespmem:v40+s5+$0x0], $0xffff;
	v51 =	vxor.u32 v28, v58;
	v40 =	vadd.s32 $0x4200, v31;
	v44 =	vxor.u32 v28, v44  }
0xa9: {  	v45 =	vld.idx.msk [tilespmem:v45+s5+$0x0], $0xffff;
	v35 =	vmax.f32 v35, v39;
	v56 =	vshll.u32 v36, $0x3;
	v36 =	vand.u32 $0x7F, v36  }
0xaa: {  	v50 =	vshll.u32 v37, $0x3;
	v37 =	vand.u32 $0x7F, v37;
	v53 =	vshll.u32 v51, $0x3  }
0xab: {  	v38 =	vand.u32 $0x7FFFFFFF, v38;
	v59 =	vand.u32 $0x7FFFFFFF, v41;
	v48 =	vand.u32 $0x7FC00, v56  }
0xac: {  	v39 =	vld.idx.msk [tilespmem:v52+s5+$0x0], $0xffff;
	v42 =	vand.u32 $0x7FFFFFFF, v42;
	v52 =	vand.u32 $0x7FC00, v50;
	v41 =	vor.u32 s30, v19  }
0xad: {  	v50 =	vadd.s32 s31, v3;
	v35 =	vmax.f32 v35, v38;
	v36 =	vor.u32 v36, v48  }
0xae: {  	v55 =	vor.u32 v37, v52;
	v56 =	vand.u32 $0x7FFFFFFF, v29;
	v58 =	vand.u32 $0x7FFFFFFF, v45  }
0xaf: {  	v45 =	vadd.s32 s31, v4;
	v48 =	vadd.s32 s31, v6;
	v52 =	vadd.s32 s31, v30  }
0xb0: {  	v50 =	vand.u32 $0x7EF, v50;
	v35 =	vmax.f32 v35, v59;
	v38 =	vadd.s32 $0x4280, v36  }
0xb1: {  	v59 =	vand.u32 $0x7FC00, v53;
	v45 =	vand.u32 $0x7EF, v45;
	v48 =	vand.u32 $0x7EF, v48  }
0xb2: {  	v43 =	vld.idx.msk [tilespmem:v43+s5+$0x0], $0xffff;
	v52 =	vand.u32 $0x7EF, v52;
	v53 =	vand.u32 $0x7EF, v32;
	v32 =	vxor.u32 v15, v33  }
0xb3: {  	v50 =	vxor.u32 v0, v50;
	v35 =	vmax.f32 v35, v42;
	v54 =	vand.u32 $0x7FFFFFFF, v57  }
0xb4: {  	v57 =	vand.u32 $0x7F, v51;
	v42 =	vadd.s32 s31, v5;
	v51 =	vadd.s32 s31, v27  }
0xb5: {  	v45 =	vxor.u32 v21, v45;
	v52 =	vxor.u32 v60, v52;
	v53 =	vxor.u32 v61, v53  }
0xb6: {  	v48 =	vxor.u32 v62, v48;
	v35 =	vmax.f32 v35, v54;
	v29 =	vand.u32 $0x7FFFFFFF, v39  }
0xb7: {  	v39 =	vadd.s32 $0x4300, v55;
	v31 =	vand.u32 $0x7FFFFFFF, v43;
	v36 =	vor.u32 v57, v59  }
0xb8: {  	v43 =	vadd.s32 s31, v10;
	v42 =	vand.u32 $0x7EF, v42;
	v51 =	vand.u32 $0x7EF, v51  }
0xb9: {  	v54 =	vsub.s32 v33, v12;
	v33 =	vand.u32 $0x7F, v32;
	v57 =	vshll.u32 v32, $0x3  }
0xba: {  	v35 =	vmax.f32 v35, v56;
	v43 =	vand.u32 $0x7EF, v43;
	v42 =	vxor.u32 v24, v42  }
0xbb: {  	v54 =	vand.u32 $0x7FF, v54;
	v51 =	vxor.u32 v20, v51;
	v57 =	vand.u32 $0x7FC00, v57  }
0xbc: {  	v36 =	vadd.s32 $0x4380, v36;
	v35 =	vmax.f32 v35, v58;
	v43 =	vxor.u32 v25, v43  }
0xbd: {  	v54 =	vxor.u32 v14, v54;
	v57 =	vor.u32 v57, v33;
	v33 =	vand.u32 $0x7F, v52  }
0xbe: {  	v52 =	vshll.u32 v52, $0x3;
	v35 =	vmax.f32 v35, v29;
	v29 =	vadd.s32 s31, v1  }
0xbf: {  	v52 =	vand.u32 $0x7FC00, v52;
	v57 =	vor.u32 $0x80, v57;
	v37 =	vmax.f32 v35, v31  }
0xc0: {  	v35 =	vadd.s32 s30, v1;
	v31 =	vadd.s32 s31, v2;
	v55 =	vand.u32 $0x7EF, v29  }
0xc1: {  	v29 =	vshll.u32 v54, $0x3;
	v54 =	vand.u32 $0x7F, v54;
	v52 =	vor.u32 v52, v33  }
0xc2: {  	v33 =	vshll.u32 v48, $0x3;
	v48 =	vand.u32 $0x7F, v48;
	v56 =	vand.u32 $0x7EF, v31  }
0xc3: {  	v59 =	vand.u32 $0xFFFFFC00, v29;
	v55 =	vxor.u32 v16, v55;
	v29 =	vshll.u32 v51, $0x3  }
0xc4: {  	v38 =	vld.idx.msk [tilespmem:v38+s5+$0x0], $0xffff;
	v51 =	vand.u32 $0x7F, v51;
	v52 =	vor.u32 $0x280, v52;
	v35 =	vand.u32 $0x7FF, v35  }
0xc5: {  	v56 =	vxor.u32 v13, v56;
	v31 =	vand.u32 $0x7F, v55;
	v55 =	vshll.u32 v55, $0x3  }
0xc6: {  	v54 =	vor.u32 v54, v59;
	v32 =	vshll.u32 v56, $0x3;
	v55 =	vand.u32 $0x7FC00, v55  }
0xc7: {  	v56 =	vand.u32 $0x7F, v56;
	v55 =	vor.u32 v55, v31;
	v58 =	vand.u32 $0x7FC00, v32  }
0xc8: {  	v31 =	vshll.u32 v53, $0x3;
	v53 =	vand.u32 $0x7F, v53;
	v32 =	vand.u32 $0x7F, v49  }
0xc9: {  	v49 =	vshll.u32 v49, $0x3;
	v38 =	vand.u32 $0x7FFFFFFF, v38;
	v56 =	vor.u32 v58, v56  }
0xca: {  	v58 =	vand.u32 $0x7FC00, v29;
	v29 =	vshll.u32 v50, $0x3;
	v49 =	vand.u32 $0x7FC00, v49  }
0xcb: {  	v36 =	vld.idx.msk [tilespmem:v36+s5+$0x0], $0xffff;
	v50 =	vand.u32 $0x7F, v50;
	v55 =	vor.u32 $0x100, v55;
	v51 =	vor.u32 v58, v51  }
0xcc: {  	v58 =	vand.u32 $0x7FC00, v31;
	v49 =	vor.u32 v32, v49;
	v31 =	vand.u32 $0x7F, v43  }
0xcd: {  	v32 =	vshll.u32 v44, $0x3;
	v44 =	vand.u32 $0x7F, v44;
	v43 =	vshll.u32 v43, $0x3  }
0xce: {  	v56 =	vor.u32 $0x180, v56;
	v53 =	vor.u32 v58, v53;
	v58 =	vand.u32 $0x7FC00, v33  }
0xcf: {  	v33 =	vshll.u32 v45, $0x3;
	v45 =	vand.u32 $0x7F, v45;
	v43 =	vand.u32 $0x7FC00, v43  }
0xd0: {  	v51 =	vor.u32 $0x200, v51;
	v49 =	vadd.s32 $0x4000, v49;
	v36 =	vand.u32 $0x7FFFFFFF, v36  }
0xd1: {  	v57 =	vld.idx.msk [tilespmem:v57+s5+$0x0], $0xffff;
	v48 =	vor.u32 v58, v48;
	v58 =	vand.u32 $0x7FC00, v29;
	v29 =	vand.u32 $0x7F, v46  }
0xd2: {  	v46 =	vshll.u32 v46, $0x3;
	v43 =	vor.u32 v31, v43;
	v31 =	vand.u32 $0x7F, v47  }
0xd3: {  	v53 =	vor.u32 $0x300, v53;
	v47 =	vshll.u32 v47, $0x3;
	v50 =	vor.u32 v50, v58  }
0xd4: {  	v58 =	vand.u32 $0x7FC00, v32;
	v46 =	vand.u32 $0x7FC00, v46;
	v32 =	vand.u32 $0x7F, v42  }
0xd5: {  	v52 =	vld.idx.msk [tilespmem:v52+s5+$0x0], $0xffff;
	v42 =	vshll.u32 v42, $0x3;
	v48 =	vor.u32 $0x380, v48;
	v47 =	vand.u32 $0x7FC00, v47  }
0xd6: {  	v54 =	vld.idx.msk [tilespmem:v54+s5+$0x0], $0xffff;
	v57 =	vand.u32 $0x7FFFFFFF, v57;
	v43 =	vadd.s32 $0x4300, v43;
	v44 =	vor.u32 v44, v58  }
0xd7: {  	v58 =	vand.u32 $0x7FC00, v33;
	v46 =	vor.u32 v29, v46;
	v55 =	vld.idx.msk [tilespmem:v55+s5+$0x0], $0xffff;
	v42 =	vand.u32 $0x7FC00, v42  }
0xd8: {  	v50 =	vadd.s32 $0x4080, v50;
	v47 =	vor.u32 v31, v47;
	v45 =	vor.u32 v45, v58;
	v56 =	vld.idx.msk [tilespmem:v56+s5+$0x0], $0xffff  }
0xd9: {  	v42 =	vor.u32 v32, v42;
	v46 =	vadd.s32 $0x4180, v46;
	v47 =	vadd.s32 $0x4200, v47;
	v51 =	vld.idx.msk [tilespmem:v51+s5+$0x0], $0xffff  }
0xda: {  	v44 =	vadd.s32 $0x4380, v44;
	v52 =	vand.u32 $0x7FFFFFFF, v52;
	v58 =	vsub.s32 v41, v12;
	v49 =	vld.idx.msk [tilespmem:v49+s5+$0x0], $0xffff  }
0xdb: {  	v41 =	vand.u32 $0x7FF, v41;
	v32 =	vadd.s32 s30, v30;
	v45 =	vadd.s32 $0x4100, v45;
	v53 =	vld.idx.msk [tilespmem:v53+s5+$0x0], $0xffff  }
0xdc: {  	v54 =	vand.u32 $0x7FFFFFFF, v54;
	v42 =	vadd.s32 $0x4280, v42;
	v59 =	vand.u32 $0x7FF, v58;
	v48 =	vld.idx.msk [tilespmem:v48+s5+$0x0], $0xffff  }
0xdd: {  	v41 =	vxor.u32 v15, v41;
	v54 =	vmax.f32 v54, $0.0e+00;
	v31 =	vxor.u32 v14, v59;
	v43 =	vld.idx.msk [tilespmem:v43+s5+$0x0], $0xffff  }
0xde: {  	v59 =	vadd.s32 s30, v27;
	v54 =	vmax.f32 v54, v57;
	v55 =	vand.u32 $0x7FFFFFFF, v55;
	v50 =	vld.idx.msk [tilespmem:v50+s5+$0x0], $0xffff  }
0xdf: {  	v54 =	vmax.f32 v54, v55;
	v33 =	vand.u32 $0x7FFFFFFF, v56;
	v46 =	vld.idx.msk [tilespmem:v46+s5+$0x0], $0xffff;
	v55 =	vxor.u32 v16, v35  }
0xe0: {  	v47 =	vld.idx.msk [tilespmem:v47+s5+$0x0], $0xffff;
	v54 =	vmax.f32 v54, v33;
	v51 =	vand.u32 $0x7FFFFFFF, v51;
	v49 =	vand.u32 $0x7FFFFFFF, v49  }
0xe1: {  	v44 =	vld.idx.msk [tilespmem:v44+s5+$0x0], $0xffff;
	v51 =	vmax.f32 v54, v51;
	v54 =	vadd.s32 s30, v2;
	v57 =	vand.u32 $0x7FFFFFFF, v53  }
0xe2: {  	v45 =	vld.idx.msk [tilespmem:v45+s5+$0x0], $0xffff;
	v53 =	vshll.u32 v41, $0x3;
	v41 =	vand.u32 $0x7F, v41;
	v51 =	vmax.f32 v51, v52  }
0xe3: {  	v42 =	vld.idx.msk [tilespmem:v42+s5+$0x0], $0xffff;
	v48 =	vand.u32 $0x7FFFFFFF, v48;
	v52 =	vshll.u32 v31, $0x3;
	v43 =	vand.u32 $0x7FFFFFFF, v43  }
0xe4: {  	v58 =	vand.u32 $0x7FF, v54;
	v54 =	vadd.s32 s30, v26;
	v51 =	vmax.f32 v51, v57  }
0xe5: {  	v29 =	vand.u32 $0x7FFFFFFF, v50;
	v48 =	vmax.f32 v51, v48;
	v46 =	vand.u32 $0x7FFFFFFF, v46  }
0xe6: {  	v51 =	vand.u32 $0x7FFFFFFF, v47;
	v57 =	vand.u32 $0x7FFFFFFF, v44;
	v47 =	vand.u32 $0xFFFFFC00, v52  }
0xe7: {  	v44 =	vand.u32 $0x7FF, v59;
	v59 =	vadd.s32 s30, v7;
	v48 =	vmax.f32 v48, v49  }
0xe8: {  	v45 =	vand.u32 $0x7FFFFFFF, v45;
	v42 =	vand.u32 $0x7FFFFFFF, v42;
	v44 =	vxor.u32 v20, v44  }
0xe9: {  	v49 =	vand.u32 $0x7FF, v54;
	v48 =	vmax.f32 v48, v29;
	v29 =	vand.u32 $0x7F, v31  }
0xea: {  	v31 =	vshll.u32 v55, $0x3;
	v49 =	vxor.u32 v61, v49;
	v45 =	vmax.f32 v48, v45  }
0xeb: {  	v33 =	vand.u32 $0x7FC00, v31;
	v31 =	vshll.u32 v49, $0x3;
	v45 =	vmax.f32 v45, v46  }
0xec: {  	v46 =	vand.u32 $0x7FC00, v53;
	v53 =	vand.u32 $0x7FF, v32;
	v32 =	vadd.s32 s30, v3  }
0xed: {  	v45 =	vmax.f32 v45, v51;
	v41 =	vor.u32 v46, v41;
	v48 =	vxor.u32 v60, v53  }
0xee: {  	v51 =	vand.u32 $0x7FF, v59;
	v42 =	vmax.f32 v45, v42;
	v45 =	vand.u32 $0x7F, v55  }
0xef: {  	v41 =	vor.u32 $0x80, v41;
	v51 =	vxor.u32 v63, v51;
	v56 =	vmax.f32 v42, v43  }
0xf0: {  	v43 =	vxor.u32 v13, v58;
	v42 =	vor.u32 v29, v47;
	v45 =	vor.u32 v33, v45  }
0xf1: {  	v58 =	vshll.u32 v48, $0x3;
	v48 =	vand.u32 $0x7F, v48;
	v33 =	vand.u32 $0x7F, v49  }
0xf2: {  	v59 =	vshll.u32 v51, $0x3;
	v35 =	vmax.f32 v56, v57;
	v52 =	vshll.u32 v43, $0x3  }
0xf3: {  	v43 =	vand.u32 $0x7F, v43;
	v56 =	vshll.u32 v44, $0x3;
	v45 =	vor.u32 $0x100, v45  }
0xf4: {  	v57 =	vadd.s32 s30, v6;
	v44 =	vand.u32 $0x7F, v44;
	v29 =	vand.u32 $0x7FC00, v58  }
0xf5: {  	v58 =	vadd.s32 s30, v4;
	v55 =	vand.u32 $0x7FC00, v52;
	v47 =	vand.u32 $0x7FC00, v56  }
0xf6: {  	v46 =	vand.u32 $0x7FF, v57;
	v56 =	vand.u32 $0x7FC00, v31;
	v52 =	vand.u32 $0x7FF, v32  }
0xf7: {  	v49 =	vand.u32 $0x7FF, v58;
	v31 =	vand.u32 $0x7F, v51;
	v32 =	vand.u32 $0x7FC00, v59  }
0xf8: {  	v43 =	vor.u32 v55, v43;
	v44 =	vor.u32 v47, v44;
	v46 =	vxor.u32 v62, v46  }
0xf9: {  	v47 =	vor.u32 v29, v48;
	v48 =	vor.u32 v56, v33;
	v52 =	vxor.u32 v0, v52  }
0xfa: {  	v29 =	vadd.s32 s30, v8;
	v49 =	vxor.u32 v21, v49;
	v43 =	vor.u32 $0x180, v43  }
0xfb: {  	v44 =	vor.u32 $0x200, v44;
	v57 =	vshll.u32 v46, $0x3;
	v47 =	vor.u32 $0x280, v47  }
0xfc: {  	v46 =	vand.u32 $0x7F, v46;
	v48 =	vor.u32 $0x300, v48;
	v33 =	vshll.u32 v52, $0x3  }
0xfd: {  	v54 =	vand.u32 $0x7FF, v29;
	v58 =	vand.u32 $0x7F, v52;
	v29 =	vshll.u32 v49, $0x3  }
0xfe: {  	v49 =	vand.u32 $0x7F, v49;
	v50 =	vand.u32 $0x7FC00, v57;
	v57 =	vadd.s32 s30, v9  }
0xff: {  	v59 =	vand.u32 $0x7FC00, v33;
	v54 =	vxor.u32 v22, v54;
	v33 =	vand.u32 $0x7FC00, v29  }
0x100: {  	v41 =	vld.idx.msk [tilespmem:v41+s5+$0x0], $0xffff;
	v46 =	vor.u32 v50, v46;
	v50 =	vor.u32 v31, v32;
	v55 =	vand.u32 $0x7FF, v57  }
0x101: {  	v42 =	vld.idx.msk [tilespmem:v42+s5+$0x0], $0xffff;
	v32 =	vadd.s32 s30, v5;
	v51 =	vor.u32 v58, v59;
	v57 =	vshll.u32 v54, $0x3  }
0x102: {  	v45 =	vld.idx.msk [tilespmem:v45+s5+$0x0], $0xffff;
	v59 =	vadd.s32 s30, v10;
	v49 =	vor.u32 v49, v33;
	v29 =	vand.u32 $0x7F, v54  }
0x103: {  	v46 =	vor.u32 $0x380, v46;
	v50 =	vadd.s32 $0x4000, v50;
	v55 =	vxor.u32 v23, v55  }
0x104: {  	v58 =	vand.u32 $0x7FF, v32;
	v51 =	vadd.s32 $0x4080, v51;
	v53 =	vand.u32 $0x7FC00, v57  }
0x105: {  	v32 =	vadd.s32 s30, v11;
	v33 =	vor.u32 v29, v53;
	v57 =	vand.u32 $0x7F, v55;
	v43 =	vld.idx.msk [tilespmem:v43+s5+$0x0], $0xffff  }
0x106: {  	v29 =	vand.u32 $0x7FF, v32;
	v41 =	vand.u32 $0x7FFFFFFF, v41;
	v44 =	vld.idx.msk [tilespmem:v44+s5+$0x0], $0xffff;
	v42 =	vand.u32 $0x7FFFFFFF, v42  }
0x107: {  	v47 =	vld.idx.msk [tilespmem:v47+s5+$0x0], $0xffff;
	v54 =	vxor.u32 v28, v29;
	v42 =	vmax.f32 v42, $0.0e+00;
	v31 =	vand.u32 $0x7FFFFFFF, v45  }
0x108: {  	v45 =	vand.u32 $0x7FF, v59;
	v41 =	vmax.f32 v42, v41;
	v42 =	vxor.u32 v24, v58  }
0x109: {  	v45 =	vxor.u32 v25, v45;
	v41 =	vmax.f32 v41, v31;
	v31 =	vshll.u32 v55, $0x3  }
0x10a: {  	v52 =	vld.idx.msk [tilespmem:v40+s5+$0x0], $0xffff;
	v59 =	vshll.u32 v42, $0x3;
	v42 =	vand.u32 $0x7F, v42;
	v55 =	vand.u32 $0x7F, v54  }
0x10b: {  	s7 =	sadd.s32 $0x20, s30;
	v46 =	vld.idx.msk [tilespmem:v46+s5+$0x0], $0xffff;
	v43 =	vand.u32 $0x7FFFFFFF, v43;
	v44 =	vand.u32 $0x7FFFFFFF, v44;
	v58 =	vand.u32 $0x7FC00, v31  }
0x10c: {  	s0 =	sadd.s32 $0xFFFFFFF0, s7;
	v50 =	vld.idx.msk [tilespmem:v50+s5+$0x0], $0xffff;
	v31 =	vand.u32 $0x7FFFFFFF, v47;
	v32 =	vand.u32 $0x7FC00, v59;
	v59 =	vshll.u32 v54, $0x3  }
0x10d: {  	v47 =	vld.idx.msk [tilespmem:v51+s5+$0x0], $0xffff;
	v51 =	vadd.s32 s0, v27;
	v27 =	vadd.s32 s7, v27;
	v41 =	vmax.f32 v41, v43  }
0x10e: {  	v43 =	vld.idx.msk [tilespmem:v48+s5+$0x0], $0xffff;
	v48 =	vadd.s32 $0x4100, v49;
	v49 =	vadd.s32 $0x4180, v33;
	v40 =	vor.u32 v57, v58  }
0x10f: {  	v33 =	vshll.u32 v45, $0x3;
	v57 =	vand.u32 $0x7F, v45;
	v45 =	vadd.s32 s0, v11  }
0x110: {  	v51 =	vand.u32 $0x7EF, v51;
	v41 =	vmax.f32 v41, v44;
	v58 =	vand.u32 $0x7FC00, v33  }
0x111: {  	v45 =	vand.u32 $0x7EF, v45;
	v51 =	vxor.u32 v20, v51;
	v44 =	vmax.f32 v41, v31  }
0x112: {  	v41 =	vor.u32 v42, v32;
	v29 =	vand.u32 $0x7FFFFFFF, v46;
	v32 =	vld.idx.msk [tilespmem:v39+s5+$0x0], $0xffff;
	v39 =	vor.u32 v57, v58  }
0x113: {  	v53 =	vand.u32 $0x7FFFFFFF, v50;
	v57 =	vand.u32 $0x7FC00, v59;
	v59 =	vand.u32 $0x7FFFFFFF, v52  }
0x114: {  	v46 =	vadd.s32 s0, v4;
	v50 =	vadd.s32 s0, v3;
	v52 =	vadd.s32 s0, v30  }
0x115: {  	v45 =	vxor.u32 v28, v45;
	v46 =	vand.u32 $0x7EF, v46;
	v50 =	vand.u32 $0x7EF, v50  }
0x116: {  	v52 =	vand.u32 $0x7EF, v52;
	v41 =	vadd.s32 $0x4280, v41;
	v56 =	vand.u32 $0x7FFFFFFF, v47  }
0x117: {  	v47 =	vadd.s32 s0, v8;
	v50 =	vxor.u32 v0, v50;
	v46 =	vxor.u32 v21, v46  }
0x118: {  	v52 =	vxor.u32 v60, v52;
	v43 =	vand.u32 $0x7FFFFFFF, v43;
	v31 =	vld.idx.msk [tilespmem:v49+s5+$0x0], $0xffff;
	v49 =	vadd.s32 s0, v7  }
0x119: {  	v48 =	vld.idx.msk [tilespmem:v48+s5+$0x0], $0xffff;
	v47 =	vand.u32 $0x7EF, v47;
	v43 =	vmax.f32 v44, v43;
	v44 =	vmax.f32 v37, v59  }
0x11a: {  	v49 =	vand.u32 $0x7EF, v49;
	v47 =	vxor.u32 v22, v47;
	v33 =	vmax.f32 v43, v29  }
0x11b: {  	v43 =	vor.u32 v55, v57;
	v38 =	vmax.f32 v44, v38;
	v44 =	vadd.s32 s0, v10  }
0x11c: {  	v49 =	vxor.u32 v63, v49;
	v42 =	vmax.f32 v33, v53;
	v33 =	vor.u32 s0, v19  }
0x11d: {  	v44 =	vand.u32 $0x7EF, v44;
	v42 =	vmax.f32 v42, v56;
	v54 =	vsub.s32 v33, v12  }
0x11e: {  	v44 =	vxor.u32 v25, v44;
	v58 =	vand.u32 $0x7FFFFFFF, v48;
	v29 =	vand.u32 $0x7FFFFFFF, v31  }
0x11f: {  	v31 =	vand.u32 $0x7FFFFFFF, v32;
	v48 =	vadd.s32 s0, v6;
	v32 =	vadd.s32 s0, v26  }
0x120: {  	v54 =	vand.u32 $0x7FF, v54;
	v42 =	vmax.f32 v42, v58;
	v38 =	vmax.f32 v38, v31  }
0x121: {  	v31 =	vadd.s32 s0, v2;
	v48 =	vand.u32 $0x7EF, v48;
	v53 =	vand.u32 $0x7EF, v32  }
0x122: {  	v41 =	vld.idx.msk [tilespmem:v41+s5+$0x0], $0xffff;
	v32 =	vxor.u32 v15, v33;
	v54 =	vxor.u32 v14, v54;
	v37 =	vmax.f32 v42, v29  }
0x123: {  	v42 =	vadd.s32 s0, v5;
	v29 =	vadd.s32 s0, v1;
	v56 =	vand.u32 $0x7EF, v31  }
0x124: {  	v53 =	vxor.u32 v61, v53;
	v48 =	vxor.u32 v62, v48;
	v33 =	vand.u32 $0x7F, v32  }
0x125: {  	v57 =	vshll.u32 v32, $0x3;
	v42 =	vand.u32 $0x7EF, v42;
	v55 =	vand.u32 $0x7EF, v29  }
0x126: {  	v56 =	vxor.u32 v13, v56;
	v29 =	vshll.u32 v54, $0x3;
	v57 =	vand.u32 $0x7FC00, v57  }
0x127: {  	v54 =	vand.u32 $0x7F, v54;
	v41 =	vand.u32 $0x7FFFFFFF, v41;
	v42 =	vxor.u32 v24, v42  }
0x128: {  	v55 =	vxor.u32 v16, v55;
	v59 =	vand.u32 $0xFFFFFC00, v29;
	v57 =	vor.u32 v57, v33  }
0x129: {  	v32 =	vand.u32 $0x7F, v56;
	v56 =	vshll.u32 v56, $0x3;
	v33 =	vshll.u32 v51, $0x3  }
0x12a: {  	v51 =	vand.u32 $0x7F, v51;
	v29 =	vshll.u32 v52, $0x3;
	v52 =	vand.u32 $0x7F, v52  }
0x12b: {  	v54 =	vor.u32 v54, v59;
	v31 =	vshll.u32 v55, $0x3;
	v55 =	vand.u32 $0x7F, v55  }
0x12c: {  	v56 =	vand.u32 $0x7FC00, v56;
	v58 =	vand.u32 $0x7FC00, v29;
	v29 =	vand.u32 $0x7F, v45  }
0x12d: {  	v57 =	vor.u32 $0x80, v57;
	v45 =	vshll.u32 v45, $0x3;
	v59 =	vand.u32 $0x7FC00, v31  }
0x12e: {  	v56 =	vor.u32 v56, v32;
	v31 =	vand.u32 $0x7F, v53;
	v53 =	vshll.u32 v53, $0x3  }
0x12f: {  	v52 =	vor.u32 v58, v52;
	v32 =	vshll.u32 v48, $0x3;
	v48 =	vand.u32 $0x7F, v48  }
0x130: {  	v45 =	vand.u32 $0x7FC00, v45;
	v55 =	vor.u32 v59, v55;
	v59 =	vand.u32 $0x7FC00, v33  }
0x131: {  	v53 =	vand.u32 $0x7FC00, v53;
	v58 =	vand.u32 $0x7FC00, v32;
	v33 =	vshll.u32 v49, $0x3  }
0x132: {  	v49 =	vand.u32 $0x7F, v49;
	v32 =	vshll.u32 v46, $0x3;
	v56 =	vor.u32 $0x180, v56  }
0x133: {  	v45 =	vor.u32 v29, v45;
	v46 =	vand.u32 $0x7F, v46;
	v29 =	vand.u32 $0x7F, v47  }
0x134: {  	v47 =	vshll.u32 v47, $0x3;
	v51 =	vor.u32 v59, v51;
	v53 =	vor.u32 v53, v31  }
0x135: {  	v48 =	vor.u32 v58, v48;
	v59 =	vand.u32 $0x7FC00, v33;
	v31 =	vshll.u32 v50, $0x3  }
0x136: {  	v50 =	vand.u32 $0x7F, v50;
	v55 =	vor.u32 $0x100, v55;
	v33 =	vand.u32 $0x7F, v44  }
0x137: {  	v44 =	vshll.u32 v44, $0x3;
	v47 =	vand.u32 $0x7FC00, v47;
	v45 =	vadd.s32 $0x4380, v45  }
0x138: {  	v49 =	vor.u32 v49, v59;
	v59 =	vand.u32 $0x7FC00, v31;
	v51 =	vor.u32 $0x200, v51  }
0x139: {  	v44 =	vand.u32 $0x7FC00, v44;
	v31 =	vshll.u32 v42, $0x3;
	v47 =	vor.u32 v29, v47;
	v54 =	vld.idx.msk [tilespmem:v54+s5+$0x0], $0xffff  }
0x13a: {  	v42 =	vand.u32 $0x7F, v42;
	v53 =	vor.u32 $0x300, v53;
	v48 =	vor.u32 $0x380, v48;
	v57 =	vld.idx.msk [tilespmem:v57+s5+$0x0], $0xffff  }
0x13b: {  	v50 =	vor.u32 v50, v59;
	v59 =	vand.u32 $0x7FC00, v32;
	v44 =	vor.u32 v33, v44;
	v56 =	vld.idx.msk [tilespmem:v56+s5+$0x0], $0xffff  }
0x13c: {  	v58 =	vand.u32 $0x7FC00, v31;
	v32 =	vor.u32 $0x280, v52;
	v49 =	vadd.s32 $0x4000, v49;
	v55 =	vld.idx.msk [tilespmem:v55+s5+$0x0], $0xffff  }
0x13d: {  	v47 =	vadd.s32 $0x4180, v47;
	v46 =	vor.u32 v46, v59;
	v58 =	vor.u32 v42, v58;
	v45 =	vld.idx.msk [tilespmem:v45+s5+$0x0], $0xffff  }
0x13e: {  	v59 =	vadd.s32 s0, v9;
	v50 =	vadd.s32 $0x4080, v50;
	v42 =	vadd.s32 $0x4200, v40;
	v51 =	vld.idx.msk [tilespmem:v51+s5+$0x0], $0xffff  }
0x13f: {  	v40 =	vadd.s32 $0x4300, v39;
	v39 =	vadd.s32 $0x4380, v43;
	v44 =	vadd.s32 $0x4300, v44;
	v53 =	vld.idx.msk [tilespmem:v53+s5+$0x0], $0xffff  }
0x140: {  	v46 =	vadd.s32 $0x4100, v46;
	v58 =	vadd.s32 $0x4280, v58;
	v48 =	vld.idx.msk [tilespmem:v48+s5+$0x0], $0xffff;
	v33 =	vand.u32 $0x7FFFFFFF, v54  }
0x141: {  	v57 =	vand.u32 $0x7FFFFFFF, v57;
	v54 =	vand.u32 $0x7EF, v59;
	v32 =	vld.idx.msk [tilespmem:v32+s5+$0x0], $0xffff;
	v52 =	vmax.f32 v33, $0.0e+00  }
0x142: {  	v49 =	vld.idx.msk [tilespmem:v49+s5+$0x0], $0xffff;
	v54 =	vxor.u32 v23, v54;
	v52 =	vmax.f32 v52, v57;
	v29 =	vand.u32 $0x7FFFFFFF, v56  }
0x143: {  	v47 =	vld.idx.msk [tilespmem:v47+s5+$0x0], $0xffff;
	v31 =	vand.u32 $0x7F, v54;
	v54 =	vshll.u32 v54, $0x3;
	v55 =	vand.u32 $0x7FFFFFFF, v55  }
0x144: {  	v50 =	vld.idx.msk [tilespmem:v50+s5+$0x0], $0xffff;
	v33 =	vand.u32 $0x7FC00, v54;
	v52 =	vmax.f32 v52, v55;
	v51 =	vand.u32 $0x7FFFFFFF, v51  }
0x145: {  	v44 =	vld.idx.msk [tilespmem:v44+s5+$0x0], $0xffff;
	v54 =	vor.u32 v31, v33;
	v53 =	vand.u32 $0x7FFFFFFF, v53;
	v48 =	vand.u32 $0x7FFFFFFF, v48  }
0x146: {  	v42 =	vld.idx.msk [tilespmem:v42+s5+$0x0], $0xffff;
	v31 =	vadd.s32 s7, v1;
	v33 =	vadd.s32 s7, v2;
	v2 =	vand.u32 $0x7FFFFFFF, v45  }
0x147: {  	v40 =	vld.idx.msk [tilespmem:v40+s5+$0x0], $0xffff;
	v45 =	vand.u32 $0x7FF, v27;
	v52 =	vmax.f32 v52, v29;
	v57 =	vadd.s32 $0x4200, v54  }
0x148: {  	v46 =	vld.idx.msk [tilespmem:v46+s5+$0x0], $0xffff;
	v59 =	vand.u32 $0x7FFFFFFF, v32;
	v29 =	vor.u32 s7, v19;
	v49 =	vand.u32 $0x7FFFFFFF, v49  }
0x149: {  	v43 =	vld.idx.msk [tilespmem:v58+s5+$0x0], $0xffff;
	v55 =	vand.u32 $0x7FF, v31;
	v47 =	vand.u32 $0x7FFFFFFF, v47;
	v1 =	vand.u32 $0x7FF, v33  }
0x14a: {  	v45 =	vxor.u32 v20, v45;
	v51 =	vmax.f32 v52, v51;
	v32 =	vsub.s32 v29, v12  }
0x14b: {  	v50 =	vand.u32 $0x7FFFFFFF, v50;
	v44 =	vand.u32 $0x7FFFFFFF, v44;
	v27 =	vshll.u32 v45, $0x3  }
0x14c: {  	v45 =	vand.u32 $0x7F, v45;
	v42 =	vand.u32 $0x7FFFFFFF, v42;
	v40 =	vand.u32 $0x7FFFFFFF, v40  }
0x14d: {  	v51 =	vmax.f32 v51, v59;
	v54 =	vand.u32 $0x7FF, v32;
	v46 =	vand.u32 $0x7FFFFFFF, v46  }
0x14e: {  	v43 =	vand.u32 $0x7FFFFFFF, v43;
	v59 =	vxor.u32 v16, v55;
	v37 =	vmax.f32 v37, v42  }
0x14f: {  	v51 =	vmax.f32 v51, v53;
	v53 =	vand.u32 $0x7FF, v29;
	v54 =	vxor.u32 v14, v54  }
0x150: {  	v33 =	vshll.u32 v59, $0x3;
	v48 =	vmax.f32 v51, v48;
	v53 =	vxor.u32 v15, v53  }
0x151: {  	v56 =	vshll.u32 v54, $0x3;
	v29 =	vand.u32 $0x7F, v54;
	v52 =	vld.idx.msk [tilespmem:v57+s5+$0x0], $0xffff;
	v48 =	vmax.f32 v48, v49  }
0x152: {  	v58 =	vshll.u32 v53, $0x3;
	v31 =	vand.u32 $0x7F, v53;
	v48 =	vmax.f32 v48, v50  }
0x153: {  	v32 =	vand.u32 $0x7FC00, v58;
	v58 =	vand.u32 $0x7FC00, v33;
	v50 =	vand.u32 $0x7FC00, v27  }
0x154: {  	v46 =	vmax.f32 v48, v46;
	v48 =	vand.u32 $0xFFFFFC00, v56;
	v56 =	vadd.s32 s7, v30  }
0x155: {  	v45 =	vor.u32 v50, v45;
	v46 =	vmax.f32 v46, v47;
	v47 =	vand.u32 $0x7F, v59  }
0x156: {  	v45 =	vor.u32 $0x200, v45;
	v47 =	vor.u32 v58, v47;
	v57 =	vand.u32 $0x7FFFFFFF, v52  }
0x157: {  	v47 =	vor.u32 $0x100, v47;
	v46 =	vmax.f32 v46, v57;
	v57 =	vor.u32 v32, v31  }
0x158: {  	v31 =	vadd.s32 s7, v7;
	v7 =	vadd.s32 s7, v8;
	v8 =	vadd.s32 s7, v9  }
0x159: {  	v43 =	vmax.f32 v46, v43;
	v46 =	vxor.u32 v13, v1;
	v1 =	vand.u32 $0x7FF, v56  }
0x15a: {  	v54 =	vand.u32 $0x7FF, v31;
	v31 =	vadd.s32 s7, v11;
	v43 =	vmax.f32 v43, v44  }
0x15b: {  	v44 =	vor.u32 v29, v48;
	v59 =	vshll.u32 v46, $0x3;
	v48 =	vor.u32 $0x80, v57  }
0x15c: {  	v46 =	vand.u32 $0x7F, v46;
	v51 =	vxor.u32 v60, v1;
	v29 =	vadd.s32 s7, v6  }
0x15d: {  	v54 =	vxor.u32 v63, v54;
	v43 =	vmax.f32 v43, v2;
	v2 =	vadd.s32 s7, v26  }
0x15e: {  	v26 =	vand.u32 $0x7FC00, v59;
	v30 =	vshll.u32 v51, $0x3;
	v49 =	vand.u32 $0x7FF, v29  }
0x15f: {  	v51 =	vand.u32 $0x7F, v51;
	v1 =	vshll.u32 v54, $0x3;
	v54 =	vand.u32 $0x7F, v54  }
0x160: {  	v52 =	vand.u32 $0x7FF, v2;
	v46 =	vor.u32 v26, v46;
	v32 =	vand.u32 $0x7FC00, v30  }
0x161: {  	v49 =	vxor.u32 v62, v49;
	v2 =	vadd.s32 s7, v3;
	v3 =	vadd.s32 s7, v4  }
0x162: {  	v45 =	vld.idx.msk [tilespmem:v45+s5+$0x0], $0xffff;
	v26 =	vadd.s32 s7, v10;
	v52 =	vxor.u32 v61, v52;
	v46 =	vor.u32 $0x180, v46  }
0x163: {  	v50 =	vor.u32 v32, v51;
	v59 =	vshll.u32 v49, $0x3;
	v49 =	vand.u32 $0x7F, v49  }
0x164: {  	v47 =	vld.idx.msk [tilespmem:v47+s5+$0x0], $0xffff;
	v33 =	vshll.u32 v52, $0x3;
	v57 =	vand.u32 $0x7F, v52;
	v53 =	vand.u32 $0x7FC00, v59  }
0x165: {  	v52 =	vand.u32 $0x7FC00, v1;
	v50 =	vor.u32 $0x280, v50;
	v44 =	vld.idx.msk [tilespmem:v44+s5+$0x0], $0xffff;
	v58 =	vand.u32 $0x7FC00, v33  }
0x166: {  	v48 =	vld.idx.msk [tilespmem:v48+s5+$0x0], $0xffff;
	v49 =	vor.u32 v53, v49;
	v53 =	vand.u32 $0x7FF, v2;
	v52 =	vor.u32 v54, v52  }
0x167: {  	v54 =	vand.u32 $0x7FF, v3;
	v45 =	vand.u32 $0x7FFFFFFF, v45;
	v51 =	vor.u32 v58, v57  }
0x168: {  	v53 =	vxor.u32 v0, v53;
	v54 =	vxor.u32 v21, v54;
	v49 =	vor.u32 $0x380, v49  }
0x169: {  	v52 =	vadd.s32 $0x4000, v52;
	v58 =	vmax.f32 v37, v41;
	v4 =	vshll.u32 v53, $0x3  }
0x16a: {  	v53 =	vand.u32 $0x7F, v53;
	v47 =	vand.u32 $0x7FFFFFFF, v47;
	v46 =	vld.idx.msk [tilespmem:v46+s5+$0x0], $0xffff;
	v44 =	vand.u32 $0x7FFFFFFF, v44  }
0x16b: {  	v6 =	vshll.u32 v54, $0x3;
	v48 =	vand.u32 $0x7FFFFFFF, v48;
	v44 =	vmax.f32 v44, $0.0e+00  }
0x16c: {  	v54 =	vand.u32 $0x7F, v54;
	v50 =	vld.idx.msk [tilespmem:v50+s5+$0x0], $0xffff;
	v44 =	vmax.f32 v44, v48;
	v48 =	vand.u32 $0x7FC00, v4  }
0x16d: {  	v51 =	vor.u32 $0x300, v51;
	v12 =	vmax.f32 v58, v40;
	v48 =	vor.u32 v53, v48  }
0x16e: {  	v44 =	vmax.f32 v44, v47;
	v53 =	vand.u32 $0x7FC00, v6;
	v47 =	vand.u32 $0x7FF, v7  }
0x16f: {  	v49 =	vld.idx.msk [tilespmem:v49+s5+$0x0], $0xffff;
	v46 =	vand.u32 $0x7FFFFFFF, v46;
	v53 =	vor.u32 v54, v53;
	v47 =	vxor.u32 v22, v47  }
0x170: {  	v27 =	vld.idx.msk [tilespmem:v52+s5+$0x0], $0xffff;
	v54 =	vand.u32 $0x7FF, v8;
	v44 =	vmax.f32 v44, v46;
	v48 =	vadd.s32 $0x4080, v48  }
0x171: {  	v50 =	vand.u32 $0x7FFFFFFF, v50;
	v9 =	vshll.u32 v47, $0x3;
	v54 =	vxor.u32 v23, v54  }
0x172: {  	v47 =	vand.u32 $0x7F, v47;
	v44 =	vmax.f32 v44, v45;
	v23 =	vadd.s32 s7, v5  }
0x173: {  	v53 =	vadd.s32 $0x4100, v53;
	v46 =	vand.u32 $0x7FC00, v9;
	v21 =	vshll.u32 v54, $0x3  }
0x174: {  	v22 =	vld.idx.msk [tilespmem:v51+s5+$0x0], $0xffff;
	v54 =	vand.u32 $0x7F, v54;
	v51 =	vand.u32 $0x7FF, v23;
	v44 =	vmax.f32 v44, v50  }
0x175: {  	v49 =	vand.u32 $0x7FFFFFFF, v49;
	v32 =	vand.u32 $0x7FFFFFFF, v27;
	v46 =	vor.u32 v47, v46  }
0x176: {  	v47 =	vand.u32 $0x7FC00, v21;
	v51 =	vxor.u32 v24, v51;
	v46 =	vadd.s32 $0x4180, v46  }
0x177: {  	v47 =	vor.u32 v54, v47;
	v54 =	vand.u32 $0x7FF, v26;
	v29 =	vshll.u32 v51, $0x3  }
0x178: {  	v51 =	vand.u32 $0x7F, v51;
	v54 =	vxor.u32 v25, v54;
	v52 =	vand.u32 $0x7FC00, v29;
	v48 =	vld.idx.msk [tilespmem:v48+s5+$0x0], $0xffff  }
0x179: {  	v45 =	vand.u32 $0x7FFFFFFF, v22;
	v47 =	vadd.s32 $0x4200, v47;
	v30 =	vshll.u32 v54, $0x3;
	v53 =	vld.idx.msk [tilespmem:v53+s5+$0x0], $0xffff  }
0x17a: {  	v51 =	vor.u32 v51, v52;
	v54 =	vand.u32 $0x7F, v54;
	v52 =	vand.u32 $0x7FC00, v30  }
0x17b: {  	v44 =	vmax.f32 v44, v45;
	v52 =	vor.u32 v54, v52;
	v54 =	vadd.s32 $0x4280, v51;
	v46 =	vld.idx.msk [tilespmem:v46+s5+$0x0], $0xffff  }
0x17c: {  	v55 =	vld.idx.msk [tilespmem:v39+s5+$0x0], $0xffff;
	v45 =	vand.u32 $0x7FF, v31;
	v44 =	vmax.f32 v44, v49;
	v56 =	vadd.s32 $0x4300, v52  }
0x17d: {  	v45 =	vxor.u32 v28, v45;
	v44 =	vmax.f32 v44, v32;
	v48 =	vand.u32 $0x7FFFFFFF, v48  }
0x17e: {  	s6 =	simm.s32 $0x8010;
	v33 =	vshll.u32 v45, $0x3;
	v44 =	vmax.f32 v44, v48;
	v57 =	vand.u32 $0x7FFFFFFF, v53  }
0x17f: {  	[tilespmem:s6+$0xFFFFFFF0] =	vst v34;
	s0 =	simm.s32 $0x8030;
	v45 =	vand.u32 $0x7F, v45;
	v49 =	vand.u32 $0x7FC00, v33;
	v48 =	vmax.f32 v44, v57;
	v44 =	vld.idx.msk [tilespmem:v47+s5+$0x0], $0xffff  }
0x180: {  	s23 =	simm.s32 $0x8050;
	[tilespmem:s0+$0xFFFFFFF0] =	vst v35;
	v40 =	vmax.f32 v38, v36;
	v45 =	vor.u32 v45, v49;
	v37 =	vld.idx.msk [tilespmem:v54+s5+$0x0], $0xffff;
	v59 =	vand.u32 $0x7FFFFFFF, v46  }
0x181: {  	s28 =	simm.s32 $0x4;
	s29 =	sadd.s32 $0x20, s7;
	[tilespmem:s23+$0xFFFFFFF0] =	vst v43;
	v36 =	vand.u32 $0x7FFFFFFF, v55;
	v45 =	vadd.s32 $0x4380, v45;
	v38 =	vld.idx.msk [tilespmem:v56+s5+$0x0], $0xffff;
	v35 =	vmax.f32 v48, v59  }
.LBB2_2:
0x182: {  	_ =	sdelay $0x1  }
0x183: {  	v0 =	vld [tilespmem:$0x1FE60]  }
0x184: {  	v1 =	vld [tilespmem:$0x1FE70]  }
0x185: {  	v2 =	vld.idx.msk [tilespmem:v45+s5+$0x0], $0xffff  }
0x186: {  	v13 =	vld [tilespmem:$0x1FEF0]  }
0x187: {  	v34 =	vld [tilespmem:$0x1FF10]  }
0x188: {  	[tilespmem:s6+$0x0] =	vst v40;
	v40 =	vld [tilespmem:$0x1FF30]  }
0x189: {  	v14 =	vld [tilespmem:$0x1FEB0]  }
0x18a: {  	v18 =	vld [tilespmem:$0x1FEC0]  }
0x18b: {  	v16 =	vld [tilespmem:$0x1FED0]  }
0x18c: {  	v21 =	vld [tilespmem:$0x1FE80]  }
0x18d: {  	v26 =	vld [tilespmem:$0x1FE90]  }
0x18e: {  	v22 =	vld [tilespmem:$0x1FEA0]  }
0x18f: {  	[tilespmem:$0x1FDE0] =	vst v12;
	v12 =	vld [tilespmem:$0x1FFE0]  }
0x190: {  	s7 =	sadd.s32 $0xFFFFFFF0, s29;
	v23 =	vld [tilespmem:$0x1FFF0]  }
0x191: {  	v43 =	vor.u32 s29, v19;
	v29 =	vld [tilespmem:$0x1FFC0];
	v56 =	vor.u32 s7, v19;
	v42 =	vadd.s32 s29, v0  }
0x192: {  	v17 =	vld [tilespmem:$0x1FDF0];
	v41 =	vadd.s32 s29, v1;
	v11 =	vadd.s32 s7, v13;
	v33 =	vadd.s32 s7, v34  }
0x193: {  	v25 =	vld [tilespmem:$0x1FFB0];
	v46 =	vadd.s32 s7, v40;
	v47 =	vadd.s32 s7, v14;
	v48 =	vadd.s32 s7, v18  }
0x194: {  	v32 =	vld [tilespmem:$0x1FFA0];
	v49 =	vadd.s32 s7, v16;
	v50 =	vadd.s32 s7, v21;
	v51 =	vadd.s32 s7, v26  }
0x195: {  	v30 =	vld [tilespmem:$0x1FF70];
	v52 =	vadd.s32 s7, v22;
	v53 =	vadd.s32 s7, v12;
	v54 =	vadd.s32 s7, v23  }
0x196: {  	v19 =	vld [tilespmem:$0x1FE10];
	v55 =	vadd.s32 s7, v29;
	v57 =	vadd.s32 s7, v0;
	v58 =	vadd.s32 s7, v1  }
0x197: {  	v24 =	vld [tilespmem:$0x1FF80];
	v10 =	vmovc v44;
	v44 =	vand.u32 $0x7EF, v11;
	v45 =	vand.u32 $0x7EF, v33;
	v46 =	vand.u32 $0x7EF, v46  }
0x198: {  	v28 =	vld [tilespmem:$0x1FE50];
	v47 =	vand.u32 $0x7EF, v47;
	v48 =	vand.u32 $0x7EF, v48;
	v49 =	vand.u32 $0x7EF, v49  }
0x199: {  	v27 =	vld [tilespmem:$0x1FF90];
	v50 =	vand.u32 $0x7EF, v50;
	v51 =	vand.u32 $0x7EF, v51;
	v52 =	vand.u32 $0x7EF, v52  }
0x19a: {  	v20 =	vld [tilespmem:$0x1FE30];
	v53 =	vand.u32 $0x7EF, v53;
	v54 =	vand.u32 $0x7EF, v54;
	v55 =	vand.u32 $0x7EF, v55  }
0x19b: {  	v15 =	vld [tilespmem:$0x1FE40];
	v59 =	vxor.u32 v19, v56;
	v57 =	vand.u32 $0x7EF, v57;
	v58 =	vand.u32 $0x7EF, v58  }
0x19c: {  	v39 =	vld [tilespmem:$0x1FE20];
	v56 =	vsub.s32 v56, v17;
	v45 =	vxor.u32 v25, v45;
	v48 =	vxor.u32 v32, v48  }
0x19d: {  	v49 =	vxor.u32 v30, v49;
	v44 =	vxor.u32 v24, v44;
	v51 =	vxor.u32 v63, v51  }
0x19e: {  	v52 =	vxor.u32 v28, v52;
	v47 =	vxor.u32 v27, v47;
	v54 =	vxor.u32 v60, v54  }
0x19f: {  	v55 =	vxor.u32 v61, v55;
	v50 =	vxor.u32 v62, v50;
	v60 =	vand.u32 $0x7F, v59  }
0x1a0: {  	v58 =	vxor.u32 v20, v58;
	v53 =	vxor.u32 v15, v53;
	v56 =	vand.u32 $0x7FF, v56  }
0x1a1: {  	v59 =	vshll.u32 v59, $0x3;
	v57 =	vxor.u32 v39, v57;
	v61 =	vand.u32 $0x7F, v45  }
0x1a2: {  	v63 =	vand.u32 $0x7F, v49;
	v31 =	vand.u32 $0x7F, v44;
	v45 =	vshll.u32 v45, $0x3  }
0x1a3: {  	v33 =	vand.u32 $0x7F, v48;
	v49 =	vshll.u32 v49, $0x3;
	v44 =	vshll.u32 v44, $0x3  }
0x1a4: {  	v0 =	vand.u32 $0x7F, v52;
	v1 =	vand.u32 $0x7F, v47;
	v48 =	vshll.u32 v48, $0x3  }
0x1a5: {  	[tilespmem:$0x1FDD0] =	vst v2;
	v2 =	vand.u32 $0x7F, v51;
	v52 =	vshll.u32 v52, $0x3;
	v47 =	vshll.u32 v47, $0x3  }
0x1a6: {  	v3 =	vand.u32 $0x7F, v55;
	v4 =	vand.u32 $0x7F, v50;
	v51 =	vshll.u32 v51, $0x3  }
0x1a7: {  	v5 =	vand.u32 $0x7F, v54;
	v55 =	vshll.u32 v55, $0x3;
	v50 =	vshll.u32 v50, $0x3  }
0x1a8: {  	[tilespmem:$0x1FDC0] =	vst v10;
	v10 =	vld [tilespmem:$0x1FE00];
	v6 =	vand.u32 $0x7F, v58;
	v7 =	vand.u32 $0x7F, v53;
	v54 =	vshll.u32 v54, $0x3  }
0x1a9: {  	v8 =	vand.u32 $0x7F, v57;
	v58 =	vshll.u32 v58, $0x3;
	v53 =	vshll.u32 v53, $0x3  }
0x1aa: {  	v59 =	vand.u32 $0x7FC00, v59;
	v57 =	vshll.u32 v57, $0x3;
	v44 =	vand.u32 $0x7FC00, v44  }
0x1ab: {  	v45 =	vand.u32 $0x7FC00, v45;
	v48 =	vand.u32 $0x7FC00, v48;
	v49 =	vand.u32 $0x7FC00, v49  }
0x1ac: {  	v47 =	vand.u32 $0x7FC00, v47;
	v57 =	vand.u32 $0x7FC00, v57;
	v53 =	vand.u32 $0x7FC00, v53  }
0x1ad: {  	v50 =	vand.u32 $0x7FC00, v50;
	v52 =	vand.u32 $0x7FC00, v52;
	v56 =	vxor.u32 v10, v56  }
0x1ae: {  	v8 =	vor.u32 v57, v8;
	v57 =	vand.u32 $0x7FC00, v58;
	v7 =	vor.u32 v53, v7  }
0x1af: {  	v4 =	vor.u32 v50, v4;
	v0 =	vor.u32 v0, v52;
	v8 =	vor.u32 $0x100, v8  }
0x1b0: {  	v11 =	vld [tilespmem:$0x1FFD0];
	v1 =	vor.u32 v1, v47;
	v45 =	vor.u32 v61, v45;
	v7 =	vor.u32 $0x200, v7  }
0x1b1: {  	v31 =	vor.u32 v31, v44;
	v9 =	vshll.u32 v56, $0x3;
	v4 =	vor.u32 $0x380, v4  }
0x1b2: {  	v61 =	vld [tilespmem:$0x1FF00];
	v56 =	vand.u32 $0x7F, v56;
	v0 =	vadd.s32 $0x4080, v0;
	v9 =	vand.u32 $0xFFFFFC00, v9  }
0x1b3: {  	v1 =	vadd.s32 $0x4100, v1;
	v9 =	vor.u32 v56, v9;
	v56 =	vor.u32 v59, v60;
	v60 =	vld [tilespmem:$0x1FEE0]  }
0x1b4: {  	v33 =	vor.u32 v33, v48;
	v6 =	vor.u32 v57, v6;
	v31 =	vadd.s32 $0x4280, v31;
	v8 =	vld.idx.msk [tilespmem:v8+s5+$0x0], $0xffff  }
0x1b5: {  	v46 =	vxor.u32 v11, v46;
	v57 =	vand.u32 $0x7FC00, v55;
	v6 =	vor.u32 $0x180, v6;
	v7 =	vld.idx.msk [tilespmem:v7+s5+$0x0], $0xffff  }
0x1b6: {  	v62 =	vand.u32 $0x7F, v46;
	v46 =	vshll.u32 v46, $0x3;
	v3 =	vor.u32 v57, v3;
	v4 =	vld.idx.msk [tilespmem:v4+s5+$0x0], $0xffff  }
0x1b7: {  	v46 =	vand.u32 $0x7FC00, v46;
	v59 =	vand.u32 $0x7FC00, v54;
	v3 =	vor.u32 $0x300, v3;
	v0 =	vld.idx.msk [tilespmem:v0+s5+$0x0], $0xffff  }
0x1b8: {  	v54 =	vor.u32 v63, v49;
	v56 =	vor.u32 $0x80, v56;
	v46 =	vor.u32 v62, v46;
	v1 =	vld.idx.msk [tilespmem:v1+s5+$0x0], $0xffff  }
0x1b9: {  	v5 =	vor.u32 v59, v5;
	v44 =	vadd.s32 $0x4200, v54;
	v57 =	vadd.s32 $0x4380, v46;
	v46 =	vld.idx.msk [tilespmem:v31+s5+$0x0], $0xffff  }
0x1ba: {  	v47 =	vand.u32 $0x7FF, v43;
	v59 =	vand.u32 $0x7FC00, v51;
	v5 =	vor.u32 $0x280, v5;
	v6 =	vld.idx.msk [tilespmem:v6+s5+$0x0], $0xffff  }
0x1bb: {  	v52 =	vand.u32 $0x7FF, v42;
	v33 =	vadd.s32 $0x4180, v33;
	v2 =	vor.u32 v2, v59;
	v9 =	vld.idx.msk [tilespmem:v9+s5+$0x0], $0xffff  }
0x1bc: {  	v51 =	vxor.u32 v19, v47;
	v19 =	vlaneseq.u32;
	v2 =	vadd.s32 $0x4000, v2;
	v3 =	vld.idx.msk [tilespmem:v3+s5+$0x0], $0xffff  }
0x1bd: {  	v47 =	vadd.s32 s29, v29;
	v59 =	vsub.s32 v43, v17;
	v43 =	vadd.s32 s29, v23;
	v58 =	vld.idx.msk [tilespmem:v56+s5+$0x0], $0xffff  }
0x1be: {  	v31 =	vadd.s32 s29, v12;
	v56 =	vadd.s32 $0x4300, v45;
	v45 =	vld.idx.msk [tilespmem:v44+s5+$0x0], $0xffff;
	v8 =	vand.u32 $0x7FFFFFFF, v8  }
0x1bf: {  	v5 =	vld.idx.msk [tilespmem:v5+s5+$0x0], $0xffff;
	v7 =	vand.u32 $0x7FFFFFFF, v7;
	v4 =	vand.u32 $0x7FFFFFFF, v4;
	v0 =	vand.u32 $0x7FFFFFFF, v0  }
0x1c0: {  	v50 =	vld.idx.msk [tilespmem:v57+s5+$0x0], $0xffff;
	v1 =	vand.u32 $0x7FFFFFFF, v1;
	v57 =	vand.u32 $0x7FFFFFFF, v46;
	v46 =	vand.u32 $0x7FF, v43  }
0x1c1: {  	v2 =	vld.idx.msk [tilespmem:v2+s5+$0x0], $0xffff;
	v6 =	vand.u32 $0x7FFFFFFF, v6;
	v9 =	vand.u32 $0x7FFFFFFF, v9;
	v3 =	vand.u32 $0x7FFFFFFF, v3  }
0x1c2: {  	v9 =	vmax.f32 v9, $0.0e+00;
	v55 =	vand.u32 $0x7FFFFFFF, v58;
	v58 =	vld.idx.msk [tilespmem:v33+s5+$0x0], $0xffff;
	v33 =	vand.u32 $0x7FF, v59  }
0x1c3: {  	v48 =	vld.idx.msk [tilespmem:v56+s5+$0x0], $0xffff;
	v56 =	vshll.u32 v51, $0x3;
	v59 =	vand.u32 $0x7FF, v41;
	v41 =	vand.u32 $0x7F, v51  }
0x1c4: {  	v9 =	vmax.f32 v9, v55;
	v5 =	vand.u32 $0x7FFFFFFF, v5;
	v49 =	vxor.u32 v10, v33  }
0x1c5: {  	v55 =	vand.u32 $0x7FFFFFFF, v45;
	v10 =	vand.u32 $0x7FFFFFFF, v50;
	v50 =	vadd.s32 s29, v21  }
0x1c6: {  	v8 =	vmax.f32 v9, v8;
	v2 =	vand.u32 $0x7FFFFFFF, v2;
	v54 =	vshll.u32 v49, $0x3  }
0x1c7: {  	v33 =	vand.u32 $0x7F, v49;
	v6 =	vmax.f32 v8, v6;
	v8 =	vand.u32 $0x7FF, v47  }
0x1c8: {  	v62 =	vld [tilespmem:$0x1FF20];
	v6 =	vmax.f32 v6, v7;
	v7 =	vxor.u32 v60, v46;
	v8 =	vxor.u32 v61, v8  }
0x1c9: {  	v46 =	vadd.s32 s29, v16;
	v5 =	vmax.f32 v6, v5;
	v53 =	vand.u32 $0x7FFFFFFF, v58  }
0x1ca: {  	v58 =	vand.u32 $0x7FFFFFFF, v48;
	v6 =	vand.u32 $0x7FC00, v56;
	v51 =	vshll.u32 v7, $0x3  }
0x1cb: {  	v7 =	vand.u32 $0x7F, v7;
	v56 =	vand.u32 $0x7F, v8;
	v43 =	vand.u32 $0x7FF, v46  }
0x1cc: {  	v3 =	vmax.f32 v5, v3;
	v5 =	vand.u32 $0x7FF, v50;
	v43 =	vxor.u32 v30, v43  }
0x1cd: {  	v3 =	vmax.f32 v3, v4;
	v4 =	vxor.u32 v20, v59;
	v5 =	vxor.u32 v62, v5  }
0x1ce: {  	v59 =	vadd.s32 s29, v14;
	v2 =	vmax.f32 v3, v2;
	v3 =	vand.u32 $0x7FF, v31  }
0x1cf: {  	v45 =	vshll.u32 v4, $0x3;
	v4 =	vand.u32 $0x7F, v4;
	v0 =	vmax.f32 v2, v0  }
0x1d0: {  	v2 =	vxor.u32 v39, v52;
	v39 =	vand.u32 $0xFFFFFC00, v54;
	v3 =	vxor.u32 v15, v3  }
0x1d1: {  	v63 =	vld [tilespmem:$0x1FF40];
	v48 =	vand.u32 $0x7FC00, v45;
	v52 =	vadd.s32 s29, v26;
	v54 =	vshll.u32 v8, $0x3  }
0x1d2: {  	v8 =	vand.u32 $0x7FF, v59;
	v0 =	vmax.f32 v0, v1;
	v42 =	vshll.u32 v2, $0x3  }
0x1d3: {  	v1 =	vor.u32 v33, v39;
	v2 =	vand.u32 $0x7F, v2;
	v49 =	vshll.u32 v3, $0x3  }
0x1d4: {  	v4 =	vor.u32 v48, v4;
	v3 =	vand.u32 $0x7F, v3;
	v31 =	vand.u32 $0x7FF, v52  }
0x1d5: {  	v8 =	vxor.u32 v27, v8;
	v0 =	vmax.f32 v0, v53;
	v44 =	vand.u32 $0x7FC00, v42  }
0x1d6: {  	v4 =	vor.u32 $0x180, v4;
	v53 =	vand.u32 $0x7FC00, v51;
	v31 =	vxor.u32 v63, v31  }
0x1d7: {  	v51 =	vadd.s32 s29, v13;
	v0 =	vmax.f32 v0, v55;
	v2 =	vor.u32 v44, v2  }
0x1d8: {  	v55 =	vadd.s32 s29, v22;
	v21 =	vshll.u32 v31, $0x3;
	v22 =	vadd.s32 s29, v18  }
0x1d9: {  	v23 =	vand.u32 $0x7F, v31;
	v0 =	vmax.f32 v0, v57;
	v2 =	vor.u32 $0x100, v2  }
0x1da: {  	v57 =	vand.u32 $0x7FC00, v54;
	v33 =	vand.u32 $0x7FF, v55;
	v26 =	vand.u32 $0x7FC00, v21  }
0x1db: {  	v42 =	vand.u32 $0x7FF, v22;
	v54 =	vand.u32 $0x7FF, v51;
	v55 =	vadd.s32 s29, v34  }
0x1dc: {  	v22 =	vand.u32 $0x7F, v43;
	v0 =	vmax.f32 v0, v58;
	v58 =	vshll.u32 v5, $0x3  }
0x1dd: {  	v5 =	vand.u32 $0x7F, v5;
	v33 =	vxor.u32 v28, v33;
	v42 =	vxor.u32 v32, v42  }
0x1de: {  	s6 =	smov.u32 s0;
	s0 =	smov.u32 s23;
	s23 =	sadd.s32 $0x20, s23;
	v0 =	vmax.f32 v0, v10;
	v9 =	vand.u32 $0x7FC00, v58;
	v45 =	vshll.u32 v33, $0x3  }
0x1df: {  	v47 =	vand.u32 $0x7F, v33;
	v58 =	vadd.s32 s29, v40;
	[tilespmem:s23+$0xFFFFFFF0] =	vst v0;
	v0 =	vor.u32 v6, v41  }
0x1e0: {  	v6 =	vand.u32 $0x7FC00, v49;
	v5 =	vor.u32 v9, v5;
	v9 =	vor.u32 v23, v26  }
0x1e1: {  	v48 =	vand.u32 $0x7FC00, v45;
	v49 =	vshll.u32 v8, $0x3;
	v8 =	vand.u32 $0x7F, v8  }
0x1e2: {  	v0 =	vor.u32 $0x80, v0;
	v3 =	vor.u32 v6, v3;
	v6 =	vor.u32 v53, v7  }
0x1e3: {  	v7 =	vor.u32 v57, v56;
	v5 =	vor.u32 $0x380, v5;
	v9 =	vadd.s32 $0x4000, v9  }
0x1e4: {  	v1 =	vld.idx.msk [tilespmem:v1+s5+$0x0], $0xffff;
	v31 =	vor.u32 v47, v48;
	v52 =	vand.u32 $0x7FC00, v49;
	v53 =	vshll.u32 v42, $0x3  }
0x1e5: {  	v56 =	vand.u32 $0x7F, v42;
	v57 =	vshll.u32 v43, $0x3;
	v2 =	vld.idx.msk [tilespmem:v2+s5+$0x0], $0xffff;
	v3 =	vor.u32 $0x200, v3  }
0x1e6: {  	v4 =	vld.idx.msk [tilespmem:v4+s5+$0x0], $0xffff;
	v6 =	vor.u32 $0x280, v6;
	v7 =	vor.u32 $0x300, v7;
	v31 =	vadd.s32 $0x4080, v31  }
0x1e7: {  	v8 =	vor.u32 v8, v52;
	v41 =	vand.u32 $0x7FC00, v53;
	v23 =	vand.u32 $0x7FC00, v57;
	v0 =	vld.idx.msk [tilespmem:v0+s5+$0x0], $0xffff  }
0x1e8: {  	v59 =	vadd.s32 $0x4100, v8;
	v21 =	vor.u32 v56, v41;
	v28 =	vor.u32 v22, v23;
	v5 =	vld.idx.msk [tilespmem:v5+s5+$0x0], $0xffff  }
0x1e9: {  	v56 =	vand.u32 $0x7FFFFFFF, v38;
	v1 =	vand.u32 $0x7FFFFFFF, v1;
	v27 =	vadd.s32 $0x4180, v21;
	v9 =	vld.idx.msk [tilespmem:v9+s5+$0x0], $0xffff  }
0x1ea: {  	v8 =	vadd.s32 $0x4200, v28;
	v3 =	vld.idx.msk [tilespmem:v3+s5+$0x0], $0xffff;
	v50 =	vand.u32 $0x7FFFFFFF, v2;
	v2 =	vand.u32 $0x7FF, v55  }
0x1eb: {  	v1 =	vmax.f32 v1, $0.0e+00;
	v6 =	vld.idx.msk [tilespmem:v6+s5+$0x0], $0xffff;
	v2 =	vxor.u32 v25, v2;
	v25 =	vand.u32 $0x7FF, v58  }
0x1ec: {  	v4 =	vand.u32 $0x7FFFFFFF, v4;
	v7 =	vld.idx.msk [tilespmem:v7+s5+$0x0], $0xffff;
	v46 =	vshll.u32 v2, $0x3;
	v47 =	vxor.u32 v11, v25  }
0x1ed: {  	v2 =	vand.u32 $0x7F, v2;
	v48 =	vshll.u32 v47, $0x3;
	v0 =	vand.u32 $0x7FFFFFFF, v0  }
0x1ee: {  	v49 =	vand.u32 $0x7F, v47;
	v5 =	vand.u32 $0x7FFFFFFF, v5;
	v0 =	vmax.f32 v1, v0  }
0x1ef: {  	v53 =	vld [tilespmem:$0x1FDC0];
	v51 =	vand.u32 $0x7FFFFFFF, v9;
	v1 =	vxor.u32 v24, v54;
	v0 =	vmax.f32 v0, v50  }
0x1f0: {  	v31 =	vld.idx.msk [tilespmem:v31+s5+$0x0], $0xffff;
	v3 =	vand.u32 $0x7FFFFFFF, v3;
	v26 =	vand.u32 $0x7FFFFFFF, v6;
	v0 =	vmax.f32 v0, v4  }
0x1f1: {  	v30 =	vld.idx.msk [tilespmem:v59+s5+$0x0], $0xffff;
	v7 =	vand.u32 $0x7FFFFFFF, v7;
	v24 =	vshll.u32 v1, $0x3;
	v0 =	vmax.f32 v0, v3  }
0x1f2: {  	v58 =	vld [tilespmem:$0x1FDD0];
	v1 =	vand.u32 $0x7F, v1;
	v29 =	vand.u32 $0x7FC00, v24;
	v0 =	vmax.f32 v0, v26  }
0x1f3: {  	v59 =	vld [tilespmem:$0x1FDE0];
	v4 =	vand.u32 $0x7FC00, v46;
	v1 =	vor.u32 v1, v29;
	v0 =	vmax.f32 v0, v7  }
0x1f4: {  	s28 =	sadd.s32 $0x2, s28;
	v6 =	vld.idx.msk [tilespmem:v27+s5+$0x0], $0xffff;
	v2 =	vor.u32 v2, v4;
	v1 =	vadd.s32 $0x4280, v1;
	v0 =	vmax.f32 v0, v5  }
0x1f5: {  	p1 =	slt.u32 s28, $0x3E;
	v52 =	vand.u32 $0x7FFFFFFF, v31;
	v2 =	vadd.s32 $0x4300, v2;
	v0 =	vmax.f32 v0, v51  }
.Ltmp0:
0x1f6: {  	v54 =	vand.u32 $0x7FFFFFFF, v37;
	v3 =	vand.u32 $0x7FFFFFFF, v30;
	v0 =	vmax.f32 v0, v52;
	(pc) =	sbr.rel @p1 .LBB2_2-.Ltmp0, $4  }
0x1f7: {  	v50 =	vand.u32 $0x7FC00, v48;
	v0 =	vmax.f32 v0, v3;
	v3 =	vand.u32 $0x7FFFFFFF, v53  }
0x1f8: {  	v44 =	vld.idx.msk [tilespmem:v8+s5+$0x0], $0xffff;
	v40 =	vmax.f32 v59, v36;
	v4 =	vor.u32 v49, v50;
	v3 =	vmax.f32 v35, v3  }
0x1f9: {  	v55 =	vand.u32 $0x7FFFFFFF, v6;
	v37 =	vld.idx.msk [tilespmem:v1+s5+$0x0], $0xffff;
	v1 =	vand.u32 $0x7FFFFFFF, v58;
	v57 =	vmax.f32 v3, v54  }
0x1fa: {  	s29 =	sadd.s32 $0x20, s29;
	v45 =	vadd.s32 $0x4380, v4;
	v38 =	vld.idx.msk [tilespmem:v2+s5+$0x0], $0xffff;
	v35 =	vmax.f32 v0, v55;
	v36 =	vmovc v1;
	v12 =	vmax.f32 v57, v56  }
0x1fb: {  	v4 =	vld [tilespmem:$0x1FFD0]  }
0x1fc: {  	v26 =	vld [tilespmem:$0x1FFC0]  }
0x1fd: {  	v5 =	vld [tilespmem:$0x1FFB0]  }
0x1fe: {  	v30 =	vld [tilespmem:$0x1FFF0]  }
0x1ff: {  	v0 =	vld.idx.msk [tilespmem:v45+s5+$0x0], $0xffff  }
0x200: {  	v28 =	vld [tilespmem:$0x1FFE0]  }
0x201: {  	v25 =	vld [tilespmem:$0x1FF80];
	v1 =	vand.u32 $0x7FFFFFFF, v44  }
0x202: {  	v24 =	vld [tilespmem:$0x1FF70];
	v2 =	vand.u32 $0x7FFFFFFF, v37;
	v1 =	vmax.f32 v35, v1  }
0x203: {  	v23 =	vld [tilespmem:$0x1FFA0];
	v3 =	vand.u32 $0x7FFFFFFF, v38;
	v1 =	vmax.f32 v1, v2  }
0x204: {  	v22 =	vld [tilespmem:$0x1FF90];
	[tilespmem:s6+$0x0] =	vst v40;
	v63 =	vmax.f32 v12, v36;
	v0 =	vand.u32 $0x7FFFFFFF, v0;
	v1 =	vmax.f32 v1, v3  }
0x205: {  	[tilespmem:s0+$0x0] =	vst v63;
	v0 =	vmax.f32 v1, v0  }
0x206: {  	[tilespmem:s23+$0x0] =	vst v0  }
0x207: {  	s29 =	simm.s32 $0x8000;
	s0 =	rddreg [dreg:$0x9]  }
0x208: {  	[spmem:s0] =	stream.strided.scatter [tilespmem:s29], [sflag:$0x9], $0x400, s11, s10, $0x38;
	[tilespmem:$0xD500] =	vst v63  }
0x209: {  	_ =	swait.ge [sflag:s8], $0x400  }
0x20a: {  	[sflag:s8] =	ssyncset.done $0x0;
	s0 =	rddreg [dreg:$0xa]  }
0x20b: {  	s3 =	rddreg [dreg:$0x10];
	[sflag:s8] =	ssyncadd.s32 $0xFFFFFC00  }
0x20c: {  	[spmem:s26] =	stream.linear.scatter @!p0 [tilespmem:s0], [sflag:$0x9], $0x80, $0x38;
	[tilespmem:$0xD500] =	vst v63  }
0x20d: {  	s0 =	rddreg [dreg:$0xf]  }
0x20e: {  	[spmem:s3] =	stream.linear.scatter @!p0 [tilespmem:s0], [sflag:$0x9], $0x80, $0x38;
	[tilespmem:$0xD500] =	vst v63  }
0x20f: {  	s0 =	rddreg [dreg:$0x11]  }
0x210: {  	s3 =	rddreg [dreg:$0x12]  }
0x211: {  	[spmem:s3] =	stream.linear.scatter @!p0 [tilespmem:s0], [sflag:$0x9], $0x80, $0x38;
	[tilespmem:$0xD500] =	vst v63  }
0x212: {  	s0 =	rddreg [dreg:$0x13]  }
0x213: {  	s3 =	rddreg [dreg:$0x15]  }
0x214: {  	[spmem:s3] =	stream.linear.scatter @!p0 [tilespmem:s0], [sflag:$0x9], $0x80, $0x38;
	[tilespmem:$0xD500] =	vst v63  }
0x215: {  	s0 =	rddreg [dreg:$0x16]  }
0x216: {  	s3 =	rddreg [dreg:$0x17]  }
0x217: {  	[spmem:s3] =	stream.linear.scatter @!p0 [tilespmem:s0], [sflag:$0x9], $0x80, $0x38;
	[tilespmem:$0xD500] =	vst v63  }
0x218: {  	s0 =	rddreg [dreg:$0x18]  }
0x219: {  	s3 =	rddreg [dreg:$0x19]  }
0x21a: {  	[spmem:s3] =	stream.linear.scatter @!p0 [tilespmem:s0], [sflag:$0x9], $0x80, $0x38;
	[tilespmem:$0xD500] =	vst v63  }
0x21b: {  	s0 =	rddreg [dreg:$0x1a]  }
0x21c: {  	s3 =	rddreg [dreg:$0x1b]  }
0x21d: {  	[spmem:s3] =	stream.linear.scatter @!p0 [tilespmem:s0], [sflag:$0x9], $0x80, $0x38;
	[tilespmem:$0xD500] =	vst v63  }
0x21e: {  	s0 =	rddreg [dreg:$0x1c]  }
0x21f: {  	s3 =	rddreg [dreg:$0x1d]  }
0x220: {  	[spmem:s3] =	stream.linear.scatter @!p0 [tilespmem:s0], [sflag:$0x9], $0x80, $0x38;
	[tilespmem:$0xD500] =	vst v63  }
0x221: {  	s0 =	simm.s32 @!p0 $0x9  }
0x222: {  	_ =	swait.ge @!p0 [sflag:s0], $0x400  }
0x223: {  	[sflag:s0] =	ssyncset.done @!p0 $0x0  }
0x224: {  	[sflag:s0] =	ssyncadd.s32 @!p0 $0xFFFFFC00  }
0x225: {  	[bflag:$0x0] =	sbarrier.arrive $0xFFFF  }
0x226: {  	s30 =	rddreg [dreg:$0x7]  }
0x227: {  	[tilespmem:s29], [sflag:$0x9] =	stream.strided.gather [spmem:s30], $0x400, s11, s10, $0x38;
	[tilespmem:$0xD500] =	vst v63  }
0x228: {  	_ =	swait.ge [sflag:s8], $0x400  }
0x229: {  	[sflag:s8] =	ssyncset.done $0x0  }
0x22a: {  	s31 =	rddreg [dreg:$0xb];
	[sflag:s8] =	ssyncadd.s32 $0xFFFFFC00  }
0x22b: {  	[tilespmem:s13], [sflag:$0x9] =	stream.strided.gather [spmem:s31], $0x400, s11, s10, $0x38;
	[tilespmem:$0xD500] =	vst v63  }
0x22c: {  	_ =	swait.ge [sflag:s8], $0x400  }
0x22d: {  	[sflag:s8] =	ssyncset.done $0x0  }
0x22e: {  	s0 =	simm.s32 $0x0;
	[sflag:s8] =	ssyncadd.s32 $0xFFFFFC00  }
0x22f: {  	s6 =	simm.s32 $0x40;
	v34 =	vld [tilespmem:s0+$0x8400]  }
.LBB2_4:
0x230: {  	p1 =	sne.s32 s6, $0xFC0;
	v0 =	vld [tilespmem:s0+$0x8000];
	_ =	sdelay $0x1  }
.Ltmp1:
0x231: {  	(pc) =	sbr.rel @p1 .LBB2_4-.Ltmp1, $3  }
0x232: {  	_ =	sdelay $0x1  }
0x233: {  	s7 =	sshra.s32 s6, $0x2;
	v0 =	vmax.f32 v0, v34  }
0x234: {  	s6 =	sadd.s32 $0x40, s6;
	v34 =	vld [tilespmem:s7+$0x8400];
	[tilespmem:s0+$0x8000] =	vst v0;
	s0 =	smov.u32 s7  }
0x235: {  	v0 =	vld [tilespmem:s0+$0x8000];
	_ =	sdelay $0x4  }
0x236: {  	v0 =	vmax.f32 v0, v34  }
0x237: {  	s31 =	rddreg [dreg:$0xd];
	[tilespmem:s0+$0x8000] =	vst v0  }
0x238: {  	[tilespmem:s13], [sflag:$0x9] =	stream.strided.gather [spmem:s31], $0x400, s11, s10, $0x38;
	[tilespmem:$0xD500] =	vst v63  }
0x239: {  	_ =	swait.ge [sflag:s8], $0x400  }
0x23a: {  	v17 =	vld [tilespmem:$0x1FF50];
	_ =	sdelay $0x1  }
0x23b: {  	[sflag:s8] =	ssyncset.done $0x0  }
0x23c: {  	s0 =	simm.s32 $0x0;
	v18 =	vld [tilespmem:$0x1FF60];
	[sflag:s8] =	ssyncadd.s32 $0xFFFFFC00  }
0x23d: {  	s6 =	simm.s32 $0x40;
	v21 =	vmov v22;
	v27 =	vmov v28;
	v34 =	vld [tilespmem:s0+$0x8400]  }
.LBB2_6:
0x23e: {  	p1 =	sne.s32 s6, $0xFC0;
	v0 =	vld [tilespmem:s0+$0x8000];
	_ =	sdelay $0x1  }
.Ltmp2:
0x23f: {  	(pc) =	sbr.rel @p1 .LBB2_6-.Ltmp2, $3  }
0x240: {  	_ =	sdelay $0x1  }
0x241: {  	s7 =	sshra.s32 s6, $0x2;
	v0 =	vmax.f32 v0, v34  }
0x242: {  	s6 =	sadd.s32 $0x40, s6;
	v34 =	vld [tilespmem:s7+$0x8400];
	[tilespmem:s0+$0x8000] =	vst v0;
	s0 =	smov.u32 s7  }
0x243: {  	v0 =	vld [tilespmem:s0+$0x8000];
	_ =	sdelay $0x4  }
0x244: {  	v0 =	vmax.f32 v0, v34  }
0x245: {  	s31 =	rddreg [dreg:$0xe];
	[tilespmem:s0+$0x8000] =	vst v0  }
0x246: {  	[tilespmem:s13], [sflag:$0x9] =	stream.strided.gather [spmem:s31], $0x400, s11, s10, $0x38;
	[tilespmem:$0xD500] =	vst v63  }
0x247: {  	_ =	swait.ge [sflag:s8], $0x400  }
0x248: {  	[sflag:s8] =	ssyncset.done $0x0  }
0x249: {  	s0 =	simm.s32 $0x0;
	[sflag:s8] =	ssyncadd.s32 $0xFFFFFC00  }
0x24a: {  	s6 =	simm.s32 $0x40;
	v22 =	vmov v23;
	v34 =	vld [tilespmem:s0+$0x8400]  }
.LBB2_8:
0x24b: {  	p1 =	sne.s32 s6, $0xFC0;
	v0 =	vld [tilespmem:s0+$0x8000];
	_ =	sdelay $0x1  }
.Ltmp3:
0x24c: {  	(pc) =	sbr.rel @p1 .LBB2_8-.Ltmp3, $3  }
0x24d: {  	_ =	sdelay $0x1  }
0x24e: {  	s7 =	sshra.s32 s6, $0x2;
	v0 =	vmax.f32 v0, v34  }
0x24f: {  	s6 =	sadd.s32 $0x40, s6;
	v34 =	vld [tilespmem:s7+$0x8400];
	[tilespmem:s0+$0x8000] =	vst v0;
	s0 =	smov.u32 s7  }
0x250: {  	v0 =	vld [tilespmem:s0+$0x8000];
	_ =	sdelay $0x4  }
0x251: {  	v0 =	vmax.f32 v0, v34  }
0x252: {  	s31 =	simm.s32 $0x8C00;
	[tilespmem:s0+$0x8000] =	vst v0  }
0x253: {  	[tilespmem:s31], [sflag:$0x9] =	stream.strided.gather [spmem:s26], $0x400, s11, s10, $0x38;
	[tilespmem:$0xD500] =	vst v63  }
0x254: {  	_ =	swait.ge [sflag:s8], $0x400  }
0x255: {  	[sflag:s8] =	ssyncset.done $0x0  }
0x256: {  	s0 =	simm.s32 $0x0;
	[sflag:s8] =	ssyncadd.s32 $0xFFFFFC00  }
0x257: {  	v63 =	vld [tilespmem:s0+$0x8C00];
	_ =	sdelay $0x4  }
0x258: {  	s6 =	simm.s32 $0x10;
	v1 =	vperm.xlane v63, v17  }
0x259: {  	v36 =	vld [tilespmem:s6+$0x8C00]  }
0x25a: {  	v35 =	vld [tilespmem:s0+$0x8000];
	v34 =	vsub.f32 v63, v1;
	_ =	sdelay $0x1  }
0x25b: {  	v0 =	vand.u32 $0x80000000, v34;
	vm0 =	vlt.f32 v34, $0.0e+00;
	vm1 =	vgt.f32 v34, $0.0e+00  }
0x25c: {  	s28 =	simm.s32 $0x0;
	s7 =	simm.s32 $0x80;
	v23 =	vmovc v24;
	v28 =	vmov v4;
	v37 =	vor.u32 v0, v18;
	vm0 =	vmor vm1, vm0  }
.LBB2_10:
0x25d: {  	s8 =	sshra.s32 s7, $0x2;
	p1 =	sne.s32 s7, $0xFC0;
	s7 =	sadd.s32 $0x40, s7;
	v0 =	vperm.xlane v36, v17;
	v1 =	vsel vm0, v37, v34;
	v2 =	vmov v36  }
.Ltmp4:
0x25e: {  	v36 =	vld [tilespmem:s8+$0x8C00];
	v1 =	vmul.f32 v1, v35;
	(pc) =	sbr.rel @p1 .LBB2_10-.Ltmp4, $4  }
0x25f: {  	v34 =	vsub.f32 v2, v0;
	v35 =	vld [tilespmem:s6+$0x8000]  }
0x260: {  	[tilespmem:s0+$0x8800] =	vst v1;
	s0 =	smov.u32 s6;
	s6 =	smov.u32 s8  }
0x261: {  	v0 =	vand.u32 $0x80000000, v34;
	vm0 =	vlt.f32 v34, $0.0e+00;
	vm1 =	vgt.f32 v34, $0.0e+00  }
0x262: {  	v37 =	vor.u32 v0, v18;
	vm0 =	vmor vm1, vm0  }
0x263: {  	v0 =	vperm.xlane v36, v17;
	_ =	sdelay $0x1  }
0x264: {  	v1 =	vld [tilespmem:s6+$0x8000];
	v0 =	vsub.f32 v36, v0;
	_ =	sdelay $0x1  }
0x265: {  	v2 =	vand.u32 $0x80000000, v0;
	vm1 =	vlt.f32 v0, $0.0e+00;
	vm2 =	vgt.f32 v0, $0.0e+00  }
0x266: {  	v3 =	vsel vm0, v37, v34;
	vm15 =	vmor vm2, vm1;
	v2 =	vor.u32 v2, v18  }
0x267: {  	v3 =	vmul.f32 v3, v35;
	v0 =	vsel vm15, v2, v0  }
0x268: {  	v0 =	vmul.f32 v0, v1  }
0x269: {  	[tilespmem:s0+$0x8800] =	vst v3  }
0x26a: {  	s30 =	simm.s32 $0x9040;
	s23 =	rddreg [dreg:$0x14];
	v24 =	vmov v25;
	v25 =	vmov v5;
	[tilespmem:s6+$0x8800] =	vst v0  }
.LBB2_12:
0x26b: {  	s6 =	sshll.u32 s28, $0x7  }
0x26c: {  	s0 =	sand.u32 $0x3FFFFF80, s6  }
0x26d: {  	v0 =	vld [tilespmem:s0+$0x8800]  }
0x26e: {  	v1 =	vld [tilespmem:s0+$0x8810]  }
0x26f: {  	v2 =	vld [tilespmem:s0+$0x8820]  }
0x270: {  	v3 =	vld [tilespmem:s0+$0x8830]  }
0x271: {  	v4 =	vld [tilespmem:s0+$0x8840]  }
0x272: {  	v5 =	vld [tilespmem:s0+$0x8850];
	(xrf1) =	vsort.ascd.msk.f32 $0xffff, v0, v0  }
0x273: {  	v37 =	vld [tilespmem:s0+$0x8860];
	(xrf1) =	vsort.ascd.msk.f32 $0xffff, v1, v1  }
0x274: {  	v38 =	vld [tilespmem:s0+$0x8870];
	(xrf1) =	vsort.ascd.msk.f32 $0xffff, v2, v2  }
0x275: {  	(xrf1) =	vsort.ascd.msk.f32 $0xffff, v3, v3  }
0x276: {  	(xrf1) =	vsort.ascd.msk.f32 $0xffff, v4, v4  }
0x277: {  	(xrf1) =	vsort.ascd.msk.f32 $0xffff, v5, v5  }
0x278: {  	(xrf1) =	vsort.ascd.msk.f32 $0xffff, v37, v37  }
0x279: {  	(xrf1) =	vsort.ascd.msk.f32 $0xffff, v38, v38;
	_ =	sdelay $0x5  }
0x27a: {  	v39 =	vmul.u32 $0xFFFFFFFF, v19  }
0x27b: {  	v40, _, _ =	vpop (xrf1)  }
0x27c: {  	v34 =	vadd.s32 $0xF, v39;
	v41, _, _ =	vpop (xrf1)  }
0x27d: {  	v42, _, _ =	vpop (xrf1);
	v2 =	vperm.xlane v41, v34  }
0x27e: {  	v3, _, _ =	vpop (xrf1)  }
0x27f: {  	v4, _, _ =	vpop (xrf1);
	v43 =	vmin.f32 v40, v2;
	v3 =	vperm.xlane v3, v34  }
0x280: {  	v1 =	vmax.f32 v40, v2;
	v6, _, _ =	vpop (xrf1);
	(xrf1) =	vsort.ascd.msk.f32 $0xffff, v43, v43  }
0x281: {  	v44, _, _ =	vpop (xrf1);
	(xrf1) =	vsort.ascd.msk.f32 $0xffff, v1, v1;
	v45 =	vmin.f32 v42, v3;
	v46 =	vperm.xlane v6, v34  }
0x282: {  	v0 =	vmax.f32 v42, v3;
	v47, _, _ =	vpop (xrf1);
	(xrf1) =	vsort.ascd.msk.f32 $0xffff, v45, v45  }
0x283: {  	(xrf1) =	vsort.ascd.msk.f32 $0xffff, v0, v0;
	v48 =	vmin.f32 v4, v46;
	v49 =	vperm.xlane v47, v34  }
0x284: {  	v50 =	vmax.f32 v4, v46;
	(xrf1) =	vsort.ascd.msk.f32 $0xffff, v48, v48  }
0x285: {  	(xrf1) =	vsort.ascd.msk.f32 $0xffff, v50, v50;
	v51 =	vmin.f32 v44, v49  }
0x286: {  	v1 =	vmax.f32 v44, v49;
	(xrf1) =	vsort.ascd.msk.f32 $0xffff, v51, v51  }
0x287: {  	(xrf1) =	vsort.ascd.msk.f32 $0xffff, v1, v1;
	_ =	sdelay $0x6  }
0x288: {  	v52, _, _ =	vpop (xrf1)  }
0x289: {  	v53, _, _ =	vpop (xrf1)  }
0x28a: {  	v54, _, _ =	vpop (xrf1)  }
0x28b: {  	v55, _, _ =	vpop (xrf1)  }
0x28c: {  	v2 =	vperm.xlane v54, v34;
	v56, _, _ =	vpop (xrf1);
	v3 =	vperm.xlane v55, v34  }
0x28d: {  	s24 =	smulhi.u32 $0x2E8BA2E9, s1;
	s7 =	sshra.s32 s1, $0x1F;
	v57, _, _ =	vpop (xrf1)  }
0x28e: {  	s7 =	smul.u32 $0x2E8BA2E9, s7;
	v8 =	vmin.f32 v53, v2;
	v1 =	vmax.f32 v53, v2;
	v58, _, _ =	vpop (xrf1);
	v7 =	vmin.f32 v52, v3  }
0x28f: {  	v0 =	vmax.f32 v52, v3;
	v59, _, _ =	vpop (xrf1);
	v60 =	vmin.f32 v7, v8;
	v7 =	vmax.f32 v7, v8  }
0x290: {  	s0 =	sadd.s32 s7, s24;
	v62 =	vperm.xlane v58, v34;
	(xrf1) =	vsort.ascd.msk.f32 $0xffff, v60, v60;
	v61 =	vperm.xlane v59, v34  }
0x291: {  	s8 =	sshrl.u32 s0, $0x1F;
	s0 =	sshra.s32 s0, $0x1;
	v63 =	vmin.f32 v0, v1;
	v0 =	vmax.f32 v0, v1;
	(xrf1) =	vsort.ascd.msk.f32 $0xffff, v7, v7  }
0x292: {  	s0 =	sadd.s32 s8, s0;
	v10 =	vmin.f32 v57, v62;
	(xrf1) =	vsort.ascd.msk.f32 $0xffff, v63, v63;
	v9 =	vmin.f32 v56, v61  }
0x293: {  	s25 =	rddreg [dreg:$0x5];
	s0 =	smul.u32 $0xB, s0;
	v3 =	vmax.f32 v57, v62;
	(xrf1) =	vsort.ascd.msk.f32 $0xffff, v0, v0;
	v12 =	vmin.f32 v9, v10  }
0x294: {  	s7 =	sadd.s32 $0x10, s25;
	v11 =	vmax.f32 v56, v61;
	v1 =	vmax.f32 v9, v10;
	(xrf1) =	vsort.ascd.msk.f32 $0xffff, v12, v12  }
0x295: {  	p1 =	seq.s32 s7, $0x10;
	s8 =	ssub.s32 s1, s0;
	v13 =	vmin.f32 v11, v3;
	(xrf1) =	vsort.ascd.msk.f32 $0xffff, v1, v1  }
0x296: {  	s8 =	simm.s32 @p1 $0x0;
	v0 =	vmax.f32 v11, v3;
	(xrf1) =	vsort.ascd.msk.f32 $0xffff, v13, v13  }
0x297: {  	p2 =	sgt.s32 s8, $0x6;
	s0 =	sshll.u32 s9, s8;
	(xrf1) =	vsort.ascd.msk.f32 $0xffff, v0, v0  }
0x298: {  	s0 =	simm.s32 @p2 $0x0  }
0x299: {  	s0 =	simm.s32 @p1 $0x0  }
0x29a: {  	s17 =	sadd.s32 s6, s0  }
0x29b: {  	p3 =	sgt.s32 s8, $0x7;
	s17 =	sand.u32 $0xFFFFFF80, s17  }
0x29c: {  	p2 =	slt.s32 s8, $0x7;
	s18 =	sand.u32 $0x70, s0;
	s17 =	sadd.s32 $0x8800, s17  }
0x29d: {  	s8 =	simm.s32 @!p3 $0x7;
	s20 =	sxor.u32 $0x10, s18;
	s19 =	sor.u32 s18, s17  }
0x29e: {  	s11 =	sadd.s32 $0x10, s23;
	s8 =	sadd.s32 $0xFFFFFFF9, s8;
	s26 =	sor.u32 s20, s17;
	v46 =	vld [tilespmem:s19+$0x0];
	v14, _, _ =	vpop (xrf1)  }
0x29f: {  	s11 =	sadd.s32 $0xFFFFFFF0, s11;
	s8 =	sshll.u32 s9, s8;
	v9 =	vld [tilespmem:s26+$0x0];
	v15, _, _ =	vpop (xrf1)  }
0x2a0: {  	s11 =	sand.u32 $0xF, s11;
	s8 =	simm.s32 @p2 $0x0;
	v40, _, _ =	vpop (xrf1)  }
0x2a1: {  	s31 =	sadd.s32 s12, s28;
	s8 =	sxor.u32 s11, s8;
	v41, _, _ =	vpop (xrf1)  }
0x2a2: {  	s0 =	sand.u32 $0xF, s0;
	s8 =	smov.u32 @p1 s31;
	v42, _, _ =	vpop (xrf1)  }
0x2a3: {  	s7 =	simm.s32 $0x0;
	s8 =	sshll.u32 s8, $0xC;
	v59 =	vxor.u32 s0, v19;
	v43, _, _ =	vpop (xrf1)  }
0x2a4: {  	s14 =	sand.u32 $0x4000, s7;
	s21 =	sxor.u32 $0x20, s18;
	s8 =	sshra.s32 s8, $0x2;
	v61 =	vperm.xlane v46, v59;
	v12 =	vperm.xlane v9, v59;
	v44, _, _ =	vpop (xrf1)  }
0x2a5: {  	s7 =	sand.u32 $0x380, s7;
	s10 =	sor.u32 s21, s17;
	s8 =	sadd.s32 s8, s14;
	v4 =	vperm.xlane v42, v34;
	v5 =	vperm.xlane v43, v34;
	v45, _, _ =	vpop (xrf1)  }
0x2a6: {  	s3 =	sxor.u32 $0x40, s18;
	v36 =	vld [tilespmem:s10+$0x0];
	s7 =	sor.u32 s7, s8;
	v6 =	vperm.xlane v44, v34;
	v7 =	vperm.xlane v45, v34  }
0x2a7: {  	s25 =	sxor.u32 $0x50, s18;
	s24 =	sor.u32 s3, s17;
	v39 =	vld [tilespmem:s7+$0x10];
	v37 =	vmin.f32 v41, v4;
	v3 =	vmax.f32 v41, v4;
	v35 =	vmin.f32 v40, v5  }
0x2a8: {  	s3 =	sxor.u32 $0x60, s18;
	v47 =	vld [tilespmem:s24+$0x0];
	s19 =	sor.u32 s25, s17;
	v2 =	vmax.f32 v40, v5;
	v33 =	vmin.f32 v15, v6;
	v31 =	vmin.f32 v14, v7  }
0x2a9: {  	s11 =	sor.u32 s3, s17;
	v51 =	vld [tilespmem:s19+$0x0];
	v1 =	vmax.f32 v15, v6;
	v49 =	vmin.f32 v33, v37;
	v48 =	vmin.f32 v31, v35  }
0x2aa: {  	v52 =	vld [tilespmem:s11+$0x0];
	v0 =	vmax.f32 v14, v7;
	v50 =	vmax.f32 v31, v35;
	v31 =	vmin.f32 v48, v49  }
0x2ab: {  	v60 =	vld [tilespmem:s7+$0x20];
	v33 =	vmax.f32 v33, v37;
	v5 =	vmax.f32 v48, v49;
	(xrf1) =	vsort.ascd.msk.f32 $0xffff, v31, v31  }
0x2ac: {  	s13 =	sxor.u32 $0x30, s18;
	v56 =	vld [tilespmem:s7+$0x0];
	v55 =	vmin.f32 v1, v3;
	v53 =	vmin.f32 v50, v33;
	(xrf1) =	vsort.ascd.msk.f32 $0xffff, v5, v5  }
0x2ad: {  	v62 =	vld [tilespmem:s7+$0x40];
	s26 =	sor.u32 s13, s17;
	v54 =	vmin.f32 v0, v2;
	v4 =	vmax.f32 v50, v33;
	(xrf1) =	vsort.ascd.msk.f32 $0xffff, v53, v53  }
0x2ae: {  	v38 =	vld [tilespmem:s26+$0x0];
	v1 =	vmax.f32 v1, v3;
	v57 =	vmin.f32 v54, v55;
	(xrf1) =	vsort.ascd.msk.f32 $0xffff, v4, v4  }
0x2af: {  	s18 =	sxor.u32 $0x70, s18;
	v13 =	vld [tilespmem:s7+$0x30];
	v0 =	vmax.f32 v0, v2;
	v58 =	vmax.f32 v54, v55;
	(xrf1) =	vsort.ascd.msk.f32 $0xffff, v57, v57  }
0x2b0: {  	s10 =	sor.u32 s18, s17;
	v15 =	vld [tilespmem:s7+$0x50];
	v14 =	vperm.xlane v36, v59;
	v63 =	vmin.f32 v0, v1;
	(xrf1) =	vsort.ascd.msk.f32 $0xffff, v58, v58  }
0x2b1: {  	v2 =	vadd.f32 v56, v61;
	v0 =	vmax.f32 v0, v1;
	v31 =	vld [tilespmem:s10+$0x0];
	(xrf1) =	vsort.ascd.msk.f32 $0xffff, v63, v63  }
0x2b2: {  	v42 =	vld [tilespmem:s7+$0x60];
	v41 =	vperm.xlane v47, v59;
	v40 =	vadd.f32 v39, v12;
	(xrf1) =	vsort.ascd.msk.f32 $0xffff, v0, v0  }
0x2b3: {  	v43 =	vperm.xlane v38, v59;
	v44 =	vld [tilespmem:s7+$0x70];
	v5 =	vadd.f32 v60, v14;
	(xrf1) =	vsort.ascd.msk.f32 $0xffff, v2, v2  }
0x2b4: {  	s0 =	sadd.s32 $0x1, s1;
	v45 =	vperm.xlane v51, v59;
	v1 =	vadd.f32 v62, v41;
	(xrf1) =	vsort.ascd.msk.f32 $0xffff, v40, v40  }
0x2b5: {  	s11 =	smulhi.u32 $0x2E8BA2E9, s0;
	s13 =	sshra.s32 s0, $0x1F;
	v47 =	vperm.xlane v52, v59;
	v46 =	vadd.f32 v13, v43;
	(xrf1) =	vsort.ascd.msk.f32 $0xffff, v5, v5  }
0x2b6: {  	s8 =	smul.u32 $0x2E8BA2E9, s13;
	v4 =	vperm.xlane v31, v59;
	v2 =	vadd.f32 v15, v45;
	(xrf1) =	vsort.ascd.msk.f32 $0xffff, v1, v1  }
0x2b7: {  	v48 =	vadd.f32 v42, v47;
	(xrf1) =	vsort.ascd.msk.f32 $0xffff, v46, v46  }
0x2b8: {  	s7 =	sadd.s32 s8, s11;
	v49 =	vadd.f32 v44, v4;
	(xrf1) =	vsort.ascd.msk.f32 $0xffff, v2, v2  }
0x2b9: {  	s17 =	sshrl.u32 s7, $0x1F;
	s7 =	sshra.s32 s7, $0x1;
	v35, _, _ =	vpop (xrf1);
	(xrf1) =	vsort.ascd.msk.f32 $0xffff, v48, v48  }
0x2ba: {  	s7 =	sadd.s32 s17, s7;
	v39, _, _ =	vpop (xrf1);
	(xrf1) =	vsort.ascd.msk.f32 $0xffff, v49, v49  }
0x2bb: {  	s14 =	rddreg [dreg:$0x5];
	s7 =	smul.u32 $0xB, s7;
	v41, _, _ =	vpop (xrf1)  }
0x2bc: {  	s8 =	sadd.s32 $0xF, s14;
	v40, _, _ =	vpop (xrf1)  }
0x2bd: {  	p1 =	seq.s32 s8, $0x10;
	s8 =	ssub.s32 s0, s7;
	v37, _, _ =	vpop (xrf1)  }
0x2be: {  	s18 =	simm.s32 $0x800;
	s19 =	sadd.s32 $0xF, s23;
	s8 =	simm.s32 @p1 $0x0;
	v38, _, _ =	vpop (xrf1)  }
0x2bf: {  	s11 =	simm.s32 $0x80;
	p2 =	sgt.s32 s8, $0x6;
	s7 =	sshll.u32 s9, s8;
	v36, _, _ =	vpop (xrf1)  }
0x2c0: {  	s14 =	sand.u32 $0x4000, s18;
	s11 =	sand.u32 $0x380, s11;
	s7 =	simm.s32 @p2 $0x0;
	v42, _, _ =	vpop (xrf1)  }
0x2c1: {  	s17 =	sadd.s32 $0xFFFFFFF0, s19;
	p3 =	sgt.s32 s8, $0x7;
	s7 =	simm.s32 @p1 $0x0;
	v50, _, _ =	vpop (xrf1)  }
0x2c2: {  	p2 =	slt.s32 s8, $0x7;
	s8 =	simm.s32 @!p3 $0x7;
	s20 =	sadd.s32 s6, s7;
	v51, _, _ =	vpop (xrf1)  }
0x2c3: {  	s17 =	sand.u32 $0xF, s17;
	s8 =	sadd.s32 $0xFFFFFFF9, s8;
	s18 =	sand.u32 $0xFFFFFF80, s20;
	v52, _, _ =	vpop (xrf1)  }
0x2c4: {  	s19 =	sand.u32 $0x70, s7;
	s8 =	sshll.u32 s9, s8;
	s18 =	sadd.s32 $0x8800, s18;
	v1 =	vperm.xlane v51, v34;
	v53, _, _ =	vpop (xrf1)  }
0x2c5: {  	s25 =	sxor.u32 $0x10, s19;
	s24 =	sxor.u32 $0x20, s19;
	s21 =	sor.u32 s19, s18;
	v54, _, _ =	vpop (xrf1)  }
0x2c6: {  	s3 =	sxor.u32 $0x40, s19;
	s8 =	simm.s32 @p2 $0x0;
	s26 =	sor.u32 s25, s18;
	v56 =	vld [tilespmem:s21+$0x0];
	v57 =	vmin.f32 v50, v1;
	v55, _, _ =	vpop (xrf1);
	v4 =	vperm.xlane v54, v34  }
0x2c7: {  	s13 =	sxor.u32 $0x30, s19;
	s8 =	sxor.u32 s17, s8;
	s10 =	sor.u32 s24, s18;
	v59 =	vld [tilespmem:s26+$0x0];
	v0 =	vmax.f32 v50, v1;
	(xrf1) =	vsort.ascd.msk.f32 $0xffff, v57, v57;
	v58, _, _ =	vpop (xrf1)  }
0x2c8: {  	s25 =	sor.u32 s3, s18;
	s8 =	smov.u32 @p1 s31;
	v61 =	vld [tilespmem:s10+$0x0];
	s26 =	sxor.u32 $0x50, s19;
	v5 =	vperm.xlane v55, v34;
	(xrf1) =	vsort.ascd.msk.f32 $0xffff, v0, v0;
	v60, _, _ =	vpop (xrf1);
	v31 =	vmin.f32 v52, v4  }
0x2c9: {  	v63 =	vld [tilespmem:s25+$0x0];
	s10 =	sxor.u32 $0x60, s19;
	s8 =	sshll.u32 s8, $0xC;
	s20 =	sor.u32 s26, s18;
	v2 =	vmax.f32 v52, v4;
	v62 =	vperm.xlane v60, v34;
	(xrf1) =	vsort.ascd.msk.f32 $0xffff, v31, v31  }
0x2ca: {  	s19 =	sxor.u32 $0x70, s19;
	s8 =	sshra.s32 s8, $0x2;
	s17 =	sor.u32 s10, s18;
	v13 =	vld [tilespmem:s20+$0x0];
	v11 =	vmin.f32 v53, v5;
	(xrf1) =	vsort.ascd.msk.f32 $0xffff, v2, v2  }
0x2cb: {  	s3 =	sor.u32 s13, s18;
	s13 =	sor.u32 s19, s18;
	s8 =	sadd.s32 s8, s14;
	v14 =	vld [tilespmem:s17+$0x0];
	v12 =	vmax.f32 v58, v62;
	(xrf1) =	vsort.ascd.msk.f32 $0xffff, v11, v11  }
0x2cc: {  	v15 =	vld [tilespmem:s13+$0x0];
	s8 =	sor.u32 s11, s8;
	v0 =	vmin.f32 v58, v62;
	(xrf1) =	vsort.ascd.msk.f32 $0xffff, v12, v12  }
0x2cd: {  	v48 =	vld [tilespmem:s8+$0x0];
	(xrf1) =	vsort.ascd.msk.f32 $0xffff, v0, v0  }
0x2ce: {  	v49 =	vld [tilespmem:s8+$0x10];
	v47 =	vmax.f32 v53, v5  }
0x2cf: {  	s7 =	sand.u32 $0xF, s7;
	v50 =	vld [tilespmem:s8+$0x20];
	(xrf1) =	vsort.ascd.msk.f32 $0xffff, v47, v47  }
0x2d0: {  	v51 =	vxor.u32 s7, v19;
	v31 =	vld [tilespmem:s3+$0x0]  }
0x2d1: {  	v43 =	vld [tilespmem:s8+$0x40];
	v6 =	vperm.xlane v56, v51  }
0x2d2: {  	v44 =	vld [tilespmem:s8+$0x30];
	v9 =	vperm.xlane v59, v51  }
0x2d3: {  	v45 =	vld [tilespmem:s8+$0x50];
	v3 =	vadd.f32 v48, v6;
	v52 =	vperm.xlane v61, v51  }
0x2d4: {  	v1 =	vperm.xlane v63, v51;
	v53 =	vld [tilespmem:s8+$0x60];
	v5 =	vadd.f32 v49, v9  }
0x2d5: {  	v0 =	vadd.f32 v50, v52;
	v54 =	vperm.xlane v31, v51;
	v31 =	vld [tilespmem:s8+$0x70];
	v46, _, _ =	vpop (xrf1);
	(xrf1) =	vsort.ascd.msk.f32 $0xffff, v3, v3  }
0x2d6: {  	v56 =	vperm.xlane v13, v51;
	v1 =	vadd.f32 v43, v1;
	v55, _, _ =	vpop (xrf1);
	(xrf1) =	vsort.ascd.msk.f32 $0xffff, v5, v5  }
0x2d7: {  	v4 =	vperm.xlane v14, v51;
	v57 =	vadd.f32 v44, v54;
	(xrf1) =	vsort.ascd.msk.f32 $0xffff, v0, v0;
	v58, _, _ =	vpop (xrf1)  }
0x2d8: {  	s0 =	sadd.s32 $0x1, s0;
	v59 =	vperm.xlane v15, v51;
	v6 =	vadd.f32 v45, v56;
	(xrf1) =	vsort.ascd.msk.f32 $0xffff, v1, v1;
	v60, _, _ =	vpop (xrf1)  }
0x2d9: {  	s14 =	smulhi.u32 $0x2E8BA2E9, s0;
	s17 =	sshra.s32 s0, $0x1F;
	v4 =	vadd.f32 v53, v4;
	(xrf1) =	vsort.ascd.msk.f32 $0xffff, v57, v57;
	v63 =	vperm.xlane v58, v34;
	v61, _, _ =	vpop (xrf1)  }
0x2da: {  	s8 =	smul.u32 $0x2E8BA2E9, s17;
	v0 =	vadd.f32 v31, v59;
	(xrf1) =	vsort.ascd.msk.f32 $0xffff, v6, v6;
	v2 =	vperm.xlane v60, v34;
	v62, _, _ =	vpop (xrf1)  }
0x2db: {  	(xrf1) =	vsort.ascd.msk.f32 $0xffff, v4, v4;
	v15 =	vmin.f32 v55, v63;
	v11, _, _ =	vpop (xrf1);
	v12 =	vperm.xlane v62, v34  }
0x2dc: {  	s7 =	sadd.s32 s8, s14;
	(xrf1) =	vsort.ascd.msk.f32 $0xffff, v0, v0;
	v14 =	vmin.f32 v46, v2;
	v13 =	vperm.xlane v11, v34  }
0x2dd: {  	s19 =	sshrl.u32 s7, $0x1F;
	s7 =	sshra.s32 s7, $0x1;
	v43, _, _ =	vpop (xrf1);
	v31 =	vmin.f32 v14, v15;
	v0 =	vmax.f32 v14, v15;
	v44 =	vmin.f32 v61, v12  }
0x2de: {  	s7 =	sadd.s32 s19, s7;
	v1 =	vmax.f32 v61, v12;
	(xrf1) =	vsort.ascd.msk.f32 $0xffff, v31, v31;
	v45 =	vmin.f32 v43, v13  }
0x2df: {  	s18 =	rddreg [dreg:$0x5];
	s7 =	smul.u32 $0xB, s7;
	v47 =	vmax.f32 v43, v13;
	(xrf1) =	vsort.ascd.msk.f32 $0xffff, v0, v0;
	v48 =	vmin.f32 v44, v45  }
0x2e0: {  	s8 =	sadd.s32 $0xE, s18;
	v49 =	vmin.f32 v1, v47;
	(xrf1) =	vsort.ascd.msk.f32 $0xffff, v48, v48  }
0x2e1: {  	p1 =	seq.s32 s8, $0x10;
	s8 =	ssub.s32 s0, s7;
	v50 =	vmax.f32 v55, v63;
	v1 =	vmax.f32 v1, v47;
	(xrf1) =	vsort.ascd.msk.f32 $0xffff, v49, v49  }
0x2e2: {  	s8 =	simm.s32 @p1 $0x0;
	v2 =	vmax.f32 v46, v2;
	v51 =	vmax.f32 v44, v45;
	(xrf1) =	vsort.ascd.msk.f32 $0xffff, v1, v1  }
0x2e3: {  	p2 =	sgt.s32 s8, $0x6;
	s7 =	sshll.u32 s9, s8;
	v52 =	vmin.f32 v2, v50;
	(xrf1) =	vsort.ascd.msk.f32 $0xffff, v51, v51  }
0x2e4: {  	s21 =	sadd.s32 $0xE, s23;
	s20 =	simm.s32 $0x1000;
	s7 =	simm.s32 @p2 $0x0;
	v0 =	vmax.f32 v2, v50;
	v53, _, _ =	vpop (xrf1);
	(xrf1) =	vsort.ascd.msk.f32 $0xffff, v52, v52  }
0x2e5: {  	s11 =	simm.s32 $0x100;
	s17 =	sadd.s32 $0xFFFFFFF0, s21;
	s7 =	simm.s32 @p1 $0x0;
	v54, _, _ =	vpop (xrf1);
	(xrf1) =	vsort.ascd.msk.f32 $0xffff, v0, v0  }
0x2e6: {  	s17 =	sand.u32 $0xF, s17;
	s14 =	sand.u32 $0x4000, s20;
	s24 =	sadd.s32 s6, s7;
	v55, _, _ =	vpop (xrf1)  }
0x2e7: {  	p3 =	sgt.s32 s8, $0x7;
	p2 =	slt.s32 s8, $0x7;
	s18 =	sand.u32 $0xFFFFFF80, s24;
	v1 =	vperm.xlane v54, v34;
	v56, _, _ =	vpop (xrf1)  }
0x2e8: {  	s8 =	simm.s32 @!p3 $0x7;
	s19 =	sand.u32 $0x70, s7;
	s18 =	sadd.s32 $0x8800, s18;
	v57, _, _ =	vpop (xrf1)  }
0x2e9: {  	s8 =	sadd.s32 $0xFFFFFFF9, s8;
	s26 =	sxor.u32 $0x10, s19;
	s25 =	sor.u32 s19, s18;
	v59 =	vmin.f32 v53, v1;
	v1 =	vmax.f32 v53, v1;
	v58, _, _ =	vpop (xrf1);
	v4 =	vperm.xlane v57, v34  }
0x2ea: {  	s8 =	sshll.u32 s9, s8;
	s3 =	sxor.u32 $0x20, s19;
	s10 =	sor.u32 s26, s18;
	v6 =	vld [tilespmem:s25+$0x0];
	v60, _, _ =	vpop (xrf1);
	(xrf1) =	vsort.ascd.msk.f32 $0xffff, v59, v59;
	v5 =	vperm.xlane v58, v34  }
0x2eb: {  	s13 =	sxor.u32 $0x40, s19;
	s8 =	simm.s32 @p2 $0x0;
	s24 =	sor.u32 s3, s18;
	v61 =	vld [tilespmem:s10+$0x0];
	v14, _, _ =	vpop (xrf1);
	v31 =	vmin.f32 v55, v4;
	(xrf1) =	vsort.ascd.msk.f32 $0xffff, v1, v1  }
0x2ec: {  	s8 =	sxor.u32 s17, s8;
	s26 =	sor.u32 s13, s18;
	s3 =	sxor.u32 $0x50, s19;
	v15 =	vld [tilespmem:s24+$0x0];
	(xrf1) =	vsort.ascd.msk.f32 $0xffff, v31, v31;
	v31 =	vmin.f32 v56, v5;
	v1, _, _ =	vpop (xrf1)  }
0x2ed: {  	s8 =	smov.u32 @p1 s31;
	s13 =	sxor.u32 $0x60, s19;
	v33 =	vld [tilespmem:s26+$0x0];
	s20 =	sor.u32 s3, s18;
	v0 =	vmax.f32 v55, v4;
	v3 =	vperm.xlane v14, v34;
	v4, _, _ =	vpop (xrf1)  }
0x2ee: {  	s25 =	sxor.u32 $0x30, s19;
	s8 =	sshll.u32 s8, $0xC;
	s17 =	sor.u32 s13, s18;
	v46 =	vld [tilespmem:s20+$0x0];
	(xrf1) =	vsort.ascd.msk.f32 $0xffff, v0, v0;
	v62, _, _ =	vpop (xrf1)  }
0x2ef: {  	s19 =	sxor.u32 $0x70, s19;
	s10 =	sor.u32 s25, s18;
	s8 =	sshra.s32 s8, $0x2;
	v8 =	vld [tilespmem:s17+$0x0];
	v63 =	vmax.f32 v60, v3;
	(xrf1) =	vsort.ascd.msk.f32 $0xffff, v31, v31;
	v31, _, _ =	vpop (xrf1)  }
0x2f0: {  	s11 =	sand.u32 $0x380, s11;
	s20 =	sor.u32 s19, s18;
	v43 =	vld [tilespmem:s10+$0x0];
	s8 =	sadd.s32 s8, s14;
	v3 =	vmin.f32 v60, v3;
	(xrf1) =	vsort.ascd.msk.f32 $0xffff, v63, v63;
	v12, _, _ =	vpop (xrf1)  }
0x2f1: {  	v47 =	vld [tilespmem:s20+$0x0];
	s8 =	sor.u32 s11, s8;
	(xrf1) =	vsort.ascd.msk.f32 $0xffff, v3, v3;
	v0 =	vperm.xlane v62, v34;
	v31 =	vperm.xlane v31, v34;
	v13, _, _ =	vpop (xrf1)  }
0x2f2: {  	s7 =	sand.u32 $0xF, s7;
	v2 =	vmax.f32 v56, v5;
	v14 =	vld [tilespmem:s8+$0x0];
	v3 =	vperm.xlane v12, v34;
	v48 =	vperm.xlane v13, v34;
	v49, _, _ =	vpop (xrf1)  }
0x2f3: {  	v50 =	vld [tilespmem:s8+$0x10];
	v56 =	vxor.u32 s7, v19;
	(xrf1) =	vsort.ascd.msk.f32 $0xffff, v2, v2;
	v52 =	vmax.f32 v4, v31;
	v51, _, _ =	vpop (xrf1)  }
0x2f4: {  	v53 =	vld [tilespmem:s8+$0x20];
	v2 =	vmax.f32 v1, v3;
	v54 =	vmax.f32 v49, v48;
	v55 =	vmax.f32 v51, v0  }
0x2f5: {  	v57 =	vld [tilespmem:s8+$0x40];
	v6 =	vperm.xlane v6, v56;
	v44 =	vmax.f32 v2, v54;
	v45 =	vmax.f32 v52, v55  }
0x2f6: {  	v58 =	vld [tilespmem:s8+$0x30];
	v9 =	vperm.xlane v61, v56;
	v59 =	vmax.f32 v44, v45  }
0x2f7: {  	v15 =	vperm.xlane v15, v56;
	v61 =	vperm.xlane v33, v56;
	v60 =	vld [tilespmem:s8+$0x50];
	v5 =	vadd.f32 v14, v6  }
0x2f8: {  	v43 =	vperm.xlane v43, v56;
	v9 =	vadd.f32 v50, v9;
	v62 =	vld [tilespmem:s8+$0x60];
	(xrf1) =	vsort.ascd.msk.f32 $0xffff, v59, v59  }
0x2f9: {  	v8 =	vperm.xlane v8, v56;
	v63 =	vld [tilespmem:s8+$0x70];
	v6 =	vadd.f32 v53, v15;
	(xrf1) =	vsort.ascd.msk.f32 $0xffff, v5, v5;
	v59, _, _ =	vpop (xrf1)  }
0x2fa: {  	v12 =	vadd.f32 v57, v61;
	v13 =	vperm.xlane v46, v56;
	(xrf1) =	vsort.ascd.msk.f32 $0xffff, v9, v9;
	v7, _, _ =	vpop (xrf1)  }
0x2fb: {  	v43 =	vadd.f32 v58, v43;
	v15 =	vperm.xlane v47, v56;
	(xrf1) =	vsort.ascd.msk.f32 $0xffff, v6, v6;
	v14, _, _ =	vpop (xrf1)  }
0x2fc: {  	v4 =	vmin.f32 v4, v31;
	v53 =	vadd.f32 v60, v13;
	(xrf1) =	vsort.ascd.msk.f32 $0xffff, v12, v12;
	v32, _, _ =	vpop (xrf1)  }
0x2fd: {  	v8 =	vadd.f32 v62, v8;
	(xrf1) =	vsort.ascd.msk.f32 $0xffff, v43, v43;
	v60 =	vperm.xlane v14, v34;
	v56, _, _ =	vpop (xrf1)  }
0x2fe: {  	s7 =	sadd.s32 $0x1, s0;
	v6 =	vadd.f32 v63, v15;
	(xrf1) =	vsort.ascd.msk.f32 $0xffff, v53, v53;
	v58 =	vperm.xlane v32, v34;
	v57, _, _ =	vpop (xrf1)  }
0x2ff: {  	s0 =	smulhi.u32 $0x2E8BA2E9, s7;
	s21 =	sshra.s32 s7, $0x1F;
	(xrf1) =	vsort.ascd.msk.f32 $0xffff, v8, v8;
	v11 =	vmin.f32 v7, v60;
	v61, _, _ =	vpop (xrf1);
	v62 =	vperm.xlane v57, v34  }
0x300: {  	s8 =	smul.u32 $0x2E8BA2E9, s21;
	(xrf1) =	vsort.ascd.msk.f32 $0xffff, v6, v6;
	v10 =	vmin.f32 v59, v58;
	v63 =	vperm.xlane v61, v34  }
0x301: {  	v12, _, _ =	vpop (xrf1);
	v14 =	vmin.f32 v10, v11;
	v6 =	vmax.f32 v10, v11;
	v13 =	vmin.f32 v56, v62  }
0x302: {  	s0 =	sadd.s32 s8, s0;
	v5 =	vmax.f32 v56, v62;
	(xrf1) =	vsort.ascd.msk.f32 $0xffff, v14, v14;
	v15 =	vmin.f32 v12, v63  }
0x303: {  	s25 =	sshrl.u32 s0, $0x1F;
	s0 =	sshra.s32 s0, $0x1;
	v32 =	vmax.f32 v12, v63;
	(xrf1) =	vsort.ascd.msk.f32 $0xffff, v6, v6;
	v43 =	vmin.f32 v13, v15  }
0x304: {  	v1 =	vmin.f32 v1, v3;
	s0 =	sadd.s32 s25, s0;
	v46 =	vmin.f32 v5, v32;
	(xrf1) =	vsort.ascd.msk.f32 $0xffff, v43, v43  }
0x305: {  	s24 =	rddreg [dreg:$0x5];
	v49 =	vmin.f32 v49, v48;
	s0 =	smul.u32 $0xB, s0;
	v5 =	vmax.f32 v5, v32;
	(xrf1) =	vsort.ascd.msk.f32 $0xffff, v46, v46  }
0x306: {  	s26 =	sshll.u32 s28, $0xB;
	s3 =	sadd.s32 $0xD, s23;
	s8 =	sadd.s32 $0xD, s24;
	v0 =	vmin.f32 v51, v0;
	v50 =	vmin.f32 v1, v49;
	(xrf1) =	vsort.ascd.msk.f32 $0xffff, v5, v5  }
0x307: {  	s17 =	sadd.s32 $0xFFFFFFF0, s3;
	p1 =	seq.s32 s8, $0x10;
	s8 =	ssub.s32 s7, s0;
	v7 =	vmax.f32 v7, v60;
	v3 =	vmax.f32 v59, v58;
	v53 =	vmax.f32 v13, v15;
	v51, _, _ =	vpop (xrf1)  }
0x308: {  	s14 =	simm.s32 $0x180;
	s17 =	sand.u32 $0xF, s17;
	v31 =	vmin.f32 v4, v0;
	s8 =	simm.s32 @p1 $0x0;
	v61 =	vmin.f32 v3, v7;
	v56, _, _ =	vpop (xrf1);
	(xrf1) =	vsort.ascd.msk.f32 $0xffff, v53, v53  }
0x309: {  	s11 =	sand.u32 $0x3FFFF800, s26;
	v1 =	vmax.f32 v1, v49;
	p2 =	sgt.s32 s8, $0x6;
	s18 =	sshll.u32 s9, s8;
	v3 =	vmax.f32 v3, v7;
	v62, _, _ =	vpop (xrf1);
	(xrf1) =	vsort.ascd.msk.f32 $0xffff, v61, v61  }
0x30a: {  	v0 =	vmax.f32 v4, v0;
	s0 =	sadd.s32 $0x9000, s11;
	s11 =	simm.s32 $0x1800;
	v9 =	vmin.f32 v50, v31;
	s18 =	simm.s32 @p2 $0x0;
	v63, _, _ =	vpop (xrf1);
	(xrf1) =	vsort.ascd.msk.f32 $0xffff, v3, v3  }
0x30b: {  	v2 =	vmin.f32 v2, v54;
	s20 =	sand.u32 $0x4000, s11;
	p3 =	sgt.s32 s8, $0x7;
	s18 =	simm.s32 @p1 $0x0;
	v10 =	vmax.f32 v50, v31;
	v43, _, _ =	vpop (xrf1);
	(xrf1) =	vsort.ascd.msk.f32 $0xffff, v9, v9  }
0x30c: {  	v47 =	vmin.f32 v44, v45;
	p2 =	slt.s32 s8, $0x7;
	s8 =	simm.s32 @!p3 $0x7;
	s10 =	sadd.s32 s6, s18;
	v11 =	vmin.f32 v1, v0;
	v12, _, _ =	vpop (xrf1);
	(xrf1) =	vsort.ascd.msk.f32 $0xffff, v10, v10  }
0x30d: {  	s8 =	sadd.s32 $0xFFFFFFF9, s8;
	s25 =	sand.u32 $0x70, s18;
	s19 =	sand.u32 $0xFFFFFF80, s10;
	v0 =	vmax.f32 v1, v0;
	v13 =	vmin.f32 v52, v55;
	v14, _, _ =	vpop (xrf1);
	(xrf1) =	vsort.ascd.msk.f32 $0xffff, v11, v11  }
0x30e: {  	s8 =	sshll.u32 s9, s8;
	s13 =	sxor.u32 $0x10, s25;
	s21 =	sadd.s32 $0x8800, s19;
	v15 =	vmin.f32 v2, v13;
	v8 =	vperm.xlane v62, v34;
	v32, _, _ =	vpop (xrf1);
	(xrf1) =	vsort.ascd.msk.f32 $0xffff, v0, v0  }
0x30f: {  	s29 =	sxor.u32 $0x20, s25;
	s10 =	sxor.u32 $0x30, s25;
	s26 =	sor.u32 s13, s21;
	v57 =	vmax.f32 v2, v13;
	v3 =	vsub.f32 v51, v42;
	v58, _, _ =	vpop (xrf1);
	(xrf1) =	vsort.ascd.msk.f32 $0xffff, v15, v15  }
0x310: {  	s3 =	sxor.u32 $0x40, s25;
	s8 =	simm.s32 @p2 $0x0;
	s13 =	sor.u32 s29, s21;
	v48 =	vld [tilespmem:s26+$0x0];
	v59 =	vmin.f32 v56, v8;
	v60 =	vperm.xlane v12, v34;
	v50, _, _ =	vpop (xrf1);
	(xrf1) =	vsort.ascd.msk.f32 $0xffff, v57, v57  }
0x311: {  	s24 =	sxor.u32 $0x60, s25;
	s8 =	sxor.u32 s17, s8;
	v49 =	vld [tilespmem:s13+$0x0];
	s26 =	sor.u32 s3, s21;
	v61 =	vmax.f32 v56, v8;
	v44 =	vperm.xlane v14, v34;
	(xrf1) =	vsort.ascd.msk.f32 $0xffff, v59, v59;
	v53, _, _ =	vpop (xrf1)  }
0x312: {  	s17 =	simm.s32 $0xC;
	s19 =	sor.u32 s25, s21;
	s10 =	sor.u32 s10, s21;
	v54 =	vld [tilespmem:s26+$0x0];
	v62 =	vmin.f32 v63, v60;
	v2 =	vperm.xlane v58, v34;
	(xrf1) =	vsort.ascd.msk.f32 $0xffff, v61, v61;
	v45, _, _ =	vpop (xrf1)  }
0x313: {  	s29 =	sxor.u32 $0x50, s25;
	s8 =	smov.u32 @p1 s31;
	s25 =	sxor.u32 $0x70, s25;
	v55 =	vld [tilespmem:s10+$0x0];
	v63 =	vmax.f32 v63, v60;
	v56 =	vmin.f32 v43, v44;
	(xrf1) =	vsort.ascd.msk.f32 $0xffff, v62, v62;
	v52, _, _ =	vpop (xrf1)  }
0x314: {  	v46 =	vld [tilespmem:s19+$0x0];
	s19 =	sshll.u32 s8, $0xC;
	s8 =	sor.u32 s29, s21;
	s29 =	smov.u32 s30;
	[tilespmem:s30+$0x30] =	vst v3;
	v51 =	vmin.f32 v32, v2;
	v57 =	vmax.f32 v32, v2;
	(xrf1) =	vsort.ascd.msk.f32 $0xffff, v63, v63;
	v58, _, _ =	vpop (xrf1)  }
.LBB2_13:
0x315: {  	s10 =	sshra.s32 s19, $0x2;
	v0 =	vld [tilespmem:s8+$0x0];
	s26 =	sor.u32 s24, s21;
	(xrf1) =	vsort.ascd.msk.f32 $0xffff, v56, v56;
	v1 =	vperm.xlane v58, v34  }
0x316: {  	v2 =	vperm.xlane v52, v34;
	s3 =	sand.u32 $0x380, s14;
	s13 =	sor.u32 s25, s21;
	v5 =	vperm.xlane v45, v34;
	v3, _, _ =	vpop (xrf1);
	s10 =	sadd.s32 s10, s20;
	v4 =	vld [tilespmem:s26+$0x0];
	(xrf1) =	vsort.ascd.msk.f32 $0xffff, v57, v57  }
0x317: {  	v8 =	vmax.f32 v43, v44;
	v7 =	vld [tilespmem:s13+$0x0];
	v3 =	vperm.xlane v3, v34;
	v6, _, _ =	vpop (xrf1);
	s10 =	sor.u32 s3, s10;
	(xrf1) =	vsort.ascd.msk.f32 $0xffff, v51, v51  }
0x318: {  	v9 =	vmax.f32 v50, v1;
	v43 =	vmax.f32 v53, v2;
	v1 =	vmin.f32 v50, v1;
	v31, _, _ =	vpop (xrf1);
	v33 =	vld [tilespmem:s10+$0x0]  }
0x319: {  	s20 =	sand.u32 $0xF, s18;
	v2 =	vmin.f32 v53, v2;
	v15 =	vld [tilespmem:s10+$0x10];
	v57 =	vmax.f32 v6, v3;
	v56 =	vmax.f32 v31, v5  }
0x31a: {  	(xrf1) =	vsort.ascd.msk.f32 $0xffff, v8, v8;
	v8 =	vxor.u32 s20, v19;
	v59 =	vld [tilespmem:s10+$0x20];
	v45, _, _ =	vpop (xrf1);
	v51 =	vmax.f32 v9, v57;
	v52 =	vmax.f32 v43, v56  }
0x31b: {  	v60 =	vld [tilespmem:s10+$0x40];
	v12 =	vperm.xlane v46, v8;
	v44, _, _ =	vpop (xrf1);
	(xrf1) =	vsort.ascd.msk.f32 $0xffff, v47, v47;
	v10 =	vmax.f32 v51, v52  }
0x31c: {  	v53 =	vld [tilespmem:s10+$0x30];
	v13 =	vperm.xlane v48, v8;
	v3 =	vmin.f32 v6, v3;
	v50, _, _ =	vpop (xrf1);
	(xrf1) =	vsort.ascd.msk.f32 $0xffff, v10, v10  }
0x31d: {  	v5 =	vmin.f32 v31, v5;
	v31 =	vperm.xlane v49, v8;
	v46, _, _ =	vpop (xrf1);
	v11 =	vadd.f32 v33, v12;
	v33 =	vld [tilespmem:s10+$0x50]  }
0x31e: {  	v61 =	vld [tilespmem:s10+$0x60];
	v54 =	vperm.xlane v54, v8;
	v55 =	vperm.xlane v55, v8;
	v49, _, _ =	vpop (xrf1);
	v10 =	vadd.f32 v15, v13  }
0x31f: {  	v14 =	vld [tilespmem:s10+$0x70];
	v47 =	vmin.f32 v1, v3;
	v12 =	vadd.f32 v59, v31;
	v48, _, _ =	vpop (xrf1);
	(xrf1) =	vsort.ascd.msk.f32 $0xffff, v11, v11  }
0x320: {  	v0 =	vperm.xlane v0, v8;
	v54 =	vadd.f32 v60, v54;
	v6, _, _ =	vpop (xrf1);
	(xrf1) =	vsort.ascd.msk.f32 $0xffff, v10, v10  }
0x321: {  	v4 =	vperm.xlane v4, v8;
	v53 =	vadd.f32 v53, v55;
	v58, _, _ =	vpop (xrf1);
	(xrf1) =	vsort.ascd.msk.f32 $0xffff, v12, v12  }
0x322: {  	v15 =	vperm.xlane v7, v8;
	v31, _, _ =	vpop (xrf1);
	v0 =	vadd.f32 v33, v0;
	(xrf1) =	vsort.ascd.msk.f32 $0xffff, v54, v54  }
0x323: {  	v62 =	vmin.f32 v2, v5;
	v4 =	vadd.f32 v61, v4;
	v55, _, _ =	vpop (xrf1);
	(xrf1) =	vsort.ascd.msk.f32 $0xffff, v53, v53  }
0x324: {  	v1 =	vmax.f32 v1, v3;
	v60 =	vadd.f32 v14, v15;
	v33, _, _ =	vpop (xrf1);
	(xrf1) =	vsort.ascd.msk.f32 $0xffff, v0, v0  }
0x325: {  	s7 =	sadd.s32 $0x1, s7;
	v0 =	vperm.xlane v55, v34;
	v61, _, _ =	vpop (xrf1);
	(xrf1) =	vsort.ascd.msk.f32 $0xffff, v4, v4;
	v4 =	vperm.xlane v31, v34  }
0x326: {  	s21 =	smulhi.u32 $0x2E8BA2E9, s7;
	s24 =	sshra.s32 s7, $0x1F;
	v2 =	vmax.f32 v2, v5;
	v7 =	vperm.xlane v61, v34;
	v63, _, _ =	vpop (xrf1);
	(xrf1) =	vsort.ascd.msk.f32 $0xffff, v60, v60  }
0x327: {  	s10 =	smul.u32 $0x2E8BA2E9, s24;
	v12 =	vperm.xlane v63, v34;
	v13 =	vmin.f32 v6, v0;
	v14 =	vmin.f32 v58, v4  }
0x328: {  	v15, _, _ =	vpop (xrf1);
	v31 =	vmin.f32 v33, v7;
	v7 =	vmax.f32 v33, v7;
	v59 =	vmin.f32 v13, v14  }
0x329: {  	s8 =	sadd.s32 s10, s21;
	v60 =	vmin.f32 v15, v12;
	v33, _, _ =	vpop (xrf1);
	v5 =	vmax.f32 v13, v14;
	(xrf1) =	vsort.ascd.msk.f32 $0xffff, v59, v59  }
0x32a: {  	s26 =	sshrl.u32 s8, $0x1F;
	s8 =	sshra.s32 s8, $0x1;
	v3 =	vmax.f32 v15, v12;
	v63 =	vmin.f32 v31, v60;
	v61, _, _ =	vpop (xrf1);
	(xrf1) =	vsort.ascd.msk.f32 $0xffff, v5, v5  }
0x32b: {  	v9 =	vmin.f32 v9, v57;
	s8 =	sadd.s32 s26, s8;
	v13 =	vmin.f32 v7, v3;
	(xrf1) =	vsort.ascd.msk.f32 $0xffff, v63, v63  }
0x32c: {  	p1 =	sne.s32 s17, $0x1;
	s25 =	rddreg [dreg:$0x5];
	v11 =	vsub.f32 v50, v41;
	s8 =	smul.u32 $0xB, s8;
	v7 =	vmax.f32 v7, v3;
	(xrf1) =	vsort.ascd.msk.f32 $0xffff, v13, v13  }
0x32d: {  	s19 =	smov.u32 s29;
	s29 =	sadd.s32 $0x80, s29;
	s10 =	sadd.s32 s17, s25;
	v10 =	vsub.f32 v44, v39;
	v54 =	vmin.f32 v47, v62;
	v5, _, _ =	vpop (xrf1);
	(xrf1) =	vsort.ascd.msk.f32 $0xffff, v7, v7  }
0x32e: {  	s11 =	sadd.s32 $0x800, s11;
	p2 =	seq.s32 s10, $0x10;
	s8 =	ssub.s32 s7, s8;
	v0 =	vmax.f32 v6, v0;
	v4 =	vmax.f32 v58, v4;
	v14 =	vmax.f32 v31, v60;
	v15, _, _ =	vpop (xrf1)  }
0x32f: {  	s14 =	sadd.s32 $0x80, s14;
	s3 =	sadd.s32 s17, s23;
	v53 =	vmin.f32 v43, v56;
	s8 =	simm.s32 @p2 $0x0;
	v32 =	vmin.f32 v0, v4;
	(xrf1) =	vsort.ascd.msk.f32 $0xffff, v14, v14;
	v8, _, _ =	vpop (xrf1)  }
0x330: {  	s20 =	sand.u32 $0x4000, s11;
	p3 =	sgt.s32 s8, $0x6;
	s18 =	sshll.u32 s9, s8;
	v0 =	vmax.f32 v0, v4;
	v12 =	vsub.f32 v61, v42;
	(xrf1) =	vsort.ascd.msk.f32 $0xffff, v32, v32;
	v43, _, _ =	vpop (xrf1)  }
0x331: {  	s17 =	sadd.s32 $0xFFFFFFFF, s17;
	s10 =	sadd.s32 $0xFFFFFFF0, s3;
	v55 =	vmax.f32 v47, v62;
	v47 =	vmin.f32 v51, v52;
	s18 =	simm.s32 @p3 $0x0;
	(xrf1) =	vsort.ascd.msk.f32 $0xffff, v0, v0;
	v31, _, _ =	vpop (xrf1)  }
0x332: {  	v6 =	vmax.f32 v9, v53;
	s21 =	smov.u32 s8;
	p3 =	sgt.s32 s8, $0x7;
	s18 =	simm.s32 @p2 $0x0;
	v60 =	vmin.f32 v1, v2;
	v62, _, _ =	vpop (xrf1);
	(xrf1) =	vsort.ascd.msk.f32 $0xffff, v54, v54  }
0x333: {  	s10 =	sand.u32 $0xF, s10;
	[tilespmem:s19+$0xFFFFFFE0] =	vst v11;
	s21 =	simm.s32 @!p3 $0x7;
	v1 =	vmax.f32 v1, v2;
	s13 =	sadd.s32 s6, s18;
	v33 =	vsub.f32 v33, v36;
	v57, _, _ =	vpop (xrf1);
	(xrf1) =	vsort.ascd.msk.f32 $0xffff, v55, v55  }
0x334: {  	p3 =	slt.s32 s8, $0x7;
	s25 =	sadd.s32 $0xFFFFFFF9, s21;
	s26 =	sand.u32 $0xFFFFFF80, s13;
	v61 =	vmin.f32 v9, v53;
	v63 =	vsub.f32 v45, v35;
	[tilespmem:s29+$0x30] =	vst v12;
	v12, _, _ =	vpop (xrf1);
	(xrf1) =	vsort.ascd.msk.f32 $0xffff, v60, v60  }
0x335: {  	[tilespmem:s19+$0xFFFFFFD0] =	vst v10;
	s8 =	sshll.u32 s9, s25;
	s25 =	sand.u32 $0x70, s18;
	s21 =	sadd.s32 $0x8800, s26;
	v13 =	vsub.f32 v46, v40;
	v3 =	vperm.xlane v15, v34;
	(xrf1) =	vsort.ascd.msk.f32 $0xffff, v1, v1  }
0x336: {  	s13 =	sxor.u32 $0x10, s25;
	s26 =	sxor.u32 $0x20, s25;
	s3 =	sor.u32 s25, s21;
	[tilespmem:s19+$0xFFFFFFC0] =	vst v63;
	v14 =	vsub.f32 v49, v37;
	v15 =	vsub.f32 v48, v38;
	(xrf1) =	vsort.ascd.msk.f32 $0xffff, v61, v61  }
.Ltmp5:
0x337: {  	s8 =	simm.s32 @p3 $0x0;
	s13 =	sor.u32 s13, s21;
	v46 =	vld [tilespmem:s3+$0x0];
	[tilespmem:s19+$0xFFFFFFF0] =	vst v13;
	v31 =	vperm.xlane v31, v34;
	v60 =	vmin.f32 v5, v3;
	v50, _, _ =	vpop (xrf1);
	(xrf1) =	vsort.ascd.msk.f32 $0xffff, v6, v6;
	(pc) =	sbr.rel @p1 .LBB2_13-.Ltmp5, $4  }
0x338: {  	s24 =	sxor.u32 $0x40, s25;
	s8 =	sxor.u32 s10, s8;
	v48 =	vld [tilespmem:s13+$0x0];
	s13 =	sor.u32 s26, s21;
	[tilespmem:s19+$0x0] =	vst v14;
	v44 =	vperm.xlane v62, v34;
	v3 =	vmax.f32 v5, v3;
	(xrf1) =	vsort.ascd.msk.f32 $0xffff, v60, v60;
	v53, _, _ =	vpop (xrf1)  }
0x339: {  	s8 =	smov.u32 @p2 s31;
	s3 =	sxor.u32 $0x30, s25;
	v49 =	vld [tilespmem:s13+$0x0];
	s13 =	sor.u32 s24, s21;
	[tilespmem:s19+$0x10] =	vst v15;
	v62 =	vperm.xlane v12, v34;
	v61 =	vmin.f32 v8, v31;
	(xrf1) =	vsort.ascd.msk.f32 $0xffff, v3, v3;
	v45, _, _ =	vpop (xrf1)  }
0x33a: {  	s26 =	sxor.u32 $0x50, s25;
	s3 =	sor.u32 s3, s21;
	s24 =	sxor.u32 $0x60, s25;
	v54 =	vld [tilespmem:s13+$0x0];
	[tilespmem:s19+$0x20] =	vst v33;
	v63 =	vmax.f32 v8, v31;
	v56 =	vmin.f32 v43, v44;
	(xrf1) =	vsort.ascd.msk.f32 $0xffff, v61, v61;
	v52, _, _ =	vpop (xrf1)  }
0x33b: {  	s25 =	sxor.u32 $0x70, s25;
	s19 =	sshll.u32 s8, $0xC;
	s8 =	sor.u32 s26, s21;
	v55 =	vld [tilespmem:s3+$0x0];
	v51 =	vmin.f32 v57, v62;
	v57 =	vmax.f32 v57, v62;
	(xrf1) =	vsort.ascd.msk.f32 $0xffff, v63, v63;
	v58, _, _ =	vpop (xrf1)  }
0x33c: {  	s3 =	sshra.s32 s19, $0x2;
	v0 =	vld [tilespmem:s8+$0x0];
	s6 =	sor.u32 s24, s21;
	(xrf1) =	vsort.ascd.msk.f32 $0xffff, v56, v56  }
0x33d: {  	s7 =	sand.u32 $0x380, s14;
	s21 =	sor.u32 s25, s21;
	v3 =	vperm.xlane v58, v34;
	v4 =	vperm.xlane v52, v34;
	v1, _, _ =	vpop (xrf1);
	s3 =	sadd.s32 s3, s20;
	v2 =	vld [tilespmem:s6+$0x0];
	(xrf1) =	vsort.ascd.msk.f32 $0xffff, v57, v57  }
0x33e: {  	v7 =	vperm.xlane v45, v34;
	v8 =	vmax.f32 v43, v44;
	s24 =	sand.u32 $0xF, s18;
	v6 =	vld [tilespmem:s21+$0x0];
	v5, _, _ =	vpop (xrf1);
	s3 =	sor.u32 s7, s3;
	(xrf1) =	vsort.ascd.msk.f32 $0xffff, v51, v51  }
0x33f: {  	v60 =	vxor.u32 s24, v19;
	v1 =	vperm.xlane v1, v34;
	v33 =	vmax.f32 v50, v3;
	v9, _, _ =	vpop (xrf1);
	v31 =	vld [tilespmem:s3+$0x0]  }
0x340: {  	v3 =	vmin.f32 v50, v3;
	v62 =	vperm.xlane v46, v60;
	v13 =	vld [tilespmem:s3+$0x10];
	(xrf1) =	vsort.ascd.msk.f32 $0xffff, v8, v8;
	v43, _, _ =	vpop (xrf1)  }
0x341: {  	v15 =	vperm.xlane v48, v60;
	v49 =	vperm.xlane v49, v60;
	v8 =	vmax.f32 v53, v4;
	v59 =	vld [tilespmem:s3+$0x20];
	v44, _, _ =	vpop (xrf1)  }
0x342: {  	v61 =	vld [tilespmem:s3+$0x40];
	v4 =	vmin.f32 v53, v4;
	v57 =	vmax.f32 v5, v1;
	v58 =	vmax.f32 v9, v7;
	v45, _, _ =	vpop (xrf1)  }
0x343: {  	v63 =	vld [tilespmem:s3+$0x30];
	v54 =	vperm.xlane v54, v60;
	v51 =	vmax.f32 v33, v57;
	v52 =	vmax.f32 v8, v58;
	v46, _, _ =	vpop (xrf1)  }
0x344: {  	v48 =	vld [tilespmem:s3+$0x50];
	(xrf1) =	vsort.ascd.msk.f32 $0xffff, v47, v47;
	v14 =	vmax.f32 v51, v52;
	v47, _, _ =	vpop (xrf1);
	v62 =	vadd.f32 v31, v62  }
0x345: {  	v10 =	vld [tilespmem:s3+$0x60];
	v1 =	vmin.f32 v5, v1;
	(xrf1) =	vsort.ascd.msk.f32 $0xffff, v14, v14;
	v12 =	vadd.f32 v13, v15;
	v31, _, _ =	vpop (xrf1)  }
0x346: {  	v14 =	vld [tilespmem:s3+$0x70];
	v13 =	vperm.xlane v55, v60;
	v49 =	vadd.f32 v59, v49;
	v56, _, _ =	vpop (xrf1);
	(xrf1) =	vsort.ascd.msk.f32 $0xffff, v62, v62  }
0x347: {  	v0 =	vperm.xlane v0, v60;
	v54 =	vadd.f32 v61, v54;
	v59, _, _ =	vpop (xrf1);
	(xrf1) =	vsort.ascd.msk.f32 $0xffff, v12, v12  }
0x348: {  	v2 =	vperm.xlane v2, v60;
	v15 =	vadd.f32 v63, v13;
	v32, _, _ =	vpop (xrf1);
	(xrf1) =	vsort.ascd.msk.f32 $0xffff, v49, v49  }
0x349: {  	v6 =	vperm.xlane v6, v60;
	v0 =	vadd.f32 v48, v0;
	v60, _, _ =	vpop (xrf1);
	(xrf1) =	vsort.ascd.msk.f32 $0xffff, v54, v54  }
0x34a: {  	v2 =	vadd.f32 v10, v2;
	v48 =	vperm.xlane v32, v34;
	v5, _, _ =	vpop (xrf1);
	(xrf1) =	vsort.ascd.msk.f32 $0xffff, v15, v15  }
0x34b: {  	v6 =	vadd.f32 v14, v6;
	v61, _, _ =	vpop (xrf1);
	(xrf1) =	vsort.ascd.msk.f32 $0xffff, v0, v0;
	v0 =	vperm.xlane v60, v34  }
0x34c: {  	v14 =	vmin.f32 v59, v48;
	v62, _, _ =	vpop (xrf1);
	(xrf1) =	vsort.ascd.msk.f32 $0xffff, v2, v2;
	v63 =	vperm.xlane v61, v34  }
0x34d: {  	v12 =	vperm.xlane v62, v34;
	(xrf1) =	vsort.ascd.msk.f32 $0xffff, v6, v6;
	v13 =	vmin.f32 v56, v0  }
0x34e: {  	v15, _, _ =	vpop (xrf1);
	v32 =	vmin.f32 v5, v63;
	v60 =	vmin.f32 v13, v14;
	v2 =	vmax.f32 v5, v63  }
0x34f: {  	v62 =	vmax.f32 v13, v14;
	v61 =	vmin.f32 v15, v12;
	(xrf1) =	vsort.ascd.msk.f32 $0xffff, v60, v60  }
0x350: {  	v63 =	vmax.f32 v15, v12;
	v12 =	vmin.f32 v32, v61;
	(xrf1) =	vsort.ascd.msk.f32 $0xffff, v62, v62  }
0x351: {  	v53 =	vmin.f32 v3, v1;
	v14 =	vmin.f32 v2, v63;
	(xrf1) =	vsort.ascd.msk.f32 $0xffff, v12, v12  }
0x352: {  	v0 =	vmax.f32 v56, v0;
	v2 =	vmax.f32 v2, v63;
	(xrf1) =	vsort.ascd.msk.f32 $0xffff, v14, v14  }
0x353: {  	v49, _, _ =	vpop (xrf1);
	v15 =	vmax.f32 v59, v48;
	v32 =	vmax.f32 v32, v61;
	(xrf1) =	vsort.ascd.msk.f32 $0xffff, v2, v2  }
0x354: {  	v13 =	vmin.f32 v9, v7;
	v54 =	vmin.f32 v0, v15;
	v50, _, _ =	vpop (xrf1);
	(xrf1) =	vsort.ascd.msk.f32 $0xffff, v32, v32  }
0x355: {  	v55 =	vmin.f32 v4, v13;
	v0 =	vmax.f32 v0, v15;
	v56, _, _ =	vpop (xrf1);
	(xrf1) =	vsort.ascd.msk.f32 $0xffff, v54, v54  }
0x356: {  	v1 =	vmax.f32 v3, v1;
	v60 =	vmin.f32 v53, v55;
	v59, _, _ =	vpop (xrf1);
	(xrf1) =	vsort.ascd.msk.f32 $0xffff, v0, v0  }
0x357: {  	v61 =	vmax.f32 v4, v13;
	v2 =	vmax.f32 v53, v55;
	v62, _, _ =	vpop (xrf1);
	(xrf1) =	vsort.ascd.msk.f32 $0xffff, v60, v60  }
0x358: {  	v63 =	vmin.f32 v33, v57;
	v13 =	vmin.f32 v1, v61;
	v12, _, _ =	vpop (xrf1);
	(xrf1) =	vsort.ascd.msk.f32 $0xffff, v2, v2  }
0x359: {  	v14 =	vmin.f32 v8, v58;
	v0 =	vmax.f32 v1, v61;
	v15, _, _ =	vpop (xrf1);
	(xrf1) =	vsort.ascd.msk.f32 $0xffff, v13, v13  }
0x35a: {  	v32 =	vmin.f32 v63, v14;
	v3 =	vperm.xlane v59, v34;
	v33, _, _ =	vpop (xrf1);
	(xrf1) =	vsort.ascd.msk.f32 $0xffff, v0, v0  }
0x35b: {  	v48 =	vmax.f32 v63, v14;
	v53, _, _ =	vpop (xrf1);
	(xrf1) =	vsort.ascd.msk.f32 $0xffff, v32, v32  }
0x35c: {  	v55 =	vmin.f32 v56, v3;
	v8 =	vperm.xlane v15, v34;
	v54, _, _ =	vpop (xrf1);
	(xrf1) =	vsort.ascd.msk.f32 $0xffff, v48, v48  }
0x35d: {  	v3 =	vmax.f32 v56, v3;
	v0, _, _ =	vpop (xrf1);
	(xrf1) =	vsort.ascd.msk.f32 $0xffff, v55, v55  }
0x35e: {  	v56 =	vperm.xlane v33, v34;
	v57 =	vmin.f32 v62, v8;
	v7, _, _ =	vpop (xrf1);
	(xrf1) =	vsort.ascd.msk.f32 $0xffff, v3, v3  }
0x35f: {  	v4 =	vmax.f32 v62, v8;
	v1 =	vperm.xlane v54, v34;
	v58, _, _ =	vpop (xrf1);
	(xrf1) =	vsort.ascd.msk.f32 $0xffff, v57, v57  }
0x360: {  	v59 =	vmin.f32 v12, v56;
	v60, _, _ =	vpop (xrf1);
	(xrf1) =	vsort.ascd.msk.f32 $0xffff, v4, v4  }
0x361: {  	v61 =	vmax.f32 v53, v1;
	v62, _, _ =	vpop (xrf1);
	(xrf1) =	vsort.ascd.msk.f32 $0xffff, v59, v59  }
0x362: {  	v1 =	vmin.f32 v53, v1;
	v63, _, _ =	vpop (xrf1);
	(xrf1) =	vsort.ascd.msk.f32 $0xffff, v61, v61  }
0x363: {  	v4, _, _ =	vpop (xrf1);
	(xrf1) =	vsort.ascd.msk.f32 $0xffff, v1, v1  }
0x364: {  	v11 =	vmax.f32 v12, v56;
	v5, _, _ =	vpop (xrf1)  }
0x365: {  	(xrf1) =	vsort.ascd.msk.f32 $0xffff, v11, v11;
	v1, _, _ =	vpop (xrf1)  }
0x366: {  	v6, _, _ =	vpop (xrf1)  }
0x367: {  	v8, _, _ =	vpop (xrf1)  }
0x368: {  	v55, _, _ =	vpop (xrf1)  }
0x369: {  	v54, _, _ =	vpop (xrf1)  }
0x36a: {  	v3 =	vperm.xlane v58, v34;
	v9 =	vperm.xlane v60, v34;
	v53, _, _ =	vpop (xrf1)  }
0x36b: {  	v10 =	vperm.xlane v62, v34;
	v2 =	vperm.xlane v63, v34;
	v33, _, _ =	vpop (xrf1)  }
0x36c: {  	v57 =	vmax.f32 v7, v9;
	v56, _, _ =	vpop (xrf1)  }
0x36d: {  	v48 =	vmax.f32 v0, v10;
	v58 =	vmax.f32 v4, v2;
	v59 =	vmax.f32 v5, v3;
	v12, _, _ =	vpop (xrf1)  }
0x36e: {  	v61 =	vmax.f32 v48, v58;
	v62 =	vmax.f32 v57, v59;
	v13, _, _ =	vpop (xrf1)  }
0x36f: {  	v51 =	vmin.f32 v51, v52;
	v14 =	vmax.f32 v61, v62;
	v11, _, _ =	vpop (xrf1)  }
0x370: {  	(xrf1) =	vsort.ascd.msk.f32 $0xffff, v51, v51;
	v60 =	vperm.xlane v12, v34;
	v51 =	vperm.xlane v13, v34;
	v15, _, _ =	vpop (xrf1)  }
0x371: {  	(xrf1) =	vsort.ascd.msk.f32 $0xffff, v14, v14;
	v32 =	vperm.xlane v15, v34;
	v15, _, _ =	vpop (xrf1)  }
0x372: {  	v14 =	vmin.f32 v56, v60;
	v12 =	vmin.f32 v33, v51;
	v63 =	vperm.xlane v15, v34  }
0x373: {  	v16, _, _ =	vpop (xrf1);
	v15 =	vmin.f32 v11, v32;
	v11 =	vmax.f32 v11, v32;
	v32 =	vmin.f32 v12, v14  }
0x374: {  	v12 =	vmax.f32 v12, v14;
	(xrf1) =	vsort.ascd.msk.f32 $0xffff, v32, v32;
	v14 =	vmin.f32 v16, v63  }
0x375: {  	v16 =	vmax.f32 v16, v63;
	(xrf1) =	vsort.ascd.msk.f32 $0xffff, v12, v12;
	v52 =	vmin.f32 v15, v14  }
0x376: {  	v63 =	vmin.f32 v11, v16;
	(xrf1) =	vsort.ascd.msk.f32 $0xffff, v52, v52  }
0x377: {  	v33 =	vmax.f32 v33, v51;
	v11 =	vmax.f32 v11, v16;
	(xrf1) =	vsort.ascd.msk.f32 $0xffff, v63, v63  }
0x378: {  	v32 =	vmax.f32 v56, v60;
	v14 =	vmax.f32 v15, v14;
	(xrf1) =	vsort.ascd.msk.f32 $0xffff, v11, v11  }
0x379: {  	v51 =	vmin.f32 v33, v32;
	(xrf1) =	vsort.ascd.msk.f32 $0xffff, v14, v14  }
0x37a: {  	v12 =	vmax.f32 v33, v32;
	(xrf1) =	vsort.ascd.msk.f32 $0xffff, v51, v51  }
0x37b: {  	v50 =	vsub.f32 v50, v42;
	(xrf1) =	vsort.ascd.msk.f32 $0xffff, v12, v12  }
0x37c: {  	s25 =	sadd.s32 $0x80, s29;
	v31 =	vsub.f32 v31, v38  }
0x37d: {  	[tilespmem:s25+$0x30] =	vst v50;
	v50 =	vsub.f32 v47, v37;
	v7 =	vmin.f32 v7, v9;
	v3 =	vmin.f32 v5, v3  }
0x37e: {  	v0 =	vmin.f32 v0, v10;
	v2 =	vmin.f32 v4, v2;
	v9 =	vmin.f32 v7, v3  }
0x37f: {  	v58 =	vmin.f32 v48, v58;
	v59 =	vmin.f32 v57, v59;
	v52 =	vmin.f32 v0, v2  }
0x380: {  	v1 =	vsub.f32 v1, v35;
	v56 =	vmax.f32 v7, v3;
	v10, _, _ =	vpop (xrf1);
	v60 =	vmin.f32 v52, v9  }
0x381: {  	v0 =	vmax.f32 v0, v2;
	v5 =	vmax.f32 v52, v9;
	v4, _, _ =	vpop (xrf1);
	(xrf1) =	vsort.ascd.msk.f32 $0xffff, v60, v60  }
0x382: {  	v48 =	vmin.f32 v58, v59;
	v32 =	vmin.f32 v0, v56;
	(xrf1) =	vsort.ascd.msk.f32 $0xffff, v5, v5;
	v11, _, _ =	vpop (xrf1)  }
0x383: {  	v6 =	vsub.f32 v6, v39;
	v0 =	vmax.f32 v0, v56;
	(xrf1) =	vsort.ascd.msk.f32 $0xffff, v32, v32;
	v7, _, _ =	vpop (xrf1)  }
0x384: {  	v8 =	vsub.f32 v8, v41;
	v3 =	vmax.f32 v58, v59;
	(xrf1) =	vsort.ascd.msk.f32 $0xffff, v0, v0;
	v63, _, _ =	vpop (xrf1)  }
0x385: {  	v58 =	vmin.f32 v61, v62;
	v61 =	vsub.f32 v44, v39;
	(xrf1) =	vsort.ascd.msk.f32 $0xffff, v48, v48;
	v33, _, _ =	vpop (xrf1)  }
0x386: {  	[tilespmem:s29+$0x0] =	vst v50;
	v62 =	vsub.f32 v45, v41;
	v50 =	vsub.f32 v10, v36;
	(xrf1) =	vsort.ascd.msk.f32 $0xffff, v3, v3;
	v51, _, _ =	vpop (xrf1)  }
0x387: {  	v9 =	vperm.xlane v63, v34;
	v2 =	vperm.xlane v33, v34;
	(xrf1) =	vsort.ascd.msk.f32 $0xffff, v58, v58;
	v52, _, _ =	vpop (xrf1)  }
0x388: {  	v60 =	vsub.f32 v43, v35;
	v5 =	vperm.xlane v51, v34;
	v56 =	vperm.xlane v52, v34;
	v57, _, _ =	vpop (xrf1)  }
0x389: {  	v63 =	vsub.f32 v46, v40;
	v33 =	vmax.f32 v7, v2;
	v2 =	vmin.f32 v7, v2;
	v16, _, _ =	vpop (xrf1)  }
0x38a: {  	[tilespmem:s29+$0x10] =	vst v31;
	v14 =	vmax.f32 v11, v5;
	v34 =	vmax.f32 v57, v56;
	v48 =	vmax.f32 v16, v9  }
0x38b: {  	[tilespmem:s25+$0xFFFFFFC0] =	vst v1;
	v5 =	vmin.f32 v11, v5;
	v3 =	vmax.f32 v14, v34;
	v51 =	vmax.f32 v33, v48  }
0x38c: {  	[tilespmem:s25+$0xFFFFFFD0] =	vst v6;
	v0 =	vmin.f32 v57, v56;
	v56 =	vmin.f32 v16, v9;
	v59 =	vmax.f32 v3, v51  }
0x38d: {  	[tilespmem:s25+$0xFFFFFFE0] =	vst v8;
	v57 =	vmin.f32 v5, v0;
	v58 =	vmin.f32 v2, v56;
	(xrf1) =	vsort.ascd.msk.f32 $0xffff, v59, v59  }
0x38e: {  	v4 =	vsub.f32 v4, v42;
	[tilespmem:s29+$0xFFFFFFC0] =	vst v60;
	v0 =	vmax.f32 v5, v0;
	v60 =	vmin.f32 v57, v58  }
0x38f: {  	[tilespmem:s29+$0xFFFFFFE0] =	vst v62;
	v2 =	vmax.f32 v2, v56;
	v62 =	vmax.f32 v57, v58;
	v59, _, _ =	vpop (xrf1);
	(xrf1) =	vsort.ascd.msk.f32 $0xffff, v60, v60  }
0x390: {  	[tilespmem:s29+$0xFFFFFFD0] =	vst v61;
	v13 =	vmin.f32 v14, v34;
	v14 =	vmin.f32 v0, v2;
	v61, _, _ =	vpop (xrf1);
	(xrf1) =	vsort.ascd.msk.f32 $0xffff, v62, v62  }
0x391: {  	[tilespmem:s29+$0xFFFFFFF0] =	vst v63;
	v34 =	vmin.f32 v33, v48;
	v0 =	vmax.f32 v0, v2;
	v63, _, _ =	vpop (xrf1);
	(xrf1) =	vsort.ascd.msk.f32 $0xffff, v14, v14  }
0x392: {  	s26 =	sadd.s32 $0x80, s25;
	[tilespmem:s25+$0x20] =	vst v50;
	v43 =	vsub.f32 v55, v40;
	v45 =	vmin.f32 v13, v34;
	v32, _, _ =	vpop (xrf1);
	(xrf1) =	vsort.ascd.msk.f32 $0xffff, v0, v0  }
0x393: {  	[tilespmem:s26+$0x30] =	vst v4;
	v46 =	vsub.f32 v54, v37;
	v5 =	vmax.f32 v13, v34;
	v44, _, _ =	vpop (xrf1);
	(xrf1) =	vsort.ascd.msk.f32 $0xffff, v45, v45  }
0x394: {  	[tilespmem:s25+$0xFFFFFFF0] =	vst v43;
	v52 =	vsub.f32 v49, v36;
	v3 =	vmin.f32 v3, v51;
	v47, _, _ =	vpop (xrf1);
	(xrf1) =	vsort.ascd.msk.f32 $0xffff, v5, v5  }
0x395: {  	[tilespmem:s25+$0x0] =	vst v46;
	v48 =	vsub.f32 v53, v38;
	v49, _, _ =	vpop (xrf1);
	(xrf1) =	vsort.ascd.msk.f32 $0xffff, v3, v3  }
0x396: {  	[tilespmem:s29+$0x20] =	vst v52;
	v52 =	vsub.f32 v59, v35  }
0x397: {  	[tilespmem:s25+$0x10] =	vst v48;
	v53 =	vsub.f32 v61, v39  }
0x398: {  	v4 =	vsub.f32 v63, v41;
	[tilespmem:s26+$0xFFFFFFC0] =	vst v52  }
0x399: {  	v1 =	vsub.f32 v32, v40;
	[tilespmem:s26+$0xFFFFFFD0] =	vst v53  }
0x39a: {  	v54 =	vsub.f32 v44, v37;
	[tilespmem:s26+$0xFFFFFFE0] =	vst v4  }
0x39b: {  	v55 =	vsub.f32 v47, v38;
	[tilespmem:s26+$0xFFFFFFF0] =	vst v1;
	v51, _, _ =	vpop (xrf1)  }
0x39c: {  	[tilespmem:s26+$0x0] =	vst v54;
	v0 =	vsub.f32 v51, v42  }
0x39d: {  	s29 =	sadd.s32 $0x80, s26;
	v56 =	vsub.f32 v49, v36;
	[tilespmem:s26+$0x10] =	vst v55;
	v57, _, _ =	vpop (xrf1)  }
0x39e: {  	[tilespmem:s29+$0x30] =	vst v0;
	v58, _, _ =	vpop (xrf1);
	v0 =	vsub.f32 v57, v35  }
0x39f: {  	[tilespmem:s26+$0x20] =	vst v56;
	v59, _, _ =	vpop (xrf1);
	v2 =	vsub.f32 v58, v39  }
0x3a0: {  	v60, _, _ =	vpop (xrf1);
	v1 =	vsub.f32 v59, v41;
	[tilespmem:s29+$0xFFFFFFC0] =	vst v0  }
0x3a1: {  	s28 =	sadd.s32 $0x1, s28;
	v61, _, _ =	vpop (xrf1);
	v3 =	vsub.f32 v60, v40;
	[tilespmem:s29+$0xFFFFFFD0] =	vst v2  }
0x3a2: {  	p1 =	sne.s32 s28, $0x8;
	v62, _, _ =	vpop (xrf1);
	v0 =	vsub.f32 v61, v37;
	[tilespmem:s29+$0xFFFFFFE0] =	vst v1  }
.Ltmp6:
0x3a3: {  	s31 =	sshll.u32 s31, $0xA;
	v63, _, _ =	vpop (xrf1);
	v2 =	vsub.f32 v62, v38;
	[tilespmem:s29+$0xFFFFFFF0] =	vst v3;
	(pc) =	sbr.rel @p1 .LBB2_12-.Ltmp6, $4  }
0x3a4: {  	s3 =	sadd.s32 s2, s31;
	v1 =	vsub.f32 v63, v36;
	[tilespmem:s29+$0x0] =	vst v0  }
0x3a5: {  	s3 =	sshrl.u32 s3, $0x3;
	[tilespmem:s29+$0x10] =	vst v2  }
0x3a6: {  	s23 =	sadd.s32 $0x1, s23;
	s30 =	sadd.s32 $0x800, s30;
	s3 =	sadd.s32 s4, s3;
	[tilespmem:s29+$0x20] =	vst v1  }
0x3a7: {  	[hbm4b:s3+s15] =	stream.strided.scatter [tilespmem:s0], [sflag:s28], $0x800, s16, s15, $0x38;
	[tilespmem:$0xD500] =	vst v63  }
0x3a8: {  	_ =	swait.ge [sflag:s9], $0x800  }
0x3a9: {  	[sflag:s9] =	ssyncset.done $0x0  }
0x3aa: {  	s0 =	simm.s32 $0x2;
	[sflag:s9] =	ssyncadd.s32 $0xFFFFF800  }
0x3ab: {  	_ =	swait.ge [sflag:s0], $0x800  }
0x3ac: {  	[sflag:s0] =	ssyncset.done $0x0  }
0x3ad: {  	s25 =	simm.s32 $0x3;
	[sflag:s0] =	ssyncadd.s32 $0xFFFFF800  }
0x3ae: {  	_ =	swait.ge [sflag:s25], $0x800  }
0x3af: {  	[sflag:s25] =	ssyncset.done $0x0  }
0x3b0: {  	s26 =	simm.s32 $0x4;
	[sflag:s25] =	ssyncadd.s32 $0xFFFFF800  }
0x3b1: {  	_ =	swait.ge [sflag:s26], $0x800  }
0x3b2: {  	[sflag:s26] =	ssyncset.done $0x0  }
0x3b3: {  	s28 =	simm.s32 $0x5;
	[sflag:s26] =	ssyncadd.s32 $0xFFFFF800  }
0x3b4: {  	_ =	swait.ge [sflag:s28], $0x800  }
0x3b5: {  	[sflag:s28] =	ssyncset.done $0x0  }
0x3b6: {  	s29 =	simm.s32 $0x6;
	[sflag:s28] =	ssyncadd.s32 $0xFFFFF800  }
0x3b7: {  	_ =	swait.ge [sflag:s29], $0x800  }
0x3b8: {  	[sflag:s29] =	ssyncset.done $0x0  }
0x3b9: {  	s30 =	simm.s32 $0x7;
	[sflag:s29] =	ssyncadd.s32 $0xFFFFF800  }
0x3ba: {  	_ =	swait.ge [sflag:s30], $0x800  }
0x3bb: {  	[sflag:s30] =	ssyncset.done $0x0  }
0x3bc: {  	s3 =	simm.s32 $0x8;
	[sflag:s30] =	ssyncadd.s32 $0xFFFFF800  }
0x3bd: {  	_ =	swait.ge [sflag:s3], $0x800  }
0x3be: {  	v12 =	vld [tilespmem:$0x1FDF0]  }
0x3bf: {  	v14 =	vld [tilespmem:$0x1FE00]  }
0x3c0: {  	v15 =	vld [tilespmem:$0x1FE10]  }
0x3c1: {  	v16 =	vld [tilespmem:$0x1FE20]  }
0x3c2: {  	v13 =	vld [tilespmem:$0x1FE30]  }
0x3c3: {  	v20 =	vld [tilespmem:$0x1FE40]  }
0x3c4: {  	v60 =	vld [tilespmem:$0x1FEE0]  }
0x3c5: {  	v61 =	vld [tilespmem:$0x1FF00]  }
0x3c6: {  	v62 =	vld [tilespmem:$0x1FF20]  }
0x3c7: {  	v63 =	vld [tilespmem:$0x1FF40]  }
0x3c8: {  	v1 =	vld [tilespmem:$0x1FE60]  }
0x3c9: {  	v2 =	vld [tilespmem:$0x1FE70]  }
0x3ca: {  	v6 =	vld [tilespmem:$0x1FE80]  }
0x3cb: {  	v7 =	vld [tilespmem:$0x1FE90]  }
0x3cc: {  	s6 =	rddreg [dreg:$0x1e];
	v4 =	vld [tilespmem:$0x1FEB0]  }
0x3cd: {  	s31 =	rddreg [dreg:$0xc];
	v8 =	vld [tilespmem:$0x1FEC0];
	s6 =	sadd.s32 $0x1, s6  }
0x3ce: {  	v5 =	vld [tilespmem:$0x1FEF0];
	p1 =	sne.s32 s6, s31  }
.Ltmp7:
0x3cf: {  	v10 =	vld [tilespmem:$0x1FF10];
	(pc) =	sbr.rel @p1 .LBB2_1-.Ltmp7, $4  }
0x3d0: {  	v11 =	vld [tilespmem:$0x1FF30]  }
0x3d1: {  	s8 =	simm.s32 $0x9;
	v9 =	vld [tilespmem:$0x1FED0]  }
0x3d2: {  	s10 =	simm.s32 $0x80;
	s11 =	simm.s32 $0x200;
	[sflag:s3] =	ssyncset.done $0x0;
	v3 =	vld [tilespmem:$0x1FEA0]  }
0x3d3: {  	s13 =	simm.s32 $0x8400;
	s26 =	rddreg [dreg:$0x8];
	v0 =	vld [tilespmem:$0x1FE50];
	[sflag:s3] =	ssyncadd.s32 $0xFFFFF800  }
0x3d4: {  	_ =	sfence.sel $0x180000  }
0x3d5: {  	[bflag:$0x0] =	sbarrier.arrive $0xFFFF  }
0x3d6: {  	_ =	strace $0x90000047  }
0x3d7: {  	s0 =	stileid.u32;
	[bflag:$0x2] =	sbarrier.arrive $0xFFFF  }
0x3d8: {  	p0 =	sne.s32 s0, $0x0;
	s0 =	rddreg [dreg:$0x4]  }
0x3d9: {  	s0 =	sadd.s32 @!p0 $0x100000, s0  }
0x3da: {  	[sflag:s0] =	ssyncadd.tile.s32 @!p0 $0x1;
	_ =	shalt  }
.Lfunc_end2:
_tile_overlayer_lowered:
.L_overlay_start_2:
0x3db: {  	(tag) =	ssettag $0x2  }
0x3dc: {  	s0 =	rddreg [dreg:$0x0];
	s2 =	stileid.u32  }
0x3dd: {  	s1 =	rddreg [dreg:$0x1];
	p0 =	sne.s32 s2, $0x0  }
0x3de: {  	s3 =	rddreg [dreg:$0x2];
	[bflag:$0x3] =	sbarrier.arrive $0xFFFF;
	s2 =	simm.s32 @!p0 $0x1C09  }
0x3df: {  	[timem:s3], [sflag:s2] =	dma.local @!p0 [hbm:s0], s1  }
0x3e0: {  	s0 =	simm.s32 @!p0 $0x9  }
0x3e1: {  	_ =	swait.ge @!p0 [sflag:s0], s1  }
0x3e2: {  	s1 =	ssub.s32 @!p0 $0x0, s1;
	[sflag:s0] =	ssyncset.done @!p0 $0x0  }
0x3e3: {  	[sflag:s0] =	ssyncadd.s32 @!p0 s1  }
0x3e4: {  	[bflag:$0x3] =	sbarrier.arrive $0xFFFF  }
0x3e5: {  	_ =	shalt  }

</sc_bundles>
